<compile_context>
chip_gen: v7x
topology: tpu7x:2x2x1
jax: 0.10.2.dev20260603
libtpu: 0.0.44.dev20260713+nightly
codegen_flags: <defaults>
</compile_context>

<pallas_src>
import functools

import jax
import jax.numpy as jnp
from jax import lax
from jax.experimental import pallas as pl
from jax.experimental.pallas import tpu as pltpu
from jax.experimental.pallas import tpu_sc as plsc

T = 0.1
NEG_IOU = 0.5
NBUF = 4


def _top2_sc(i2ds):
    s, nn = i2ds.shape
    mesh = plsc.VectorSubcoreMesh(core_axis_name="c", subcore_axis_name="s")

    @functools.partial(
        pl.kernel,
        mesh=mesh,
        out_type=jax.ShapeDtypeStruct((s, 16), jnp.int32),
        scratch_types=[
            pltpu.VMEM((nn,), jnp.float32),
            pltpu.VMEM((16,), jnp.int32),
        ],
        compiler_params=pltpu.CompilerParams(
            use_tc_tiling_on_sc=False, needs_layout_passes=False),
    )
    def k(iou_hbm, out_hbm, row_v, idx_v):
        w = lax.axis_index("s") * 2 + lax.axis_index("c")
        pltpu.sync_copy(iou_hbm.at[w], row_v)
        lanes = lax.iota(jnp.int32, 16)
        neg_inf = jnp.full((16,), -jnp.inf, jnp.float32)
        big = jnp.full((16,), 2**30, jnp.int32)

        def body(j, carry):
            m1, i1, m2, i2 = carry
            v = row_v[pl.ds(j * 16, 16)]
            idx = j * 16 + lanes
            gt1 = v > m1
            gt2 = jnp.logical_and(jnp.logical_not(gt1), v > m2)
            m2n = jnp.where(gt1, m1, jnp.where(gt2, v, m2))
            i2n = jnp.where(gt1, i1, jnp.where(gt2, idx, i2))
            m1n = jnp.where(gt1, v, m1)
            i1n = jnp.where(gt1, idx, i1)
            return m1n, i1n, m2n, i2n

        m1, i1, m2, i2 = lax.fori_loop(
            0, nn // 16, body, (neg_inf, big, neg_inf, big))
        g1v = jnp.max(m1)
        g1i = jnp.min(jnp.where(m1 == g1v, i1, big))
        win = i1 == g1i
        cv = jnp.where(win, m2, m1)
        ci = jnp.where(win, i2, i1)
        g2v = jnp.max(cv)
        g2i = jnp.min(jnp.where(cv == g2v, ci, big))
        idx_v[...] = jnp.where(lanes == 0, g1i,
                               jnp.where(lanes == 1, g2i, 0))
        pltpu.sync_copy(idx_v, out_hbm.at[w])

    return k(i2ds)


def _main_tc(v3, i2d, top2, interpret=False):
    s, c, nn = v3.shape
    r = 2 * s

    def body(idx_ref, iou_ref, vany_ref, out_ref, acc_ref,
             pt_ref, st_ref, vbuf_ref, gsem, vsem):
        e = pl.program_id(0)

        @pl.when(e == 0)
        def _():
            for b in range(NBUF):
                pltpu.make_async_copy(
                    vany_ref.at[b], vbuf_ref.at[b], vsem.at[b]).start()
            cps = []
            for t in range(r):
                q = idx_ref[t // 2, t % 2]
                cp = pltpu.make_async_copy(
                    vany_ref.at[t // 2, :, pl.ds((q >> 7) * 128, 128)],
                    st_ref.at[t],
                    gsem)
                cp.start()
                cps.append(cp)
            lane = lax.broadcasted_iota(jnp.int32, (c, 128), 1)
            for t, cp in enumerate(cps):
                cp.wait()
                q = idx_ref[t // 2, t % 2]
                col = jnp.sum(
                    jnp.where(lane == (q & 127), st_ref[t], 0.0), axis=1)
                pt_ref[pl.ds(t, 1), :] = col[None, :]
            p = pt_ref[...]
            n = jnp.sqrt(jnp.sum(p * p, axis=1, keepdims=True))
            pt_ref[...] = p / jnp.maximum(n, 1e-12)
            acc_ref[...] = jnp.zeros_like(acc_ref)

        nxt = e - 1 + NBUF
        @pl.when(jnp.logical_and(e > 0, nxt < s))
        def _():
            pslot = lax.rem(e - 1, NBUF)
            pltpu.make_async_copy(
                vany_ref.at[nxt], vbuf_ref.at[pslot], vsem.at[pslot]).start()

        slot = lax.rem(e, NBUF)
        pltpu.make_async_copy(
            vany_ref.at[0], vbuf_ref.at[slot], vsem.at[slot]).wait()
        vb = vbuf_ref[slot]
        n2 = jnp.sum(vb * vb, axis=0, keepdims=True)
        scale = 1.0 / (jnp.maximum(jnp.sqrt(n2), 1e-12) * T)
        a = jnp.dot(pt_ref[...], vb, precision=lax.Precision.HIGHEST,
                    preferred_element_type=jnp.float32)
        ex = jnp.exp(a * scale)
        rowm = lax.broadcasted_iota(jnp.int32, (r, 1), 0) >> 1 == e
        cond = jnp.logical_and(rowm, iou_ref[0] > NEG_IOU)
        acc_ref[...] += jnp.where(cond, 0.0, ex)

        @pl.when(e == s - 1)
        def _():
            esum = jnp.sum(acc_ref[...], axis=1)
            pt = pt_ref[...]
            g = lax.dot_general(pt, pt, (((1,), (1,)), ((), ())),
                                precision=lax.Precision.HIGHEST,
                                preferred_element_type=jnp.float32)
            ii = lax.broadcasted_iota(jnp.int32, (r, r), 0)
            jj = lax.broadcasted_iota(jnp.int32, (r, r), 1)
            ip_a = jnp.sum(jnp.where(ii == jj, g, 0.0), axis=1)
            ip_b = jnp.sum(jnp.where(jj == (ii ^ 1), g, 0.0), axis=1)
            ta = jnp.log(jnp.exp(ip_a / T) + esum) - ip_a / T
            tb = jnp.log(jnp.exp(ip_b / T) + esum) - ip_b / T
            out_ref[...] = jnp.reshape(
                (jnp.sum(ta) + jnp.sum(tb)) / (2.0 * r), (1, 1))

    grid_spec = pltpu.PrefetchScalarGridSpec(
        num_scalar_prefetch=1,
        grid=(s,),
        in_specs=[
            pl.BlockSpec((1, 1, nn), lambda e, idx_ref: (e, 0, 0)),
            pl.BlockSpec(memory_space=pltpu.MemorySpace.HBM),
        ],
        out_specs=pl.BlockSpec((1, 1), lambda e, idx_ref: (0, 0)),
        scratch_shapes=[
            pltpu.VMEM((r, nn), jnp.float32),
            pltpu.VMEM((r, c), jnp.float32),
            pltpu.VMEM((r, c, 128), jnp.float32),
            pltpu.VMEM((NBUF, c, nn), jnp.float32),
            pltpu.SemaphoreType.DMA,
            pltpu.SemaphoreType.DMA((NBUF,)),
        ],
    )
    return pl.pallas_call(
        body,
        grid_spec=grid_spec,
        out_shape=jax.ShapeDtypeStruct((1, 1), jnp.float32),
        compiler_params=pltpu.CompilerParams(
            dimension_semantics=("arbitrary",)),
        interpret=interpret,
    )(top2, i2d.reshape(s, 1, nn), v3)


def kernel(video_feats, sents_feats, num_sentences, num_targets, iou2d,
           iou2ds, mask2d):
    s, c = video_feats.shape[0], video_feats.shape[1]
    v3 = video_feats.reshape(s, c, -1)
    top2 = _top2_sc(iou2ds.reshape(s, -1))
    loss = _main_tc(v3, iou2d.reshape(s, -1), top2)
    return loss.reshape(())

# --- scband reference (transcript-rebuilt; emitter-appended) ---
"""Pipeline reference for scband-intra-contrastive-loss-14491219657439 (READ-ONLY COPY).

The authoritative reference and input builder live on the scoring server;
editing this copy changes nothing except your own understanding.
"""

import jax, jax.numpy as jnp
import numpy as np

S, C, N, B, K = 32, 256, 64, 32, 2
T, M_MARGIN, NEG_IOU, WEIGHT = 0.1, 0.0, 0.5, 1.0


def _l2norm(x):
    n = jnp.sqrt(jnp.sum(x * x, axis=-1, keepdims=True))
    return x / jnp.maximum(n, 1e-12)


def setup_inputs(seed: int = 0):
    key = jax.random.key(seed)
    k1, k2, k3, k4 = jax.random.split(key, 4)
    video_feats = jax.random.normal(k1, (S, C, N, N), dtype=jnp.float32)
    sents_feats = jax.random.normal(k2, (S, C), dtype=jnp.float32)
    num_sentences = jnp.ones((B,), dtype=jnp.int32)
    num_targets = jnp.ones((S,), dtype=jnp.int32)
    iou2d = jax.random.uniform(k3, (S, N, N), dtype=jnp.float32)
    iou2ds = jax.random.uniform(k4, (S, N, N), dtype=jnp.float32)
    mask2d = jnp.ones((N, N), dtype=bool)
    return {"video_feats": video_feats, "sents_feats": sents_feats, "num_sentences": num_sentences, "num_targets": num_targets, "iou2d": iou2d, "iou2ds": iou2ds, "mask2d": mask2d}


def _build_index_state(b, s):
    nt = np.ones(s, dtype=np.int64)
    refs, poss, e2s = [], [], []
    shift = 0
    for i, num in enumerate(nt):
        num = int(num)
        if num > 0:
            idx = np.arange(num * K)
            r, q = np.meshgrid(idx, idx, indexing="ij")
            refs.append(r.reshape(-1) + shift)
            poss.append(q.reshape(-1) + shift)
            e2s.append(np.full(num * K * num * K, i, dtype=np.int64))
        shift += num * K
    ref_idx = np.concatenate(refs)
    pos_idx = np.concatenate(poss)
    scatter_e2s = np.concatenate(e2s)
    return ref_idx, pos_idx, scatter_e2s


def reference(video_feats, sents_feats, num_sentences, num_targets, iou2d, iou2ds, mask2d):
    b = num_sentences.shape[0]
    s = num_targets.shape[0]
    m = iou2ds.shape[0]
    p = mask2d.shape[0] * mask2d.shape[1]
    ref_idx, pos_idx, scatter_e2s = _build_index_state(b, s)
    c = video_feats.shape[1]
    n = video_feats.shape[2]
    sel_j = jnp.nonzero(mask2d.reshape(-1), size=p, fill_value=0)[0]
    scatter_m2s = jnp.repeat(jnp.arange(s), num_targets, total_repeat_length=m)
    scatter_b2s = jnp.concatenate([jnp.zeros((1,), dtype=jnp.int32), jnp.cumsum(num_sentences)[:-1]])
    scatter_s2b = jnp.repeat(jnp.arange(b), num_sentences, total_repeat_length=s)
    vf = jnp.take(video_feats.reshape(s, c, n * n), sel_j, axis=2)
    vf = jnp.transpose(vf, (0, 2, 1))
    i2d = jnp.take(iou2d.reshape(s, n * n), sel_j, axis=1)
    i2ds = jnp.take(iou2ds.reshape(m, n * n), sel_j, axis=1)
    vf = _l2norm(vf)
    sf = _l2norm(sents_feats)
    topk_idxs = jax.lax.top_k(i2ds, K)[1]
    allm = jnp.take(vf, scatter_m2s, axis=0)
    topk_feats = jnp.take_along_axis(allm, topk_idxs[:, :, None], axis=1)
    pos_vf = topk_feats.reshape(m * K, c)
    ref_j = jnp.asarray(ref_idx)
    pos_j = jnp.asarray(pos_idx)
    intra_pos = jnp.sum(pos_vf[ref_j] * pos_vf[pos_j], axis=1)
    intra_all = pos_vf @ vf[scatter_b2s].reshape(-1, c).T
    s2v = i2d > NEG_IOU
    onehot = scatter_s2b[:, None] == jnp.arange(b)[None, :]
    pos_mask = (onehot[:, :, None] & s2v[:, None, :]).reshape(s, -1)
    neg_mask = jnp.take(~pos_mask, jnp.asarray(scatter_e2s), axis=0)
    pos_exp = jnp.exp((intra_pos - M_MARGIN) / T)
    neg_exp_sum = jnp.sum(jnp.exp(intra_all[ref_j] / T) * neg_mask, axis=-1)
    loss = -(((intra_pos - M_MARGIN) / T) - jnp.log(pos_exp + neg_exp_sum))
    return jnp.mean(loss) * WEIGHT

if __name__ == "__main__":
    import jax
    _d = setup_inputs()
    print(jax.jit(kernel)(*tuple(_d.values())))

</pallas_src>

<mosaic_0001>
#map = affine_map<(d0, d1) -> (0, 0)>
module attributes {stable_mosaic.version = 14 : i64} {
  func.func @k(%arg0: i32, %arg1: i32, %arg2: memref<32x4096xf32, #tpu.memory_space<hbm>>, %arg3: memref<32x16xi32, #tpu.memory_space<hbm>>, %arg4: memref<4096xf32, #tpu.memory_space<vmem>>, %arg5: memref<16xi32, #tpu.memory_space<vmem>>) attributes {dimension_semantics = [#tpu.dimension_semantics<core_parallel>, #tpu.dimension_semantics<subcore_parallel>], iteration_bounds = array<i64: 2, 16>, scalar_prefetch = 0 : i64, scratch_operands = 2 : i64, tpu.core_type = #tpu.core_type<sc_vector_subcore>, window_params = [{transform_indices = #map}, {transform_indices = #map}]} {
    %mul3A = arith.constant 2 : i32
    %mul3A_0 = arith.muli %arg1, %mul3A : i32
    %add3A = arith.addi %mul3A_0, %arg0 : i32
    "tpu.region"() ({
      %run_scoped3A = tpu.sem_alloc : memref<!tpu.dma_semaphore, #tpu.memory_space<semaphore_mem>>
      %dma_start3A = arith.constant 0 : i32
      %dma_start3A_51 = tpu.memref_slice %arg2[%add3A, %dma_start3A] : memref<32x4096xf32, #tpu.memory_space<hbm>> -> memref<1x4096xf32, #tpu.memory_space<hbm>>
      %dma_start3A_52 = tpu.memref_squeeze %dma_start3A_51 : memref<1x4096xf32, #tpu.memory_space<hbm>> -> memref<4096xf32, #tpu.memory_space<hbm>>
      %dma_start3A_53 = arith.constant 0 : i32
      %dma_start3A_54 = tpu.memref_slice %arg2[%add3A, %dma_start3A_53] : memref<32x4096xf32, #tpu.memory_space<hbm>> -> memref<1x4096xf32, #tpu.memory_space<hbm>>
      %dma_start3A_55 = tpu.memref_squeeze %dma_start3A_54 : memref<1x4096xf32, #tpu.memory_space<hbm>> -> memref<4096xf32, #tpu.memory_space<hbm>>
      tpu.enqueue_dma source(%dma_start3A_55 : memref<4096xf32, #tpu.memory_space<hbm>>) target(%arg4 : memref<4096xf32, #tpu.memory_space<vmem>>) target_semaphore(%run_scoped3A : memref<!tpu.dma_semaphore, #tpu.memory_space<semaphore_mem>>)
      %dma_wait3A = arith.constant 0 : i32
      %dma_wait3A_56 = tpu.memref_slice %arg2[%add3A, %dma_wait3A] : memref<32x4096xf32, #tpu.memory_space<hbm>> -> memref<1x4096xf32, #tpu.memory_space<hbm>>
      %dma_wait3A_57 = tpu.memref_squeeze %dma_wait3A_56 : memref<1x4096xf32, #tpu.memory_space<hbm>> -> memref<4096xf32, #tpu.memory_space<hbm>>
      %dma_wait3A_58 = arith.constant 0 : i32
      %dma_wait3A_59 = tpu.memref_slice %arg2[%add3A, %dma_wait3A_58] : memref<32x4096xf32, #tpu.memory_space<hbm>> -> memref<1x4096xf32, #tpu.memory_space<hbm>>
      %dma_wait3A_60 = tpu.memref_squeeze %dma_wait3A_59 : memref<1x4096xf32, #tpu.memory_space<hbm>> -> memref<4096xf32, #tpu.memory_space<hbm>>
      tpu.wait_dma2 semaphore(%run_scoped3A : memref<!tpu.dma_semaphore, #tpu.memory_space<semaphore_mem>>) src(%dma_wait3A_60 : memref<4096xf32, #tpu.memory_space<hbm>>) dst(%arg4 : memref<4096xf32, #tpu.memory_space<vmem>>)
      tpu.yield
    }) : () -> ()
    %iota3A = tpu.iota {dimensions = array<i32: 0>} : vector<16xi32>
    %broadcast_in_dim3A = arith.constant 0xFF800000 : f32
    %broadcast_in_dim3A_1 = vector.broadcast %broadcast_in_dim3A : f32 to vector<16xf32>
    %broadcast_in_dim3A_2 = arith.constant 1073741824 : i32
    %broadcast_in_dim3A_3 = vector.broadcast %broadcast_in_dim3A_2 : i32 to vector<16xi32>
    %scan3A = arith.constant 0 : i32
    %scan3A_4 = arith.constant 256 : i32
    %scan3A_5 = arith.addi %scan3A, %scan3A_4 : i32
    %scan3A_6 = arith.constant 1 : i32
    %scan3A_7:4 = scf.for %scan3A_51 = %scan3A to %scan3A_5 step %scan3A_6 iter_args(%scan3A_52 = %broadcast_in_dim3A_1, %scan3A_53 = %broadcast_in_dim3A_3, %scan3A_54 = %broadcast_in_dim3A_1, %scan3A_55 = %broadcast_in_dim3A_3) -> (vector<16xf32>, vector<16xi32>, vector<16xf32>, vector<16xi32>)  : i32 {
      %mul3A_56 = arith.constant 16 : i32
      %mul3A_57 = arith.muli %scan3A_51, %mul3A_56 : i32
      %get3A = arith.index_cast %mul3A_57 : i32 to index
      %get3A_58 = tpu.vector_load %arg4[%get3A] {strides = array<i32>} : memref<4096xf32, #tpu.memory_space<vmem>>, vector<16xf32>,
      %mul3A_59 = arith.constant 16 : i32
      %mul3A_60 = arith.muli %scan3A_51, %mul3A_59 : i32
      %add3A_61 = vector.broadcast %mul3A_60 : i32 to vector<16xi32>
      %add3A_62 = arith.addi %add3A_61, %iota3A : vector<16xi32>
      %gt3A = arith.cmpf ogt, %get3A_58, %scan3A_52 : vector<16xf32>
      %not3A = arith.constant dense<true> : vector<16xi1>
      %not3A_63 = arith.xori %gt3A, %not3A : vector<16xi1>
      %gt3A_64 = arith.cmpf ogt, %get3A_58, %scan3A_54 : vector<16xf32>
      %and3A = arith.andi %not3A_63, %gt3A_64 : vector<16xi1>
      %select_n3A_65 = arith.select %and3A, %get3A_58, %scan3A_54 : vector<16xi1>, vector<16xf32>
      %select_n3A_66 = arith.select %gt3A, %scan3A_52, %select_n3A_65 : vector<16xi1>, vector<16xf32>
      %select_n3A_67 = arith.select %and3A, %add3A_62, %scan3A_55 : vector<16xi1>, vector<16xi32>
      %select_n3A_68 = arith.select %gt3A, %scan3A_53, %select_n3A_67 : vector<16xi1>, vector<16xi32>
      %select_n3A_69 = arith.select %gt3A, %get3A_58, %scan3A_52 : vector<16xi1>, vector<16xf32>
      %select_n3A_70 = arith.select %gt3A, %add3A_62, %scan3A_53 : vector<16xi1>, vector<16xi32>
      scf.yield %select_n3A_69, %select_n3A_70, %select_n3A_66, %select_n3A_68 : vector<16xf32>, vector<16xi32>, vector<16xf32>, vector<16xi32>
    }
    %scan3A_8 = arith.constant 256 : i32
    %reduce_max3A = arith.constant true
    %reduce_max3A_9 = vector.broadcast %reduce_max3A : i1 to vector<16xi1>
    %reduce_max3A_10 = tpu.scan <max>, %scan3A_7#0 masked %reduce_max3A_9 : vector<16xf32>, vector<16xi1> -> vector<16xf32>
    %reduce_max3A_11 = vector.extract %reduce_max3A_10[15] : f32 from vector<16xf32>
    %eq3A = vector.broadcast %reduce_max3A_11 : f32 to vector<16xf32>
    %eq3A_12 = arith.cmpf oeq, %scan3A_7#0, %eq3A : vector<16xf32>
    %select_n3A = arith.select %eq3A_12, %scan3A_7#1, %broadcast_in_dim3A_3 : vector<16xi1>, vector<16xi32>
    %reduce_min3A = arith.constant true
    %reduce_min3A_13 = vector.broadcast %reduce_min3A : i1 to vector<16xi1>
    %reduce_min3A_14 = arith.constant -2147483648 : i32
    %reduce_min3A_15 = vector.broadcast %reduce_min3A_14 : i32 to vector<16xi32>
    %reduce_min3A_16 = arith.xori %select_n3A, %reduce_min3A_15 : vector<16xi32>
    %reduce_min3A_17 = tpu.scan <min>, %reduce_min3A_16 masked %reduce_min3A_13 : vector<16xi32>, vector<16xi1> -> vector<16xi32>
    %reduce_min3A_18 = arith.xori %reduce_min3A_17, %reduce_min3A_15 : vector<16xi32>
    %reduce_min3A_19 = vector.extract %reduce_min3A_18[15] : i32 from vector<16xi32>
    %eq3A_20 = vector.broadcast %reduce_min3A_19 : i32 to vector<16xi32>
    %eq3A_21 = arith.cmpi eq, %scan3A_7#1, %eq3A_20 : vector<16xi32>
    %select_n3A_22 = arith.select %eq3A_21, %scan3A_7#2, %scan3A_7#0 : vector<16xi1>, vector<16xf32>
    %select_n3A_23 = arith.select %eq3A_21, %scan3A_7#3, %scan3A_7#1 : vector<16xi1>, vector<16xi32>
    %reduce_max3A_24 = arith.constant true
    %reduce_max3A_25 = vector.broadcast %reduce_max3A_24 : i1 to vector<16xi1>
    %reduce_max3A_26 = tpu.scan <max>, %select_n3A_22 masked %reduce_max3A_25 : vector<16xf32>, vector<16xi1> -> vector<16xf32>
    %reduce_max3A_27 = vector.extract %reduce_max3A_26[15] : f32 from vector<16xf32>
    %eq3A_28 = vector.broadcast %reduce_max3A_27 : f32 to vector<16xf32>
    %eq3A_29 = arith.cmpf oeq, %select_n3A_22, %eq3A_28 : vector<16xf32>
    %select_n3A_30 = arith.select %eq3A_29, %select_n3A_23, %broadcast_in_dim3A_3 : vector<16xi1>, vector<16xi32>
    %reduce_min3A_31 = arith.constant true
    %reduce_min3A_32 = vector.broadcast %reduce_min3A_31 : i1 to vector<16xi1>
    %reduce_min3A_33 = arith.constant -2147483648 : i32
    %reduce_min3A_34 = vector.broadcast %reduce_min3A_33 : i32 to vector<16xi32>
    %reduce_min3A_35 = arith.xori %select_n3A_30, %reduce_min3A_34 : vector<16xi32>
    %reduce_min3A_36 = tpu.scan <min>, %reduce_min3A_35 masked %reduce_min3A_32 : vector<16xi32>, vector<16xi1> -> vector<16xi32>
    %reduce_min3A_37 = arith.xori %reduce_min3A_36, %reduce_min3A_34 : vector<16xi32>
    %reduce_min3A_38 = vector.extract %reduce_min3A_37[15] : i32 from vector<16xi32>
    %eq3A_39 = arith.constant 0 : i32
    %eq3A_40 = vector.broadcast %eq3A_39 : i32 to vector<16xi32>
    %eq3A_41 = arith.cmpi eq, %iota3A, %eq3A_40 : vector<16xi32>
    %eq3A_42 = arith.constant 1 : i32
    %eq3A_43 = vector.broadcast %eq3A_42 : i32 to vector<16xi32>
    %eq3A_44 = arith.cmpi eq, %iota3A, %eq3A_43 : vector<16xi32>
    %jit3A = arith.constant 0 : i32
    %broadcast_in_dim3A_45 = vector.broadcast %reduce_min3A_38 : i32 to vector<16xi32>
    %broadcast_in_dim3A_46 = vector.broadcast %jit3A : i32 to vector<16xi32>
    %select_n3A_47 = arith.select %eq3A_44, %broadcast_in_dim3A_45, %broadcast_in_dim3A_46 : vector<16xi1>, vector<16xi32>
    %broadcast_in_dim3A_48 = vector.broadcast %reduce_min3A_19 : i32 to vector<16xi32>
    %select_n3A_49 = arith.select %eq3A_41, %broadcast_in_dim3A_48, %select_n3A_47 : vector<16xi1>, vector<16xi32>
    %swap3A = arith.constant 0 : index
    %swap3A_50 = tpu.vector_load %arg5[%swap3A] {strides = array<i32>} : memref<16xi32, #tpu.memory_space<vmem>>, vector<16xi32>,
    tpu.vector_store %arg5[%swap3A], %select_n3A_49 {strides = array<i32>} : memref<16xi32, #tpu.memory_space<vmem>>, vector<16xi32>,
    "tpu.region"() ({
      %run_scoped3A = tpu.sem_alloc : memref<!tpu.dma_semaphore, #tpu.memory_space<semaphore_mem>>
      %dma_start3A = arith.constant 0 : i32
      %dma_start3A_51 = tpu.memref_slice %arg3[%add3A, %dma_start3A] : memref<32x16xi32, #tpu.memory_space<hbm>> -> memref<1x16xi32, #tpu.memory_space<hbm>>
      %dma_start3A_52 = tpu.memref_squeeze %dma_start3A_51 : memref<1x16xi32, #tpu.memory_space<hbm>> -> memref<16xi32, #tpu.memory_space<hbm>>
      %dma_start3A_53 = arith.constant 0 : i32
      %dma_start3A_54 = tpu.memref_slice %arg3[%add3A, %dma_start3A_53] : memref<32x16xi32, #tpu.memory_space<hbm>> -> memref<1x16xi32, #tpu.memory_space<hbm>>
      %dma_start3A_55 = tpu.memref_squeeze %dma_start3A_54 : memref<1x16xi32, #tpu.memory_space<hbm>> -> memref<16xi32, #tpu.memory_space<hbm>>
      tpu.enqueue_dma source(%arg5 : memref<16xi32, #tpu.memory_space<vmem>>) target(%dma_start3A_55 : memref<16xi32, #tpu.memory_space<hbm>>) target_semaphore(%run_scoped3A : memref<!tpu.dma_semaphore, #tpu.memory_space<semaphore_mem>>)
      %dma_wait3A = arith.constant 0 : i32
      %dma_wait3A_56 = tpu.memref_slice %arg3[%add3A, %dma_wait3A] : memref<32x16xi32, #tpu.memory_space<hbm>> -> memref<1x16xi32, #tpu.memory_space<hbm>>
      %dma_wait3A_57 = tpu.memref_squeeze %dma_wait3A_56 : memref<1x16xi32, #tpu.memory_space<hbm>> -> memref<16xi32, #tpu.memory_space<hbm>>
      %dma_wait3A_58 = arith.constant 0 : i32
      %dma_wait3A_59 = tpu.memref_slice %arg3[%add3A, %dma_wait3A_58] : memref<32x16xi32, #tpu.memory_space<hbm>> -> memref<1x16xi32, #tpu.memory_space<hbm>>
      %dma_wait3A_60 = tpu.memref_squeeze %dma_wait3A_59 : memref<1x16xi32, #tpu.memory_space<hbm>> -> memref<16xi32, #tpu.memory_space<hbm>>
      tpu.wait_dma2 semaphore(%run_scoped3A : memref<!tpu.dma_semaphore, #tpu.memory_space<semaphore_mem>>) src(%arg5 : memref<16xi32, #tpu.memory_space<vmem>>) dst(%dma_wait3A_60 : memref<16xi32, #tpu.memory_space<hbm>>)
      tpu.yield
    }) : () -> ()
    return
  }
}

module attributes {stable_mosaic.version = 14 : i64} {
  func.func @body(%arg0: i32, %arg1: memref<32x16xi32, #tpu.memory_space<smem>>, %arg2: memref<1x1x4096xf32, #tpu.memory_space<vmem>>, %arg3: memref<32x256x4096xf32, #tpu.memory_space<hbm>>, %arg4: memref<1x1xf32, #tpu.memory_space<vmem>>, %arg5: memref<64x4096xf32, #tpu.memory_space<vmem>>, %arg6: memref<64x256xf32, #tpu.memory_space<vmem>>, %arg7: memref<64x256x128xf32, #tpu.memory_space<vmem>>, %arg8: memref<4x256x4096xf32, #tpu.memory_space<vmem>>, %arg9: memref<!tpu.dma_semaphore, #tpu.memory_space<semaphore_mem>>, %arg10: memref<4x!tpu.dma_semaphore, #tpu.memory_space<semaphore_mem>>) attributes {dimension_semantics = [#tpu.dimension_semantics<arbitrary>], iteration_bounds = array<i64: 32>, scalar_prefetch = 1 : i64, scratch_operands = 6 : i64, tpu.core_type = #tpu.core_type<tc>, window_params = [{transform_indices = @transform_0, window_bounds = array<i64: 1, 1, 4096>}, {}, {pipeline_mode = #tpu.pipeline_mode<synchronous>, transform_indices = @transform_2, window_bounds = array<i64: 1, 1>}]} {
    %eq3A = arith.constant 0 : i32
    %eq3A_0 = arith.cmpi eq, %arg0, %eq3A : i32
    %convert_element_type3A = arith.extui %eq3A_0 : i1 to i32
    %cond3A = arith.constant 0 : i32
    %cond3A_1 = arith.cmpi ne, %convert_element_type3A, %cond3A : i32
    scf.if %cond3A_1 {
      %dma_start3A = arith.constant 0 : i32
      %dma_start3A_65 = arith.constant 0 : i32
      %dma_start3A_66 = arith.constant 0 : i32
      %dma_start3A_67 = tpu.memref_slice %arg10[%dma_start3A_66] : memref<4x!tpu.dma_semaphore, #tpu.memory_space<semaphore_mem>> -> memref<1x!tpu.dma_semaphore, #tpu.memory_space<semaphore_mem>>
      %dma_start3A_68 = tpu.memref_squeeze %dma_start3A_67 : memref<1x!tpu.dma_semaphore, #tpu.memory_space<semaphore_mem>> -> memref<!tpu.dma_semaphore, #tpu.memory_space<semaphore_mem>>
      %dma_start3A_69 = arith.constant 0 : i32
      %dma_start3A_70 = arith.constant 0 : i32
      %dma_start3A_71 = tpu.memref_slice %arg8[%dma_start3A_65, %dma_start3A_69, %dma_start3A_70] : memref<4x256x4096xf32, #tpu.memory_space<vmem>> -> memref<1x256x4096xf32, #tpu.memory_space<vmem>>
      %dma_start3A_72 = tpu.memref_squeeze %dma_start3A_71 : memref<1x256x4096xf32, #tpu.memory_space<vmem>> -> memref<256x4096xf32, #tpu.memory_space<vmem>>
      %dma_start3A_73 = arith.constant 0 : i32
      %dma_start3A_74 = arith.constant 0 : i32
      %dma_start3A_75 = tpu.memref_slice %arg3[%dma_start3A, %dma_start3A_73, %dma_start3A_74] : memref<32x256x4096xf32, #tpu.memory_space<hbm>> -> memref<1x256x4096xf32, #tpu.memory_space<hbm>>
      %dma_start3A_76 = tpu.memref_squeeze %dma_start3A_75 : memref<1x256x4096xf32, #tpu.memory_space<hbm>> -> memref<256x4096xf32, #tpu.memory_space<hbm>>
      tpu.enqueue_dma source(%dma_start3A_76 : memref<256x4096xf32, #tpu.memory_space<hbm>>) target(%dma_start3A_72 : memref<256x4096xf32, #tpu.memory_space<vmem>>) target_semaphore(%dma_start3A_68 : memref<!tpu.dma_semaphore, #tpu.memory_space<semaphore_mem>>)
      %dma_start3A_77 = arith.constant 1 : i32
      %dma_start3A_78 = arith.constant 1 : i32
      %dma_start3A_79 = arith.constant 1 : i32
      %dma_start3A_80 = tpu.memref_slice %arg10[%dma_start3A_79] : memref<4x!tpu.dma_semaphore, #tpu.memory_space<semaphore_mem>> -> memref<1x!tpu.dma_semaphore, #tpu.memory_space<semaphore_mem>>
      %dma_start3A_81 = tpu.memref_squeeze %dma_start3A_80 : memref<1x!tpu.dma_semaphore, #tpu.memory_space<semaphore_mem>> -> memref<!tpu.dma_semaphore, #tpu.memory_space<semaphore_mem>>
      %dma_start3A_82 = arith.constant 0 : i32
      %dma_start3A_83 = arith.constant 0 : i32
      %dma_start3A_84 = tpu.memref_slice %arg8[%dma_start3A_78, %dma_start3A_82, %dma_start3A_83] : memref<4x256x4096xf32, #tpu.memory_space<vmem>> -> memref<1x256x4096xf32, #tpu.memory_space<vmem>>
      %dma_start3A_85 = tpu.memref_squeeze %dma_start3A_84 : memref<1x256x4096xf32, #tpu.memory_space<vmem>> -> memref<256x4096xf32, #tpu.memory_space<vmem>>
      %dma_start3A_86 = arith.constant 0 : i32
      %dma_start3A_87 = arith.constant 0 : i32
      %dma_start3A_88 = tpu.memref_slice %arg3[%dma_start3A_77, %dma_start3A_86, %dma_start3A_87] : memref<32x256x4096xf32, #tpu.memory_space<hbm>> -> memref<1x256x4096xf32, #tpu.memory_space<hbm>>
      %dma_start3A_89 = tpu.memref_squeeze %dma_start3A_88 : memref<1x256x4096xf32, #tpu.memory_space<hbm>> -> memref<256x4096xf32, #tpu.memory_space<hbm>>
      tpu.enqueue_dma source(%dma_start3A_89 : memref<256x4096xf32, #tpu.memory_space<hbm>>) target(%dma_start3A_85 : memref<256x4096xf32, #tpu.memory_space<vmem>>) target_semaphore(%dma_start3A_81 : memref<!tpu.dma_semaphore, #tpu.memory_space<semaphore_mem>>)
      %dma_start3A_90 = arith.constant 2 : i32
      %dma_start3A_91 = arith.constant 2 : i32
      %dma_start3A_92 = arith.constant 2 : i32
      %dma_start3A_93 = tpu.memref_slice %arg10[%dma_start3A_92] : memref<4x!tpu.dma_semaphore, #tpu.memory_space<semaphore_mem>> -> memref<1x!tpu.dma_semaphore, #tpu.memory_space<semaphore_mem>>
      %dma_start3A_94 = tpu.memref_squeeze %dma_start3A_93 : memref<1x!tpu.dma_semaphore, #tpu.memory_space<semaphore_mem>> -> memref<!tpu.dma_semaphore, #tpu.memory_space<semaphore_mem>>
      %dma_start3A_95 = arith.constant 0 : i32
      %dma_start3A_96 = arith.constant 0 : i32
      %dma_start3A_97 = tpu.memref_slice %arg8[%dma_start3A_91, %dma_start3A_95, %dma_start3A_96] : memref<4x256x4096xf32, #tpu.memory_space<vmem>> -> memref<1x256x4096xf32, #tpu.memory_space<vmem>>
      %dma_start3A_98 = tpu.memref_squeeze %dma_start3A_97 : memref<1x256x4096xf32, #tpu.memory_space<vmem>> -> memref<256x4096xf32, #tpu.memory_space<vmem>>
      %dma_start3A_99 = arith.constant 0 : i32
      %dma_start3A_100 = arith.constant 0 : i32
      %dma_start3A_101 = tpu.memref_slice %arg3[%dma_start3A_90, %dma_start3A_99, %dma_start3A_100] : memref<32x256x4096xf32, #tpu.memory_space<hbm>> -> memref<1x256x4096xf32, #tpu.memory_space<hbm>>
      %dma_start3A_102 = tpu.memref_squeeze %dma_start3A_101 : memref<1x256x4096xf32, #tpu.memory_space<hbm>> -> memref<256x4096xf32, #tpu.memory_space<hbm>>
      tpu.enqueue_dma source(%dma_start3A_102 : memref<256x4096xf32, #tpu.memory_space<hbm>>) target(%dma_start3A_98 : memref<256x4096xf32, #tpu.memory_space<vmem>>) target_semaphore(%dma_start3A_94 : memref<!tpu.dma_semaphore, #tpu.memory_space<semaphore_mem>>)
      %dma_start3A_103 = arith.constant 3 : i32
      %dma_start3A_104 = arith.constant 3 : i32
      %dma_start3A_105 = arith.constant 3 : i32
      %dma_start3A_106 = tpu.memref_slice %arg10[%dma_start3A_105] : memref<4x!tpu.dma_semaphore, #tpu.memory_space<semaphore_mem>> -> memref<1x!tpu.dma_semaphore, #tpu.memory_space<semaphore_mem>>
      %dma_start3A_107 = tpu.memref_squeeze %dma_start3A_106 : memref<1x!tpu.dma_semaphore, #tpu.memory_space<semaphore_mem>> -> memref<!tpu.dma_semaphore, #tpu.memory_space<semaphore_mem>>
      %dma_start3A_108 = arith.constant 0 : i32
      %dma_start3A_109 = arith.constant 0 : i32
      %dma_start3A_110 = tpu.memref_slice %arg8[%dma_start3A_104, %dma_start3A_108, %dma_start3A_109] : memref<4x256x4096xf32, #tpu.memory_space<vmem>> -> memref<1x256x4096xf32, #tpu.memory_space<vmem>>
      %dma_start3A_111 = tpu.memref_squeeze %dma_start3A_110 : memref<1x256x4096xf32, #tpu.memory_space<vmem>> -> memref<256x4096xf32, #tpu.memory_space<vmem>>
      %dma_start3A_112 = arith.constant 0 : i32
      %dma_start3A_113 = arith.constant 0 : i32
      %dma_start3A_114 = tpu.memref_slice %arg3[%dma_start3A_103, %dma_start3A_112, %dma_start3A_113] : memref<32x256x4096xf32, #tpu.memory_space<hbm>> -> memref<1x256x4096xf32, #tpu.memory_space<hbm>>
      %dma_start3A_115 = tpu.memref_squeeze %dma_start3A_114 : memref<1x256x4096xf32, #tpu.memory_space<hbm>> -> memref<256x4096xf32, #tpu.memory_space<hbm>>
      tpu.enqueue_dma source(%dma_start3A_115 : memref<256x4096xf32, #tpu.memory_space<hbm>>) target(%dma_start3A_111 : memref<256x4096xf32, #tpu.memory_space<vmem>>) target_semaphore(%dma_start3A_107 : memref<!tpu.dma_semaphore, #tpu.memory_space<semaphore_mem>>)
      %get3A_116 = arith.constant 0 : index
      %get3A_117 = arith.constant 0 : index
      %get3A_118 = memref.load %arg1[%get3A_116, %get3A_117] : memref<32x16xi32, #tpu.memory_space<smem>>
      %shift_right_arithmetic3A_119 = arith.constant 7 : i32
      %shift_right_arithmetic3A_120 = arith.shrsi %get3A_118, %shift_right_arithmetic3A_119 : i32
      %mul3A_121 = arith.constant 128 : i32
      %mul3A_122 = arith.muli %shift_right_arithmetic3A_120, %mul3A_121 : i32
      %dma_start3A_123 = arith.constant 0 : i32
      %dma_start3A_124 = arith.constant 0 : i32
      %dma_start3A_125 = arith.constant 0 : i32
      %dma_start3A_126 = arith.constant 0 : i32
      %dma_start3A_127 = tpu.memref_slice %arg7[%dma_start3A_124, %dma_start3A_125, %dma_start3A_126] : memref<64x256x128xf32, #tpu.memory_space<vmem>> -> memref<1x256x128xf32, #tpu.memory_space<vmem>>
      %dma_start3A_128 = tpu.memref_squeeze %dma_start3A_127 : memref<1x256x128xf32, #tpu.memory_space<vmem>> -> memref<256x128xf32, #tpu.memory_space<vmem>>
      %dma_start3A_129 = arith.constant 0 : i32
      %dma_start3A_130 = tpu.memref_slice %arg3[%dma_start3A_123, %dma_start3A_129, %mul3A_122] : memref<32x256x4096xf32, #tpu.memory_space<hbm>> -> memref<1x256x128xf32, #tpu.memory_space<hbm>>
      %dma_start3A_131 = tpu.memref_squeeze %dma_start3A_130 : memref<1x256x128xf32, #tpu.memory_space<hbm>> -> memref<256x128xf32, #tpu.memory_space<hbm>>
      tpu.enqueue_dma source(%dma_start3A_131 : memref<256x128xf32, #tpu.memory_space<hbm>>) target(%dma_start3A_128 : memref<256x128xf32, #tpu.memory_space<vmem>>) target_semaphore(%arg9 : memref<!tpu.dma_semaphore, #tpu.memory_space<semaphore_mem>>)
      %get3A_132 = arith.constant 0 : index
      %get3A_133 = arith.constant 1 : index
      %get3A_134 = memref.load %arg1[%get3A_132, %get3A_133] : memref<32x16xi32, #tpu.memory_space<smem>>
      %shift_right_arithmetic3A_135 = arith.constant 7 : i32
      %shift_right_arithmetic3A_136 = arith.shrsi %get3A_134, %shift_right_arithmetic3A_135 : i32
      %mul3A_137 = arith.constant 128 : i32
      %mul3A_138 = arith.muli %shift_right_arithmetic3A_136, %mul3A_137 : i32
      %dma_start3A_139 = arith.constant 0 : i32
      %dma_start3A_140 = arith.constant 1 : i32
      %dma_start3A_141 = arith.constant 0 : i32
      %dma_start3A_142 = arith.constant 0 : i32
      %dma_start3A_143 = tpu.memref_slice %arg7[%dma_start3A_140, %dma_start3A_141, %dma_start3A_142] : memref<64x256x128xf32, #tpu.memory_space<vmem>> -> memref<1x256x128xf32, #tpu.memory_space<vmem>>
      %dma_start3A_144 = tpu.memref_squeeze %dma_start3A_143 : memref<1x256x128xf32, #tpu.memory_space<vmem>> -> memref<256x128xf32, #tpu.memory_space<vmem>>
      %dma_start3A_145 = arith.constant 0 : i32
      %dma_start3A_146 = tpu.memref_slice %arg3[%dma_start3A_139, %dma_start3A_145, %mul3A_138] : memref<32x256x4096xf32, #tpu.memory_space<hbm>> -> memref<1x256x128xf32, #tpu.memory_space<hbm>>
      %dma_start3A_147 = tpu.memref_squeeze %dma_start3A_146 : memref<1x256x128xf32, #tpu.memory_space<hbm>> -> memref<256x128xf32, #tpu.memory_space<hbm>>
      tpu.enqueue_dma source(%dma_start3A_147 : memref<256x128xf32, #tpu.memory_space<hbm>>) target(%dma_start3A_144 : memref<256x128xf32, #tpu.memory_space<vmem>>) target_semaphore(%arg9 : memref<!tpu.dma_semaphore, #tpu.memory_space<semaphore_mem>>)
      %get3A_148 = arith.constant 1 : index
      %get3A_149 = arith.constant 0 : index
      %get3A_150 = memref.load %arg1[%get3A_148, %get3A_149] : memref<32x16xi32, #tpu.memory_space<smem>>
      %shift_right_arithmetic3A_151 = arith.constant 7 : i32
      %shift_right_arithmetic3A_152 = arith.shrsi %get3A_150, %shift_right_arithmetic3A_151 : i32
      %mul3A_153 = arith.constant 128 : i32
      %mul3A_154 = arith.muli %shift_right_arithmetic3A_152, %mul3A_153 : i32
      %dma_start3A_155 = arith.constant 1 : i32
      %dma_start3A_156 = arith.constant 2 : i32
      %dma_start3A_157 = arith.constant 0 : i32
      %dma_start3A_158 = arith.constant 0 : i32
      %dma_start3A_159 = tpu.memref_slice %arg7[%dma_start3A_156, %dma_start3A_157, %dma_start3A_158] : memref<64x256x128xf32, #tpu.memory_space<vmem>> -> memref<1x256x128xf32, #tpu.memory_space<vmem>>
      %dma_start3A_160 = tpu.memref_squeeze %dma_start3A_159 : memref<1x256x128xf32, #tpu.memory_space<vmem>> -> memref<256x128xf32, #tpu.memory_space<vmem>>
      %dma_start3A_161 = arith.constant 0 : i32
      %dma_start3A_162 = tpu.memref_slice %arg3[%dma_start3A_155, %dma_start3A_161, %mul3A_154] : memref<32x256x4096xf32, #tpu.memory_space<hbm>> -> memref<1x256x128xf32, #tpu.memory_space<hbm>>
      %dma_start3A_163 = tpu.memref_squeeze %dma_start3A_162 : memref<1x256x128xf32, #tpu.memory_space<hbm>> -> memref<256x128xf32, #tpu.memory_space<hbm>>
      tpu.enqueue_dma source(%dma_start3A_163 : memref<256x128xf32, #tpu.memory_space<hbm>>) target(%dma_start3A_160 : memref<256x128xf32, #tpu.memory_space<vmem>>) target_semaphore(%arg9 : memref<!tpu.dma_semaphore, #tpu.memory_space<semaphore_mem>>)
      %get3A_164 = arith.constant 1 : index
      %get3A_165 = arith.constant 1 : index
      %get3A_166 = memref.load %arg1[%get3A_164, %get3A_165] : memref<32x16xi32, #tpu.memory_space<smem>>
      %shift_right_arithmetic3A_167 = arith.constant 7 : i32
      %shift_right_arithmetic3A_168 = arith.shrsi %get3A_166, %shift_right_arithmetic3A_167 : i32
      %mul3A_169 = arith.constant 128 : i32
      %mul3A_170 = arith.muli %shift_right_arithmetic3A_168, %mul3A_169 : i32
      %dma_start3A_171 = arith.constant 1 : i32
      %dma_start3A_172 = arith.constant 3 : i32
      %dma_start3A_173 = arith.constant 0 : i32
      %dma_start3A_174 = arith.constant 0 : i32
      %dma_start3A_175 = tpu.memref_slice %arg7[%dma_start3A_172, %dma_start3A_173, %dma_start3A_174] : memref<64x256x128xf32, #tpu.memory_space<vmem>> -> memref<1x256x128xf32, #tpu.memory_space<vmem>>
      %dma_start3A_176 = tpu.memref_squeeze %dma_start3A_175 : memref<1x256x128xf32, #tpu.memory_space<vmem>> -> memref<256x128xf32, #tpu.memory_space<vmem>>
      %dma_start3A_177 = arith.constant 0 : i32
      %dma_start3A_178 = tpu.memref_slice %arg3[%dma_start3A_171, %dma_start3A_177, %mul3A_170] : memref<32x256x4096xf32, #tpu.memory_space<hbm>> -> memref<1x256x128xf32, #tpu.memory_space<hbm>>
      %dma_start3A_179 = tpu.memref_squeeze %dma_start3A_178 : memref<1x256x128xf32, #tpu.memory_space<hbm>> -> memref<256x128xf32, #tpu.memory_space<hbm>>
      tpu.enqueue_dma source(%dma_start3A_179 : memref<256x128xf32, #tpu.memory_space<hbm>>) target(%dma_start3A_176 : memref<256x128xf32, #tpu.memory_space<vmem>>) target_semaphore(%arg9 : memref<!tpu.dma_semaphore, #tpu.memory_space<semaphore_mem>>)
      %get3A_180 = arith.constant 2 : index
      %get3A_181 = arith.constant 0 : index
      %get3A_182 = memref.load %arg1[%get3A_180, %get3A_181] : memref<32x16xi32, #tpu.memory_space<smem>>
      %shift_right_arithmetic3A_183 = arith.constant 7 : i32
      %shift_right_arithmetic3A_184 = arith.shrsi %get3A_182, %shift_right_arithmetic3A_183 : i32
      %mul3A_185 = arith.constant 128 : i32
      %mul3A_186 = arith.muli %shift_right_arithmetic3A_184, %mul3A_185 : i32
      %dma_start3A_187 = arith.constant 2 : i32
      %dma_start3A_188 = arith.constant 4 : i32
      %dma_start3A_189 = arith.constant 0 : i32
      %dma_start3A_190 = arith.constant 0 : i32
      %dma_start3A_191 = tpu.memref_slice %arg7[%dma_start3A_188, %dma_start3A_189, %dma_start3A_190] : memref<64x256x128xf32, #tpu.memory_space<vmem>> -> memref<1x256x128xf32, #tpu.memory_space<vmem>>
      %dma_start3A_192 = tpu.memref_squeeze %dma_start3A_191 : memref<1x256x128xf32, #tpu.memory_space<vmem>> -> memref<256x128xf32, #tpu.memory_space<vmem>>
      %dma_start3A_193 = arith.constant 0 : i32
      %dma_start3A_194 = tpu.memref_slice %arg3[%dma_start3A_187, %dma_start3A_193, %mul3A_186] : memref<32x256x4096xf32, #tpu.memory_space<hbm>> -> memref<1x256x128xf32, #tpu.memory_space<hbm>>
      %dma_start3A_195 = tpu.memref_squeeze %dma_start3A_194 : memref<1x256x128xf32, #tpu.memory_space<hbm>> -> memref<256x128xf32, #tpu.memory_space<hbm>>
      tpu.enqueue_dma source(%dma_start3A_195 : memref<256x128xf32, #tpu.memory_space<hbm>>) target(%dma_start3A_192 : memref<256x128xf32, #tpu.memory_space<vmem>>) target_semaphore(%arg9 : memref<!tpu.dma_semaphore, #tpu.memory_space<semaphore_mem>>)
      %get3A_196 = arith.constant 2 : index
      %get3A_197 = arith.constant 1 : index
      %get3A_198 = memref.load %arg1[%get3A_196, %get3A_197] : memref<32x16xi32, #tpu.memory_space<smem>>
      %shift_right_arithmetic3A_199 = arith.constant 7 : i32
      %shift_right_arithmetic3A_200 = arith.shrsi %get3A_198, %shift_right_arithmetic3A_199 : i32
      %mul3A_201 = arith.constant 128 : i32
      %mul3A_202 = arith.muli %shift_right_arithmetic3A_200, %mul3A_201 : i32
      %dma_start3A_203 = arith.constant 2 : i32
      %dma_start3A_204 = arith.constant 5 : i32
      %dma_start3A_205 = arith.constant 0 : i32
      %dma_start3A_206 = arith.constant 0 : i32
      %dma_start3A_207 = tpu.memref_slice %arg7[%dma_start3A_204, %dma_start3A_205, %dma_start3A_206] : memref<64x256x128xf32, #tpu.memory_space<vmem>> -> memref<1x256x128xf32, #tpu.memory_space<vmem>>
      %dma_start3A_208 = tpu.memref_squeeze %dma_start3A_207 : memref<1x256x128xf32, #tpu.memory_space<vmem>> -> memref<256x128xf32, #tpu.memory_space<vmem>>
      %dma_start3A_209 = arith.constant 0 : i32
      %dma_start3A_210 = tpu.memref_slice %arg3[%dma_start3A_203, %dma_start3A_209, %mul3A_202] : memref<32x256x4096xf32, #tpu.memory_space<hbm>> -> memref<1x256x128xf32, #tpu.memory_space<hbm>>
      %dma_start3A_211 = tpu.memref_squeeze %dma_start3A_210 : memref<1x256x128xf32, #tpu.memory_space<hbm>> -> memref<256x128xf32, #tpu.memory_space<hbm>>
      tpu.enqueue_dma source(%dma_start3A_211 : memref<256x128xf32, #tpu.memory_space<hbm>>) target(%dma_start3A_208 : memref<256x128xf32, #tpu.memory_space<vmem>>) target_semaphore(%arg9 : memref<!tpu.dma_semaphore, #tpu.memory_space<semaphore_mem>>)
      %get3A_212 = arith.constant 3 : index
      %get3A_213 = arith.constant 0 : index
      %get3A_214 = memref.load %arg1[%get3A_212, %get3A_213] : memref<32x16xi32, #tpu.memory_space<smem>>
      %shift_right_arithmetic3A_215 = arith.constant 7 : i32
      %shift_right_arithmetic3A_216 = arith.shrsi %get3A_214, %shift_right_arithmetic3A_215 : i32
      %mul3A_217 = arith.constant 128 : i32
      %mul3A_218 = arith.muli %shift_right_arithmetic3A_216, %mul3A_217 : i32
      %dma_start3A_219 = arith.constant 3 : i32
      %dma_start3A_220 = arith.constant 6 : i32
      %dma_start3A_221 = arith.constant 0 : i32
      %dma_start3A_222 = arith.constant 0 : i32
      %dma_start3A_223 = tpu.memref_slice %arg7[%dma_start3A_220, %dma_start3A_221, %dma_start3A_222] : memref<64x256x128xf32, #tpu.memory_space<vmem>> -> memref<1x256x128xf32, #tpu.memory_space<vmem>>
      %dma_start3A_224 = tpu.memref_squeeze %dma_start3A_223 : memref<1x256x128xf32, #tpu.memory_space<vmem>> -> memref<256x128xf32, #tpu.memory_space<vmem>>
      %dma_start3A_225 = arith.constant 0 : i32
      %dma_start3A_226 = tpu.memref_slice %arg3[%dma_start3A_219, %dma_start3A_225, %mul3A_218] : memref<32x256x4096xf32, #tpu.memory_space<hbm>> -> memref<1x256x128xf32, #tpu.memory_space<hbm>>
      %dma_start3A_227 = tpu.memref_squeeze %dma_start3A_226 : memref<1x256x128xf32, #tpu.memory_space<hbm>> -> memref<256x128xf32, #tpu.memory_space<hbm>>
      tpu.enqueue_dma source(%dma_start3A_227 : memref<256x128xf32, #tpu.memory_space<hbm>>) target(%dma_start3A_224 : memref<256x128xf32, #tpu.memory_space<vmem>>) target_semaphore(%arg9 : memref<!tpu.dma_semaphore, #tpu.memory_space<semaphore_mem>>)
      %get3A_228 = arith.constant 3 : index
      %get3A_229 = arith.constant 1 : index
      %get3A_230 = memref.load %arg1[%get3A_228, %get3A_229] : memref<32x16xi32, #tpu.memory_space<smem>>
      %shift_right_arithmetic3A_231 = arith.constant 7 : i32
      %shift_right_arithmetic3A_232 = arith.shrsi %get3A_230, %shift_right_arithmetic3A_231 : i32
      %mul3A_233 = arith.constant 128 : i32
      %mul3A_234 = arith.muli %shift_right_arithmetic3A_232, %mul3A_233 : i32
      %dma_start3A_235 = arith.constant 3 : i32
      %dma_start3A_236 = arith.constant 7 : i32
      %dma_start3A_237 = arith.constant 0 : i32
      %dma_start3A_238 = arith.constant 0 : i32
      %dma_start3A_239 = tpu.memref_slice %arg7[%dma_start3A_236, %dma_start3A_237, %dma_start3A_238] : memref<64x256x128xf32, #tpu.memory_space<vmem>> -> memref<1x256x128xf32, #tpu.memory_space<vmem>>
      %dma_start3A_240 = tpu.memref_squeeze %dma_start3A_239 : memref<1x256x128xf32, #tpu.memory_space<vmem>> -> memref<256x128xf32, #tpu.memory_space<vmem>>
      %dma_start3A_241 = arith.constant 0 : i32
      %dma_start3A_242 = tpu.memref_slice %arg3[%dma_start3A_235, %dma_start3A_241, %mul3A_234] : memref<32x256x4096xf32, #tpu.memory_space<hbm>> -> memref<1x256x128xf32, #tpu.memory_space<hbm>>
      %dma_start3A_243 = tpu.memref_squeeze %dma_start3A_242 : memref<1x256x128xf32, #tpu.memory_space<hbm>> -> memref<256x128xf32, #tpu.memory_space<hbm>>
      tpu.enqueue_dma source(%dma_start3A_243 : memref<256x128xf32, #tpu.memory_space<hbm>>) target(%dma_start3A_240 : memref<256x128xf32, #tpu.memory_space<vmem>>) target_semaphore(%arg9 : memref<!tpu.dma_semaphore, #tpu.memory_space<semaphore_mem>>)
      %get3A_244 = arith.constant 4 : index
      %get3A_245 = arith.constant 0 : index
      %get3A_246 = memref.load %arg1[%get3A_244, %get3A_245] : memref<32x16xi32, #tpu.memory_space<smem>>
      %shift_right_arithmetic3A_247 = arith.constant 7 : i32
      %shift_right_arithmetic3A_248 = arith.shrsi %get3A_246, %shift_right_arithmetic3A_247 : i32
      %mul3A_249 = arith.constant 128 : i32
      %mul3A_250 = arith.muli %shift_right_arithmetic3A_248, %mul3A_249 : i32
      %dma_start3A_251 = arith.constant 4 : i32
      %dma_start3A_252 = arith.constant 8 : i32
      %dma_start3A_253 = arith.constant 0 : i32
      %dma_start3A_254 = arith.constant 0 : i32
      %dma_start3A_255 = tpu.memref_slice %arg7[%dma_start3A_252, %dma_start3A_253, %dma_start3A_254] : memref<64x256x128xf32, #tpu.memory_space<vmem>> -> memref<1x256x128xf32, #tpu.memory_space<vmem>>
      %dma_start3A_256 = tpu.memref_squeeze %dma_start3A_255 : memref<1x256x128xf32, #tpu.memory_space<vmem>> -> memref<256x128xf32, #tpu.memory_space<vmem>>
      %dma_start3A_257 = arith.constant 0 : i32
      %dma_start3A_258 = tpu.memref_slice %arg3[%dma_start3A_251, %dma_start3A_257, %mul3A_250] : memref<32x256x4096xf32, #tpu.memory_space<hbm>> -> memref<1x256x128xf32, #tpu.memory_space<hbm>>
      %dma_start3A_259 = tpu.memref_squeeze %dma_start3A_258 : memref<1x256x128xf32, #tpu.memory_space<hbm>> -> memref<256x128xf32, #tpu.memory_space<hbm>>
      tpu.enqueue_dma source(%dma_start3A_259 : memref<256x128xf32, #tpu.memory_space<hbm>>) target(%dma_start3A_256 : memref<256x128xf32, #tpu.memory_space<vmem>>) target_semaphore(%arg9 : memref<!tpu.dma_semaphore, #tpu.memory_space<semaphore_mem>>)
      %get3A_260 = arith.constant 4 : index
      %get3A_261 = arith.constant 1 : index
      %get3A_262 = memref.load %arg1[%get3A_260, %get3A_261] : memref<32x16xi32, #tpu.memory_space<smem>>
      %shift_right_arithmetic3A_263 = arith.constant 7 : i32
      %shift_right_arithmetic3A_264 = arith.shrsi %get3A_262, %shift_right_arithmetic3A_263 : i32
      %mul3A_265 = arith.constant 128 : i32
      %mul3A_266 = arith.muli %shift_right_arithmetic3A_264, %mul3A_265 : i32
      %dma_start3A_267 = arith.constant 4 : i32
      %dma_start3A_268 = arith.constant 9 : i32
      %dma_start3A_269 = arith.constant 0 : i32
      %dma_start3A_270 = arith.constant 0 : i32
      %dma_start3A_271 = tpu.memref_slice %arg7[%dma_start3A_268, %dma_start3A_269, %dma_start3A_270] : memref<64x256x128xf32, #tpu.memory_space<vmem>> -> memref<1x256x128xf32, #tpu.memory_space<vmem>>
      %dma_start3A_272 = tpu.memref_squeeze %dma_start3A_271 : memref<1x256x128xf32, #tpu.memory_space<vmem>> -> memref<256x128xf32, #tpu.memory_space<vmem>>
      %dma_start3A_273 = arith.constant 0 : i32
      %dma_start3A_274 = tpu.memref_slice %arg3[%dma_start3A_267, %dma_start3A_273, %mul3A_266] : memref<32x256x4096xf32, #tpu.memory_space<hbm>> -> memref<1x256x128xf32, #tpu.memory_space<hbm>>
      %dma_start3A_275 = tpu.memref_squeeze %dma_start3A_274 : memref<1x256x128xf32, #tpu.memory_space<hbm>> -> memref<256x128xf32, #tpu.memory_space<hbm>>
      tpu.enqueue_dma source(%dma_start3A_275 : memref<256x128xf32, #tpu.memory_space<hbm>>) target(%dma_start3A_272 : memref<256x128xf32, #tpu.memory_space<vmem>>) target_semaphore(%arg9 : memref<!tpu.dma_semaphore, #tpu.memory_space<semaphore_mem>>)
      %get3A_276 = arith.constant 5 : index
      %get3A_277 = arith.constant 0 : index
      %get3A_278 = memref.load %arg1[%get3A_276, %get3A_277] : memref<32x16xi32, #tpu.memory_space<smem>>
      %shift_right_arithmetic3A_279 = arith.constant 7 : i32
      %shift_right_arithmetic3A_280 = arith.shrsi %get3A_278, %shift_right_arithmetic3A_279 : i32
      %mul3A_281 = arith.constant 128 : i32
      %mul3A_282 = arith.muli %shift_right_arithmetic3A_280, %mul3A_281 : i32
      %dma_start3A_283 = arith.constant 5 : i32
      %dma_start3A_284 = arith.constant 10 : i32
      %dma_start3A_285 = arith.constant 0 : i32
      %dma_start3A_286 = arith.constant 0 : i32
      %dma_start3A_287 = tpu.memref_slice %arg7[%dma_start3A_284, %dma_start3A_285, %dma_start3A_286] : memref<64x256x128xf32, #tpu.memory_space<vmem>> -> memref<1x256x128xf32, #tpu.memory_space<vmem>>
      %dma_start3A_288 = tpu.memref_squeeze %dma_start3A_287 : memref<1x256x128xf32, #tpu.memory_space<vmem>> -> memref<256x128xf32, #tpu.memory_space<vmem>>
      %dma_start3A_289 = arith.constant 0 : i32
      %dma_start3A_290 = tpu.memref_slice %arg3[%dma_start3A_283, %dma_start3A_289, %mul3A_282] : memref<32x256x4096xf32, #tpu.memory_space<hbm>> -> memref<1x256x128xf32, #tpu.memory_space<hbm>>
      %dma_start3A_291 = tpu.memref_squeeze %dma_start3A_290 : memref<1x256x128xf32, #tpu.memory_space<hbm>> -> memref<256x128xf32, #tpu.memory_space<hbm>>
      tpu.enqueue_dma source(%dma_start3A_291 : memref<256x128xf32, #tpu.memory_space<hbm>>) target(%dma_start3A_288 : memref<256x128xf32, #tpu.memory_space<vmem>>) target_semaphore(%arg9 : memref<!tpu.dma_semaphore, #tpu.memory_space<semaphore_mem>>)
      %get3A_292 = arith.constant 5 : index
      %get3A_293 = arith.constant 1 : index
      %get3A_294 = memref.load %arg1[%get3A_292, %get3A_293] : memref<32x16xi32, #tpu.memory_space<smem>>
      %shift_right_arithmetic3A_295 = arith.constant 7 : i32
      %shift_right_arithmetic3A_296 = arith.shrsi %get3A_294, %shift_right_arithmetic3A_295 : i32
      %mul3A_297 = arith.constant 128 : i32
      %mul3A_298 = arith.muli %shift_right_arithmetic3A_296, %mul3A_297 : i32
      %dma_start3A_299 = arith.constant 5 : i32
      %dma_start3A_300 = arith.constant 11 : i32
      %dma_start3A_301 = arith.constant 0 : i32
      %dma_start3A_302 = arith.constant 0 : i32
      %dma_start3A_303 = tpu.memref_slice %arg7[%dma_start3A_300, %dma_start3A_301, %dma_start3A_302] : memref<64x256x128xf32, #tpu.memory_space<vmem>> -> memref<1x256x128xf32, #tpu.memory_space<vmem>>
      %dma_start3A_304 = tpu.memref_squeeze %dma_start3A_303 : memref<1x256x128xf32, #tpu.memory_space<vmem>> -> memref<256x128xf32, #tpu.memory_space<vmem>>
      %dma_start3A_305 = arith.constant 0 : i32
      %dma_start3A_306 = tpu.memref_slice %arg3[%dma_start3A_299, %dma_start3A_305, %mul3A_298] : memref<32x256x4096xf32, #tpu.memory_space<hbm>> -> memref<1x256x128xf32, #tpu.memory_space<hbm>>
      %dma_start3A_307 = tpu.memref_squeeze %dma_start3A_306 : memref<1x256x128xf32, #tpu.memory_space<hbm>> -> memref<256x128xf32, #tpu.memory_space<hbm>>
      tpu.enqueue_dma source(%dma_start3A_307 : memref<256x128xf32, #tpu.memory_space<hbm>>) target(%dma_start3A_304 : memref<256x128xf32, #tpu.memory_space<vmem>>) target_semaphore(%arg9 : memref<!tpu.dma_semaphore, #tpu.memory_space<semaphore_mem>>)
      %get3A_308 = arith.constant 6 : index
      %get3A_309 = arith.constant 0 : index
      %get3A_310 = memref.load %arg1[%get3A_308, %get3A_309] : memref<32x16xi32, #tpu.memory_space<smem>>
      %shift_right_arithmetic3A_311 = arith.constant 7 : i32
      %shift_right_arithmetic3A_312 = arith.shrsi %get3A_310, %shift_right_arithmetic3A_311 : i32
      %mul3A_313 = arith.constant 128 : i32
      %mul3A_314 = arith.muli %shift_right_arithmetic3A_312, %mul3A_313 : i32
      %dma_start3A_315 = arith.constant 6 : i32
      %dma_start3A_316 = arith.constant 12 : i32
      %dma_start3A_317 = arith.constant 0 : i32
      %dma_start3A_318 = arith.constant 0 : i32
      %dma_start3A_319 = tpu.memref_slice %arg7[%dma_start3A_316, %dma_start3A_317, %dma_start3A_318] : memref<64x256x128xf32, #tpu.memory_space<vmem>> -> memref<1x256x128xf32, #tpu.memory_space<vmem>>
      %dma_start3A_320 = tpu.memref_squeeze %dma_start3A_319 : memref<1x256x128xf32, #tpu.memory_space<vmem>> -> memref<256x128xf32, #tpu.memory_space<vmem>>
      %dma_start3A_321 = arith.constant 0 : i32
      %dma_start3A_322 = tpu.memref_slice %arg3[%dma_start3A_315, %dma_start3A_321, %mul3A_314] : memref<32x256x4096xf32, #tpu.memory_space<hbm>> -> memref<1x256x128xf32, #tpu.memory_space<hbm>>
      %dma_start3A_323 = tpu.memref_squeeze %dma_start3A_322 : memref<1x256x128xf32, #tpu.memory_space<hbm>> -> memref<256x128xf32, #tpu.memory_space<hbm>>
      tpu.enqueue_dma source(%dma_start3A_323 : memref<256x128xf32, #tpu.memory_space<hbm>>) target(%dma_start3A_320 : memref<256x128xf32, #tpu.memory_space<vmem>>) target_semaphore(%arg9 : memref<!tpu.dma_semaphore, #tpu.memory_space<semaphore_mem>>)
      %get3A_324 = arith.constant 6 : index
      %get3A_325 = arith.constant 1 : index
      %get3A_326 = memref.load %arg1[%get3A_324, %get3A_325] : memref<32x16xi32, #tpu.memory_space<smem>>
      %shift_right_arithmetic3A_327 = arith.constant 7 : i32
      %shift_right_arithmetic3A_328 = arith.shrsi %get3A_326, %shift_right_arithmetic3A_327 : i32
      %mul3A_329 = arith.constant 128 : i32
      %mul3A_330 = arith.muli %shift_right_arithmetic3A_328, %mul3A_329 : i32
      %dma_start3A_331 = arith.constant 6 : i32
      %dma_start3A_332 = arith.constant 13 : i32
      %dma_start3A_333 = arith.constant 0 : i32
      %dma_start3A_334 = arith.constant 0 : i32
      %dma_start3A_335 = tpu.memref_slice %arg7[%dma_start3A_332, %dma_start3A_333, %dma_start3A_334] : memref<64x256x128xf32, #tpu.memory_space<vmem>> -> memref<1x256x128xf32, #tpu.memory_space<vmem>>
      %dma_start3A_336 = tpu.memref_squeeze %dma_start3A_335 : memref<1x256x128xf32, #tpu.memory_space<vmem>> -> memref<256x128xf32, #tpu.memory_space<vmem>>
      %dma_start3A_337 = arith.constant 0 : i32
      %dma_start3A_338 = tpu.memref_slice %arg3[%dma_start3A_331, %dma_start3A_337, %mul3A_330] : memref<32x256x4096xf32, #tpu.memory_space<hbm>> -> memref<1x256x128xf32, #tpu.memory_space<hbm>>
      %dma_start3A_339 = tpu.memref_squeeze %dma_start3A_338 : memref<1x256x128xf32, #tpu.memory_space<hbm>> -> memref<256x128xf32, #tpu.memory_space<hbm>>
      tpu.enqueue_dma source(%dma_start3A_339 : memref<256x128xf32, #tpu.memory_space<hbm>>) target(%dma_start3A_336 : memref<256x128xf32, #tpu.memory_space<vmem>>) target_semaphore(%arg9 : memref<!tpu.dma_semaphore, #tpu.memory_space<semaphore_mem>>)
      %get3A_340 = arith.constant 7 : index
      %get3A_341 = arith.constant 0 : index
      %get3A_342 = memref.load %arg1[%get3A_340, %get3A_341] : memref<32x16xi32, #tpu.memory_space<smem>>
      %shift_right_arithmetic3A_343 = arith.constant 7 : i32
      %shift_right_arithmetic3A_344 = arith.shrsi %get3A_342, %shift_right_arithmetic3A_343 : i32
      %mul3A_345 = arith.constant 128 : i32
      %mul3A_346 = arith.muli %shift_right_arithmetic3A_344, %mul3A_345 : i32
      %dma_start3A_347 = arith.constant 7 : i32
      %dma_start3A_348 = arith.constant 14 : i32
      %dma_start3A_349 = arith.constant 0 : i32
      %dma_start3A_350 = arith.constant 0 : i32
      %dma_start3A_351 = tpu.memref_slice %arg7[%dma_start3A_348, %dma_start3A_349, %dma_start3A_350] : memref<64x256x128xf32, #tpu.memory_space<vmem>> -> memref<1x256x128xf32, #tpu.memory_space<vmem>>
      %dma_start3A_352 = tpu.memref_squeeze %dma_start3A_351 : memref<1x256x128xf32, #tpu.memory_space<vmem>> -> memref<256x128xf32, #tpu.memory_space<vmem>>
      %dma_start3A_353 = arith.constant 0 : i32
      %dma_start3A_354 = tpu.memref_slice %arg3[%dma_start3A_347, %dma_start3A_353, %mul3A_346] : memref<32x256x4096xf32, #tpu.memory_space<hbm>> -> memref<1x256x128xf32, #tpu.memory_space<hbm>>
      %dma_start3A_355 = tpu.memref_squeeze %dma_start3A_354 : memref<1x256x128xf32, #tpu.memory_space<hbm>> -> memref<256x128xf32, #tpu.memory_space<hbm>>
      tpu.enqueue_dma source(%dma_start3A_355 : memref<256x128xf32, #tpu.memory_space<hbm>>) target(%dma_start3A_352 : memref<256x128xf32, #tpu.memory_space<vmem>>) target_semaphore(%arg9 : memref<!tpu.dma_semaphore, #tpu.memory_space<semaphore_mem>>)
      %get3A_356 = arith.constant 7 : index
      %get3A_357 = arith.constant 1 : index
      %get3A_358 = memref.load %arg1[%get3A_356, %get3A_357] : memref<32x16xi32, #tpu.memory_space<smem>>
      %shift_right_arithmetic3A_359 = arith.constant 7 : i32
      %shift_right_arithmetic3A_360 = arith.shrsi %get3A_358, %shift_right_arithmetic3A_359 : i32
      %mul3A_361 = arith.constant 128 : i32
      %mul3A_362 = arith.muli %shift_right_arithmetic3A_360, %mul3A_361 : i32
      %dma_start3A_363 = arith.constant 7 : i32
      %dma_start3A_364 = arith.constant 15 : i32
      %dma_start3A_365 = arith.constant 0 : i32
      %dma_start3A_366 = arith.constant 0 : i32
      %dma_start3A_367 = tpu.memref_slice %arg7[%dma_start3A_364, %dma_start3A_365, %dma_start3A_366] : memref<64x256x128xf32, #tpu.memory_space<vmem>> -> memref<1x256x128xf32, #tpu.memory_space<vmem>>
      %dma_start3A_368 = tpu.memref_squeeze %dma_start3A_367 : memref<1x256x128xf32, #tpu.memory_space<vmem>> -> memref<256x128xf32, #tpu.memory_space<vmem>>
      %dma_start3A_369 = arith.constant 0 : i32
      %dma_start3A_370 = tpu.memref_slice %arg3[%dma_start3A_363, %dma_start3A_369, %mul3A_362] : memref<32x256x4096xf32, #tpu.memory_space<hbm>> -> memref<1x256x128xf32, #tpu.memory_space<hbm>>
      %dma_start3A_371 = tpu.memref_squeeze %dma_start3A_370 : memref<1x256x128xf32, #tpu.memory_space<hbm>> -> memref<256x128xf32, #tpu.memory_space<hbm>>
      tpu.enqueue_dma source(%dma_start3A_371 : memref<256x128xf32, #tpu.memory_space<hbm>>) target(%dma_start3A_368 : memref<256x128xf32, #tpu.memory_space<vmem>>) target_semaphore(%arg9 : memref<!tpu.dma_semaphore, #tpu.memory_space<semaphore_mem>>)
      %get3A_372 = arith.constant 8 : index
      %get3A_373 = arith.constant 0 : index
      %get3A_374 = memref.load %arg1[%get3A_372, %get3A_373] : memref<32x16xi32, #tpu.memory_space<smem>>
      %shift_right_arithmetic3A_375 = arith.constant 7 : i32
      %shift_right_arithmetic3A_376 = arith.shrsi %get3A_374, %shift_right_arithmetic3A_375 : i32
      %mul3A_377 = arith.constant 128 : i32
      %mul3A_378 = arith.muli %shift_right_arithmetic3A_376, %mul3A_377 : i32
      %dma_start3A_379 = arith.constant 8 : i32
      %dma_start3A_380 = arith.constant 16 : i32
      %dma_start3A_381 = arith.constant 0 : i32
      %dma_start3A_382 = arith.constant 0 : i32
      %dma_start3A_383 = tpu.memref_slice %arg7[%dma_start3A_380, %dma_start3A_381, %dma_start3A_382] : memref<64x256x128xf32, #tpu.memory_space<vmem>> -> memref<1x256x128xf32, #tpu.memory_space<vmem>>
      %dma_start3A_384 = tpu.memref_squeeze %dma_start3A_383 : memref<1x256x128xf32, #tpu.memory_space<vmem>> -> memref<256x128xf32, #tpu.memory_space<vmem>>
      %dma_start3A_385 = arith.constant 0 : i32
      %dma_start3A_386 = tpu.memref_slice %arg3[%dma_start3A_379, %dma_start3A_385, %mul3A_378] : memref<32x256x4096xf32, #tpu.memory_space<hbm>> -> memref<1x256x128xf32, #tpu.memory_space<hbm>>
      %dma_start3A_387 = tpu.memref_squeeze %dma_start3A_386 : memref<1x256x128xf32, #tpu.memory_space<hbm>> -> memref<256x128xf32, #tpu.memory_space<hbm>>
      tpu.enqueue_dma source(%dma_start3A_387 : memref<256x128xf32, #tpu.memory_space<hbm>>) target(%dma_start3A_384 : memref<256x128xf32, #tpu.memory_space<vmem>>) target_semaphore(%arg9 : memref<!tpu.dma_semaphore, #tpu.memory_space<semaphore_mem>>)
      %get3A_388 = arith.constant 8 : index
      %get3A_389 = arith.constant 1 : index
      %get3A_390 = memref.load %arg1[%get3A_388, %get3A_389] : memref<32x16xi32, #tpu.memory_space<smem>>
      %shift_right_arithmetic3A_391 = arith.constant 7 : i32
      %shift_right_arithmetic3A_392 = arith.shrsi %get3A_390, %shift_right_arithmetic3A_391 : i32
      %mul3A_393 = arith.constant 128 : i32
      %mul3A_394 = arith.muli %shift_right_arithmetic3A_392, %mul3A_393 : i32
      %dma_start3A_395 = arith.constant 8 : i32
      %dma_start3A_396 = arith.constant 17 : i32
      %dma_start3A_397 = arith.constant 0 : i32
      %dma_start3A_398 = arith.constant 0 : i32
      %dma_start3A_399 = tpu.memref_slice %arg7[%dma_start3A_396, %dma_start3A_397, %dma_start3A_398] : memref<64x256x128xf32, #tpu.memory_space<vmem>> -> memref<1x256x128xf32, #tpu.memory_space<vmem>>
      %dma_start3A_400 = tpu.memref_squeeze %dma_start3A_399 : memref<1x256x128xf32, #tpu.memory_space<vmem>> -> memref<256x128xf32, #tpu.memory_space<vmem>>
      %dma_start3A_401 = arith.constant 0 : i32
      %dma_start3A_402 = tpu.memref_slice %arg3[%dma_start3A_395, %dma_start3A_401, %mul3A_394] : memref<32x256x4096xf32, #tpu.memory_space<hbm>> -> memref<1x256x128xf32, #tpu.memory_space<hbm>>
      %dma_start3A_403 = tpu.memref_squeeze %dma_start3A_402 : memref<1x256x128xf32, #tpu.memory_space<hbm>> -> memref<256x128xf32, #tpu.memory_space<hbm>>
      tpu.enqueue_dma source(%dma_start3A_403 : memref<256x128xf32, #tpu.memory_space<hbm>>) target(%dma_start3A_400 : memref<256x128xf32, #tpu.memory_space<vmem>>) target_semaphore(%arg9 : memref<!tpu.dma_semaphore, #tpu.memory_space<semaphore_mem>>)
      %get3A_404 = arith.constant 9 : index
      %get3A_405 = arith.constant 0 : index
      %get3A_406 = memref.load %arg1[%get3A_404, %get3A_405] : memref<32x16xi32, #tpu.memory_space<smem>>
      %shift_right_arithmetic3A_407 = arith.constant 7 : i32
      %shift_right_arithmetic3A_408 = arith.shrsi %get3A_406, %shift_right_arithmetic3A_407 : i32
      %mul3A_409 = arith.constant 128 : i32
      %mul3A_410 = arith.muli %shift_right_arithmetic3A_408, %mul3A_409 : i32
      %dma_start3A_411 = arith.constant 9 : i32
      %dma_start3A_412 = arith.constant 18 : i32
      %dma_start3A_413 = arith.constant 0 : i32
      %dma_start3A_414 = arith.constant 0 : i32
      %dma_start3A_415 = tpu.memref_slice %arg7[%dma_start3A_412, %dma_start3A_413, %dma_start3A_414] : memref<64x256x128xf32, #tpu.memory_space<vmem>> -> memref<1x256x128xf32, #tpu.memory_space<vmem>>
      %dma_start3A_416 = tpu.memref_squeeze %dma_start3A_415 : memref<1x256x128xf32, #tpu.memory_space<vmem>> -> memref<256x128xf32, #tpu.memory_space<vmem>>
      %dma_start3A_417 = arith.constant 0 : i32
      %dma_start3A_418 = tpu.memref_slice %arg3[%dma_start3A_411, %dma_start3A_417, %mul3A_410] : memref<32x256x4096xf32, #tpu.memory_space<hbm>> -> memref<1x256x128xf32, #tpu.memory_space<hbm>>
      %dma_start3A_419 = tpu.memref_squeeze %dma_start3A_418 : memref<1x256x128xf32, #tpu.memory_space<hbm>> -> memref<256x128xf32, #tpu.memory_space<hbm>>
      tpu.enqueue_dma source(%dma_start3A_419 : memref<256x128xf32, #tpu.memory_space<hbm>>) target(%dma_start3A_416 : memref<256x128xf32, #tpu.memory_space<vmem>>) target_semaphore(%arg9 : memref<!tpu.dma_semaphore, #tpu.memory_space<semaphore_mem>>)
      %get3A_420 = arith.constant 9 : index
      %get3A_421 = arith.constant 1 : index
      %get3A_422 = memref.load %arg1[%get3A_420, %get3A_421] : memref<32x16xi32, #tpu.memory_space<smem>>
      %shift_right_arithmetic3A_423 = arith.constant 7 : i32
      %shift_right_arithmetic3A_424 = arith.shrsi %get3A_422, %shift_right_arithmetic3A_423 : i32
      %mul3A_425 = arith.constant 128 : i32
      %mul3A_426 = arith.muli %shift_right_arithmetic3A_424, %mul3A_425 : i32
      %dma_start3A_427 = arith.constant 9 : i32
      %dma_start3A_428 = arith.constant 19 : i32
      %dma_start3A_429 = arith.constant 0 : i32
      %dma_start3A_430 = arith.constant 0 : i32
      %dma_start3A_431 = tpu.memref_slice %arg7[%dma_start3A_428, %dma_start3A_429, %dma_start3A_430] : memref<64x256x128xf32, #tpu.memory_space<vmem>> -> memref<1x256x128xf32, #tpu.memory_space<vmem>>
      %dma_start3A_432 = tpu.memref_squeeze %dma_start3A_431 : memref<1x256x128xf32, #tpu.memory_space<vmem>> -> memref<256x128xf32, #tpu.memory_space<vmem>>
      %dma_start3A_433 = arith.constant 0 : i32
      %dma_start3A_434 = tpu.memref_slice %arg3[%dma_start3A_427, %dma_start3A_433, %mul3A_426] : memref<32x256x4096xf32, #tpu.memory_space<hbm>> -> memref<1x256x128xf32, #tpu.memory_space<hbm>>
      %dma_start3A_435 = tpu.memref_squeeze %dma_start3A_434 : memref<1x256x128xf32, #tpu.memory_space<hbm>> -> memref<256x128xf32, #tpu.memory_space<hbm>>
      tpu.enqueue_dma source(%dma_start3A_435 : memref<256x128xf32, #tpu.memory_space<hbm>>) target(%dma_start3A_432 : memref<256x128xf32, #tpu.memory_space<vmem>>) target_semaphore(%arg9 : memref<!tpu.dma_semaphore, #tpu.memory_space<semaphore_mem>>)
      %get3A_436 = arith.constant 10 : index
      %get3A_437 = arith.constant 0 : index
      %get3A_438 = memref.load %arg1[%get3A_436, %get3A_437] : memref<32x16xi32, #tpu.memory_space<smem>>
      %shift_right_arithmetic3A_439 = arith.constant 7 : i32
      %shift_right_arithmetic3A_440 = arith.shrsi %get3A_438, %shift_right_arithmetic3A_439 : i32
      %mul3A_441 = arith.constant 128 : i32
      %mul3A_442 = arith.muli %shift_right_arithmetic3A_440, %mul3A_441 : i32
      %dma_start3A_443 = arith.constant 10 : i32
      %dma_start3A_444 = arith.constant 20 : i32
      %dma_start3A_445 = arith.constant 0 : i32
      %dma_start3A_446 = arith.constant 0 : i32
      %dma_start3A_447 = tpu.memref_slice %arg7[%dma_start3A_444, %dma_start3A_445, %dma_start3A_446] : memref<64x256x128xf32, #tpu.memory_space<vmem>> -> memref<1x256x128xf32, #tpu.memory_space<vmem>>
      %dma_start3A_448 = tpu.memref_squeeze %dma_start3A_447 : memref<1x256x128xf32, #tpu.memory_space<vmem>> -> memref<256x128xf32, #tpu.memory_space<vmem>>
      %dma_start3A_449 = arith.constant 0 : i32
      %dma_start3A_450 = tpu.memref_slice %arg3[%dma_start3A_443, %dma_start3A_449, %mul3A_442] : memref<32x256x4096xf32, #tpu.memory_space<hbm>> -> memref<1x256x128xf32, #tpu.memory_space<hbm>>
      %dma_start3A_451 = tpu.memref_squeeze %dma_start3A_450 : memref<1x256x128xf32, #tpu.memory_space<hbm>> -> memref<256x128xf32, #tpu.memory_space<hbm>>
      tpu.enqueue_dma source(%dma_start3A_451 : memref<256x128xf32, #tpu.memory_space<hbm>>) target(%dma_start3A_448 : memref<256x128xf32, #tpu.memory_space<vmem>>) target_semaphore(%arg9 : memref<!tpu.dma_semaphore, #tpu.memory_space<semaphore_mem>>)
      %get3A_452 = arith.constant 10 : index
      %get3A_453 = arith.constant 1 : index
      %get3A_454 = memref.load %arg1[%get3A_452, %get3A_453] : memref<32x16xi32, #tpu.memory_space<smem>>
      %shift_right_arithmetic3A_455 = arith.constant 7 : i32
      %shift_right_arithmetic3A_456 = arith.shrsi %get3A_454, %shift_right_arithmetic3A_455 : i32
      %mul3A_457 = arith.constant 128 : i32
      %mul3A_458 = arith.muli %shift_right_arithmetic3A_456, %mul3A_457 : i32
      %dma_start3A_459 = arith.constant 10 : i32
      %dma_start3A_460 = arith.constant 21 : i32
      %dma_start3A_461 = arith.constant 0 : i32
      %dma_start3A_462 = arith.constant 0 : i32
      %dma_start3A_463 = tpu.memref_slice %arg7[%dma_start3A_460, %dma_start3A_461, %dma_start3A_462] : memref<64x256x128xf32, #tpu.memory_space<vmem>> -> memref<1x256x128xf32, #tpu.memory_space<vmem>>
      %dma_start3A_464 = tpu.memref_squeeze %dma_start3A_463 : memref<1x256x128xf32, #tpu.memory_space<vmem>> -> memref<256x128xf32, #tpu.memory_space<vmem>>
      %dma_start3A_465 = arith.constant 0 : i32
      %dma_start3A_466 = tpu.memref_slice %arg3[%dma_start3A_459, %dma_start3A_465, %mul3A_458] : memref<32x256x4096xf32, #tpu.memory_space<hbm>> -> memref<1x256x128xf32, #tpu.memory_space<hbm>>
      %dma_start3A_467 = tpu.memref_squeeze %dma_start3A_466 : memref<1x256x128xf32, #tpu.memory_space<hbm>> -> memref<256x128xf32, #tpu.memory_space<hbm>>
      tpu.enqueue_dma source(%dma_start3A_467 : memref<256x128xf32, #tpu.memory_space<hbm>>) target(%dma_start3A_464 : memref<256x128xf32, #tpu.memory_space<vmem>>) target_semaphore(%arg9 : memref<!tpu.dma_semaphore, #tpu.memory_space<semaphore_mem>>)
      %get3A_468 = arith.constant 11 : index
      %get3A_469 = arith.constant 0 : index
      %get3A_470 = memref.load %arg1[%get3A_468, %get3A_469] : memref<32x16xi32, #tpu.memory_space<smem>>
      %shift_right_arithmetic3A_471 = arith.constant 7 : i32
      %shift_right_arithmetic3A_472 = arith.shrsi %get3A_470, %shift_right_arithmetic3A_471 : i32
      %mul3A_473 = arith.constant 128 : i32
      %mul3A_474 = arith.muli %shift_right_arithmetic3A_472, %mul3A_473 : i32
      %dma_start3A_475 = arith.constant 11 : i32
      %dma_start3A_476 = arith.constant 22 : i32
      %dma_start3A_477 = arith.constant 0 : i32
      %dma_start3A_478 = arith.constant 0 : i32
      %dma_start3A_479 = tpu.memref_slice %arg7[%dma_start3A_476, %dma_start3A_477, %dma_start3A_478] : memref<64x256x128xf32, #tpu.memory_space<vmem>> -> memref<1x256x128xf32, #tpu.memory_space<vmem>>
      %dma_start3A_480 = tpu.memref_squeeze %dma_start3A_479 : memref<1x256x128xf32, #tpu.memory_space<vmem>> -> memref<256x128xf32, #tpu.memory_space<vmem>>
      %dma_start3A_481 = arith.constant 0 : i32
      %dma_start3A_482 = tpu.memref_slice %arg3[%dma_start3A_475, %dma_start3A_481, %mul3A_474] : memref<32x256x4096xf32, #tpu.memory_space<hbm>> -> memref<1x256x128xf32, #tpu.memory_space<hbm>>
      %dma_start3A_483 = tpu.memref_squeeze %dma_start3A_482 : memref<1x256x128xf32, #tpu.memory_space<hbm>> -> memref<256x128xf32, #tpu.memory_space<hbm>>
      tpu.enqueue_dma source(%dma_start3A_483 : memref<256x128xf32, #tpu.memory_space<hbm>>) target(%dma_start3A_480 : memref<256x128xf32, #tpu.memory_space<vmem>>) target_semaphore(%arg9 : memref<!tpu.dma_semaphore, #tpu.memory_space<semaphore_mem>>)
      %get3A_484 = arith.constant 11 : index
      %get3A_485 = arith.constant 1 : index
      %get3A_486 = memref.load %arg1[%get3A_484, %get3A_485] : memref<32x16xi32, #tpu.memory_space<smem>>
      %shift_right_arithmetic3A_487 = arith.constant 7 : i32
      %shift_right_arithmetic3A_488 = arith.shrsi %get3A_486, %shift_right_arithmetic3A_487 : i32
      %mul3A_489 = arith.constant 128 : i32
      %mul3A_490 = arith.muli %shift_right_arithmetic3A_488, %mul3A_489 : i32
      %dma_start3A_491 = arith.constant 11 : i32
      %dma_start3A_492 = arith.constant 23 : i32
      %dma_start3A_493 = arith.constant 0 : i32
      %dma_start3A_494 = arith.constant 0 : i32
      %dma_start3A_495 = tpu.memref_slice %arg7[%dma_start3A_492, %dma_start3A_493, %dma_start3A_494] : memref<64x256x128xf32, #tpu.memory_space<vmem>> -> memref<1x256x128xf32, #tpu.memory_space<vmem>>
      %dma_start3A_496 = tpu.memref_squeeze %dma_start3A_495 : memref<1x256x128xf32, #tpu.memory_space<vmem>> -> memref<256x128xf32, #tpu.memory_space<vmem>>
      %dma_start3A_497 = arith.constant 0 : i32
      %dma_start3A_498 = tpu.memref_slice %arg3[%dma_start3A_491, %dma_start3A_497, %mul3A_490] : memref<32x256x4096xf32, #tpu.memory_space<hbm>> -> memref<1x256x128xf32, #tpu.memory_space<hbm>>
      %dma_start3A_499 = tpu.memref_squeeze %dma_start3A_498 : memref<1x256x128xf32, #tpu.memory_space<hbm>> -> memref<256x128xf32, #tpu.memory_space<hbm>>
      tpu.enqueue_dma source(%dma_start3A_499 : memref<256x128xf32, #tpu.memory_space<hbm>>) target(%dma_start3A_496 : memref<256x128xf32, #tpu.memory_space<vmem>>) target_semaphore(%arg9 : memref<!tpu.dma_semaphore, #tpu.memory_space<semaphore_mem>>)
      %get3A_500 = arith.constant 12 : index
      %get3A_501 = arith.constant 0 : index
      %get3A_502 = memref.load %arg1[%get3A_500, %get3A_501] : memref<32x16xi32, #tpu.memory_space<smem>>
      %shift_right_arithmetic3A_503 = arith.constant 7 : i32
      %shift_right_arithmetic3A_504 = arith.shrsi %get3A_502, %shift_right_arithmetic3A_503 : i32
      %mul3A_505 = arith.constant 128 : i32
      %mul3A_506 = arith.muli %shift_right_arithmetic3A_504, %mul3A_505 : i32
      %dma_start3A_507 = arith.constant 12 : i32
      %dma_start3A_508 = arith.constant 24 : i32
      %dma_start3A_509 = arith.constant 0 : i32
      %dma_start3A_510 = arith.constant 0 : i32
      %dma_start3A_511 = tpu.memref_slice %arg7[%dma_start3A_508, %dma_start3A_509, %dma_start3A_510] : memref<64x256x128xf32, #tpu.memory_space<vmem>> -> memref<1x256x128xf32, #tpu.memory_space<vmem>>
      %dma_start3A_512 = tpu.memref_squeeze %dma_start3A_511 : memref<1x256x128xf32, #tpu.memory_space<vmem>> -> memref<256x128xf32, #tpu.memory_space<vmem>>
      %dma_start3A_513 = arith.constant 0 : i32
      %dma_start3A_514 = tpu.memref_slice %arg3[%dma_start3A_507, %dma_start3A_513, %mul3A_506] : memref<32x256x4096xf32, #tpu.memory_space<hbm>> -> memref<1x256x128xf32, #tpu.memory_space<hbm>>
      %dma_start3A_515 = tpu.memref_squeeze %dma_start3A_514 : memref<1x256x128xf32, #tpu.memory_space<hbm>> -> memref<256x128xf32, #tpu.memory_space<hbm>>
      tpu.enqueue_dma source(%dma_start3A_515 : memref<256x128xf32, #tpu.memory_space<hbm>>) target(%dma_start3A_512 : memref<256x128xf32, #tpu.memory_space<vmem>>) target_semaphore(%arg9 : memref<!tpu.dma_semaphore, #tpu.memory_space<semaphore_mem>>)
      %get3A_516 = arith.constant 12 : index
      %get3A_517 = arith.constant 1 : index
      %get3A_518 = memref.load %arg1[%get3A_516, %get3A_517] : memref<32x16xi32, #tpu.memory_space<smem>>
      %shift_right_arithmetic3A_519 = arith.constant 7 : i32
      %shift_right_arithmetic3A_520 = arith.shrsi %get3A_518, %shift_right_arithmetic3A_519 : i32
      %mul3A_521 = arith.constant 128 : i32
      %mul3A_522 = arith.muli %shift_right_arithmetic3A_520, %mul3A_521 : i32
      %dma_start3A_523 = arith.constant 12 : i32
      %dma_start3A_524 = arith.constant 25 : i32
      %dma_start3A_525 = arith.constant 0 : i32
      %dma_start3A_526 = arith.constant 0 : i32
      %dma_start3A_527 = tpu.memref_slice %arg7[%dma_start3A_524, %dma_start3A_525, %dma_start3A_526] : memref<64x256x128xf32, #tpu.memory_space<vmem>> -> memref<1x256x128xf32, #tpu.memory_space<vmem>>
      %dma_start3A_528 = tpu.memref_squeeze %dma_start3A_527 : memref<1x256x128xf32, #tpu.memory_space<vmem>> -> memref<256x128xf32, #tpu.memory_space<vmem>>
      %dma_start3A_529 = arith.constant 0 : i32
      %dma_start3A_530 = tpu.memref_slice %arg3[%dma_start3A_523, %dma_start3A_529, %mul3A_522] : memref<32x256x4096xf32, #tpu.memory_space<hbm>> -> memref<1x256x128xf32, #tpu.memory_space<hbm>>
      %dma_start3A_531 = tpu.memref_squeeze %dma_start3A_530 : memref<1x256x128xf32, #tpu.memory_space<hbm>> -> memref<256x128xf32, #tpu.memory_space<hbm>>
      tpu.enqueue_dma source(%dma_start3A_531 : memref<256x128xf32, #tpu.memory_space<hbm>>) target(%dma_start3A_528 : memref<256x128xf32, #tpu.memory_space<vmem>>) target_semaphore(%arg9 : memref<!tpu.dma_semaphore, #tpu.memory_space<semaphore_mem>>)
      %get3A_532 = arith.constant 13 : index
      %get3A_533 = arith.constant 0 : index
      %get3A_534 = memref.load %arg1[%get3A_532, %get3A_533] : memref<32x16xi32, #tpu.memory_space<smem>>
      %shift_right_arithmetic3A_535 = arith.constant 7 : i32
      %shift_right_arithmetic3A_536 = arith.shrsi %get3A_534, %shift_right_arithmetic3A_535 : i32
      %mul3A_537 = arith.constant 128 : i32
      %mul3A_538 = arith.muli %shift_right_arithmetic3A_536, %mul3A_537 : i32
      %dma_start3A_539 = arith.constant 13 : i32
      %dma_start3A_540 = arith.constant 26 : i32
      %dma_start3A_541 = arith.constant 0 : i32
      %dma_start3A_542 = arith.constant 0 : i32
      %dma_start3A_543 = tpu.memref_slice %arg7[%dma_start3A_540, %dma_start3A_541, %dma_start3A_542] : memref<64x256x128xf32, #tpu.memory_space<vmem>> -> memref<1x256x128xf32, #tpu.memory_space<vmem>>
      %dma_start3A_544 = tpu.memref_squeeze %dma_start3A_543 : memref<1x256x128xf32, #tpu.memory_space<vmem>> -> memref<256x128xf32, #tpu.memory_space<vmem>>
      %dma_start3A_545 = arith.constant 0 : i32
      %dma_start3A_546 = tpu.memref_slice %arg3[%dma_start3A_539, %dma_start3A_545, %mul3A_538] : memref<32x256x4096xf32, #tpu.memory_space<hbm>> -> memref<1x256x128xf32, #tpu.memory_space<hbm>>
      %dma_start3A_547 = tpu.memref_squeeze %dma_start3A_546 : memref<1x256x128xf32, #tpu.memory_space<hbm>> -> memref<256x128xf32, #tpu.memory_space<hbm>>
      tpu.enqueue_dma source(%dma_start3A_547 : memref<256x128xf32, #tpu.memory_space<hbm>>) target(%dma_start3A_544 : memref<256x128xf32, #tpu.memory_space<vmem>>) target_semaphore(%arg9 : memref<!tpu.dma_semaphore, #tpu.memory_space<semaphore_mem>>)
      %get3A_548 = arith.constant 13 : index
      %get3A_549 = arith.constant 1 : index
      %get3A_550 = memref.load %arg1[%get3A_548, %get3A_549] : memref<32x16xi32, #tpu.memory_space<smem>>
      %shift_right_arithmetic3A_551 = arith.constant 7 : i32
      %shift_right_arithmetic3A_552 = arith.shrsi %get3A_550, %shift_right_arithmetic3A_551 : i32
      %mul3A_553 = arith.constant 128 : i32
      %mul3A_554 = arith.muli %shift_right_arithmetic3A_552, %mul3A_553 : i32
      %dma_start3A_555 = arith.constant 13 : i32
      %dma_start3A_556 = arith.constant 27 : i32
      %dma_start3A_557 = arith.constant 0 : i32
      %dma_start3A_558 = arith.constant 0 : i32
      %dma_start3A_559 = tpu.memref_slice %arg7[%dma_start3A_556, %dma_start3A_557, %dma_start3A_558] : memref<64x256x128xf32, #tpu.memory_space<vmem>> -> memref<1x256x128xf32, #tpu.memory_space<vmem>>
      %dma_start3A_560 = tpu.memref_squeeze %dma_start3A_559 : memref<1x256x128xf32, #tpu.memory_space<vmem>> -> memref<256x128xf32, #tpu.memory_space<vmem>>
      %dma_start3A_561 = arith.constant 0 : i32
      %dma_start3A_562 = tpu.memref_slice %arg3[%dma_start3A_555, %dma_start3A_561, %mul3A_554] : memref<32x256x4096xf32, #tpu.memory_space<hbm>> -> memref<1x256x128xf32, #tpu.memory_space<hbm>>
      %dma_start3A_563 = tpu.memref_squeeze %dma_start3A_562 : memref<1x256x128xf32, #tpu.memory_space<hbm>> -> memref<256x128xf32, #tpu.memory_space<hbm>>
      tpu.enqueue_dma source(%dma_start3A_563 : memref<256x128xf32, #tpu.memory_space<hbm>>) target(%dma_start3A_560 : memref<256x128xf32, #tpu.memory_space<vmem>>) target_semaphore(%arg9 : memref<!tpu.dma_semaphore, #tpu.memory_space<semaphore_mem>>)
      %get3A_564 = arith.constant 14 : index
      %get3A_565 = arith.constant 0 : index
      %get3A_566 = memref.load %arg1[%get3A_564, %get3A_565] : memref<32x16xi32, #tpu.memory_space<smem>>
      %shift_right_arithmetic3A_567 = arith.constant 7 : i32
      %shift_right_arithmetic3A_568 = arith.shrsi %get3A_566, %shift_right_arithmetic3A_567 : i32
      %mul3A_569 = arith.constant 128 : i32
      %mul3A_570 = arith.muli %shift_right_arithmetic3A_568, %mul3A_569 : i32
      %dma_start3A_571 = arith.constant 14 : i32
      %dma_start3A_572 = arith.constant 28 : i32
      %dma_start3A_573 = arith.constant 0 : i32
      %dma_start3A_574 = arith.constant 0 : i32
      %dma_start3A_575 = tpu.memref_slice %arg7[%dma_start3A_572, %dma_start3A_573, %dma_start3A_574] : memref<64x256x128xf32, #tpu.memory_space<vmem>> -> memref<1x256x128xf32, #tpu.memory_space<vmem>>
      %dma_start3A_576 = tpu.memref_squeeze %dma_start3A_575 : memref<1x256x128xf32, #tpu.memory_space<vmem>> -> memref<256x128xf32, #tpu.memory_space<vmem>>
      %dma_start3A_577 = arith.constant 0 : i32
      %dma_start3A_578 = tpu.memref_slice %arg3[%dma_start3A_571, %dma_start3A_577, %mul3A_570] : memref<32x256x4096xf32, #tpu.memory_space<hbm>> -> memref<1x256x128xf32, #tpu.memory_space<hbm>>
      %dma_start3A_579 = tpu.memref_squeeze %dma_start3A_578 : memref<1x256x128xf32, #tpu.memory_space<hbm>> -> memref<256x128xf32, #tpu.memory_space<hbm>>
      tpu.enqueue_dma source(%dma_start3A_579 : memref<256x128xf32, #tpu.memory_space<hbm>>) target(%dma_start3A_576 : memref<256x128xf32, #tpu.memory_space<vmem>>) target_semaphore(%arg9 : memref<!tpu.dma_semaphore, #tpu.memory_space<semaphore_mem>>)
      %get3A_580 = arith.constant 14 : index
      %get3A_581 = arith.constant 1 : index
      %get3A_582 = memref.load %arg1[%get3A_580, %get3A_581] : memref<32x16xi32, #tpu.memory_space<smem>>
      %shift_right_arithmetic3A_583 = arith.constant 7 : i32
      %shift_right_arithmetic3A_584 = arith.shrsi %get3A_582, %shift_right_arithmetic3A_583 : i32
      %mul3A_585 = arith.constant 128 : i32
      %mul3A_586 = arith.muli %shift_right_arithmetic3A_584, %mul3A_585 : i32
      %dma_start3A_587 = arith.constant 14 : i32
      %dma_start3A_588 = arith.constant 29 : i32
      %dma_start3A_589 = arith.constant 0 : i32
      %dma_start3A_590 = arith.constant 0 : i32
      %dma_start3A_591 = tpu.memref_slice %arg7[%dma_start3A_588, %dma_start3A_589, %dma_start3A_590] : memref<64x256x128xf32, #tpu.memory_space<vmem>> -> memref<1x256x128xf32, #tpu.memory_space<vmem>>
      %dma_start3A_592 = tpu.memref_squeeze %dma_start3A_591 : memref<1x256x128xf32, #tpu.memory_space<vmem>> -> memref<256x128xf32, #tpu.memory_space<vmem>>
      %dma_start3A_593 = arith.constant 0 : i32
      %dma_start3A_594 = tpu.memref_slice %arg3[%dma_start3A_587, %dma_start3A_593, %mul3A_586] : memref<32x256x4096xf32, #tpu.memory_space<hbm>> -> memref<1x256x128xf32, #tpu.memory_space<hbm>>
      %dma_start3A_595 = tpu.memref_squeeze %dma_start3A_594 : memref<1x256x128xf32, #tpu.memory_space<hbm>> -> memref<256x128xf32, #tpu.memory_space<hbm>>
      tpu.enqueue_dma source(%dma_start3A_595 : memref<256x128xf32, #tpu.memory_space<hbm>>) target(%dma_start3A_592 : memref<256x128xf32, #tpu.memory_space<vmem>>) target_semaphore(%arg9 : memref<!tpu.dma_semaphore, #tpu.memory_space<semaphore_mem>>)
      %get3A_596 = arith.constant 15 : index
      %get3A_597 = arith.constant 0 : index
      %get3A_598 = memref.load %arg1[%get3A_596, %get3A_597] : memref<32x16xi32, #tpu.memory_space<smem>>
      %shift_right_arithmetic3A_599 = arith.constant 7 : i32
      %shift_right_arithmetic3A_600 = arith.shrsi %get3A_598, %shift_right_arithmetic3A_599 : i32
      %mul3A_601 = arith.constant 128 : i32
      %mul3A_602 = arith.muli %shift_right_arithmetic3A_600, %mul3A_601 : i32
      %dma_start3A_603 = arith.constant 15 : i32
      %dma_start3A_604 = arith.constant 30 : i32
      %dma_start3A_605 = arith.constant 0 : i32
      %dma_start3A_606 = arith.constant 0 : i32
      %dma_start3A_607 = tpu.memref_slice %arg7[%dma_start3A_604, %dma_start3A_605, %dma_start3A_606] : memref<64x256x128xf32, #tpu.memory_space<vmem>> -> memref<1x256x128xf32, #tpu.memory_space<vmem>>
      %dma_start3A_608 = tpu.memref_squeeze %dma_start3A_607 : memref<1x256x128xf32, #tpu.memory_space<vmem>> -> memref<256x128xf32, #tpu.memory_space<vmem>>
      %dma_start3A_609 = arith.constant 0 : i32
      %dma_start3A_610 = tpu.memref_slice %arg3[%dma_start3A_603, %dma_start3A_609, %mul3A_602] : memref<32x256x4096xf32, #tpu.memory_space<hbm>> -> memref<1x256x128xf32, #tpu.memory_space<hbm>>
      %dma_start3A_611 = tpu.memref_squeeze %dma_start3A_610 : memref<1x256x128xf32, #tpu.memory_space<hbm>> -> memref<256x128xf32, #tpu.memory_space<hbm>>
      tpu.enqueue_dma source(%dma_start3A_611 : memref<256x128xf32, #tpu.memory_space<hbm>>) target(%dma_start3A_608 : memref<256x128xf32, #tpu.memory_space<vmem>>) target_semaphore(%arg9 : memref<!tpu.dma_semaphore, #tpu.memory_space<semaphore_mem>>)
      %get3A_612 = arith.constant 15 : index
      %get3A_613 = arith.constant 1 : index
      %get3A_614 = memref.load %arg1[%get3A_612, %get3A_613] : memref<32x16xi32, #tpu.memory_space<smem>>
      %shift_right_arithmetic3A_615 = arith.constant 7 : i32
      %shift_right_arithmetic3A_616 = arith.shrsi %get3A_614, %shift_right_arithmetic3A_615 : i32
      %mul3A_617 = arith.constant 128 : i32
      %mul3A_618 = arith.muli %shift_right_arithmetic3A_616, %mul3A_617 : i32
      %dma_start3A_619 = arith.constant 15 : i32
      %dma_start3A_620 = arith.constant 31 : i32
      %dma_start3A_621 = arith.constant 0 : i32
      %dma_start3A_622 = arith.constant 0 : i32
      %dma_start3A_623 = tpu.memref_slice %arg7[%dma_start3A_620, %dma_start3A_621, %dma_start3A_622] : memref<64x256x128xf32, #tpu.memory_space<vmem>> -> memref<1x256x128xf32, #tpu.memory_space<vmem>>
      %dma_start3A_624 = tpu.memref_squeeze %dma_start3A_623 : memref<1x256x128xf32, #tpu.memory_space<vmem>> -> memref<256x128xf32, #tpu.memory_space<vmem>>
      %dma_start3A_625 = arith.constant 0 : i32
      %dma_start3A_626 = tpu.memref_slice %arg3[%dma_start3A_619, %dma_start3A_625, %mul3A_618] : memref<32x256x4096xf32, #tpu.memory_space<hbm>> -> memref<1x256x128xf32, #tpu.memory_space<hbm>>
      %dma_start3A_627 = tpu.memref_squeeze %dma_start3A_626 : memref<1x256x128xf32, #tpu.memory_space<hbm>> -> memref<256x128xf32, #tpu.memory_space<hbm>>
      tpu.enqueue_dma source(%dma_start3A_627 : memref<256x128xf32, #tpu.memory_space<hbm>>) target(%dma_start3A_624 : memref<256x128xf32, #tpu.memory_space<vmem>>) target_semaphore(%arg9 : memref<!tpu.dma_semaphore, #tpu.memory_space<semaphore_mem>>)
      %get3A_628 = arith.constant 16 : index
      %get3A_629 = arith.constant 0 : index
      %get3A_630 = memref.load %arg1[%get3A_628, %get3A_629] : memref<32x16xi32, #tpu.memory_space<smem>>
      %shift_right_arithmetic3A_631 = arith.constant 7 : i32
      %shift_right_arithmetic3A_632 = arith.shrsi %get3A_630, %shift_right_arithmetic3A_631 : i32
      %mul3A_633 = arith.constant 128 : i32
      %mul3A_634 = arith.muli %shift_right_arithmetic3A_632, %mul3A_633 : i32
      %dma_start3A_635 = arith.constant 16 : i32
      %dma_start3A_636 = arith.constant 32 : i32
      %dma_start3A_637 = arith.constant 0 : i32
      %dma_start3A_638 = arith.constant 0 : i32
      %dma_start3A_639 = tpu.memref_slice %arg7[%dma_start3A_636, %dma_start3A_637, %dma_start3A_638] : memref<64x256x128xf32, #tpu.memory_space<vmem>> -> memref<1x256x128xf32, #tpu.memory_space<vmem>>
      %dma_start3A_640 = tpu.memref_squeeze %dma_start3A_639 : memref<1x256x128xf32, #tpu.memory_space<vmem>> -> memref<256x128xf32, #tpu.memory_space<vmem>>
      %dma_start3A_641 = arith.constant 0 : i32
      %dma_start3A_642 = tpu.memref_slice %arg3[%dma_start3A_635, %dma_start3A_641, %mul3A_634] : memref<32x256x4096xf32, #tpu.memory_space<hbm>> -> memref<1x256x128xf32, #tpu.memory_space<hbm>>
      %dma_start3A_643 = tpu.memref_squeeze %dma_start3A_642 : memref<1x256x128xf32, #tpu.memory_space<hbm>> -> memref<256x128xf32, #tpu.memory_space<hbm>>
      tpu.enqueue_dma source(%dma_start3A_643 : memref<256x128xf32, #tpu.memory_space<hbm>>) target(%dma_start3A_640 : memref<256x128xf32, #tpu.memory_space<vmem>>) target_semaphore(%arg9 : memref<!tpu.dma_semaphore, #tpu.memory_space<semaphore_mem>>)
      %get3A_644 = arith.constant 16 : index
      %get3A_645 = arith.constant 1 : index
      %get3A_646 = memref.load %arg1[%get3A_644, %get3A_645] : memref<32x16xi32, #tpu.memory_space<smem>>
      %shift_right_arithmetic3A_647 = arith.constant 7 : i32
      %shift_right_arithmetic3A_648 = arith.shrsi %get3A_646, %shift_right_arithmetic3A_647 : i32
      %mul3A_649 = arith.constant 128 : i32
      %mul3A_650 = arith.muli %shift_right_arithmetic3A_648, %mul3A_649 : i32
      %dma_start3A_651 = arith.constant 16 : i32
      %dma_start3A_652 = arith.constant 33 : i32
      %dma_start3A_653 = arith.constant 0 : i32
      %dma_start3A_654 = arith.constant 0 : i32
      %dma_start3A_655 = tpu.memref_slice %arg7[%dma_start3A_652, %dma_start3A_653, %dma_start3A_654] : memref<64x256x128xf32, #tpu.memory_space<vmem>> -> memref<1x256x128xf32, #tpu.memory_space<vmem>>
      %dma_start3A_656 = tpu.memref_squeeze %dma_start3A_655 : memref<1x256x128xf32, #tpu.memory_space<vmem>> -> memref<256x128xf32, #tpu.memory_space<vmem>>
      %dma_start3A_657 = arith.constant 0 : i32
      %dma_start3A_658 = tpu.memref_slice %arg3[%dma_start3A_651, %dma_start3A_657, %mul3A_650] : memref<32x256x4096xf32, #tpu.memory_space<hbm>> -> memref<1x256x128xf32, #tpu.memory_space<hbm>>
      %dma_start3A_659 = tpu.memref_squeeze %dma_start3A_658 : memref<1x256x128xf32, #tpu.memory_space<hbm>> -> memref<256x128xf32, #tpu.memory_space<hbm>>
      tpu.enqueue_dma source(%dma_start3A_659 : memref<256x128xf32, #tpu.memory_space<hbm>>) target(%dma_start3A_656 : memref<256x128xf32, #tpu.memory_space<vmem>>) target_semaphore(%arg9 : memref<!tpu.dma_semaphore, #tpu.memory_space<semaphore_mem>>)
      %get3A_660 = arith.constant 17 : index
      %get3A_661 = arith.constant 0 : index
      %get3A_662 = memref.load %arg1[%get3A_660, %get3A_661] : memref<32x16xi32, #tpu.memory_space<smem>>
      %shift_right_arithmetic3A_663 = arith.constant 7 : i32
      %shift_right_arithmetic3A_664 = arith.shrsi %get3A_662, %shift_right_arithmetic3A_663 : i32
      %mul3A_665 = arith.constant 128 : i32
      %mul3A_666 = arith.muli %shift_right_arithmetic3A_664, %mul3A_665 : i32
      %dma_start3A_667 = arith.constant 17 : i32
      %dma_start3A_668 = arith.constant 34 : i32
      %dma_start3A_669 = arith.constant 0 : i32
      %dma_start3A_670 = arith.constant 0 : i32
      %dma_start3A_671 = tpu.memref_slice %arg7[%dma_start3A_668, %dma_start3A_669, %dma_start3A_670] : memref<64x256x128xf32, #tpu.memory_space<vmem>> -> memref<1x256x128xf32, #tpu.memory_space<vmem>>
      %dma_start3A_672 = tpu.memref_squeeze %dma_start3A_671 : memref<1x256x128xf32, #tpu.memory_space<vmem>> -> memref<256x128xf32, #tpu.memory_space<vmem>>
      %dma_start3A_673 = arith.constant 0 : i32
      %dma_start3A_674 = tpu.memref_slice %arg3[%dma_start3A_667, %dma_start3A_673, %mul3A_666] : memref<32x256x4096xf32, #tpu.memory_space<hbm>> -> memref<1x256x128xf32, #tpu.memory_space<hbm>>
      %dma_start3A_675 = tpu.memref_squeeze %dma_start3A_674 : memref<1x256x128xf32, #tpu.memory_space<hbm>> -> memref<256x128xf32, #tpu.memory_space<hbm>>
      tpu.enqueue_dma source(%dma_start3A_675 : memref<256x128xf32, #tpu.memory_space<hbm>>) target(%dma_start3A_672 : memref<256x128xf32, #tpu.memory_space<vmem>>) target_semaphore(%arg9 : memref<!tpu.dma_semaphore, #tpu.memory_space<semaphore_mem>>)
      %get3A_676 = arith.constant 17 : index
      %get3A_677 = arith.constant 1 : index
      %get3A_678 = memref.load %arg1[%get3A_676, %get3A_677] : memref<32x16xi32, #tpu.memory_space<smem>>
      %shift_right_arithmetic3A_679 = arith.constant 7 : i32
      %shift_right_arithmetic3A_680 = arith.shrsi %get3A_678, %shift_right_arithmetic3A_679 : i32
      %mul3A_681 = arith.constant 128 : i32
      %mul3A_682 = arith.muli %shift_right_arithmetic3A_680, %mul3A_681 : i32
      %dma_start3A_683 = arith.constant 17 : i32
      %dma_start3A_684 = arith.constant 35 : i32
      %dma_start3A_685 = arith.constant 0 : i32
      %dma_start3A_686 = arith.constant 0 : i32
      %dma_start3A_687 = tpu.memref_slice %arg7[%dma_start3A_684, %dma_start3A_685, %dma_start3A_686] : memref<64x256x128xf32, #tpu.memory_space<vmem>> -> memref<1x256x128xf32, #tpu.memory_space<vmem>>
      %dma_start3A_688 = tpu.memref_squeeze %dma_start3A_687 : memref<1x256x128xf32, #tpu.memory_space<vmem>> -> memref<256x128xf32, #tpu.memory_space<vmem>>
      %dma_start3A_689 = arith.constant 0 : i32
      %dma_start3A_690 = tpu.memref_slice %arg3[%dma_start3A_683, %dma_start3A_689, %mul3A_682] : memref<32x256x4096xf32, #tpu.memory_space<hbm>> -> memref<1x256x128xf32, #tpu.memory_space<hbm>>
      %dma_start3A_691 = tpu.memref_squeeze %dma_start3A_690 : memref<1x256x128xf32, #tpu.memory_space<hbm>> -> memref<256x128xf32, #tpu.memory_space<hbm>>
      tpu.enqueue_dma source(%dma_start3A_691 : memref<256x128xf32, #tpu.memory_space<hbm>>) target(%dma_start3A_688 : memref<256x128xf32, #tpu.memory_space<vmem>>) target_semaphore(%arg9 : memref<!tpu.dma_semaphore, #tpu.memory_space<semaphore_mem>>)
      %get3A_692 = arith.constant 18 : index
      %get3A_693 = arith.constant 0 : index
      %get3A_694 = memref.load %arg1[%get3A_692, %get3A_693] : memref<32x16xi32, #tpu.memory_space<smem>>
      %shift_right_arithmetic3A_695 = arith.constant 7 : i32
      %shift_right_arithmetic3A_696 = arith.shrsi %get3A_694, %shift_right_arithmetic3A_695 : i32
      %mul3A_697 = arith.constant 128 : i32
      %mul3A_698 = arith.muli %shift_right_arithmetic3A_696, %mul3A_697 : i32
      %dma_start3A_699 = arith.constant 18 : i32
      %dma_start3A_700 = arith.constant 36 : i32
      %dma_start3A_701 = arith.constant 0 : i32
      %dma_start3A_702 = arith.constant 0 : i32
      %dma_start3A_703 = tpu.memref_slice %arg7[%dma_start3A_700, %dma_start3A_701, %dma_start3A_702] : memref<64x256x128xf32, #tpu.memory_space<vmem>> -> memref<1x256x128xf32, #tpu.memory_space<vmem>>
      %dma_start3A_704 = tpu.memref_squeeze %dma_start3A_703 : memref<1x256x128xf32, #tpu.memory_space<vmem>> -> memref<256x128xf32, #tpu.memory_space<vmem>>
      %dma_start3A_705 = arith.constant 0 : i32
      %dma_start3A_706 = tpu.memref_slice %arg3[%dma_start3A_699, %dma_start3A_705, %mul3A_698] : memref<32x256x4096xf32, #tpu.memory_space<hbm>> -> memref<1x256x128xf32, #tpu.memory_space<hbm>>
      %dma_start3A_707 = tpu.memref_squeeze %dma_start3A_706 : memref<1x256x128xf32, #tpu.memory_space<hbm>> -> memref<256x128xf32, #tpu.memory_space<hbm>>
      tpu.enqueue_dma source(%dma_start3A_707 : memref<256x128xf32, #tpu.memory_space<hbm>>) target(%dma_start3A_704 : memref<256x128xf32, #tpu.memory_space<vmem>>) target_semaphore(%arg9 : memref<!tpu.dma_semaphore, #tpu.memory_space<semaphore_mem>>)
      %get3A_708 = arith.constant 18 : index
      %get3A_709 = arith.constant 1 : index
      %get3A_710 = memref.load %arg1[%get3A_708, %get3A_709] : memref<32x16xi32, #tpu.memory_space<smem>>
      %shift_right_arithmetic3A_711 = arith.constant 7 : i32
      %shift_right_arithmetic3A_712 = arith.shrsi %get3A_710, %shift_right_arithmetic3A_711 : i32
      %mul3A_713 = arith.constant 128 : i32
      %mul3A_714 = arith.muli %shift_right_arithmetic3A_712, %mul3A_713 : i32
      %dma_start3A_715 = arith.constant 18 : i32
      %dma_start3A_716 = arith.constant 37 : i32
      %dma_start3A_717 = arith.constant 0 : i32
      %dma_start3A_718 = arith.constant 0 : i32
      %dma_start3A_719 = tpu.memref_slice %arg7[%dma_start3A_716, %dma_start3A_717, %dma_start3A_718] : memref<64x256x128xf32, #tpu.memory_space<vmem>> -> memref<1x256x128xf32, #tpu.memory_space<vmem>>
      %dma_start3A_720 = tpu.memref_squeeze %dma_start3A_719 : memref<1x256x128xf32, #tpu.memory_space<vmem>> -> memref<256x128xf32, #tpu.memory_space<vmem>>
      %dma_start3A_721 = arith.constant 0 : i32
      %dma_start3A_722 = tpu.memref_slice %arg3[%dma_start3A_715, %dma_start3A_721, %mul3A_714] : memref<32x256x4096xf32, #tpu.memory_space<hbm>> -> memref<1x256x128xf32, #tpu.memory_space<hbm>>
      %dma_start3A_723 = tpu.memref_squeeze %dma_start3A_722 : memref<1x256x128xf32, #tpu.memory_space<hbm>> -> memref<256x128xf32, #tpu.memory_space<hbm>>
      tpu.enqueue_dma source(%dma_start3A_723 : memref<256x128xf32, #tpu.memory_space<hbm>>) target(%dma_start3A_720 : memref<256x128xf32, #tpu.memory_space<vmem>>) target_semaphore(%arg9 : memref<!tpu.dma_semaphore, #tpu.memory_space<semaphore_mem>>)
      %get3A_724 = arith.constant 19 : index
      %get3A_725 = arith.constant 0 : index
      %get3A_726 = memref.load %arg1[%get3A_724, %get3A_725] : memref<32x16xi32, #tpu.memory_space<smem>>
      %shift_right_arithmetic3A_727 = arith.constant 7 : i32
      %shift_right_arithmetic3A_728 = arith.shrsi %get3A_726, %shift_right_arithmetic3A_727 : i32
      %mul3A_729 = arith.constant 128 : i32
      %mul3A_730 = arith.muli %shift_right_arithmetic3A_728, %mul3A_729 : i32
      %dma_start3A_731 = arith.constant 19 : i32
      %dma_start3A_732 = arith.constant 38 : i32
      %dma_start3A_733 = arith.constant 0 : i32
      %dma_start3A_734 = arith.constant 0 : i32
      %dma_start3A_735 = tpu.memref_slice %arg7[%dma_start3A_732, %dma_start3A_733, %dma_start3A_734] : memref<64x256x128xf32, #tpu.memory_space<vmem>> -> memref<1x256x128xf32, #tpu.memory_space<vmem>>
      %dma_start3A_736 = tpu.memref_squeeze %dma_start3A_735 : memref<1x256x128xf32, #tpu.memory_space<vmem>> -> memref<256x128xf32, #tpu.memory_space<vmem>>
      %dma_start3A_737 = arith.constant 0 : i32
      %dma_start3A_738 = tpu.memref_slice %arg3[%dma_start3A_731, %dma_start3A_737, %mul3A_730] : memref<32x256x4096xf32, #tpu.memory_space<hbm>> -> memref<1x256x128xf32, #tpu.memory_space<hbm>>
      %dma_start3A_739 = tpu.memref_squeeze %dma_start3A_738 : memref<1x256x128xf32, #tpu.memory_space<hbm>> -> memref<256x128xf32, #tpu.memory_space<hbm>>
      tpu.enqueue_dma source(%dma_start3A_739 : memref<256x128xf32, #tpu.memory_space<hbm>>) target(%dma_start3A_736 : memref<256x128xf32, #tpu.memory_space<vmem>>) target_semaphore(%arg9 : memref<!tpu.dma_semaphore, #tpu.memory_space<semaphore_mem>>)
      %get3A_740 = arith.constant 19 : index
      %get3A_741 = arith.constant 1 : index
      %get3A_742 = memref.load %arg1[%get3A_740, %get3A_741] : memref<32x16xi32, #tpu.memory_space<smem>>
      %shift_right_arithmetic3A_743 = arith.constant 7 : i32
      %shift_right_arithmetic3A_744 = arith.shrsi %get3A_742, %shift_right_arithmetic3A_743 : i32
      %mul3A_745 = arith.constant 128 : i32
      %mul3A_746 = arith.muli %shift_right_arithmetic3A_744, %mul3A_745 : i32
      %dma_start3A_747 = arith.constant 19 : i32
      %dma_start3A_748 = arith.constant 39 : i32
      %dma_start3A_749 = arith.constant 0 : i32
      %dma_start3A_750 = arith.constant 0 : i32
      %dma_start3A_751 = tpu.memref_slice %arg7[%dma_start3A_748, %dma_start3A_749, %dma_start3A_750] : memref<64x256x128xf32, #tpu.memory_space<vmem>> -> memref<1x256x128xf32, #tpu.memory_space<vmem>>
      %dma_start3A_752 = tpu.memref_squeeze %dma_start3A_751 : memref<1x256x128xf32, #tpu.memory_space<vmem>> -> memref<256x128xf32, #tpu.memory_space<vmem>>
      %dma_start3A_753 = arith.constant 0 : i32
      %dma_start3A_754 = tpu.memref_slice %arg3[%dma_start3A_747, %dma_start3A_753, %mul3A_746] : memref<32x256x4096xf32, #tpu.memory_space<hbm>> -> memref<1x256x128xf32, #tpu.memory_space<hbm>>
      %dma_start3A_755 = tpu.memref_squeeze %dma_start3A_754 : memref<1x256x128xf32, #tpu.memory_space<hbm>> -> memref<256x128xf32, #tpu.memory_space<hbm>>
      tpu.enqueue_dma source(%dma_start3A_755 : memref<256x128xf32, #tpu.memory_space<hbm>>) target(%dma_start3A_752 : memref<256x128xf32, #tpu.memory_space<vmem>>) target_semaphore(%arg9 : memref<!tpu.dma_semaphore, #tpu.memory_space<semaphore_mem>>)
      %get3A_756 = arith.constant 20 : index
      %get3A_757 = arith.constant 0 : index
      %get3A_758 = memref.load %arg1[%get3A_756, %get3A_757] : memref<32x16xi32, #tpu.memory_space<smem>>
      %shift_right_arithmetic3A_759 = arith.constant 7 : i32
      %shift_right_arithmetic3A_760 = arith.shrsi %get3A_758, %shift_right_arithmetic3A_759 : i32
      %mul3A_761 = arith.constant 128 : i32
      %mul3A_762 = arith.muli %shift_right_arithmetic3A_760, %mul3A_761 : i32
      %dma_start3A_763 = arith.constant 20 : i32
      %dma_start3A_764 = arith.constant 40 : i32
      %dma_start3A_765 = arith.constant 0 : i32
      %dma_start3A_766 = arith.constant 0 : i32
      %dma_start3A_767 = tpu.memref_slice %arg7[%dma_start3A_764, %dma_start3A_765, %dma_start3A_766] : memref<64x256x128xf32, #tpu.memory_space<vmem>> -> memref<1x256x128xf32, #tpu.memory_space<vmem>>
      %dma_start3A_768 = tpu.memref_squeeze %dma_start3A_767 : memref<1x256x128xf32, #tpu.memory_space<vmem>> -> memref<256x128xf32, #tpu.memory_space<vmem>>
      %dma_start3A_769 = arith.constant 0 : i32
      %dma_start3A_770 = tpu.memref_slice %arg3[%dma_start3A_763, %dma_start3A_769, %mul3A_762] : memref<32x256x4096xf32, #tpu.memory_space<hbm>> -> memref<1x256x128xf32, #tpu.memory_space<hbm>>
      %dma_start3A_771 = tpu.memref_squeeze %dma_start3A_770 : memref<1x256x128xf32, #tpu.memory_space<hbm>> -> memref<256x128xf32, #tpu.memory_space<hbm>>
      tpu.enqueue_dma source(%dma_start3A_771 : memref<256x128xf32, #tpu.memory_space<hbm>>) target(%dma_start3A_768 : memref<256x128xf32, #tpu.memory_space<vmem>>) target_semaphore(%arg9 : memref<!tpu.dma_semaphore, #tpu.memory_space<semaphore_mem>>)
      %get3A_772 = arith.constant 20 : index
      %get3A_773 = arith.constant 1 : index
      %get3A_774 = memref.load %arg1[%get3A_772, %get3A_773] : memref<32x16xi32, #tpu.memory_space<smem>>
      %shift_right_arithmetic3A_775 = arith.constant 7 : i32
      %shift_right_arithmetic3A_776 = arith.shrsi %get3A_774, %shift_right_arithmetic3A_775 : i32
      %mul3A_777 = arith.constant 128 : i32
      %mul3A_778 = arith.muli %shift_right_arithmetic3A_776, %mul3A_777 : i32
      %dma_start3A_779 = arith.constant 20 : i32
      %dma_start3A_780 = arith.constant 41 : i32
      %dma_start3A_781 = arith.constant 0 : i32
      %dma_start3A_782 = arith.constant 0 : i32
      %dma_start3A_783 = tpu.memref_slice %arg7[%dma_start3A_780, %dma_start3A_781, %dma_start3A_782] : memref<64x256x128xf32, #tpu.memory_space<vmem>> -> memref<1x256x128xf32, #tpu.memory_space<vmem>>
      %dma_start3A_784 = tpu.memref_squeeze %dma_start3A_783 : memref<1x256x128xf32, #tpu.memory_space<vmem>> -> memref<256x128xf32, #tpu.memory_space<vmem>>
      %dma_start3A_785 = arith.constant 0 : i32
      %dma_start3A_786 = tpu.memref_slice %arg3[%dma_start3A_779, %dma_start3A_785, %mul3A_778] : memref<32x256x4096xf32, #tpu.memory_space<hbm>> -> memref<1x256x128xf32, #tpu.memory_space<hbm>>
      %dma_start3A_787 = tpu.memref_squeeze %dma_start3A_786 : memref<1x256x128xf32, #tpu.memory_space<hbm>> -> memref<256x128xf32, #tpu.memory_space<hbm>>
      tpu.enqueue_dma source(%dma_start3A_787 : memref<256x128xf32, #tpu.memory_space<hbm>>) target(%dma_start3A_784 : memref<256x128xf32, #tpu.memory_space<vmem>>) target_semaphore(%arg9 : memref<!tpu.dma_semaphore, #tpu.memory_space<semaphore_mem>>)
      %get3A_788 = arith.constant 21 : index
      %get3A_789 = arith.constant 0 : index
      %get3A_790 = memref.load %arg1[%get3A_788, %get3A_789] : memref<32x16xi32, #tpu.memory_space<smem>>
      %shift_right_arithmetic3A_791 = arith.constant 7 : i32
      %shift_right_arithmetic3A_792 = arith.shrsi %get3A_790, %shift_right_arithmetic3A_791 : i32
      %mul3A_793 = arith.constant 128 : i32
      %mul3A_794 = arith.muli %shift_right_arithmetic3A_792, %mul3A_793 : i32
      %dma_start3A_795 = arith.constant 21 : i32
      %dma_start3A_796 = arith.constant 42 : i32
      %dma_start3A_797 = arith.constant 0 : i32
      %dma_start3A_798 = arith.constant 0 : i32
      %dma_start3A_799 = tpu.memref_slice %arg7[%dma_start3A_796, %dma_start3A_797, %dma_start3A_798] : memref<64x256x128xf32, #tpu.memory_space<vmem>> -> memref<1x256x128xf32, #tpu.memory_space<vmem>>
      %dma_start3A_800 = tpu.memref_squeeze %dma_start3A_799 : memref<1x256x128xf32, #tpu.memory_space<vmem>> -> memref<256x128xf32, #tpu.memory_space<vmem>>
      %dma_start3A_801 = arith.constant 0 : i32
      %dma_start3A_802 = tpu.memref_slice %arg3[%dma_start3A_795, %dma_start3A_801, %mul3A_794] : memref<32x256x4096xf32, #tpu.memory_space<hbm>> -> memref<1x256x128xf32, #tpu.memory_space<hbm>>
      %dma_start3A_803 = tpu.memref_squeeze %dma_start3A_802 : memref<1x256x128xf32, #tpu.memory_space<hbm>> -> memref<256x128xf32, #tpu.memory_space<hbm>>
      tpu.enqueue_dma source(%dma_start3A_803 : memref<256x128xf32, #tpu.memory_space<hbm>>) target(%dma_start3A_800 : memref<256x128xf32, #tpu.memory_space<vmem>>) target_semaphore(%arg9 : memref<!tpu.dma_semaphore, #tpu.memory_space<semaphore_mem>>)
      %get3A_804 = arith.constant 21 : index
      %get3A_805 = arith.constant 1 : index
      %get3A_806 = memref.load %arg1[%get3A_804, %get3A_805] : memref<32x16xi32, #tpu.memory_space<smem>>
      %shift_right_arithmetic3A_807 = arith.constant 7 : i32
      %shift_right_arithmetic3A_808 = arith.shrsi %get3A_806, %shift_right_arithmetic3A_807 : i32
      %mul3A_809 = arith.constant 128 : i32
      %mul3A_810 = arith.muli %shift_right_arithmetic3A_808, %mul3A_809 : i32
      %dma_start3A_811 = arith.constant 21 : i32
      %dma_start3A_812 = arith.constant 43 : i32
      %dma_start3A_813 = arith.constant 0 : i32
      %dma_start3A_814 = arith.constant 0 : i32
      %dma_start3A_815 = tpu.memref_slice %arg7[%dma_start3A_812, %dma_start3A_813, %dma_start3A_814] : memref<64x256x128xf32, #tpu.memory_space<vmem>> -> memref<1x256x128xf32, #tpu.memory_space<vmem>>
      %dma_start3A_816 = tpu.memref_squeeze %dma_start3A_815 : memref<1x256x128xf32, #tpu.memory_space<vmem>> -> memref<256x128xf32, #tpu.memory_space<vmem>>
      %dma_start3A_817 = arith.constant 0 : i32
      %dma_start3A_818 = tpu.memref_slice %arg3[%dma_start3A_811, %dma_start3A_817, %mul3A_810] : memref<32x256x4096xf32, #tpu.memory_space<hbm>> -> memref<1x256x128xf32, #tpu.memory_space<hbm>>
      %dma_start3A_819 = tpu.memref_squeeze %dma_start3A_818 : memref<1x256x128xf32, #tpu.memory_space<hbm>> -> memref<256x128xf32, #tpu.memory_space<hbm>>
      tpu.enqueue_dma source(%dma_start3A_819 : memref<256x128xf32, #tpu.memory_space<hbm>>) target(%dma_start3A_816 : memref<256x128xf32, #tpu.memory_space<vmem>>) target_semaphore(%arg9 : memref<!tpu.dma_semaphore, #tpu.memory_space<semaphore_mem>>)
      %get3A_820 = arith.constant 22 : index
      %get3A_821 = arith.constant 0 : index
      %get3A_822 = memref.load %arg1[%get3A_820, %get3A_821] : memref<32x16xi32, #tpu.memory_space<smem>>
      %shift_right_arithmetic3A_823 = arith.constant 7 : i32
      %shift_right_arithmetic3A_824 = arith.shrsi %get3A_822, %shift_right_arithmetic3A_823 : i32
      %mul3A_825 = arith.constant 128 : i32
      %mul3A_826 = arith.muli %shift_right_arithmetic3A_824, %mul3A_825 : i32
      %dma_start3A_827 = arith.constant 22 : i32
      %dma_start3A_828 = arith.constant 44 : i32
      %dma_start3A_829 = arith.constant 0 : i32
      %dma_start3A_830 = arith.constant 0 : i32
      %dma_start3A_831 = tpu.memref_slice %arg7[%dma_start3A_828, %dma_start3A_829, %dma_start3A_830] : memref<64x256x128xf32, #tpu.memory_space<vmem>> -> memref<1x256x128xf32, #tpu.memory_space<vmem>>
      %dma_start3A_832 = tpu.memref_squeeze %dma_start3A_831 : memref<1x256x128xf32, #tpu.memory_space<vmem>> -> memref<256x128xf32, #tpu.memory_space<vmem>>
      %dma_start3A_833 = arith.constant 0 : i32
      %dma_start3A_834 = tpu.memref_slice %arg3[%dma_start3A_827, %dma_start3A_833, %mul3A_826] : memref<32x256x4096xf32, #tpu.memory_space<hbm>> -> memref<1x256x128xf32, #tpu.memory_space<hbm>>
      %dma_start3A_835 = tpu.memref_squeeze %dma_start3A_834 : memref<1x256x128xf32, #tpu.memory_space<hbm>> -> memref<256x128xf32, #tpu.memory_space<hbm>>
      tpu.enqueue_dma source(%dma_start3A_835 : memref<256x128xf32, #tpu.memory_space<hbm>>) target(%dma_start3A_832 : memref<256x128xf32, #tpu.memory_space<vmem>>) target_semaphore(%arg9 : memref<!tpu.dma_semaphore, #tpu.memory_space<semaphore_mem>>)
      %get3A_836 = arith.constant 22 : index
      %get3A_837 = arith.constant 1 : index
      %get3A_838 = memref.load %arg1[%get3A_836, %get3A_837] : memref<32x16xi32, #tpu.memory_space<smem>>
      %shift_right_arithmetic3A_839 = arith.constant 7 : i32
      %shift_right_arithmetic3A_840 = arith.shrsi %get3A_838, %shift_right_arithmetic3A_839 : i32
      %mul3A_841 = arith.constant 128 : i32
      %mul3A_842 = arith.muli %shift_right_arithmetic3A_840, %mul3A_841 : i32
      %dma_start3A_843 = arith.constant 22 : i32
      %dma_start3A_844 = arith.constant 45 : i32
      %dma_start3A_845 = arith.constant 0 : i32
      %dma_start3A_846 = arith.constant 0 : i32
      %dma_start3A_847 = tpu.memref_slice %arg7[%dma_start3A_844, %dma_start3A_845, %dma_start3A_846] : memref<64x256x128xf32, #tpu.memory_space<vmem>> -> memref<1x256x128xf32, #tpu.memory_space<vmem>>
      %dma_start3A_848 = tpu.memref_squeeze %dma_start3A_847 : memref<1x256x128xf32, #tpu.memory_space<vmem>> -> memref<256x128xf32, #tpu.memory_space<vmem>>
      %dma_start3A_849 = arith.constant 0 : i32
      %dma_start3A_850 = tpu.memref_slice %arg3[%dma_start3A_843, %dma_start3A_849, %mul3A_842] : memref<32x256x4096xf32, #tpu.memory_space<hbm>> -> memref<1x256x128xf32, #tpu.memory_space<hbm>>
      %dma_start3A_851 = tpu.memref_squeeze %dma_start3A_850 : memref<1x256x128xf32, #tpu.memory_space<hbm>> -> memref<256x128xf32, #tpu.memory_space<hbm>>
      tpu.enqueue_dma source(%dma_start3A_851 : memref<256x128xf32, #tpu.memory_space<hbm>>) target(%dma_start3A_848 : memref<256x128xf32, #tpu.memory_space<vmem>>) target_semaphore(%arg9 : memref<!tpu.dma_semaphore, #tpu.memory_space<semaphore_mem>>)
      %get3A_852 = arith.constant 23 : index
      %get3A_853 = arith.constant 0 : index
      %get3A_854 = memref.load %arg1[%get3A_852, %get3A_853] : memref<32x16xi32, #tpu.memory_space<smem>>
      %shift_right_arithmetic3A_855 = arith.constant 7 : i32
      %shift_right_arithmetic3A_856 = arith.shrsi %get3A_854, %shift_right_arithmetic3A_855 : i32
      %mul3A_857 = arith.constant 128 : i32
      %mul3A_858 = arith.muli %shift_right_arithmetic3A_856, %mul3A_857 : i32
      %dma_start3A_859 = arith.constant 23 : i32
      %dma_start3A_860 = arith.constant 46 : i32
      %dma_start3A_861 = arith.constant 0 : i32
      %dma_start3A_862 = arith.constant 0 : i32
      %dma_start3A_863 = tpu.memref_slice %arg7[%dma_start3A_860, %dma_start3A_861, %dma_start3A_862] : memref<64x256x128xf32, #tpu.memory_space<vmem>> -> memref<1x256x128xf32, #tpu.memory_space<vmem>>
      %dma_start3A_864 = tpu.memref_squeeze %dma_start3A_863 : memref<1x256x128xf32, #tpu.memory_space<vmem>> -> memref<256x128xf32, #tpu.memory_space<vmem>>
      %dma_start3A_865 = arith.constant 0 : i32
      %dma_start3A_866 = tpu.memref_slice %arg3[%dma_start3A_859, %dma_start3A_865, %mul3A_858] : memref<32x256x4096xf32, #tpu.memory_space<hbm>> -> memref<1x256x128xf32, #tpu.memory_space<hbm>>
      %dma_start3A_867 = tpu.memref_squeeze %dma_start3A_866 : memref<1x256x128xf32, #tpu.memory_space<hbm>> -> memref<256x128xf32, #tpu.memory_space<hbm>>
      tpu.enqueue_dma source(%dma_start3A_867 : memref<256x128xf32, #tpu.memory_space<hbm>>) target(%dma_start3A_864 : memref<256x128xf32, #tpu.memory_space<vmem>>) target_semaphore(%arg9 : memref<!tpu.dma_semaphore, #tpu.memory_space<semaphore_mem>>)
      %get3A_868 = arith.constant 23 : index
      %get3A_869 = arith.constant 1 : index
      %get3A_870 = memref.load %arg1[%get3A_868, %get3A_869] : memref<32x16xi32, #tpu.memory_space<smem>>
      %shift_right_arithmetic3A_871 = arith.constant 7 : i32
      %shift_right_arithmetic3A_872 = arith.shrsi %get3A_870, %shift_right_arithmetic3A_871 : i32
      %mul3A_873 = arith.constant 128 : i32
      %mul3A_874 = arith.muli %shift_right_arithmetic3A_872, %mul3A_873 : i32
      %dma_start3A_875 = arith.constant 23 : i32
      %dma_start3A_876 = arith.constant 47 : i32
      %dma_start3A_877 = arith.constant 0 : i32
      %dma_start3A_878 = arith.constant 0 : i32
      %dma_start3A_879 = tpu.memref_slice %arg7[%dma_start3A_876, %dma_start3A_877, %dma_start3A_878] : memref<64x256x128xf32, #tpu.memory_space<vmem>> -> memref<1x256x128xf32, #tpu.memory_space<vmem>>
      %dma_start3A_880 = tpu.memref_squeeze %dma_start3A_879 : memref<1x256x128xf32, #tpu.memory_space<vmem>> -> memref<256x128xf32, #tpu.memory_space<vmem>>
      %dma_start3A_881 = arith.constant 0 : i32
      %dma_start3A_882 = tpu.memref_slice %arg3[%dma_start3A_875, %dma_start3A_881, %mul3A_874] : memref<32x256x4096xf32, #tpu.memory_space<hbm>> -> memref<1x256x128xf32, #tpu.memory_space<hbm>>
      %dma_start3A_883 = tpu.memref_squeeze %dma_start3A_882 : memref<1x256x128xf32, #tpu.memory_space<hbm>> -> memref<256x128xf32, #tpu.memory_space<hbm>>
      tpu.enqueue_dma source(%dma_start3A_883 : memref<256x128xf32, #tpu.memory_space<hbm>>) target(%dma_start3A_880 : memref<256x128xf32, #tpu.memory_space<vmem>>) target_semaphore(%arg9 : memref<!tpu.dma_semaphore, #tpu.memory_space<semaphore_mem>>)
      %get3A_884 = arith.constant 24 : index
      %get3A_885 = arith.constant 0 : index
      %get3A_886 = memref.load %arg1[%get3A_884, %get3A_885] : memref<32x16xi32, #tpu.memory_space<smem>>
      %shift_right_arithmetic3A_887 = arith.constant 7 : i32
      %shift_right_arithmetic3A_888 = arith.shrsi %get3A_886, %shift_right_arithmetic3A_887 : i32
      %mul3A_889 = arith.constant 128 : i32
      %mul3A_890 = arith.muli %shift_right_arithmetic3A_888, %mul3A_889 : i32
      %dma_start3A_891 = arith.constant 24 : i32
      %dma_start3A_892 = arith.constant 48 : i32
      %dma_start3A_893 = arith.constant 0 : i32
      %dma_start3A_894 = arith.constant 0 : i32
      %dma_start3A_895 = tpu.memref_slice %arg7[%dma_start3A_892, %dma_start3A_893, %dma_start3A_894] : memref<64x256x128xf32, #tpu.memory_space<vmem>> -> memref<1x256x128xf32, #tpu.memory_space<vmem>>
      %dma_start3A_896 = tpu.memref_squeeze %dma_start3A_895 : memref<1x256x128xf32, #tpu.memory_space<vmem>> -> memref<256x128xf32, #tpu.memory_space<vmem>>
      %dma_start3A_897 = arith.constant 0 : i32
      %dma_start3A_898 = tpu.memref_slice %arg3[%dma_start3A_891, %dma_start3A_897, %mul3A_890] : memref<32x256x4096xf32, #tpu.memory_space<hbm>> -> memref<1x256x128xf32, #tpu.memory_space<hbm>>
      %dma_start3A_899 = tpu.memref_squeeze %dma_start3A_898 : memref<1x256x128xf32, #tpu.memory_space<hbm>> -> memref<256x128xf32, #tpu.memory_space<hbm>>
      tpu.enqueue_dma source(%dma_start3A_899 : memref<256x128xf32, #tpu.memory_space<hbm>>) target(%dma_start3A_896 : memref<256x128xf32, #tpu.memory_space<vmem>>) target_semaphore(%arg9 : memref<!tpu.dma_semaphore, #tpu.memory_space<semaphore_mem>>)
      %get3A_900 = arith.constant 24 : index
      %get3A_901 = arith.constant 1 : index
      %get3A_902 = memref.load %arg1[%get3A_900, %get3A_901] : memref<32x16xi32, #tpu.memory_space<smem>>
      %shift_right_arithmetic3A_903 = arith.constant 7 : i32
      %shift_right_arithmetic3A_904 = arith.shrsi %get3A_902, %shift_right_arithmetic3A_903 : i32
      %mul3A_905 = arith.constant 128 : i32
      %mul3A_906 = arith.muli %shift_right_arithmetic3A_904, %mul3A_905 : i32
      %dma_start3A_907 = arith.constant 24 : i32
      %dma_start3A_908 = arith.constant 49 : i32
      %dma_start3A_909 = arith.constant 0 : i32
      %dma_start3A_910 = arith.constant 0 : i32
      %dma_start3A_911 = tpu.memref_slice %arg7[%dma_start3A_908, %dma_start3A_909, %dma_start3A_910] : memref<64x256x128xf32, #tpu.memory_space<vmem>> -> memref<1x256x128xf32, #tpu.memory_space<vmem>>
      %dma_start3A_912 = tpu.memref_squeeze %dma_start3A_911 : memref<1x256x128xf32, #tpu.memory_space<vmem>> -> memref<256x128xf32, #tpu.memory_space<vmem>>
      %dma_start3A_913 = arith.constant 0 : i32
      %dma_start3A_914 = tpu.memref_slice %arg3[%dma_start3A_907, %dma_start3A_913, %mul3A_906] : memref<32x256x4096xf32, #tpu.memory_space<hbm>> -> memref<1x256x128xf32, #tpu.memory_space<hbm>>
      %dma_start3A_915 = tpu.memref_squeeze %dma_start3A_914 : memref<1x256x128xf32, #tpu.memory_space<hbm>> -> memref<256x128xf32, #tpu.memory_space<hbm>>
      tpu.enqueue_dma source(%dma_start3A_915 : memref<256x128xf32, #tpu.memory_space<hbm>>) target(%dma_start3A_912 : memref<256x128xf32, #tpu.memory_space<vmem>>) target_semaphore(%arg9 : memref<!tpu.dma_semaphore, #tpu.memory_space<semaphore_mem>>)
      %get3A_916 = arith.constant 25 : index
      %get3A_917 = arith.constant 0 : index
      %get3A_918 = memref.load %arg1[%get3A_916, %get3A_917] : memref<32x16xi32, #tpu.memory_space<smem>>
      %shift_right_arithmetic3A_919 = arith.constant 7 : i32
      %shift_right_arithmetic3A_920 = arith.shrsi %get3A_918, %shift_right_arithmetic3A_919 : i32
      %mul3A_921 = arith.constant 128 : i32
      %mul3A_922 = arith.muli %shift_right_arithmetic3A_920, %mul3A_921 : i32
      %dma_start3A_923 = arith.constant 25 : i32
      %dma_start3A_924 = arith.constant 50 : i32
      %dma_start3A_925 = arith.constant 0 : i32
      %dma_start3A_926 = arith.constant 0 : i32
      %dma_start3A_927 = tpu.memref_slice %arg7[%dma_start3A_924, %dma_start3A_925, %dma_start3A_926] : memref<64x256x128xf32, #tpu.memory_space<vmem>> -> memref<1x256x128xf32, #tpu.memory_space<vmem>>
      %dma_start3A_928 = tpu.memref_squeeze %dma_start3A_927 : memref<1x256x128xf32, #tpu.memory_space<vmem>> -> memref<256x128xf32, #tpu.memory_space<vmem>>
      %dma_start3A_929 = arith.constant 0 : i32
      %dma_start3A_930 = tpu.memref_slice %arg3[%dma_start3A_923, %dma_start3A_929, %mul3A_922] : memref<32x256x4096xf32, #tpu.memory_space<hbm>> -> memref<1x256x128xf32, #tpu.memory_space<hbm>>
      %dma_start3A_931 = tpu.memref_squeeze %dma_start3A_930 : memref<1x256x128xf32, #tpu.memory_space<hbm>> -> memref<256x128xf32, #tpu.memory_space<hbm>>
      tpu.enqueue_dma source(%dma_start3A_931 : memref<256x128xf32, #tpu.memory_space<hbm>>) target(%dma_start3A_928 : memref<256x128xf32, #tpu.memory_space<vmem>>) target_semaphore(%arg9 : memref<!tpu.dma_semaphore, #tpu.memory_space<semaphore_mem>>)
      %get3A_932 = arith.constant 25 : index
      %get3A_933 = arith.constant 1 : index
      %get3A_934 = memref.load %arg1[%get3A_932, %get3A_933] : memref<32x16xi32, #tpu.memory_space<smem>>
      %shift_right_arithmetic3A_935 = arith.constant 7 : i32
      %shift_right_arithmetic3A_936 = arith.shrsi %get3A_934, %shift_right_arithmetic3A_935 : i32
      %mul3A_937 = arith.constant 128 : i32
      %mul3A_938 = arith.muli %shift_right_arithmetic3A_936, %mul3A_937 : i32
      %dma_start3A_939 = arith.constant 25 : i32
      %dma_start3A_940 = arith.constant 51 : i32
      %dma_start3A_941 = arith.constant 0 : i32
      %dma_start3A_942 = arith.constant 0 : i32
      %dma_start3A_943 = tpu.memref_slice %arg7[%dma_start3A_940, %dma_start3A_941, %dma_start3A_942] : memref<64x256x128xf32, #tpu.memory_space<vmem>> -> memref<1x256x128xf32, #tpu.memory_space<vmem>>
      %dma_start3A_944 = tpu.memref_squeeze %dma_start3A_943 : memref<1x256x128xf32, #tpu.memory_space<vmem>> -> memref<256x128xf32, #tpu.memory_space<vmem>>
      %dma_start3A_945 = arith.constant 0 : i32
      %dma_start3A_946 = tpu.memref_slice %arg3[%dma_start3A_939, %dma_start3A_945, %mul3A_938] : memref<32x256x4096xf32, #tpu.memory_space<hbm>> -> memref<1x256x128xf32, #tpu.memory_space<hbm>>
      %dma_start3A_947 = tpu.memref_squeeze %dma_start3A_946 : memref<1x256x128xf32, #tpu.memory_space<hbm>> -> memref<256x128xf32, #tpu.memory_space<hbm>>
      tpu.enqueue_dma source(%dma_start3A_947 : memref<256x128xf32, #tpu.memory_space<hbm>>) target(%dma_start3A_944 : memref<256x128xf32, #tpu.memory_space<vmem>>) target_semaphore(%arg9 : memref<!tpu.dma_semaphore, #tpu.memory_space<semaphore_mem>>)
      %get3A_948 = arith.constant 26 : index
      %get3A_949 = arith.constant 0 : index
      %get3A_950 = memref.load %arg1[%get3A_948, %get3A_949] : memref<32x16xi32, #tpu.memory_space<smem>>
      %shift_right_arithmetic3A_951 = arith.constant 7 : i32
      %shift_right_arithmetic3A_952 = arith.shrsi %get3A_950, %shift_right_arithmetic3A_951 : i32
      %mul3A_953 = arith.constant 128 : i32
      %mul3A_954 = arith.muli %shift_right_arithmetic3A_952, %mul3A_953 : i32
      %dma_start3A_955 = arith.constant 26 : i32
      %dma_start3A_956 = arith.constant 52 : i32
      %dma_start3A_957 = arith.constant 0 : i32
      %dma_start3A_958 = arith.constant 0 : i32
      %dma_start3A_959 = tpu.memref_slice %arg7[%dma_start3A_956, %dma_start3A_957, %dma_start3A_958] : memref<64x256x128xf32, #tpu.memory_space<vmem>> -> memref<1x256x128xf32, #tpu.memory_space<vmem>>
      %dma_start3A_960 = tpu.memref_squeeze %dma_start3A_959 : memref<1x256x128xf32, #tpu.memory_space<vmem>> -> memref<256x128xf32, #tpu.memory_space<vmem>>
      %dma_start3A_961 = arith.constant 0 : i32
      %dma_start3A_962 = tpu.memref_slice %arg3[%dma_start3A_955, %dma_start3A_961, %mul3A_954] : memref<32x256x4096xf32, #tpu.memory_space<hbm>> -> memref<1x256x128xf32, #tpu.memory_space<hbm>>
      %dma_start3A_963 = tpu.memref_squeeze %dma_start3A_962 : memref<1x256x128xf32, #tpu.memory_space<hbm>> -> memref<256x128xf32, #tpu.memory_space<hbm>>
      tpu.enqueue_dma source(%dma_start3A_963 : memref<256x128xf32, #tpu.memory_space<hbm>>) target(%dma_start3A_960 : memref<256x128xf32, #tpu.memory_space<vmem>>) target_semaphore(%arg9 : memref<!tpu.dma_semaphore, #tpu.memory_space<semaphore_mem>>)
      %get3A_964 = arith.constant 26 : index
      %get3A_965 = arith.constant 1 : index
      %get3A_966 = memref.load %arg1[%get3A_964, %get3A_965] : memref<32x16xi32, #tpu.memory_space<smem>>
      %shift_right_arithmetic3A_967 = arith.constant 7 : i32
      %shift_right_arithmetic3A_968 = arith.shrsi %get3A_966, %shift_right_arithmetic3A_967 : i32
      %mul3A_969 = arith.constant 128 : i32
      %mul3A_970 = arith.muli %shift_right_arithmetic3A_968, %mul3A_969 : i32
      %dma_start3A_971 = arith.constant 26 : i32
      %dma_start3A_972 = arith.constant 53 : i32
      %dma_start3A_973 = arith.constant 0 : i32
      %dma_start3A_974 = arith.constant 0 : i32
      %dma_start3A_975 = tpu.memref_slice %arg7[%dma_start3A_972, %dma_start3A_973, %dma_start3A_974] : memref<64x256x128xf32, #tpu.memory_space<vmem>> -> memref<1x256x128xf32, #tpu.memory_space<vmem>>
      %dma_start3A_976 = tpu.memref_squeeze %dma_start3A_975 : memref<1x256x128xf32, #tpu.memory_space<vmem>> -> memref<256x128xf32, #tpu.memory_space<vmem>>
      %dma_start3A_977 = arith.constant 0 : i32
      %dma_start3A_978 = tpu.memref_slice %arg3[%dma_start3A_971, %dma_start3A_977, %mul3A_970] : memref<32x256x4096xf32, #tpu.memory_space<hbm>> -> memref<1x256x128xf32, #tpu.memory_space<hbm>>
      %dma_start3A_979 = tpu.memref_squeeze %dma_start3A_978 : memref<1x256x128xf32, #tpu.memory_space<hbm>> -> memref<256x128xf32, #tpu.memory_space<hbm>>
      tpu.enqueue_dma source(%dma_start3A_979 : memref<256x128xf32, #tpu.memory_space<hbm>>) target(%dma_start3A_976 : memref<256x128xf32, #tpu.memory_space<vmem>>) target_semaphore(%arg9 : memref<!tpu.dma_semaphore, #tpu.memory_space<semaphore_mem>>)
      %get3A_980 = arith.constant 27 : index
      %get3A_981 = arith.constant 0 : index
      %get3A_982 = memref.load %arg1[%get3A_980, %get3A_981] : memref<32x16xi32, #tpu.memory_space<smem>>
      %shift_right_arithmetic3A_983 = arith.constant 7 : i32
      %shift_right_arithmetic3A_984 = arith.shrsi %get3A_982, %shift_right_arithmetic3A_983 : i32
      %mul3A_985 = arith.constant 128 : i32
      %mul3A_986 = arith.muli %shift_right_arithmetic3A_984, %mul3A_985 : i32
      %dma_start3A_987 = arith.constant 27 : i32
      %dma_start3A_988 = arith.constant 54 : i32
      %dma_start3A_989 = arith.constant 0 : i32
      %dma_start3A_990 = arith.constant 0 : i32
      %dma_start3A_991 = tpu.memref_slice %arg7[%dma_start3A_988, %dma_start3A_989, %dma_start3A_990] : memref<64x256x128xf32, #tpu.memory_space<vmem>> -> memref<1x256x128xf32, #tpu.memory_space<vmem>>
      %dma_start3A_992 = tpu.memref_squeeze %dma_start3A_991 : memref<1x256x128xf32, #tpu.memory_space<vmem>> -> memref<256x128xf32, #tpu.memory_space<vmem>>
      %dma_start3A_993 = arith.constant 0 : i32
      %dma_start3A_994 = tpu.memref_slice %arg3[%dma_start3A_987, %dma_start3A_993, %mul3A_986] : memref<32x256x4096xf32, #tpu.memory_space<hbm>> -> memref<1x256x128xf32, #tpu.memory_space<hbm>>
      %dma_start3A_995 = tpu.memref_squeeze %dma_start3A_994 : memref<1x256x128xf32, #tpu.memory_space<hbm>> -> memref<256x128xf32, #tpu.memory_space<hbm>>
      tpu.enqueue_dma source(%dma_start3A_995 : memref<256x128xf32, #tpu.memory_space<hbm>>) target(%dma_start3A_992 : memref<256x128xf32, #tpu.memory_space<vmem>>) target_semaphore(%arg9 : memref<!tpu.dma_semaphore, #tpu.memory_space<semaphore_mem>>)
      %get3A_996 = arith.constant 27 : index
      %get3A_997 = arith.constant 1 : index
      %get3A_998 = memref.load %arg1[%get3A_996, %get3A_997] : memref<32x16xi32, #tpu.memory_space<smem>>
      %shift_right_arithmetic3A_999 = arith.constant 7 : i32
      %shift_right_arithmetic3A_1000 = arith.shrsi %get3A_998, %shift_right_arithmetic3A_999 : i32
      %mul3A_1001 = arith.constant 128 : i32
      %mul3A_1002 = arith.muli %shift_right_arithmetic3A_1000, %mul3A_1001 : i32
      %dma_start3A_1003 = arith.constant 27 : i32
      %dma_start3A_1004 = arith.constant 55 : i32
      %dma_start3A_1005 = arith.constant 0 : i32
      %dma_start3A_1006 = arith.constant 0 : i32
      %dma_start3A_1007 = tpu.memref_slice %arg7[%dma_start3A_1004, %dma_start3A_1005, %dma_start3A_1006] : memref<64x256x128xf32, #tpu.memory_space<vmem>> -> memref<1x256x128xf32, #tpu.memory_space<vmem>>
      %dma_start3A_1008 = tpu.memref_squeeze %dma_start3A_1007 : memref<1x256x128xf32, #tpu.memory_space<vmem>> -> memref<256x128xf32, #tpu.memory_space<vmem>>
      %dma_start3A_1009 = arith.constant 0 : i32
      %dma_start3A_1010 = tpu.memref_slice %arg3[%dma_start3A_1003, %dma_start3A_1009, %mul3A_1002] : memref<32x256x4096xf32, #tpu.memory_space<hbm>> -> memref<1x256x128xf32, #tpu.memory_space<hbm>>
      %dma_start3A_1011 = tpu.memref_squeeze %dma_start3A_1010 : memref<1x256x128xf32, #tpu.memory_space<hbm>> -> memref<256x128xf32, #tpu.memory_space<hbm>>
      tpu.enqueue_dma source(%dma_start3A_1011 : memref<256x128xf32, #tpu.memory_space<hbm>>) target(%dma_start3A_1008 : memref<256x128xf32, #tpu.memory_space<vmem>>) target_semaphore(%arg9 : memref<!tpu.dma_semaphore, #tpu.memory_space<semaphore_mem>>)
      %get3A_1012 = arith.constant 28 : index
      %get3A_1013 = arith.constant 0 : index
      %get3A_1014 = memref.load %arg1[%get3A_1012, %get3A_1013] : memref<32x16xi32, #tpu.memory_space<smem>>
      %shift_right_arithmetic3A_1015 = arith.constant 7 : i32
      %shift_right_arithmetic3A_1016 = arith.shrsi %get3A_1014, %shift_right_arithmetic3A_1015 : i32
      %mul3A_1017 = arith.constant 128 : i32
      %mul3A_1018 = arith.muli %shift_right_arithmetic3A_1016, %mul3A_1017 : i32
      %dma_start3A_1019 = arith.constant 28 : i32
      %dma_start3A_1020 = arith.constant 56 : i32
      %dma_start3A_1021 = arith.constant 0 : i32
      %dma_start3A_1022 = arith.constant 0 : i32
      %dma_start3A_1023 = tpu.memref_slice %arg7[%dma_start3A_1020, %dma_start3A_1021, %dma_start3A_1022] : memref<64x256x128xf32, #tpu.memory_space<vmem>> -> memref<1x256x128xf32, #tpu.memory_space<vmem>>
      %dma_start3A_1024 = tpu.memref_squeeze %dma_start3A_1023 : memref<1x256x128xf32, #tpu.memory_space<vmem>> -> memref<256x128xf32, #tpu.memory_space<vmem>>
      %dma_start3A_1025 = arith.constant 0 : i32
      %dma_start3A_1026 = tpu.memref_slice %arg3[%dma_start3A_1019, %dma_start3A_1025, %mul3A_1018] : memref<32x256x4096xf32, #tpu.memory_space<hbm>> -> memref<1x256x128xf32, #tpu.memory_space<hbm>>
      %dma_start3A_1027 = tpu.memref_squeeze %dma_start3A_1026 : memref<1x256x128xf32, #tpu.memory_space<hbm>> -> memref<256x128xf32, #tpu.memory_space<hbm>>
      tpu.enqueue_dma source(%dma_start3A_1027 : memref<256x128xf32, #tpu.memory_space<hbm>>) target(%dma_start3A_1024 : memref<256x128xf32, #tpu.memory_space<vmem>>) target_semaphore(%arg9 : memref<!tpu.dma_semaphore, #tpu.memory_space<semaphore_mem>>)
      %get3A_1028 = arith.constant 28 : index
      %get3A_1029 = arith.constant 1 : index
      %get3A_1030 = memref.load %arg1[%get3A_1028, %get3A_1029] : memref<32x16xi32, #tpu.memory_space<smem>>
      %shift_right_arithmetic3A_1031 = arith.constant 7 : i32
      %shift_right_arithmetic3A_1032 = arith.shrsi %get3A_1030, %shift_right_arithmetic3A_1031 : i32
      %mul3A_1033 = arith.constant 128 : i32
      %mul3A_1034 = arith.muli %shift_right_arithmetic3A_1032, %mul3A_1033 : i32
      %dma_start3A_1035 = arith.constant 28 : i32
      %dma_start3A_1036 = arith.constant 57 : i32
      %dma_start3A_1037 = arith.constant 0 : i32
      %dma_start3A_1038 = arith.constant 0 : i32
      %dma_start3A_1039 = tpu.memref_slice %arg7[%dma_start3A_1036, %dma_start3A_1037, %dma_start3A_1038] : memref<64x256x128xf32, #tpu.memory_space<vmem>> -> memref<1x256x128xf32, #tpu.memory_space<vmem>>
      %dma_start3A_1040 = tpu.memref_squeeze %dma_start3A_1039 : memref<1x256x128xf32, #tpu.memory_space<vmem>> -> memref<256x128xf32, #tpu.memory_space<vmem>>
      %dma_start3A_1041 = arith.constant 0 : i32
      %dma_start3A_1042 = tpu.memref_slice %arg3[%dma_start3A_1035, %dma_start3A_1041, %mul3A_1034] : memref<32x256x4096xf32, #tpu.memory_space<hbm>> -> memref<1x256x128xf32, #tpu.memory_space<hbm>>
      %dma_start3A_1043 = tpu.memref_squeeze %dma_start3A_1042 : memref<1x256x128xf32, #tpu.memory_space<hbm>> -> memref<256x128xf32, #tpu.memory_space<hbm>>
      tpu.enqueue_dma source(%dma_start3A_1043 : memref<256x128xf32, #tpu.memory_space<hbm>>) target(%dma_start3A_1040 : memref<256x128xf32, #tpu.memory_space<vmem>>) target_semaphore(%arg9 : memref<!tpu.dma_semaphore, #tpu.memory_space<semaphore_mem>>)
      %get3A_1044 = arith.constant 29 : index
      %get3A_1045 = arith.constant 0 : index
      %get3A_1046 = memref.load %arg1[%get3A_1044, %get3A_1045] : memref<32x16xi32, #tpu.memory_space<smem>>
      %shift_right_arithmetic3A_1047 = arith.constant 7 : i32
      %shift_right_arithmetic3A_1048 = arith.shrsi %get3A_1046, %shift_right_arithmetic3A_1047 : i32
      %mul3A_1049 = arith.constant 128 : i32
      %mul3A_1050 = arith.muli %shift_right_arithmetic3A_1048, %mul3A_1049 : i32
      %dma_start3A_1051 = arith.constant 29 : i32
      %dma_start3A_1052 = arith.constant 58 : i32
      %dma_start3A_1053 = arith.constant 0 : i32
      %dma_start3A_1054 = arith.constant 0 : i32
      %dma_start3A_1055 = tpu.memref_slice %arg7[%dma_start3A_1052, %dma_start3A_1053, %dma_start3A_1054] : memref<64x256x128xf32, #tpu.memory_space<vmem>> -> memref<1x256x128xf32, #tpu.memory_space<vmem>>
      %dma_start3A_1056 = tpu.memref_squeeze %dma_start3A_1055 : memref<1x256x128xf32, #tpu.memory_space<vmem>> -> memref<256x128xf32, #tpu.memory_space<vmem>>
      %dma_start3A_1057 = arith.constant 0 : i32
      %dma_start3A_1058 = tpu.memref_slice %arg3[%dma_start3A_1051, %dma_start3A_1057, %mul3A_1050] : memref<32x256x4096xf32, #tpu.memory_space<hbm>> -> memref<1x256x128xf32, #tpu.memory_space<hbm>>
      %dma_start3A_1059 = tpu.memref_squeeze %dma_start3A_1058 : memref<1x256x128xf32, #tpu.memory_space<hbm>> -> memref<256x128xf32, #tpu.memory_space<hbm>>
      tpu.enqueue_dma source(%dma_start3A_1059 : memref<256x128xf32, #tpu.memory_space<hbm>>) target(%dma_start3A_1056 : memref<256x128xf32, #tpu.memory_space<vmem>>) target_semaphore(%arg9 : memref<!tpu.dma_semaphore, #tpu.memory_space<semaphore_mem>>)
      %get3A_1060 = arith.constant 29 : index
      %get3A_1061 = arith.constant 1 : index
      %get3A_1062 = memref.load %arg1[%get3A_1060, %get3A_1061] : memref<32x16xi32, #tpu.memory_space<smem>>
      %shift_right_arithmetic3A_1063 = arith.constant 7 : i32
      %shift_right_arithmetic3A_1064 = arith.shrsi %get3A_1062, %shift_right_arithmetic3A_1063 : i32
      %mul3A_1065 = arith.constant 128 : i32
      %mul3A_1066 = arith.muli %shift_right_arithmetic3A_1064, %mul3A_1065 : i32
      %dma_start3A_1067 = arith.constant 29 : i32
      %dma_start3A_1068 = arith.constant 59 : i32
      %dma_start3A_1069 = arith.constant 0 : i32
      %dma_start3A_1070 = arith.constant 0 : i32
      %dma_start3A_1071 = tpu.memref_slice %arg7[%dma_start3A_1068, %dma_start3A_1069, %dma_start3A_1070] : memref<64x256x128xf32, #tpu.memory_space<vmem>> -> memref<1x256x128xf32, #tpu.memory_space<vmem>>
      %dma_start3A_1072 = tpu.memref_squeeze %dma_start3A_1071 : memref<1x256x128xf32, #tpu.memory_space<vmem>> -> memref<256x128xf32, #tpu.memory_space<vmem>>
      %dma_start3A_1073 = arith.constant 0 : i32
      %dma_start3A_1074 = tpu.memref_slice %arg3[%dma_start3A_1067, %dma_start3A_1073, %mul3A_1066] : memref<32x256x4096xf32, #tpu.memory_space<hbm>> -> memref<1x256x128xf32, #tpu.memory_space<hbm>>
      %dma_start3A_1075 = tpu.memref_squeeze %dma_start3A_1074 : memref<1x256x128xf32, #tpu.memory_space<hbm>> -> memref<256x128xf32, #tpu.memory_space<hbm>>
      tpu.enqueue_dma source(%dma_start3A_1075 : memref<256x128xf32, #tpu.memory_space<hbm>>) target(%dma_start3A_1072 : memref<256x128xf32, #tpu.memory_space<vmem>>) target_semaphore(%arg9 : memref<!tpu.dma_semaphore, #tpu.memory_space<semaphore_mem>>)
      %get3A_1076 = arith.constant 30 : index
      %get3A_1077 = arith.constant 0 : index
      %get3A_1078 = memref.load %arg1[%get3A_1076, %get3A_1077] : memref<32x16xi32, #tpu.memory_space<smem>>
      %shift_right_arithmetic3A_1079 = arith.constant 7 : i32
      %shift_right_arithmetic3A_1080 = arith.shrsi %get3A_1078, %shift_right_arithmetic3A_1079 : i32
      %mul3A_1081 = arith.constant 128 : i32
      %mul3A_1082 = arith.muli %shift_right_arithmetic3A_1080, %mul3A_1081 : i32
      %dma_start3A_1083 = arith.constant 30 : i32
      %dma_start3A_1084 = arith.constant 60 : i32
      %dma_start3A_1085 = arith.constant 0 : i32
      %dma_start3A_1086 = arith.constant 0 : i32
      %dma_start3A_1087 = tpu.memref_slice %arg7[%dma_start3A_1084, %dma_start3A_1085, %dma_start3A_1086] : memref<64x256x128xf32, #tpu.memory_space<vmem>> -> memref<1x256x128xf32, #tpu.memory_space<vmem>>
      %dma_start3A_1088 = tpu.memref_squeeze %dma_start3A_1087 : memref<1x256x128xf32, #tpu.memory_space<vmem>> -> memref<256x128xf32, #tpu.memory_space<vmem>>
      %dma_start3A_1089 = arith.constant 0 : i32
      %dma_start3A_1090 = tpu.memref_slice %arg3[%dma_start3A_1083, %dma_start3A_1089, %mul3A_1082] : memref<32x256x4096xf32, #tpu.memory_space<hbm>> -> memref<1x256x128xf32, #tpu.memory_space<hbm>>
      %dma_start3A_1091 = tpu.memref_squeeze %dma_start3A_1090 : memref<1x256x128xf32, #tpu.memory_space<hbm>> -> memref<256x128xf32, #tpu.memory_space<hbm>>
      tpu.enqueue_dma source(%dma_start3A_1091 : memref<256x128xf32, #tpu.memory_space<hbm>>) target(%dma_start3A_1088 : memref<256x128xf32, #tpu.memory_space<vmem>>) target_semaphore(%arg9 : memref<!tpu.dma_semaphore, #tpu.memory_space<semaphore_mem>>)
      %get3A_1092 = arith.constant 30 : index
      %get3A_1093 = arith.constant 1 : index
      %get3A_1094 = memref.load %arg1[%get3A_1092, %get3A_1093] : memref<32x16xi32, #tpu.memory_space<smem>>
      %shift_right_arithmetic3A_1095 = arith.constant 7 : i32
      %shift_right_arithmetic3A_1096 = arith.shrsi %get3A_1094, %shift_right_arithmetic3A_1095 : i32
      %mul3A_1097 = arith.constant 128 : i32
      %mul3A_1098 = arith.muli %shift_right_arithmetic3A_1096, %mul3A_1097 : i32
      %dma_start3A_1099 = arith.constant 30 : i32
      %dma_start3A_1100 = arith.constant 61 : i32
      %dma_start3A_1101 = arith.constant 0 : i32
      %dma_start3A_1102 = arith.constant 0 : i32
      %dma_start3A_1103 = tpu.memref_slice %arg7[%dma_start3A_1100, %dma_start3A_1101, %dma_start3A_1102] : memref<64x256x128xf32, #tpu.memory_space<vmem>> -> memref<1x256x128xf32, #tpu.memory_space<vmem>>
      %dma_start3A_1104 = tpu.memref_squeeze %dma_start3A_1103 : memref<1x256x128xf32, #tpu.memory_space<vmem>> -> memref<256x128xf32, #tpu.memory_space<vmem>>
      %dma_start3A_1105 = arith.constant 0 : i32
      %dma_start3A_1106 = tpu.memref_slice %arg3[%dma_start3A_1099, %dma_start3A_1105, %mul3A_1098] : memref<32x256x4096xf32, #tpu.memory_space<hbm>> -> memref<1x256x128xf32, #tpu.memory_space<hbm>>
      %dma_start3A_1107 = tpu.memref_squeeze %dma_start3A_1106 : memref<1x256x128xf32, #tpu.memory_space<hbm>> -> memref<256x128xf32, #tpu.memory_space<hbm>>
      tpu.enqueue_dma source(%dma_start3A_1107 : memref<256x128xf32, #tpu.memory_space<hbm>>) target(%dma_start3A_1104 : memref<256x128xf32, #tpu.memory_space<vmem>>) target_semaphore(%arg9 : memref<!tpu.dma_semaphore, #tpu.memory_space<semaphore_mem>>)
      %get3A_1108 = arith.constant 31 : index
      %get3A_1109 = arith.constant 0 : index
      %get3A_1110 = memref.load %arg1[%get3A_1108, %get3A_1109] : memref<32x16xi32, #tpu.memory_space<smem>>
      %shift_right_arithmetic3A_1111 = arith.constant 7 : i32
      %shift_right_arithmetic3A_1112 = arith.shrsi %get3A_1110, %shift_right_arithmetic3A_1111 : i32
      %mul3A_1113 = arith.constant 128 : i32
      %mul3A_1114 = arith.muli %shift_right_arithmetic3A_1112, %mul3A_1113 : i32
      %dma_start3A_1115 = arith.constant 31 : i32
      %dma_start3A_1116 = arith.constant 62 : i32
      %dma_start3A_1117 = arith.constant 0 : i32
      %dma_start3A_1118 = arith.constant 0 : i32
      %dma_start3A_1119 = tpu.memref_slice %arg7[%dma_start3A_1116, %dma_start3A_1117, %dma_start3A_1118] : memref<64x256x128xf32, #tpu.memory_space<vmem>> -> memref<1x256x128xf32, #tpu.memory_space<vmem>>
      %dma_start3A_1120 = tpu.memref_squeeze %dma_start3A_1119 : memref<1x256x128xf32, #tpu.memory_space<vmem>> -> memref<256x128xf32, #tpu.memory_space<vmem>>
      %dma_start3A_1121 = arith.constant 0 : i32
      %dma_start3A_1122 = tpu.memref_slice %arg3[%dma_start3A_1115, %dma_start3A_1121, %mul3A_1114] : memref<32x256x4096xf32, #tpu.memory_space<hbm>> -> memref<1x256x128xf32, #tpu.memory_space<hbm>>
      %dma_start3A_1123 = tpu.memref_squeeze %dma_start3A_1122 : memref<1x256x128xf32, #tpu.memory_space<hbm>> -> memref<256x128xf32, #tpu.memory_space<hbm>>
      tpu.enqueue_dma source(%dma_start3A_1123 : memref<256x128xf32, #tpu.memory_space<hbm>>) target(%dma_start3A_1120 : memref<256x128xf32, #tpu.memory_space<vmem>>) target_semaphore(%arg9 : memref<!tpu.dma_semaphore, #tpu.memory_space<semaphore_mem>>)
      %get3A_1124 = arith.constant 31 : index
      %get3A_1125 = arith.constant 1 : index
      %get3A_1126 = memref.load %arg1[%get3A_1124, %get3A_1125] : memref<32x16xi32, #tpu.memory_space<smem>>
      %shift_right_arithmetic3A_1127 = arith.constant 7 : i32
      %shift_right_arithmetic3A_1128 = arith.shrsi %get3A_1126, %shift_right_arithmetic3A_1127 : i32
      %mul3A_1129 = arith.constant 128 : i32
      %mul3A_1130 = arith.muli %shift_right_arithmetic3A_1128, %mul3A_1129 : i32
      %dma_start3A_1131 = arith.constant 31 : i32
      %dma_start3A_1132 = arith.constant 63 : i32
      %dma_start3A_1133 = arith.constant 0 : i32
      %dma_start3A_1134 = arith.constant 0 : i32
      %dma_start3A_1135 = tpu.memref_slice %arg7[%dma_start3A_1132, %dma_start3A_1133, %dma_start3A_1134] : memref<64x256x128xf32, #tpu.memory_space<vmem>> -> memref<1x256x128xf32, #tpu.memory_space<vmem>>
      %dma_start3A_1136 = tpu.memref_squeeze %dma_start3A_1135 : memref<1x256x128xf32, #tpu.memory_space<vmem>> -> memref<256x128xf32, #tpu.memory_space<vmem>>
      %dma_start3A_1137 = arith.constant 0 : i32
      %dma_start3A_1138 = tpu.memref_slice %arg3[%dma_start3A_1131, %dma_start3A_1137, %mul3A_1130] : memref<32x256x4096xf32, #tpu.memory_space<hbm>> -> memref<1x256x128xf32, #tpu.memory_space<hbm>>
      %dma_start3A_1139 = tpu.memref_squeeze %dma_start3A_1138 : memref<1x256x128xf32, #tpu.memory_space<hbm>> -> memref<256x128xf32, #tpu.memory_space<hbm>>
      tpu.enqueue_dma source(%dma_start3A_1139 : memref<256x128xf32, #tpu.memory_space<hbm>>) target(%dma_start3A_1136 : memref<256x128xf32, #tpu.memory_space<vmem>>) target_semaphore(%arg9 : memref<!tpu.dma_semaphore, #tpu.memory_space<semaphore_mem>>)
      %iota3A_1140 = tpu.iota {dimensions = array<i32: 1>} : vector<256x128xi32>
      %dma_wait3A_1141 = arith.constant 0 : i32
      %dma_wait3A_1142 = arith.constant 0 : i32
      %dma_wait3A_1143 = arith.constant 0 : i32
      %dma_wait3A_1144 = arith.constant 0 : i32
      %dma_wait3A_1145 = tpu.memref_slice %arg7[%dma_wait3A_1142, %dma_wait3A_1143, %dma_wait3A_1144] : memref<64x256x128xf32, #tpu.memory_space<vmem>> -> memref<1x256x128xf32, #tpu.memory_space<vmem>>
      %dma_wait3A_1146 = tpu.memref_squeeze %dma_wait3A_1145 : memref<1x256x128xf32, #tpu.memory_space<vmem>> -> memref<256x128xf32, #tpu.memory_space<vmem>>
      %dma_wait3A_1147 = arith.constant 0 : i32
      %dma_wait3A_1148 = tpu.memref_slice %arg3[%dma_wait3A_1141, %dma_wait3A_1147, %mul3A_122] : memref<32x256x4096xf32, #tpu.memory_space<hbm>> -> memref<1x256x128xf32, #tpu.memory_space<hbm>>
      %dma_wait3A_1149 = tpu.memref_squeeze %dma_wait3A_1148 : memref<1x256x128xf32, #tpu.memory_space<hbm>> -> memref<256x128xf32, #tpu.memory_space<hbm>>
      tpu.wait_dma2 semaphore(%arg9 : memref<!tpu.dma_semaphore, #tpu.memory_space<semaphore_mem>>) src(%dma_wait3A_1149 : memref<256x128xf32, #tpu.memory_space<hbm>>) dst(%dma_wait3A_1146 : memref<256x128xf32, #tpu.memory_space<vmem>>)
      %get3A_1150 = arith.constant 0 : index
      %get3A_1151 = arith.constant 0 : index
      %get3A_1152 = memref.load %arg1[%get3A_1150, %get3A_1151] : memref<32x16xi32, #tpu.memory_space<smem>>
      %and3A_1153 = arith.constant 127 : i32
      %and3A_1154 = arith.andi %get3A_1152, %and3A_1153 : i32
      %eq3A_1155 = vector.broadcast %and3A_1154 : i32 to vector<256x128xi32>
      %eq3A_1156 = arith.cmpi eq, %iota3A_1140, %eq3A_1155 : vector<256x128xi32>
      %get3A_1157 = arith.constant 0 : index
      %get3A_1158 = arith.constant 0 : index
      %get3A_1159 = arith.constant 0 : index
      %get3A_1160 = vector.load %arg7[%get3A_1157, %get3A_1158, %get3A_1159] : memref<64x256x128xf32, #tpu.memory_space<vmem>>, vector<1x256x128xf32>
      %get3A_1161 = vector.shape_cast %get3A_1160 : vector<1x256x128xf32> to vector<256x128xf32>
      %jit3A_1162 = arith.constant 0.000000e+00 : f32
      %broadcast_in_dim3A_1163 = vector.broadcast %jit3A_1162 : f32 to vector<256x128xf32>
      %select_n3A_1164 = arith.select %eq3A_1156, %get3A_1161, %broadcast_in_dim3A_1163 : vector<256x128xi1>, vector<256x128xf32>
      %reduce_sum3A_1165 = arith.constant dense<0.000000e+00> : vector<256xf32>
      %reduce_sum3A_1166 = vector.multi_reduction <add>, %select_n3A_1164, %reduce_sum3A_1165 [1] : vector<256x128xf32> to vector<256xf32>
      %broadcast_in_dim3A_1167 = vector.shape_cast %reduce_sum3A_1166 : vector<256xf32> to vector<1x256xf32>
      %swap3A_1168 = arith.constant 0 : index
      %swap3A_1169 = arith.constant 0 : index
      %swap3A_1170 = vector.load %arg6[%swap3A_1168, %swap3A_1169] : memref<64x256xf32, #tpu.memory_space<vmem>>, vector<1x256xf32>
      tpu.vector_store %arg6[%swap3A_1168, %swap3A_1169], %broadcast_in_dim3A_1167 {strides = array<i32>} : memref<64x256xf32, #tpu.memory_space<vmem>>, vector<1x256xf32>,
      %dma_wait3A_1171 = arith.constant 0 : i32
      %dma_wait3A_1172 = arith.constant 1 : i32
      %dma_wait3A_1173 = arith.constant 0 : i32
      %dma_wait3A_1174 = arith.constant 0 : i32
      %dma_wait3A_1175 = tpu.memref_slice %arg7[%dma_wait3A_1172, %dma_wait3A_1173, %dma_wait3A_1174] : memref<64x256x128xf32, #tpu.memory_space<vmem>> -> memref<1x256x128xf32, #tpu.memory_space<vmem>>
      %dma_wait3A_1176 = tpu.memref_squeeze %dma_wait3A_1175 : memref<1x256x128xf32, #tpu.memory_space<vmem>> -> memref<256x128xf32, #tpu.memory_space<vmem>>
      %dma_wait3A_1177 = arith.constant 0 : i32
      %dma_wait3A_1178 = tpu.memref_slice %arg3[%dma_wait3A_1171, %dma_wait3A_1177, %mul3A_138] : memref<32x256x4096xf32, #tpu.memory_space<hbm>> -> memref<1x256x128xf32, #tpu.memory_space<hbm>>
      %dma_wait3A_1179 = tpu.memref_squeeze %dma_wait3A_1178 : memref<1x256x128xf32, #tpu.memory_space<hbm>> -> memref<256x128xf32, #tpu.memory_space<hbm>>
      tpu.wait_dma2 semaphore(%arg9 : memref<!tpu.dma_semaphore, #tpu.memory_space<semaphore_mem>>) src(%dma_wait3A_1179 : memref<256x128xf32, #tpu.memory_space<hbm>>) dst(%dma_wait3A_1176 : memref<256x128xf32, #tpu.memory_space<vmem>>)
      %get3A_1180 = arith.constant 0 : index
      %get3A_1181 = arith.constant 1 : index
      %get3A_1182 = memref.load %arg1[%get3A_1180, %get3A_1181] : memref<32x16xi32, #tpu.memory_space<smem>>
      %and3A_1183 = arith.constant 127 : i32
      %and3A_1184 = arith.andi %get3A_1182, %and3A_1183 : i32
      %eq3A_1185 = vector.broadcast %and3A_1184 : i32 to vector<256x128xi32>
      %eq3A_1186 = arith.cmpi eq, %iota3A_1140, %eq3A_1185 : vector<256x128xi32>
      %get3A_1187 = arith.constant 1 : index
      %get3A_1188 = arith.constant 0 : index
      %get3A_1189 = arith.constant 0 : index
      %get3A_1190 = vector.load %arg7[%get3A_1187, %get3A_1188, %get3A_1189] : memref<64x256x128xf32, #tpu.memory_space<vmem>>, vector<1x256x128xf32>
      %get3A_1191 = vector.shape_cast %get3A_1190 : vector<1x256x128xf32> to vector<256x128xf32>
      %jit3A_1192 = arith.constant 0.000000e+00 : f32
      %broadcast_in_dim3A_1193 = vector.broadcast %jit3A_1192 : f32 to vector<256x128xf32>
      %select_n3A_1194 = arith.select %eq3A_1186, %get3A_1191, %broadcast_in_dim3A_1193 : vector<256x128xi1>, vector<256x128xf32>
      %reduce_sum3A_1195 = arith.constant dense<0.000000e+00> : vector<256xf32>
      %reduce_sum3A_1196 = vector.multi_reduction <add>, %select_n3A_1194, %reduce_sum3A_1195 [1] : vector<256x128xf32> to vector<256xf32>
      %broadcast_in_dim3A_1197 = vector.shape_cast %reduce_sum3A_1196 : vector<256xf32> to vector<1x256xf32>
      %swap3A_1198 = arith.constant 1 : index
      %swap3A_1199 = arith.constant 0 : index
      %swap3A_1200 = vector.load %arg6[%swap3A_1198, %swap3A_1199] : memref<64x256xf32, #tpu.memory_space<vmem>>, vector<1x256xf32>
      tpu.vector_store %arg6[%swap3A_1198, %swap3A_1199], %broadcast_in_dim3A_1197 {strides = array<i32>} : memref<64x256xf32, #tpu.memory_space<vmem>>, vector<1x256xf32>,
      %dma_wait3A_1201 = arith.constant 1 : i32
      %dma_wait3A_1202 = arith.constant 2 : i32
      %dma_wait3A_1203 = arith.constant 0 : i32
      %dma_wait3A_1204 = arith.constant 0 : i32
      %dma_wait3A_1205 = tpu.memref_slice %arg7[%dma_wait3A_1202, %dma_wait3A_1203, %dma_wait3A_1204] : memref<64x256x128xf32, #tpu.memory_space<vmem>> -> memref<1x256x128xf32, #tpu.memory_space<vmem>>
      %dma_wait3A_1206 = tpu.memref_squeeze %dma_wait3A_1205 : memref<1x256x128xf32, #tpu.memory_space<vmem>> -> memref<256x128xf32, #tpu.memory_space<vmem>>
      %dma_wait3A_1207 = arith.constant 0 : i32
      %dma_wait3A_1208 = tpu.memref_slice %arg3[%dma_wait3A_1201, %dma_wait3A_1207, %mul3A_154] : memref<32x256x4096xf32, #tpu.memory_space<hbm>> -> memref<1x256x128xf32, #tpu.memory_space<hbm>>
      %dma_wait3A_1209 = tpu.memref_squeeze %dma_wait3A_1208 : memref<1x256x128xf32, #tpu.memory_space<hbm>> -> memref<256x128xf32, #tpu.memory_space<hbm>>
      tpu.wait_dma2 semaphore(%arg9 : memref<!tpu.dma_semaphore, #tpu.memory_space<semaphore_mem>>) src(%dma_wait3A_1209 : memref<256x128xf32, #tpu.memory_space<hbm>>) dst(%dma_wait3A_1206 : memref<256x128xf32, #tpu.memory_space<vmem>>)
      %get3A_1210 = arith.constant 1 : index
      %get3A_1211 = arith.constant 0 : index
      %get3A_1212 = memref.load %arg1[%get3A_1210, %get3A_1211] : memref<32x16xi32, #tpu.memory_space<smem>>
      %and3A_1213 = arith.constant 127 : i32
      %and3A_1214 = arith.andi %get3A_1212, %and3A_1213 : i32
      %eq3A_1215 = vector.broadcast %and3A_1214 : i32 to vector<256x128xi32>
      %eq3A_1216 = arith.cmpi eq, %iota3A_1140, %eq3A_1215 : vector<256x128xi32>
      %get3A_1217 = arith.constant 2 : index
      %get3A_1218 = arith.constant 0 : index
      %get3A_1219 = arith.constant 0 : index
      %get3A_1220 = vector.load %arg7[%get3A_1217, %get3A_1218, %get3A_1219] : memref<64x256x128xf32, #tpu.memory_space<vmem>>, vector<1x256x128xf32>
      %get3A_1221 = vector.shape_cast %get3A_1220 : vector<1x256x128xf32> to vector<256x128xf32>
      %jit3A_1222 = arith.constant 0.000000e+00 : f32
      %broadcast_in_dim3A_1223 = vector.broadcast %jit3A_1222 : f32 to vector<256x128xf32>
      %select_n3A_1224 = arith.select %eq3A_1216, %get3A_1221, %broadcast_in_dim3A_1223 : vector<256x128xi1>, vector<256x128xf32>
      %reduce_sum3A_1225 = arith.constant dense<0.000000e+00> : vector<256xf32>
      %reduce_sum3A_1226 = vector.multi_reduction <add>, %select_n3A_1224, %reduce_sum3A_1225 [1] : vector<256x128xf32> to vector<256xf32>
      %broadcast_in_dim3A_1227 = vector.shape_cast %reduce_sum3A_1226 : vector<256xf32> to vector<1x256xf32>
      %swap3A_1228 = arith.constant 2 : index
      %swap3A_1229 = arith.constant 0 : index
      %swap3A_1230 = vector.load %arg6[%swap3A_1228, %swap3A_1229] : memref<64x256xf32, #tpu.memory_space<vmem>>, vector<1x256xf32>
      tpu.vector_store %arg6[%swap3A_1228, %swap3A_1229], %broadcast_in_dim3A_1227 {strides = array<i32>} : memref<64x256xf32, #tpu.memory_space<vmem>>, vector<1x256xf32>,
      %dma_wait3A_1231 = arith.constant 1 : i32
      %dma_wait3A_1232 = arith.constant 3 : i32
      %dma_wait3A_1233 = arith.constant 0 : i32
      %dma_wait3A_1234 = arith.constant 0 : i32
      %dma_wait3A_1235 = tpu.memref_slice %arg7[%dma_wait3A_1232, %dma_wait3A_1233, %dma_wait3A_1234] : memref<64x256x128xf32, #tpu.memory_space<vmem>> -> memref<1x256x128xf32, #tpu.memory_space<vmem>>
      %dma_wait3A_1236 = tpu.memref_squeeze %dma_wait3A_1235 : memref<1x256x128xf32, #tpu.memory_space<vmem>> -> memref<256x128xf32, #tpu.memory_space<vmem>>
      %dma_wait3A_1237 = arith.constant 0 : i32
      %dma_wait3A_1238 = tpu.memref_slice %arg3[%dma_wait3A_1231, %dma_wait3A_1237, %mul3A_170] : memref<32x256x4096xf32, #tpu.memory_space<hbm>> -> memref<1x256x128xf32, #tpu.memory_space<hbm>>
      %dma_wait3A_1239 = tpu.memref_squeeze %dma_wait3A_1238 : memref<1x256x128xf32, #tpu.memory_space<hbm>> -> memref<256x128xf32, #tpu.memory_space<hbm>>
      tpu.wait_dma2 semaphore(%arg9 : memref<!tpu.dma_semaphore, #tpu.memory_space<semaphore_mem>>) src(%dma_wait3A_1239 : memref<256x128xf32, #tpu.memory_space<hbm>>) dst(%dma_wait3A_1236 : memref<256x128xf32, #tpu.memory_space<vmem>>)
      %get3A_1240 = arith.constant 1 : index
      %get3A_1241 = arith.constant 1 : index
      %get3A_1242 = memref.load %arg1[%get3A_1240, %get3A_1241] : memref<32x16xi32, #tpu.memory_space<smem>>
      %and3A_1243 = arith.constant 127 : i32
      %and3A_1244 = arith.andi %get3A_1242, %and3A_1243 : i32
      %eq3A_1245 = vector.broadcast %and3A_1244 : i32 to vector<256x128xi32>
      %eq3A_1246 = arith.cmpi eq, %iota3A_1140, %eq3A_1245 : vector<256x128xi32>
      %get3A_1247 = arith.constant 3 : index
      %get3A_1248 = arith.constant 0 : index
      %get3A_1249 = arith.constant 0 : index
      %get3A_1250 = vector.load %arg7[%get3A_1247, %get3A_1248, %get3A_1249] : memref<64x256x128xf32, #tpu.memory_space<vmem>>, vector<1x256x128xf32>
      %get3A_1251 = vector.shape_cast %get3A_1250 : vector<1x256x128xf32> to vector<256x128xf32>
      %jit3A_1252 = arith.constant 0.000000e+00 : f32
      %broadcast_in_dim3A_1253 = vector.broadcast %jit3A_1252 : f32 to vector<256x128xf32>
      %select_n3A_1254 = arith.select %eq3A_1246, %get3A_1251, %broadcast_in_dim3A_1253 : vector<256x128xi1>, vector<256x128xf32>
      %reduce_sum3A_1255 = arith.constant dense<0.000000e+00> : vector<256xf32>
      %reduce_sum3A_1256 = vector.multi_reduction <add>, %select_n3A_1254, %reduce_sum3A_1255 [1] : vector<256x128xf32> to vector<256xf32>
      %broadcast_in_dim3A_1257 = vector.shape_cast %reduce_sum3A_1256 : vector<256xf32> to vector<1x256xf32>
      %swap3A_1258 = arith.constant 3 : index
      %swap3A_1259 = arith.constant 0 : index
      %swap3A_1260 = vector.load %arg6[%swap3A_1258, %swap3A_1259] : memref<64x256xf32, #tpu.memory_space<vmem>>, vector<1x256xf32>
      tpu.vector_store %arg6[%swap3A_1258, %swap3A_1259], %broadcast_in_dim3A_1257 {strides = array<i32>} : memref<64x256xf32, #tpu.memory_space<vmem>>, vector<1x256xf32>,
      %dma_wait3A_1261 = arith.constant 2 : i32
      %dma_wait3A_1262 = arith.constant 4 : i32
      %dma_wait3A_1263 = arith.constant 0 : i32
      %dma_wait3A_1264 = arith.constant 0 : i32
      %dma_wait3A_1265 = tpu.memref_slice %arg7[%dma_wait3A_1262, %dma_wait3A_1263, %dma_wait3A_1264] : memref<64x256x128xf32, #tpu.memory_space<vmem>> -> memref<1x256x128xf32, #tpu.memory_space<vmem>>
      %dma_wait3A_1266 = tpu.memref_squeeze %dma_wait3A_1265 : memref<1x256x128xf32, #tpu.memory_space<vmem>> -> memref<256x128xf32, #tpu.memory_space<vmem>>
      %dma_wait3A_1267 = arith.constant 0 : i32
      %dma_wait3A_1268 = tpu.memref_slice %arg3[%dma_wait3A_1261, %dma_wait3A_1267, %mul3A_186] : memref<32x256x4096xf32, #tpu.memory_space<hbm>> -> memref<1x256x128xf32, #tpu.memory_space<hbm>>
      %dma_wait3A_1269 = tpu.memref_squeeze %dma_wait3A_1268 : memref<1x256x128xf32, #tpu.memory_space<hbm>> -> memref<256x128xf32, #tpu.memory_space<hbm>>
      tpu.wait_dma2 semaphore(%arg9 : memref<!tpu.dma_semaphore, #tpu.memory_space<semaphore_mem>>) src(%dma_wait3A_1269 : memref<256x128xf32, #tpu.memory_space<hbm>>) dst(%dma_wait3A_1266 : memref<256x128xf32, #tpu.memory_space<vmem>>)
      %get3A_1270 = arith.constant 2 : index
      %get3A_1271 = arith.constant 0 : index
      %get3A_1272 = memref.load %arg1[%get3A_1270, %get3A_1271] : memref<32x16xi32, #tpu.memory_space<smem>>
      %and3A_1273 = arith.constant 127 : i32
      %and3A_1274 = arith.andi %get3A_1272, %and3A_1273 : i32
      %eq3A_1275 = vector.broadcast %and3A_1274 : i32 to vector<256x128xi32>
      %eq3A_1276 = arith.cmpi eq, %iota3A_1140, %eq3A_1275 : vector<256x128xi32>
      %get3A_1277 = arith.constant 4 : index
      %get3A_1278 = arith.constant 0 : index
      %get3A_1279 = arith.constant 0 : index
      %get3A_1280 = vector.load %arg7[%get3A_1277, %get3A_1278, %get3A_1279] : memref<64x256x128xf32, #tpu.memory_space<vmem>>, vector<1x256x128xf32>
      %get3A_1281 = vector.shape_cast %get3A_1280 : vector<1x256x128xf32> to vector<256x128xf32>
      %jit3A_1282 = arith.constant 0.000000e+00 : f32
      %broadcast_in_dim3A_1283 = vector.broadcast %jit3A_1282 : f32 to vector<256x128xf32>
      %select_n3A_1284 = arith.select %eq3A_1276, %get3A_1281, %broadcast_in_dim3A_1283 : vector<256x128xi1>, vector<256x128xf32>
      %reduce_sum3A_1285 = arith.constant dense<0.000000e+00> : vector<256xf32>
      %reduce_sum3A_1286 = vector.multi_reduction <add>, %select_n3A_1284, %reduce_sum3A_1285 [1] : vector<256x128xf32> to vector<256xf32>
      %broadcast_in_dim3A_1287 = vector.shape_cast %reduce_sum3A_1286 : vector<256xf32> to vector<1x256xf32>
      %swap3A_1288 = arith.constant 4 : index
      %swap3A_1289 = arith.constant 0 : index
      %swap3A_1290 = vector.load %arg6[%swap3A_1288, %swap3A_1289] : memref<64x256xf32, #tpu.memory_space<vmem>>, vector<1x256xf32>
      tpu.vector_store %arg6[%swap3A_1288, %swap3A_1289], %broadcast_in_dim3A_1287 {strides = array<i32>} : memref<64x256xf32, #tpu.memory_space<vmem>>, vector<1x256xf32>,
      %dma_wait3A_1291 = arith.constant 2 : i32
      %dma_wait3A_1292 = arith.constant 5 : i32
      %dma_wait3A_1293 = arith.constant 0 : i32
      %dma_wait3A_1294 = arith.constant 0 : i32
      %dma_wait3A_1295 = tpu.memref_slice %arg7[%dma_wait3A_1292, %dma_wait3A_1293, %dma_wait3A_1294] : memref<64x256x128xf32, #tpu.memory_space<vmem>> -> memref<1x256x128xf32, #tpu.memory_space<vmem>>
      %dma_wait3A_1296 = tpu.memref_squeeze %dma_wait3A_1295 : memref<1x256x128xf32, #tpu.memory_space<vmem>> -> memref<256x128xf32, #tpu.memory_space<vmem>>
      %dma_wait3A_1297 = arith.constant 0 : i32
      %dma_wait3A_1298 = tpu.memref_slice %arg3[%dma_wait3A_1291, %dma_wait3A_1297, %mul3A_202] : memref<32x256x4096xf32, #tpu.memory_space<hbm>> -> memref<1x256x128xf32, #tpu.memory_space<hbm>>
      %dma_wait3A_1299 = tpu.memref_squeeze %dma_wait3A_1298 : memref<1x256x128xf32, #tpu.memory_space<hbm>> -> memref<256x128xf32, #tpu.memory_space<hbm>>
      tpu.wait_dma2 semaphore(%arg9 : memref<!tpu.dma_semaphore, #tpu.memory_space<semaphore_mem>>) src(%dma_wait3A_1299 : memref<256x128xf32, #tpu.memory_space<hbm>>) dst(%dma_wait3A_1296 : memref<256x128xf32, #tpu.memory_space<vmem>>)
      %get3A_1300 = arith.constant 2 : index
      %get3A_1301 = arith.constant 1 : index
      %get3A_1302 = memref.load %arg1[%get3A_1300, %get3A_1301] : memref<32x16xi32, #tpu.memory_space<smem>>
      %and3A_1303 = arith.constant 127 : i32
      %and3A_1304 = arith.andi %get3A_1302, %and3A_1303 : i32
      %eq3A_1305 = vector.broadcast %and3A_1304 : i32 to vector<256x128xi32>
      %eq3A_1306 = arith.cmpi eq, %iota3A_1140, %eq3A_1305 : vector<256x128xi32>
      %get3A_1307 = arith.constant 5 : index
      %get3A_1308 = arith.constant 0 : index
      %get3A_1309 = arith.constant 0 : index
      %get3A_1310 = vector.load %arg7[%get3A_1307, %get3A_1308, %get3A_1309] : memref<64x256x128xf32, #tpu.memory_space<vmem>>, vector<1x256x128xf32>
      %get3A_1311 = vector.shape_cast %get3A_1310 : vector<1x256x128xf32> to vector<256x128xf32>
      %jit3A_1312 = arith.constant 0.000000e+00 : f32
      %broadcast_in_dim3A_1313 = vector.broadcast %jit3A_1312 : f32 to vector<256x128xf32>
      %select_n3A_1314 = arith.select %eq3A_1306, %get3A_1311, %broadcast_in_dim3A_1313 : vector<256x128xi1>, vector<256x128xf32>
      %reduce_sum3A_1315 = arith.constant dense<0.000000e+00> : vector<256xf32>
      %reduce_sum3A_1316 = vector.multi_reduction <add>, %select_n3A_1314, %reduce_sum3A_1315 [1] : vector<256x128xf32> to vector<256xf32>
      %broadcast_in_dim3A_1317 = vector.shape_cast %reduce_sum3A_1316 : vector<256xf32> to vector<1x256xf32>
      %swap3A_1318 = arith.constant 5 : index
      %swap3A_1319 = arith.constant 0 : index
      %swap3A_1320 = vector.load %arg6[%swap3A_1318, %swap3A_1319] : memref<64x256xf32, #tpu.memory_space<vmem>>, vector<1x256xf32>
      tpu.vector_store %arg6[%swap3A_1318, %swap3A_1319], %broadcast_in_dim3A_1317 {strides = array<i32>} : memref<64x256xf32, #tpu.memory_space<vmem>>, vector<1x256xf32>,
      %dma_wait3A_1321 = arith.constant 3 : i32
      %dma_wait3A_1322 = arith.constant 6 : i32
      %dma_wait3A_1323 = arith.constant 0 : i32
      %dma_wait3A_1324 = arith.constant 0 : i32
      %dma_wait3A_1325 = tpu.memref_slice %arg7[%dma_wait3A_1322, %dma_wait3A_1323, %dma_wait3A_1324] : memref<64x256x128xf32, #tpu.memory_space<vmem>> -> memref<1x256x128xf32, #tpu.memory_space<vmem>>
      %dma_wait3A_1326 = tpu.memref_squeeze %dma_wait3A_1325 : memref<1x256x128xf32, #tpu.memory_space<vmem>> -> memref<256x128xf32, #tpu.memory_space<vmem>>
      %dma_wait3A_1327 = arith.constant 0 : i32
      %dma_wait3A_1328 = tpu.memref_slice %arg3[%dma_wait3A_1321, %dma_wait3A_1327, %mul3A_218] : memref<32x256x4096xf32, #tpu.memory_space<hbm>> -> memref<1x256x128xf32, #tpu.memory_space<hbm>>
      %dma_wait3A_1329 = tpu.memref_squeeze %dma_wait3A_1328 : memref<1x256x128xf32, #tpu.memory_space<hbm>> -> memref<256x128xf32, #tpu.memory_space<hbm>>
      tpu.wait_dma2 semaphore(%arg9 : memref<!tpu.dma_semaphore, #tpu.memory_space<semaphore_mem>>) src(%dma_wait3A_1329 : memref<256x128xf32, #tpu.memory_space<hbm>>) dst(%dma_wait3A_1326 : memref<256x128xf32, #tpu.memory_space<vmem>>)
      %get3A_1330 = arith.constant 3 : index
      %get3A_1331 = arith.constant 0 : index
      %get3A_1332 = memref.load %arg1[%get3A_1330, %get3A_1331] : memref<32x16xi32, #tpu.memory_space<smem>>
      %and3A_1333 = arith.constant 127 : i32
      %and3A_1334 = arith.andi %get3A_1332, %and3A_1333 : i32
      %eq3A_1335 = vector.broadcast %and3A_1334 : i32 to vector<256x128xi32>
      %eq3A_1336 = arith.cmpi eq, %iota3A_1140, %eq3A_1335 : vector<256x128xi32>
      %get3A_1337 = arith.constant 6 : index
      %get3A_1338 = arith.constant 0 : index
      %get3A_1339 = arith.constant 0 : index
      %get3A_1340 = vector.load %arg7[%get3A_1337, %get3A_1338, %get3A_1339] : memref<64x256x128xf32, #tpu.memory_space<vmem>>, vector<1x256x128xf32>
      %get3A_1341 = vector.shape_cast %get3A_1340 : vector<1x256x128xf32> to vector<256x128xf32>
      %jit3A_1342 = arith.constant 0.000000e+00 : f32
      %broadcast_in_dim3A_1343 = vector.broadcast %jit3A_1342 : f32 to vector<256x128xf32>
      %select_n3A_1344 = arith.select %eq3A_1336, %get3A_1341, %broadcast_in_dim3A_1343 : vector<256x128xi1>, vector<256x128xf32>
      %reduce_sum3A_1345 = arith.constant dense<0.000000e+00> : vector<256xf32>
      %reduce_sum3A_1346 = vector.multi_reduction <add>, %select_n3A_1344, %reduce_sum3A_1345 [1] : vector<256x128xf32> to vector<256xf32>
      %broadcast_in_dim3A_1347 = vector.shape_cast %reduce_sum3A_1346 : vector<256xf32> to vector<1x256xf32>
      %swap3A_1348 = arith.constant 6 : index
      %swap3A_1349 = arith.constant 0 : index
      %swap3A_1350 = vector.load %arg6[%swap3A_1348, %swap3A_1349] : memref<64x256xf32, #tpu.memory_space<vmem>>, vector<1x256xf32>
      tpu.vector_store %arg6[%swap3A_1348, %swap3A_1349], %broadcast_in_dim3A_1347 {strides = array<i32>} : memref<64x256xf32, #tpu.memory_space<vmem>>, vector<1x256xf32>,
      %dma_wait3A_1351 = arith.constant 3 : i32
      %dma_wait3A_1352 = arith.constant 7 : i32
      %dma_wait3A_1353 = arith.constant 0 : i32
      %dma_wait3A_1354 = arith.constant 0 : i32
      %dma_wait3A_1355 = tpu.memref_slice %arg7[%dma_wait3A_1352, %dma_wait3A_1353, %dma_wait3A_1354] : memref<64x256x128xf32, #tpu.memory_space<vmem>> -> memref<1x256x128xf32, #tpu.memory_space<vmem>>
      %dma_wait3A_1356 = tpu.memref_squeeze %dma_wait3A_1355 : memref<1x256x128xf32, #tpu.memory_space<vmem>> -> memref<256x128xf32, #tpu.memory_space<vmem>>
      %dma_wait3A_1357 = arith.constant 0 : i32
      %dma_wait3A_1358 = tpu.memref_slice %arg3[%dma_wait3A_1351, %dma_wait3A_1357, %mul3A_234] : memref<32x256x4096xf32, #tpu.memory_space<hbm>> -> memref<1x256x128xf32, #tpu.memory_space<hbm>>
      %dma_wait3A_1359 = tpu.memref_squeeze %dma_wait3A_1358 : memref<1x256x128xf32, #tpu.memory_space<hbm>> -> memref<256x128xf32, #tpu.memory_space<hbm>>
      tpu.wait_dma2 semaphore(%arg9 : memref<!tpu.dma_semaphore, #tpu.memory_space<semaphore_mem>>) src(%dma_wait3A_1359 : memref<256x128xf32, #tpu.memory_space<hbm>>) dst(%dma_wait3A_1356 : memref<256x128xf32, #tpu.memory_space<vmem>>)
      %get3A_1360 = arith.constant 3 : index
      %get3A_1361 = arith.constant 1 : index
      %get3A_1362 = memref.load %arg1[%get3A_1360, %get3A_1361] : memref<32x16xi32, #tpu.memory_space<smem>>
      %and3A_1363 = arith.constant 127 : i32
      %and3A_1364 = arith.andi %get3A_1362, %and3A_1363 : i32
      %eq3A_1365 = vector.broadcast %and3A_1364 : i32 to vector<256x128xi32>
      %eq3A_1366 = arith.cmpi eq, %iota3A_1140, %eq3A_1365 : vector<256x128xi32>
      %get3A_1367 = arith.constant 7 : index
      %get3A_1368 = arith.constant 0 : index
      %get3A_1369 = arith.constant 0 : index
      %get3A_1370 = vector.load %arg7[%get3A_1367, %get3A_1368, %get3A_1369] : memref<64x256x128xf32, #tpu.memory_space<vmem>>, vector<1x256x128xf32>
      %get3A_1371 = vector.shape_cast %get3A_1370 : vector<1x256x128xf32> to vector<256x128xf32>
      %jit3A_1372 = arith.constant 0.000000e+00 : f32
      %broadcast_in_dim3A_1373 = vector.broadcast %jit3A_1372 : f32 to vector<256x128xf32>
      %select_n3A_1374 = arith.select %eq3A_1366, %get3A_1371, %broadcast_in_dim3A_1373 : vector<256x128xi1>, vector<256x128xf32>
      %reduce_sum3A_1375 = arith.constant dense<0.000000e+00> : vector<256xf32>
      %reduce_sum3A_1376 = vector.multi_reduction <add>, %select_n3A_1374, %reduce_sum3A_1375 [1] : vector<256x128xf32> to vector<256xf32>
      %broadcast_in_dim3A_1377 = vector.shape_cast %reduce_sum3A_1376 : vector<256xf32> to vector<1x256xf32>
      %swap3A_1378 = arith.constant 7 : index
      %swap3A_1379 = arith.constant 0 : index
      %swap3A_1380 = vector.load %arg6[%swap3A_1378, %swap3A_1379] : memref<64x256xf32, #tpu.memory_space<vmem>>, vector<1x256xf32>
      tpu.vector_store %arg6[%swap3A_1378, %swap3A_1379], %broadcast_in_dim3A_1377 {strides = array<i32>} : memref<64x256xf32, #tpu.memory_space<vmem>>, vector<1x256xf32>,
      %dma_wait3A_1381 = arith.constant 4 : i32
      %dma_wait3A_1382 = arith.constant 8 : i32
      %dma_wait3A_1383 = arith.constant 0 : i32
      %dma_wait3A_1384 = arith.constant 0 : i32
      %dma_wait3A_1385 = tpu.memref_slice %arg7[%dma_wait3A_1382, %dma_wait3A_1383, %dma_wait3A_1384] : memref<64x256x128xf32, #tpu.memory_space<vmem>> -> memref<1x256x128xf32, #tpu.memory_space<vmem>>
      %dma_wait3A_1386 = tpu.memref_squeeze %dma_wait3A_1385 : memref<1x256x128xf32, #tpu.memory_space<vmem>> -> memref<256x128xf32, #tpu.memory_space<vmem>>
      %dma_wait3A_1387 = arith.constant 0 : i32
      %dma_wait3A_1388 = tpu.memref_slice %arg3[%dma_wait3A_1381, %dma_wait3A_1387, %mul3A_250] : memref<32x256x4096xf32, #tpu.memory_space<hbm>> -> memref<1x256x128xf32, #tpu.memory_space<hbm>>
      %dma_wait3A_1389 = tpu.memref_squeeze %dma_wait3A_1388 : memref<1x256x128xf32, #tpu.memory_space<hbm>> -> memref<256x128xf32, #tpu.memory_space<hbm>>
      tpu.wait_dma2 semaphore(%arg9 : memref<!tpu.dma_semaphore, #tpu.memory_space<semaphore_mem>>) src(%dma_wait3A_1389 : memref<256x128xf32, #tpu.memory_space<hbm>>) dst(%dma_wait3A_1386 : memref<256x128xf32, #tpu.memory_space<vmem>>)
      %get3A_1390 = arith.constant 4 : index
      %get3A_1391 = arith.constant 0 : index
      %get3A_1392 = memref.load %arg1[%get3A_1390, %get3A_1391] : memref<32x16xi32, #tpu.memory_space<smem>>
      %and3A_1393 = arith.constant 127 : i32
      %and3A_1394 = arith.andi %get3A_1392, %and3A_1393 : i32
      %eq3A_1395 = vector.broadcast %and3A_1394 : i32 to vector<256x128xi32>
      %eq3A_1396 = arith.cmpi eq, %iota3A_1140, %eq3A_1395 : vector<256x128xi32>
      %get3A_1397 = arith.constant 8 : index
      %get3A_1398 = arith.constant 0 : index
      %get3A_1399 = arith.constant 0 : index
      %get3A_1400 = vector.load %arg7[%get3A_1397, %get3A_1398, %get3A_1399] : memref<64x256x128xf32, #tpu.memory_space<vmem>>, vector<1x256x128xf32>
      %get3A_1401 = vector.shape_cast %get3A_1400 : vector<1x256x128xf32> to vector<256x128xf32>
      %jit3A_1402 = arith.constant 0.000000e+00 : f32
      %broadcast_in_dim3A_1403 = vector.broadcast %jit3A_1402 : f32 to vector<256x128xf32>
      %select_n3A_1404 = arith.select %eq3A_1396, %get3A_1401, %broadcast_in_dim3A_1403 : vector<256x128xi1>, vector<256x128xf32>
      %reduce_sum3A_1405 = arith.constant dense<0.000000e+00> : vector<256xf32>
      %reduce_sum3A_1406 = vector.multi_reduction <add>, %select_n3A_1404, %reduce_sum3A_1405 [1] : vector<256x128xf32> to vector<256xf32>
      %broadcast_in_dim3A_1407 = vector.shape_cast %reduce_sum3A_1406 : vector<256xf32> to vector<1x256xf32>
      %swap3A_1408 = arith.constant 8 : index
      %swap3A_1409 = arith.constant 0 : index
      %swap3A_1410 = vector.load %arg6[%swap3A_1408, %swap3A_1409] : memref<64x256xf32, #tpu.memory_space<vmem>>, vector<1x256xf32>
      tpu.vector_store %arg6[%swap3A_1408, %swap3A_1409], %broadcast_in_dim3A_1407 {strides = array<i32>} : memref<64x256xf32, #tpu.memory_space<vmem>>, vector<1x256xf32>,
      %dma_wait3A_1411 = arith.constant 4 : i32
      %dma_wait3A_1412 = arith.constant 9 : i32
      %dma_wait3A_1413 = arith.constant 0 : i32
      %dma_wait3A_1414 = arith.constant 0 : i32
      %dma_wait3A_1415 = tpu.memref_slice %arg7[%dma_wait3A_1412, %dma_wait3A_1413, %dma_wait3A_1414] : memref<64x256x128xf32, #tpu.memory_space<vmem>> -> memref<1x256x128xf32, #tpu.memory_space<vmem>>
      %dma_wait3A_1416 = tpu.memref_squeeze %dma_wait3A_1415 : memref<1x256x128xf32, #tpu.memory_space<vmem>> -> memref<256x128xf32, #tpu.memory_space<vmem>>
      %dma_wait3A_1417 = arith.constant 0 : i32
      %dma_wait3A_1418 = tpu.memref_slice %arg3[%dma_wait3A_1411, %dma_wait3A_1417, %mul3A_266] : memref<32x256x4096xf32, #tpu.memory_space<hbm>> -> memref<1x256x128xf32, #tpu.memory_space<hbm>>
      %dma_wait3A_1419 = tpu.memref_squeeze %dma_wait3A_1418 : memref<1x256x128xf32, #tpu.memory_space<hbm>> -> memref<256x128xf32, #tpu.memory_space<hbm>>
      tpu.wait_dma2 semaphore(%arg9 : memref<!tpu.dma_semaphore, #tpu.memory_space<semaphore_mem>>) src(%dma_wait3A_1419 : memref<256x128xf32, #tpu.memory_space<hbm>>) dst(%dma_wait3A_1416 : memref<256x128xf32, #tpu.memory_space<vmem>>)
      %get3A_1420 = arith.constant 4 : index
      %get3A_1421 = arith.constant 1 : index
      %get3A_1422 = memref.load %arg1[%get3A_1420, %get3A_1421] : memref<32x16xi32, #tpu.memory_space<smem>>
      %and3A_1423 = arith.constant 127 : i32
      %and3A_1424 = arith.andi %get3A_1422, %and3A_1423 : i32
      %eq3A_1425 = vector.broadcast %and3A_1424 : i32 to vector<256x128xi32>
      %eq3A_1426 = arith.cmpi eq, %iota3A_1140, %eq3A_1425 : vector<256x128xi32>
      %get3A_1427 = arith.constant 9 : index
      %get3A_1428 = arith.constant 0 : index
      %get3A_1429 = arith.constant 0 : index
      %get3A_1430 = vector.load %arg7[%get3A_1427, %get3A_1428, %get3A_1429] : memref<64x256x128xf32, #tpu.memory_space<vmem>>, vector<1x256x128xf32>
      %get3A_1431 = vector.shape_cast %get3A_1430 : vector<1x256x128xf32> to vector<256x128xf32>
      %jit3A_1432 = arith.constant 0.000000e+00 : f32
      %broadcast_in_dim3A_1433 = vector.broadcast %jit3A_1432 : f32 to vector<256x128xf32>
      %select_n3A_1434 = arith.select %eq3A_1426, %get3A_1431, %broadcast_in_dim3A_1433 : vector<256x128xi1>, vector<256x128xf32>
      %reduce_sum3A_1435 = arith.constant dense<0.000000e+00> : vector<256xf32>
      %reduce_sum3A_1436 = vector.multi_reduction <add>, %select_n3A_1434, %reduce_sum3A_1435 [1] : vector<256x128xf32> to vector<256xf32>
      %broadcast_in_dim3A_1437 = vector.shape_cast %reduce_sum3A_1436 : vector<256xf32> to vector<1x256xf32>
      %swap3A_1438 = arith.constant 9 : index
      %swap3A_1439 = arith.constant 0 : index
      %swap3A_1440 = vector.load %arg6[%swap3A_1438, %swap3A_1439] : memref<64x256xf32, #tpu.memory_space<vmem>>, vector<1x256xf32>
      tpu.vector_store %arg6[%swap3A_1438, %swap3A_1439], %broadcast_in_dim3A_1437 {strides = array<i32>} : memref<64x256xf32, #tpu.memory_space<vmem>>, vector<1x256xf32>,
      %dma_wait3A_1441 = arith.constant 5 : i32
      %dma_wait3A_1442 = arith.constant 10 : i32
      %dma_wait3A_1443 = arith.constant 0 : i32
      %dma_wait3A_1444 = arith.constant 0 : i32
      %dma_wait3A_1445 = tpu.memref_slice %arg7[%dma_wait3A_1442, %dma_wait3A_1443, %dma_wait3A_1444] : memref<64x256x128xf32, #tpu.memory_space<vmem>> -> memref<1x256x128xf32, #tpu.memory_space<vmem>>
      %dma_wait3A_1446 = tpu.memref_squeeze %dma_wait3A_1445 : memref<1x256x128xf32, #tpu.memory_space<vmem>> -> memref<256x128xf32, #tpu.memory_space<vmem>>
      %dma_wait3A_1447 = arith.constant 0 : i32
      %dma_wait3A_1448 = tpu.memref_slice %arg3[%dma_wait3A_1441, %dma_wait3A_1447, %mul3A_282] : memref<32x256x4096xf32, #tpu.memory_space<hbm>> -> memref<1x256x128xf32, #tpu.memory_space<hbm>>
      %dma_wait3A_1449 = tpu.memref_squeeze %dma_wait3A_1448 : memref<1x256x128xf32, #tpu.memory_space<hbm>> -> memref<256x128xf32, #tpu.memory_space<hbm>>
      tpu.wait_dma2 semaphore(%arg9 : memref<!tpu.dma_semaphore, #tpu.memory_space<semaphore_mem>>) src(%dma_wait3A_1449 : memref<256x128xf32, #tpu.memory_space<hbm>>) dst(%dma_wait3A_1446 : memref<256x128xf32, #tpu.memory_space<vmem>>)
      %get3A_1450 = arith.constant 5 : index
      %get3A_1451 = arith.constant 0 : index
      %get3A_1452 = memref.load %arg1[%get3A_1450, %get3A_1451] : memref<32x16xi32, #tpu.memory_space<smem>>
      %and3A_1453 = arith.constant 127 : i32
      %and3A_1454 = arith.andi %get3A_1452, %and3A_1453 : i32
      %eq3A_1455 = vector.broadcast %and3A_1454 : i32 to vector<256x128xi32>
      %eq3A_1456 = arith.cmpi eq, %iota3A_1140, %eq3A_1455 : vector<256x128xi32>
      %get3A_1457 = arith.constant 10 : index
      %get3A_1458 = arith.constant 0 : index
      %get3A_1459 = arith.constant 0 : index
      %get3A_1460 = vector.load %arg7[%get3A_1457, %get3A_1458, %get3A_1459] : memref<64x256x128xf32, #tpu.memory_space<vmem>>, vector<1x256x128xf32>
      %get3A_1461 = vector.shape_cast %get3A_1460 : vector<1x256x128xf32> to vector<256x128xf32>
      %jit3A_1462 = arith.constant 0.000000e+00 : f32
      %broadcast_in_dim3A_1463 = vector.broadcast %jit3A_1462 : f32 to vector<256x128xf32>
      %select_n3A_1464 = arith.select %eq3A_1456, %get3A_1461, %broadcast_in_dim3A_1463 : vector<256x128xi1>, vector<256x128xf32>
      %reduce_sum3A_1465 = arith.constant dense<0.000000e+00> : vector<256xf32>
      %reduce_sum3A_1466 = vector.multi_reduction <add>, %select_n3A_1464, %reduce_sum3A_1465 [1] : vector<256x128xf32> to vector<256xf32>
      %broadcast_in_dim3A_1467 = vector.shape_cast %reduce_sum3A_1466 : vector<256xf32> to vector<1x256xf32>
      %swap3A_1468 = arith.constant 10 : index
      %swap3A_1469 = arith.constant 0 : index
      %swap3A_1470 = vector.load %arg6[%swap3A_1468, %swap3A_1469] : memref<64x256xf32, #tpu.memory_space<vmem>>, vector<1x256xf32>
      tpu.vector_store %arg6[%swap3A_1468, %swap3A_1469], %broadcast_in_dim3A_1467 {strides = array<i32>} : memref<64x256xf32, #tpu.memory_space<vmem>>, vector<1x256xf32>,
      %dma_wait3A_1471 = arith.constant 5 : i32
      %dma_wait3A_1472 = arith.constant 11 : i32
      %dma_wait3A_1473 = arith.constant 0 : i32
      %dma_wait3A_1474 = arith.constant 0 : i32
      %dma_wait3A_1475 = tpu.memref_slice %arg7[%dma_wait3A_1472, %dma_wait3A_1473, %dma_wait3A_1474] : memref<64x256x128xf32, #tpu.memory_space<vmem>> -> memref<1x256x128xf32, #tpu.memory_space<vmem>>
      %dma_wait3A_1476 = tpu.memref_squeeze %dma_wait3A_1475 : memref<1x256x128xf32, #tpu.memory_space<vmem>> -> memref<256x128xf32, #tpu.memory_space<vmem>>
      %dma_wait3A_1477 = arith.constant 0 : i32
      %dma_wait3A_1478 = tpu.memref_slice %arg3[%dma_wait3A_1471, %dma_wait3A_1477, %mul3A_298] : memref<32x256x4096xf32, #tpu.memory_space<hbm>> -> memref<1x256x128xf32, #tpu.memory_space<hbm>>
      %dma_wait3A_1479 = tpu.memref_squeeze %dma_wait3A_1478 : memref<1x256x128xf32, #tpu.memory_space<hbm>> -> memref<256x128xf32, #tpu.memory_space<hbm>>
      tpu.wait_dma2 semaphore(%arg9 : memref<!tpu.dma_semaphore, #tpu.memory_space<semaphore_mem>>) src(%dma_wait3A_1479 : memref<256x128xf32, #tpu.memory_space<hbm>>) dst(%dma_wait3A_1476 : memref<256x128xf32, #tpu.memory_space<vmem>>)
      %get3A_1480 = arith.constant 5 : index
      %get3A_1481 = arith.constant 1 : index
      %get3A_1482 = memref.load %arg1[%get3A_1480, %get3A_1481] : memref<32x16xi32, #tpu.memory_space<smem>>
      %and3A_1483 = arith.constant 127 : i32
      %and3A_1484 = arith.andi %get3A_1482, %and3A_1483 : i32
      %eq3A_1485 = vector.broadcast %and3A_1484 : i32 to vector<256x128xi32>
      %eq3A_1486 = arith.cmpi eq, %iota3A_1140, %eq3A_1485 : vector<256x128xi32>
      %get3A_1487 = arith.constant 11 : index
      %get3A_1488 = arith.constant 0 : index
      %get3A_1489 = arith.constant 0 : index
      %get3A_1490 = vector.load %arg7[%get3A_1487, %get3A_1488, %get3A_1489] : memref<64x256x128xf32, #tpu.memory_space<vmem>>, vector<1x256x128xf32>
      %get3A_1491 = vector.shape_cast %get3A_1490 : vector<1x256x128xf32> to vector<256x128xf32>
      %jit3A_1492 = arith.constant 0.000000e+00 : f32
      %broadcast_in_dim3A_1493 = vector.broadcast %jit3A_1492 : f32 to vector<256x128xf32>
      %select_n3A_1494 = arith.select %eq3A_1486, %get3A_1491, %broadcast_in_dim3A_1493 : vector<256x128xi1>, vector<256x128xf32>
      %reduce_sum3A_1495 = arith.constant dense<0.000000e+00> : vector<256xf32>
      %reduce_sum3A_1496 = vector.multi_reduction <add>, %select_n3A_1494, %reduce_sum3A_1495 [1] : vector<256x128xf32> to vector<256xf32>
      %broadcast_in_dim3A_1497 = vector.shape_cast %reduce_sum3A_1496 : vector<256xf32> to vector<1x256xf32>
      %swap3A_1498 = arith.constant 11 : index
      %swap3A_1499 = arith.constant 0 : index
      %swap3A_1500 = vector.load %arg6[%swap3A_1498, %swap3A_1499] : memref<64x256xf32, #tpu.memory_space<vmem>>, vector<1x256xf32>
      tpu.vector_store %arg6[%swap3A_1498, %swap3A_1499], %broadcast_in_dim3A_1497 {strides = array<i32>} : memref<64x256xf32, #tpu.memory_space<vmem>>, vector<1x256xf32>,
      %dma_wait3A_1501 = arith.constant 6 : i32
      %dma_wait3A_1502 = arith.constant 12 : i32
      %dma_wait3A_1503 = arith.constant 0 : i32
      %dma_wait3A_1504 = arith.constant 0 : i32
      %dma_wait3A_1505 = tpu.memref_slice %arg7[%dma_wait3A_1502, %dma_wait3A_1503, %dma_wait3A_1504] : memref<64x256x128xf32, #tpu.memory_space<vmem>> -> memref<1x256x128xf32, #tpu.memory_space<vmem>>
      %dma_wait3A_1506 = tpu.memref_squeeze %dma_wait3A_1505 : memref<1x256x128xf32, #tpu.memory_space<vmem>> -> memref<256x128xf32, #tpu.memory_space<vmem>>
      %dma_wait3A_1507 = arith.constant 0 : i32
      %dma_wait3A_1508 = tpu.memref_slice %arg3[%dma_wait3A_1501, %dma_wait3A_1507, %mul3A_314] : memref<32x256x4096xf32, #tpu.memory_space<hbm>> -> memref<1x256x128xf32, #tpu.memory_space<hbm>>
      %dma_wait3A_1509 = tpu.memref_squeeze %dma_wait3A_1508 : memref<1x256x128xf32, #tpu.memory_space<hbm>> -> memref<256x128xf32, #tpu.memory_space<hbm>>
      tpu.wait_dma2 semaphore(%arg9 : memref<!tpu.dma_semaphore, #tpu.memory_space<semaphore_mem>>) src(%dma_wait3A_1509 : memref<256x128xf32, #tpu.memory_space<hbm>>) dst(%dma_wait3A_1506 : memref<256x128xf32, #tpu.memory_space<vmem>>)
      %get3A_1510 = arith.constant 6 : index
      %get3A_1511 = arith.constant 0 : index
      %get3A_1512 = memref.load %arg1[%get3A_1510, %get3A_1511] : memref<32x16xi32, #tpu.memory_space<smem>>
      %and3A_1513 = arith.constant 127 : i32
      %and3A_1514 = arith.andi %get3A_1512, %and3A_1513 : i32
      %eq3A_1515 = vector.broadcast %and3A_1514 : i32 to vector<256x128xi32>
      %eq3A_1516 = arith.cmpi eq, %iota3A_1140, %eq3A_1515 : vector<256x128xi32>
      %get3A_1517 = arith.constant 12 : index
      %get3A_1518 = arith.constant 0 : index
      %get3A_1519 = arith.constant 0 : index
      %get3A_1520 = vector.load %arg7[%get3A_1517, %get3A_1518, %get3A_1519] : memref<64x256x128xf32, #tpu.memory_space<vmem>>, vector<1x256x128xf32>
      %get3A_1521 = vector.shape_cast %get3A_1520 : vector<1x256x128xf32> to vector<256x128xf32>
      %jit3A_1522 = arith.constant 0.000000e+00 : f32
      %broadcast_in_dim3A_1523 = vector.broadcast %jit3A_1522 : f32 to vector<256x128xf32>
      %select_n3A_1524 = arith.select %eq3A_1516, %get3A_1521, %broadcast_in_dim3A_1523 : vector<256x128xi1>, vector<256x128xf32>
      %reduce_sum3A_1525 = arith.constant dense<0.000000e+00> : vector<256xf32>
      %reduce_sum3A_1526 = vector.multi_reduction <add>, %select_n3A_1524, %reduce_sum3A_1525 [1] : vector<256x128xf32> to vector<256xf32>
      %broadcast_in_dim3A_1527 = vector.shape_cast %reduce_sum3A_1526 : vector<256xf32> to vector<1x256xf32>
      %swap3A_1528 = arith.constant 12 : index
      %swap3A_1529 = arith.constant 0 : index
      %swap3A_1530 = vector.load %arg6[%swap3A_1528, %swap3A_1529] : memref<64x256xf32, #tpu.memory_space<vmem>>, vector<1x256xf32>
      tpu.vector_store %arg6[%swap3A_1528, %swap3A_1529], %broadcast_in_dim3A_1527 {strides = array<i32>} : memref<64x256xf32, #tpu.memory_space<vmem>>, vector<1x256xf32>,
      %dma_wait3A_1531 = arith.constant 6 : i32
      %dma_wait3A_1532 = arith.constant 13 : i32
      %dma_wait3A_1533 = arith.constant 0 : i32
      %dma_wait3A_1534 = arith.constant 0 : i32
      %dma_wait3A_1535 = tpu.memref_slice %arg7[%dma_wait3A_1532, %dma_wait3A_1533, %dma_wait3A_1534] : memref<64x256x128xf32, #tpu.memory_space<vmem>> -> memref<1x256x128xf32, #tpu.memory_space<vmem>>
      %dma_wait3A_1536 = tpu.memref_squeeze %dma_wait3A_1535 : memref<1x256x128xf32, #tpu.memory_space<vmem>> -> memref<256x128xf32, #tpu.memory_space<vmem>>
      %dma_wait3A_1537 = arith.constant 0 : i32
      %dma_wait3A_1538 = tpu.memref_slice %arg3[%dma_wait3A_1531, %dma_wait3A_1537, %mul3A_330] : memref<32x256x4096xf32, #tpu.memory_space<hbm>> -> memref<1x256x128xf32, #tpu.memory_space<hbm>>
      %dma_wait3A_1539 = tpu.memref_squeeze %dma_wait3A_1538 : memref<1x256x128xf32, #tpu.memory_space<hbm>> -> memref<256x128xf32, #tpu.memory_space<hbm>>
      tpu.wait_dma2 semaphore(%arg9 : memref<!tpu.dma_semaphore, #tpu.memory_space<semaphore_mem>>) src(%dma_wait3A_1539 : memref<256x128xf32, #tpu.memory_space<hbm>>) dst(%dma_wait3A_1536 : memref<256x128xf32, #tpu.memory_space<vmem>>)
      %get3A_1540 = arith.constant 6 : index
      %get3A_1541 = arith.constant 1 : index
      %get3A_1542 = memref.load %arg1[%get3A_1540, %get3A_1541] : memref<32x16xi32, #tpu.memory_space<smem>>
      %and3A_1543 = arith.constant 127 : i32
      %and3A_1544 = arith.andi %get3A_1542, %and3A_1543 : i32
      %eq3A_1545 = vector.broadcast %and3A_1544 : i32 to vector<256x128xi32>
      %eq3A_1546 = arith.cmpi eq, %iota3A_1140, %eq3A_1545 : vector<256x128xi32>
      %get3A_1547 = arith.constant 13 : index
      %get3A_1548 = arith.constant 0 : index
      %get3A_1549 = arith.constant 0 : index
      %get3A_1550 = vector.load %arg7[%get3A_1547, %get3A_1548, %get3A_1549] : memref<64x256x128xf32, #tpu.memory_space<vmem>>, vector<1x256x128xf32>
      %get3A_1551 = vector.shape_cast %get3A_1550 : vector<1x256x128xf32> to vector<256x128xf32>
      %jit3A_1552 = arith.constant 0.000000e+00 : f32
      %broadcast_in_dim3A_1553 = vector.broadcast %jit3A_1552 : f32 to vector<256x128xf32>
      %select_n3A_1554 = arith.select %eq3A_1546, %get3A_1551, %broadcast_in_dim3A_1553 : vector<256x128xi1>, vector<256x128xf32>
      %reduce_sum3A_1555 = arith.constant dense<0.000000e+00> : vector<256xf32>
      %reduce_sum3A_1556 = vector.multi_reduction <add>, %select_n3A_1554, %reduce_sum3A_1555 [1] : vector<256x128xf32> to vector<256xf32>
      %broadcast_in_dim3A_1557 = vector.shape_cast %reduce_sum3A_1556 : vector<256xf32> to vector<1x256xf32>
      %swap3A_1558 = arith.constant 13 : index
      %swap3A_1559 = arith.constant 0 : index
      %swap3A_1560 = vector.load %arg6[%swap3A_1558, %swap3A_1559] : memref<64x256xf32, #tpu.memory_space<vmem>>, vector<1x256xf32>
      tpu.vector_store %arg6[%swap3A_1558, %swap3A_1559], %broadcast_in_dim3A_1557 {strides = array<i32>} : memref<64x256xf32, #tpu.memory_space<vmem>>, vector<1x256xf32>,
      %dma_wait3A_1561 = arith.constant 7 : i32
      %dma_wait3A_1562 = arith.constant 14 : i32
      %dma_wait3A_1563 = arith.constant 0 : i32
      %dma_wait3A_1564 = arith.constant 0 : i32
      %dma_wait3A_1565 = tpu.memref_slice %arg7[%dma_wait3A_1562, %dma_wait3A_1563, %dma_wait3A_1564] : memref<64x256x128xf32, #tpu.memory_space<vmem>> -> memref<1x256x128xf32, #tpu.memory_space<vmem>>
      %dma_wait3A_1566 = tpu.memref_squeeze %dma_wait3A_1565 : memref<1x256x128xf32, #tpu.memory_space<vmem>> -> memref<256x128xf32, #tpu.memory_space<vmem>>
      %dma_wait3A_1567 = arith.constant 0 : i32
      %dma_wait3A_1568 = tpu.memref_slice %arg3[%dma_wait3A_1561, %dma_wait3A_1567, %mul3A_346] : memref<32x256x4096xf32, #tpu.memory_space<hbm>> -> memref<1x256x128xf32, #tpu.memory_space<hbm>>
      %dma_wait3A_1569 = tpu.memref_squeeze %dma_wait3A_1568 : memref<1x256x128xf32, #tpu.memory_space<hbm>> -> memref<256x128xf32, #tpu.memory_space<hbm>>
      tpu.wait_dma2 semaphore(%arg9 : memref<!tpu.dma_semaphore, #tpu.memory_space<semaphore_mem>>) src(%dma_wait3A_1569 : memref<256x128xf32, #tpu.memory_space<hbm>>) dst(%dma_wait3A_1566 : memref<256x128xf32, #tpu.memory_space<vmem>>)
      %get3A_1570 = arith.constant 7 : index
      %get3A_1571 = arith.constant 0 : index
      %get3A_1572 = memref.load %arg1[%get3A_1570, %get3A_1571] : memref<32x16xi32, #tpu.memory_space<smem>>
      %and3A_1573 = arith.constant 127 : i32
      %and3A_1574 = arith.andi %get3A_1572, %and3A_1573 : i32
      %eq3A_1575 = vector.broadcast %and3A_1574 : i32 to vector<256x128xi32>
      %eq3A_1576 = arith.cmpi eq, %iota3A_1140, %eq3A_1575 : vector<256x128xi32>
      %get3A_1577 = arith.constant 14 : index
      %get3A_1578 = arith.constant 0 : index
      %get3A_1579 = arith.constant 0 : index
      %get3A_1580 = vector.load %arg7[%get3A_1577, %get3A_1578, %get3A_1579] : memref<64x256x128xf32, #tpu.memory_space<vmem>>, vector<1x256x128xf32>
      %get3A_1581 = vector.shape_cast %get3A_1580 : vector<1x256x128xf32> to vector<256x128xf32>
      %jit3A_1582 = arith.constant 0.000000e+00 : f32
      %broadcast_in_dim3A_1583 = vector.broadcast %jit3A_1582 : f32 to vector<256x128xf32>
      %select_n3A_1584 = arith.select %eq3A_1576, %get3A_1581, %broadcast_in_dim3A_1583 : vector<256x128xi1>, vector<256x128xf32>
      %reduce_sum3A_1585 = arith.constant dense<0.000000e+00> : vector<256xf32>
      %reduce_sum3A_1586 = vector.multi_reduction <add>, %select_n3A_1584, %reduce_sum3A_1585 [1] : vector<256x128xf32> to vector<256xf32>
      %broadcast_in_dim3A_1587 = vector.shape_cast %reduce_sum3A_1586 : vector<256xf32> to vector<1x256xf32>
      %swap3A_1588 = arith.constant 14 : index
      %swap3A_1589 = arith.constant 0 : index
      %swap3A_1590 = vector.load %arg6[%swap3A_1588, %swap3A_1589] : memref<64x256xf32, #tpu.memory_space<vmem>>, vector<1x256xf32>
      tpu.vector_store %arg6[%swap3A_1588, %swap3A_1589], %broadcast_in_dim3A_1587 {strides = array<i32>} : memref<64x256xf32, #tpu.memory_space<vmem>>, vector<1x256xf32>,
      %dma_wait3A_1591 = arith.constant 7 : i32
      %dma_wait3A_1592 = arith.constant 15 : i32
      %dma_wait3A_1593 = arith.constant 0 : i32
      %dma_wait3A_1594 = arith.constant 0 : i32
      %dma_wait3A_1595 = tpu.memref_slice %arg7[%dma_wait3A_1592, %dma_wait3A_1593, %dma_wait3A_1594] : memref<64x256x128xf32, #tpu.memory_space<vmem>> -> memref<1x256x128xf32, #tpu.memory_space<vmem>>
      %dma_wait3A_1596 = tpu.memref_squeeze %dma_wait3A_1595 : memref<1x256x128xf32, #tpu.memory_space<vmem>> -> memref<256x128xf32, #tpu.memory_space<vmem>>
      %dma_wait3A_1597 = arith.constant 0 : i32
      %dma_wait3A_1598 = tpu.memref_slice %arg3[%dma_wait3A_1591, %dma_wait3A_1597, %mul3A_362] : memref<32x256x4096xf32, #tpu.memory_space<hbm>> -> memref<1x256x128xf32, #tpu.memory_space<hbm>>
      %dma_wait3A_1599 = tpu.memref_squeeze %dma_wait3A_1598 : memref<1x256x128xf32, #tpu.memory_space<hbm>> -> memref<256x128xf32, #tpu.memory_space<hbm>>
      tpu.wait_dma2 semaphore(%arg9 : memref<!tpu.dma_semaphore, #tpu.memory_space<semaphore_mem>>) src(%dma_wait3A_1599 : memref<256x128xf32, #tpu.memory_space<hbm>>) dst(%dma_wait3A_1596 : memref<256x128xf32, #tpu.memory_space<vmem>>)
      %get3A_1600 = arith.constant 7 : index
      %get3A_1601 = arith.constant 1 : index
      %get3A_1602 = memref.load %arg1[%get3A_1600, %get3A_1601] : memref<32x16xi32, #tpu.memory_space<smem>>
      %and3A_1603 = arith.constant 127 : i32
      %and3A_1604 = arith.andi %get3A_1602, %and3A_1603 : i32
      %eq3A_1605 = vector.broadcast %and3A_1604 : i32 to vector<256x128xi32>
      %eq3A_1606 = arith.cmpi eq, %iota3A_1140, %eq3A_1605 : vector<256x128xi32>
      %get3A_1607 = arith.constant 15 : index
      %get3A_1608 = arith.constant 0 : index
      %get3A_1609 = arith.constant 0 : index
      %get3A_1610 = vector.load %arg7[%get3A_1607, %get3A_1608, %get3A_1609] : memref<64x256x128xf32, #tpu.memory_space<vmem>>, vector<1x256x128xf32>
      %get3A_1611 = vector.shape_cast %get3A_1610 : vector<1x256x128xf32> to vector<256x128xf32>
      %jit3A_1612 = arith.constant 0.000000e+00 : f32
      %broadcast_in_dim3A_1613 = vector.broadcast %jit3A_1612 : f32 to vector<256x128xf32>
      %select_n3A_1614 = arith.select %eq3A_1606, %get3A_1611, %broadcast_in_dim3A_1613 : vector<256x128xi1>, vector<256x128xf32>
      %reduce_sum3A_1615 = arith.constant dense<0.000000e+00> : vector<256xf32>
      %reduce_sum3A_1616 = vector.multi_reduction <add>, %select_n3A_1614, %reduce_sum3A_1615 [1] : vector<256x128xf32> to vector<256xf32>
      %broadcast_in_dim3A_1617 = vector.shape_cast %reduce_sum3A_1616 : vector<256xf32> to vector<1x256xf32>
      %swap3A_1618 = arith.constant 15 : index
      %swap3A_1619 = arith.constant 0 : index
      %swap3A_1620 = vector.load %arg6[%swap3A_1618, %swap3A_1619] : memref<64x256xf32, #tpu.memory_space<vmem>>, vector<1x256xf32>
      tpu.vector_store %arg6[%swap3A_1618, %swap3A_1619], %broadcast_in_dim3A_1617 {strides = array<i32>} : memref<64x256xf32, #tpu.memory_space<vmem>>, vector<1x256xf32>,
      %dma_wait3A_1621 = arith.constant 8 : i32
      %dma_wait3A_1622 = arith.constant 16 : i32
      %dma_wait3A_1623 = arith.constant 0 : i32
      %dma_wait3A_1624 = arith.constant 0 : i32
      %dma_wait3A_1625 = tpu.memref_slice %arg7[%dma_wait3A_1622, %dma_wait3A_1623, %dma_wait3A_1624] : memref<64x256x128xf32, #tpu.memory_space<vmem>> -> memref<1x256x128xf32, #tpu.memory_space<vmem>>
      %dma_wait3A_1626 = tpu.memref_squeeze %dma_wait3A_1625 : memref<1x256x128xf32, #tpu.memory_space<vmem>> -> memref<256x128xf32, #tpu.memory_space<vmem>>
      %dma_wait3A_1627 = arith.constant 0 : i32
      %dma_wait3A_1628 = tpu.memref_slice %arg3[%dma_wait3A_1621, %dma_wait3A_1627, %mul3A_378] : memref<32x256x4096xf32, #tpu.memory_space<hbm>> -> memref<1x256x128xf32, #tpu.memory_space<hbm>>
      %dma_wait3A_1629 = tpu.memref_squeeze %dma_wait3A_1628 : memref<1x256x128xf32, #tpu.memory_space<hbm>> -> memref<256x128xf32, #tpu.memory_space<hbm>>
      tpu.wait_dma2 semaphore(%arg9 : memref<!tpu.dma_semaphore, #tpu.memory_space<semaphore_mem>>) src(%dma_wait3A_1629 : memref<256x128xf32, #tpu.memory_space<hbm>>) dst(%dma_wait3A_1626 : memref<256x128xf32, #tpu.memory_space<vmem>>)
      %get3A_1630 = arith.constant 8 : index
      %get3A_1631 = arith.constant 0 : index
      %get3A_1632 = memref.load %arg1[%get3A_1630, %get3A_1631] : memref<32x16xi32, #tpu.memory_space<smem>>
      %and3A_1633 = arith.constant 127 : i32
      %and3A_1634 = arith.andi %get3A_1632, %and3A_1633 : i32
      %eq3A_1635 = vector.broadcast %and3A_1634 : i32 to vector<256x128xi32>
      %eq3A_1636 = arith.cmpi eq, %iota3A_1140, %eq3A_1635 : vector<256x128xi32>
      %get3A_1637 = arith.constant 16 : index
      %get3A_1638 = arith.constant 0 : index
      %get3A_1639 = arith.constant 0 : index
      %get3A_1640 = vector.load %arg7[%get3A_1637, %get3A_1638, %get3A_1639] : memref<64x256x128xf32, #tpu.memory_space<vmem>>, vector<1x256x128xf32>
      %get3A_1641 = vector.shape_cast %get3A_1640 : vector<1x256x128xf32> to vector<256x128xf32>
      %jit3A_1642 = arith.constant 0.000000e+00 : f32
      %broadcast_in_dim3A_1643 = vector.broadcast %jit3A_1642 : f32 to vector<256x128xf32>
      %select_n3A_1644 = arith.select %eq3A_1636, %get3A_1641, %broadcast_in_dim3A_1643 : vector<256x128xi1>, vector<256x128xf32>
      %reduce_sum3A_1645 = arith.constant dense<0.000000e+00> : vector<256xf32>
      %reduce_sum3A_1646 = vector.multi_reduction <add>, %select_n3A_1644, %reduce_sum3A_1645 [1] : vector<256x128xf32> to vector<256xf32>
      %broadcast_in_dim3A_1647 = vector.shape_cast %reduce_sum3A_1646 : vector<256xf32> to vector<1x256xf32>
      %swap3A_1648 = arith.constant 16 : index
      %swap3A_1649 = arith.constant 0 : index
      %swap3A_1650 = vector.load %arg6[%swap3A_1648, %swap3A_1649] : memref<64x256xf32, #tpu.memory_space<vmem>>, vector<1x256xf32>
      tpu.vector_store %arg6[%swap3A_1648, %swap3A_1649], %broadcast_in_dim3A_1647 {strides = array<i32>} : memref<64x256xf32, #tpu.memory_space<vmem>>, vector<1x256xf32>,
      %dma_wait3A_1651 = arith.constant 8 : i32
      %dma_wait3A_1652 = arith.constant 17 : i32
      %dma_wait3A_1653 = arith.constant 0 : i32
      %dma_wait3A_1654 = arith.constant 0 : i32
      %dma_wait3A_1655 = tpu.memref_slice %arg7[%dma_wait3A_1652, %dma_wait3A_1653, %dma_wait3A_1654] : memref<64x256x128xf32, #tpu.memory_space<vmem>> -> memref<1x256x128xf32, #tpu.memory_space<vmem>>
      %dma_wait3A_1656 = tpu.memref_squeeze %dma_wait3A_1655 : memref<1x256x128xf32, #tpu.memory_space<vmem>> -> memref<256x128xf32, #tpu.memory_space<vmem>>
      %dma_wait3A_1657 = arith.constant 0 : i32
      %dma_wait3A_1658 = tpu.memref_slice %arg3[%dma_wait3A_1651, %dma_wait3A_1657, %mul3A_394] : memref<32x256x4096xf32, #tpu.memory_space<hbm>> -> memref<1x256x128xf32, #tpu.memory_space<hbm>>
      %dma_wait3A_1659 = tpu.memref_squeeze %dma_wait3A_1658 : memref<1x256x128xf32, #tpu.memory_space<hbm>> -> memref<256x128xf32, #tpu.memory_space<hbm>>
      tpu.wait_dma2 semaphore(%arg9 : memref<!tpu.dma_semaphore, #tpu.memory_space<semaphore_mem>>) src(%dma_wait3A_1659 : memref<256x128xf32, #tpu.memory_space<hbm>>) dst(%dma_wait3A_1656 : memref<256x128xf32, #tpu.memory_space<vmem>>)
      %get3A_1660 = arith.constant 8 : index
      %get3A_1661 = arith.constant 1 : index
      %get3A_1662 = memref.load %arg1[%get3A_1660, %get3A_1661] : memref<32x16xi32, #tpu.memory_space<smem>>
      %and3A_1663 = arith.constant 127 : i32
      %and3A_1664 = arith.andi %get3A_1662, %and3A_1663 : i32
      %eq3A_1665 = vector.broadcast %and3A_1664 : i32 to vector<256x128xi32>
      %eq3A_1666 = arith.cmpi eq, %iota3A_1140, %eq3A_1665 : vector<256x128xi32>
      %get3A_1667 = arith.constant 17 : index
      %get3A_1668 = arith.constant 0 : index
      %get3A_1669 = arith.constant 0 : index
      %get3A_1670 = vector.load %arg7[%get3A_1667, %get3A_1668, %get3A_1669] : memref<64x256x128xf32, #tpu.memory_space<vmem>>, vector<1x256x128xf32>
      %get3A_1671 = vector.shape_cast %get3A_1670 : vector<1x256x128xf32> to vector<256x128xf32>
      %jit3A_1672 = arith.constant 0.000000e+00 : f32
      %broadcast_in_dim3A_1673 = vector.broadcast %jit3A_1672 : f32 to vector<256x128xf32>
      %select_n3A_1674 = arith.select %eq3A_1666, %get3A_1671, %broadcast_in_dim3A_1673 : vector<256x128xi1>, vector<256x128xf32>
      %reduce_sum3A_1675 = arith.constant dense<0.000000e+00> : vector<256xf32>
      %reduce_sum3A_1676 = vector.multi_reduction <add>, %select_n3A_1674, %reduce_sum3A_1675 [1] : vector<256x128xf32> to vector<256xf32>
      %broadcast_in_dim3A_1677 = vector.shape_cast %reduce_sum3A_1676 : vector<256xf32> to vector<1x256xf32>
      %swap3A_1678 = arith.constant 17 : index
      %swap3A_1679 = arith.constant 0 : index
      %swap3A_1680 = vector.load %arg6[%swap3A_1678, %swap3A_1679] : memref<64x256xf32, #tpu.memory_space<vmem>>, vector<1x256xf32>
      tpu.vector_store %arg6[%swap3A_1678, %swap3A_1679], %broadcast_in_dim3A_1677 {strides = array<i32>} : memref<64x256xf32, #tpu.memory_space<vmem>>, vector<1x256xf32>,
      %dma_wait3A_1681 = arith.constant 9 : i32
      %dma_wait3A_1682 = arith.constant 18 : i32
      %dma_wait3A_1683 = arith.constant 0 : i32
      %dma_wait3A_1684 = arith.constant 0 : i32
      %dma_wait3A_1685 = tpu.memref_slice %arg7[%dma_wait3A_1682, %dma_wait3A_1683, %dma_wait3A_1684] : memref<64x256x128xf32, #tpu.memory_space<vmem>> -> memref<1x256x128xf32, #tpu.memory_space<vmem>>
      %dma_wait3A_1686 = tpu.memref_squeeze %dma_wait3A_1685 : memref<1x256x128xf32, #tpu.memory_space<vmem>> -> memref<256x128xf32, #tpu.memory_space<vmem>>
      %dma_wait3A_1687 = arith.constant 0 : i32
      %dma_wait3A_1688 = tpu.memref_slice %arg3[%dma_wait3A_1681, %dma_wait3A_1687, %mul3A_410] : memref<32x256x4096xf32, #tpu.memory_space<hbm>> -> memref<1x256x128xf32, #tpu.memory_space<hbm>>
      %dma_wait3A_1689 = tpu.memref_squeeze %dma_wait3A_1688 : memref<1x256x128xf32, #tpu.memory_space<hbm>> -> memref<256x128xf32, #tpu.memory_space<hbm>>
      tpu.wait_dma2 semaphore(%arg9 : memref<!tpu.dma_semaphore, #tpu.memory_space<semaphore_mem>>) src(%dma_wait3A_1689 : memref<256x128xf32, #tpu.memory_space<hbm>>) dst(%dma_wait3A_1686 : memref<256x128xf32, #tpu.memory_space<vmem>>)
      %get3A_1690 = arith.constant 9 : index
      %get3A_1691 = arith.constant 0 : index
      %get3A_1692 = memref.load %arg1[%get3A_1690, %get3A_1691] : memref<32x16xi32, #tpu.memory_space<smem>>
      %and3A_1693 = arith.constant 127 : i32
      %and3A_1694 = arith.andi %get3A_1692, %and3A_1693 : i32
      %eq3A_1695 = vector.broadcast %and3A_1694 : i32 to vector<256x128xi32>
      %eq3A_1696 = arith.cmpi eq, %iota3A_1140, %eq3A_1695 : vector<256x128xi32>
      %get3A_1697 = arith.constant 18 : index
      %get3A_1698 = arith.constant 0 : index
      %get3A_1699 = arith.constant 0 : index
      %get3A_1700 = vector.load %arg7[%get3A_1697, %get3A_1698, %get3A_1699] : memref<64x256x128xf32, #tpu.memory_space<vmem>>, vector<1x256x128xf32>
      %get3A_1701 = vector.shape_cast %get3A_1700 : vector<1x256x128xf32> to vector<256x128xf32>
      %jit3A_1702 = arith.constant 0.000000e+00 : f32
      %broadcast_in_dim3A_1703 = vector.broadcast %jit3A_1702 : f32 to vector<256x128xf32>
      %select_n3A_1704 = arith.select %eq3A_1696, %get3A_1701, %broadcast_in_dim3A_1703 : vector<256x128xi1>, vector<256x128xf32>
      %reduce_sum3A_1705 = arith.constant dense<0.000000e+00> : vector<256xf32>
      %reduce_sum3A_1706 = vector.multi_reduction <add>, %select_n3A_1704, %reduce_sum3A_1705 [1] : vector<256x128xf32> to vector<256xf32>
      %broadcast_in_dim3A_1707 = vector.shape_cast %reduce_sum3A_1706 : vector<256xf32> to vector<1x256xf32>
      %swap3A_1708 = arith.constant 18 : index
      %swap3A_1709 = arith.constant 0 : index
      %swap3A_1710 = vector.load %arg6[%swap3A_1708, %swap3A_1709] : memref<64x256xf32, #tpu.memory_space<vmem>>, vector<1x256xf32>
      tpu.vector_store %arg6[%swap3A_1708, %swap3A_1709], %broadcast_in_dim3A_1707 {strides = array<i32>} : memref<64x256xf32, #tpu.memory_space<vmem>>, vector<1x256xf32>,
      %dma_wait3A_1711 = arith.constant 9 : i32
      %dma_wait3A_1712 = arith.constant 19 : i32
      %dma_wait3A_1713 = arith.constant 0 : i32
      %dma_wait3A_1714 = arith.constant 0 : i32
      %dma_wait3A_1715 = tpu.memref_slice %arg7[%dma_wait3A_1712, %dma_wait3A_1713, %dma_wait3A_1714] : memref<64x256x128xf32, #tpu.memory_space<vmem>> -> memref<1x256x128xf32, #tpu.memory_space<vmem>>
      %dma_wait3A_1716 = tpu.memref_squeeze %dma_wait3A_1715 : memref<1x256x128xf32, #tpu.memory_space<vmem>> -> memref<256x128xf32, #tpu.memory_space<vmem>>
      %dma_wait3A_1717 = arith.constant 0 : i32
      %dma_wait3A_1718 = tpu.memref_slice %arg3[%dma_wait3A_1711, %dma_wait3A_1717, %mul3A_426] : memref<32x256x4096xf32, #tpu.memory_space<hbm>> -> memref<1x256x128xf32, #tpu.memory_space<hbm>>
      %dma_wait3A_1719 = tpu.memref_squeeze %dma_wait3A_1718 : memref<1x256x128xf32, #tpu.memory_space<hbm>> -> memref<256x128xf32, #tpu.memory_space<hbm>>
      tpu.wait_dma2 semaphore(%arg9 : memref<!tpu.dma_semaphore, #tpu.memory_space<semaphore_mem>>) src(%dma_wait3A_1719 : memref<256x128xf32, #tpu.memory_space<hbm>>) dst(%dma_wait3A_1716 : memref<256x128xf32, #tpu.memory_space<vmem>>)
      %get3A_1720 = arith.constant 9 : index
      %get3A_1721 = arith.constant 1 : index
      %get3A_1722 = memref.load %arg1[%get3A_1720, %get3A_1721] : memref<32x16xi32, #tpu.memory_space<smem>>
      %and3A_1723 = arith.constant 127 : i32
      %and3A_1724 = arith.andi %get3A_1722, %and3A_1723 : i32
      %eq3A_1725 = vector.broadcast %and3A_1724 : i32 to vector<256x128xi32>
      %eq3A_1726 = arith.cmpi eq, %iota3A_1140, %eq3A_1725 : vector<256x128xi32>
      %get3A_1727 = arith.constant 19 : index
      %get3A_1728 = arith.constant 0 : index
      %get3A_1729 = arith.constant 0 : index
      %get3A_1730 = vector.load %arg7[%get3A_1727, %get3A_1728, %get3A_1729] : memref<64x256x128xf32, #tpu.memory_space<vmem>>, vector<1x256x128xf32>
      %get3A_1731 = vector.shape_cast %get3A_1730 : vector<1x256x128xf32> to vector<256x128xf32>
      %jit3A_1732 = arith.constant 0.000000e+00 : f32
      %broadcast_in_dim3A_1733 = vector.broadcast %jit3A_1732 : f32 to vector<256x128xf32>
      %select_n3A_1734 = arith.select %eq3A_1726, %get3A_1731, %broadcast_in_dim3A_1733 : vector<256x128xi1>, vector<256x128xf32>
      %reduce_sum3A_1735 = arith.constant dense<0.000000e+00> : vector<256xf32>
      %reduce_sum3A_1736 = vector.multi_reduction <add>, %select_n3A_1734, %reduce_sum3A_1735 [1] : vector<256x128xf32> to vector<256xf32>
      %broadcast_in_dim3A_1737 = vector.shape_cast %reduce_sum3A_1736 : vector<256xf32> to vector<1x256xf32>
      %swap3A_1738 = arith.constant 19 : index
      %swap3A_1739 = arith.constant 0 : index
      %swap3A_1740 = vector.load %arg6[%swap3A_1738, %swap3A_1739] : memref<64x256xf32, #tpu.memory_space<vmem>>, vector<1x256xf32>
      tpu.vector_store %arg6[%swap3A_1738, %swap3A_1739], %broadcast_in_dim3A_1737 {strides = array<i32>} : memref<64x256xf32, #tpu.memory_space<vmem>>, vector<1x256xf32>,
      %dma_wait3A_1741 = arith.constant 10 : i32
      %dma_wait3A_1742 = arith.constant 20 : i32
      %dma_wait3A_1743 = arith.constant 0 : i32
      %dma_wait3A_1744 = arith.constant 0 : i32
      %dma_wait3A_1745 = tpu.memref_slice %arg7[%dma_wait3A_1742, %dma_wait3A_1743, %dma_wait3A_1744] : memref<64x256x128xf32, #tpu.memory_space<vmem>> -> memref<1x256x128xf32, #tpu.memory_space<vmem>>
      %dma_wait3A_1746 = tpu.memref_squeeze %dma_wait3A_1745 : memref<1x256x128xf32, #tpu.memory_space<vmem>> -> memref<256x128xf32, #tpu.memory_space<vmem>>
      %dma_wait3A_1747 = arith.constant 0 : i32
      %dma_wait3A_1748 = tpu.memref_slice %arg3[%dma_wait3A_1741, %dma_wait3A_1747, %mul3A_442] : memref<32x256x4096xf32, #tpu.memory_space<hbm>> -> memref<1x256x128xf32, #tpu.memory_space<hbm>>
      %dma_wait3A_1749 = tpu.memref_squeeze %dma_wait3A_1748 : memref<1x256x128xf32, #tpu.memory_space<hbm>> -> memref<256x128xf32, #tpu.memory_space<hbm>>
      tpu.wait_dma2 semaphore(%arg9 : memref<!tpu.dma_semaphore, #tpu.memory_space<semaphore_mem>>) src(%dma_wait3A_1749 : memref<256x128xf32, #tpu.memory_space<hbm>>) dst(%dma_wait3A_1746 : memref<256x128xf32, #tpu.memory_space<vmem>>)
      %get3A_1750 = arith.constant 10 : index
      %get3A_1751 = arith.constant 0 : index
      %get3A_1752 = memref.load %arg1[%get3A_1750, %get3A_1751] : memref<32x16xi32, #tpu.memory_space<smem>>
      %and3A_1753 = arith.constant 127 : i32
      %and3A_1754 = arith.andi %get3A_1752, %and3A_1753 : i32
      %eq3A_1755 = vector.broadcast %and3A_1754 : i32 to vector<256x128xi32>
      %eq3A_1756 = arith.cmpi eq, %iota3A_1140, %eq3A_1755 : vector<256x128xi32>
      %get3A_1757 = arith.constant 20 : index
      %get3A_1758 = arith.constant 0 : index
      %get3A_1759 = arith.constant 0 : index
      %get3A_1760 = vector.load %arg7[%get3A_1757, %get3A_1758, %get3A_1759] : memref<64x256x128xf32, #tpu.memory_space<vmem>>, vector<1x256x128xf32>
      %get3A_1761 = vector.shape_cast %get3A_1760 : vector<1x256x128xf32> to vector<256x128xf32>
      %jit3A_1762 = arith.constant 0.000000e+00 : f32
      %broadcast_in_dim3A_1763 = vector.broadcast %jit3A_1762 : f32 to vector<256x128xf32>
      %select_n3A_1764 = arith.select %eq3A_1756, %get3A_1761, %broadcast_in_dim3A_1763 : vector<256x128xi1>, vector<256x128xf32>
      %reduce_sum3A_1765 = arith.constant dense<0.000000e+00> : vector<256xf32>
      %reduce_sum3A_1766 = vector.multi_reduction <add>, %select_n3A_1764, %reduce_sum3A_1765 [1] : vector<256x128xf32> to vector<256xf32>
      %broadcast_in_dim3A_1767 = vector.shape_cast %reduce_sum3A_1766 : vector<256xf32> to vector<1x256xf32>
      %swap3A_1768 = arith.constant 20 : index
      %swap3A_1769 = arith.constant 0 : index
      %swap3A_1770 = vector.load %arg6[%swap3A_1768, %swap3A_1769] : memref<64x256xf32, #tpu.memory_space<vmem>>, vector<1x256xf32>
      tpu.vector_store %arg6[%swap3A_1768, %swap3A_1769], %broadcast_in_dim3A_1767 {strides = array<i32>} : memref<64x256xf32, #tpu.memory_space<vmem>>, vector<1x256xf32>,
      %dma_wait3A_1771 = arith.constant 10 : i32
      %dma_wait3A_1772 = arith.constant 21 : i32
      %dma_wait3A_1773 = arith.constant 0 : i32
      %dma_wait3A_1774 = arith.constant 0 : i32
      %dma_wait3A_1775 = tpu.memref_slice %arg7[%dma_wait3A_1772, %dma_wait3A_1773, %dma_wait3A_1774] : memref<64x256x128xf32, #tpu.memory_space<vmem>> -> memref<1x256x128xf32, #tpu.memory_space<vmem>>
      %dma_wait3A_1776 = tpu.memref_squeeze %dma_wait3A_1775 : memref<1x256x128xf32, #tpu.memory_space<vmem>> -> memref<256x128xf32, #tpu.memory_space<vmem>>
      %dma_wait3A_1777 = arith.constant 0 : i32
      %dma_wait3A_1778 = tpu.memref_slice %arg3[%dma_wait3A_1771, %dma_wait3A_1777, %mul3A_458] : memref<32x256x4096xf32, #tpu.memory_space<hbm>> -> memref<1x256x128xf32, #tpu.memory_space<hbm>>
      %dma_wait3A_1779 = tpu.memref_squeeze %dma_wait3A_1778 : memref<1x256x128xf32, #tpu.memory_space<hbm>> -> memref<256x128xf32, #tpu.memory_space<hbm>>
      tpu.wait_dma2 semaphore(%arg9 : memref<!tpu.dma_semaphore, #tpu.memory_space<semaphore_mem>>) src(%dma_wait3A_1779 : memref<256x128xf32, #tpu.memory_space<hbm>>) dst(%dma_wait3A_1776 : memref<256x128xf32, #tpu.memory_space<vmem>>)
      %get3A_1780 = arith.constant 10 : index
      %get3A_1781 = arith.constant 1 : index
      %get3A_1782 = memref.load %arg1[%get3A_1780, %get3A_1781] : memref<32x16xi32, #tpu.memory_space<smem>>
      %and3A_1783 = arith.constant 127 : i32
      %and3A_1784 = arith.andi %get3A_1782, %and3A_1783 : i32
      %eq3A_1785 = vector.broadcast %and3A_1784 : i32 to vector<256x128xi32>
      %eq3A_1786 = arith.cmpi eq, %iota3A_1140, %eq3A_1785 : vector<256x128xi32>
      %get3A_1787 = arith.constant 21 : index
      %get3A_1788 = arith.constant 0 : index
      %get3A_1789 = arith.constant 0 : index
      %get3A_1790 = vector.load %arg7[%get3A_1787, %get3A_1788, %get3A_1789] : memref<64x256x128xf32, #tpu.memory_space<vmem>>, vector<1x256x128xf32>
      %get3A_1791 = vector.shape_cast %get3A_1790 : vector<1x256x128xf32> to vector<256x128xf32>
      %jit3A_1792 = arith.constant 0.000000e+00 : f32
      %broadcast_in_dim3A_1793 = vector.broadcast %jit3A_1792 : f32 to vector<256x128xf32>
      %select_n3A_1794 = arith.select %eq3A_1786, %get3A_1791, %broadcast_in_dim3A_1793 : vector<256x128xi1>, vector<256x128xf32>
      %reduce_sum3A_1795 = arith.constant dense<0.000000e+00> : vector<256xf32>
      %reduce_sum3A_1796 = vector.multi_reduction <add>, %select_n3A_1794, %reduce_sum3A_1795 [1] : vector<256x128xf32> to vector<256xf32>
      %broadcast_in_dim3A_1797 = vector.shape_cast %reduce_sum3A_1796 : vector<256xf32> to vector<1x256xf32>
      %swap3A_1798 = arith.constant 21 : index
      %swap3A_1799 = arith.constant 0 : index
      %swap3A_1800 = vector.load %arg6[%swap3A_1798, %swap3A_1799] : memref<64x256xf32, #tpu.memory_space<vmem>>, vector<1x256xf32>
      tpu.vector_store %arg6[%swap3A_1798, %swap3A_1799], %broadcast_in_dim3A_1797 {strides = array<i32>} : memref<64x256xf32, #tpu.memory_space<vmem>>, vector<1x256xf32>,
      %dma_wait3A_1801 = arith.constant 11 : i32
      %dma_wait3A_1802 = arith.constant 22 : i32
      %dma_wait3A_1803 = arith.constant 0 : i32
      %dma_wait3A_1804 = arith.constant 0 : i32
      %dma_wait3A_1805 = tpu.memref_slice %arg7[%dma_wait3A_1802, %dma_wait3A_1803, %dma_wait3A_1804] : memref<64x256x128xf32, #tpu.memory_space<vmem>> -> memref<1x256x128xf32, #tpu.memory_space<vmem>>
      %dma_wait3A_1806 = tpu.memref_squeeze %dma_wait3A_1805 : memref<1x256x128xf32, #tpu.memory_space<vmem>> -> memref<256x128xf32, #tpu.memory_space<vmem>>
      %dma_wait3A_1807 = arith.constant 0 : i32
      %dma_wait3A_1808 = tpu.memref_slice %arg3[%dma_wait3A_1801, %dma_wait3A_1807, %mul3A_474] : memref<32x256x4096xf32, #tpu.memory_space<hbm>> -> memref<1x256x128xf32, #tpu.memory_space<hbm>>
      %dma_wait3A_1809 = tpu.memref_squeeze %dma_wait3A_1808 : memref<1x256x128xf32, #tpu.memory_space<hbm>> -> memref<256x128xf32, #tpu.memory_space<hbm>>
      tpu.wait_dma2 semaphore(%arg9 : memref<!tpu.dma_semaphore, #tpu.memory_space<semaphore_mem>>) src(%dma_wait3A_1809 : memref<256x128xf32, #tpu.memory_space<hbm>>) dst(%dma_wait3A_1806 : memref<256x128xf32, #tpu.memory_space<vmem>>)
      %get3A_1810 = arith.constant 11 : index
      %get3A_1811 = arith.constant 0 : index
      %get3A_1812 = memref.load %arg1[%get3A_1810, %get3A_1811] : memref<32x16xi32, #tpu.memory_space<smem>>
      %and3A_1813 = arith.constant 127 : i32
      %and3A_1814 = arith.andi %get3A_1812, %and3A_1813 : i32
      %eq3A_1815 = vector.broadcast %and3A_1814 : i32 to vector<256x128xi32>
      %eq3A_1816 = arith.cmpi eq, %iota3A_1140, %eq3A_1815 : vector<256x128xi32>
      %get3A_1817 = arith.constant 22 : index
      %get3A_1818 = arith.constant 0 : index
      %get3A_1819 = arith.constant 0 : index
      %get3A_1820 = vector.load %arg7[%get3A_1817, %get3A_1818, %get3A_1819] : memref<64x256x128xf32, #tpu.memory_space<vmem>>, vector<1x256x128xf32>
      %get3A_1821 = vector.shape_cast %get3A_1820 : vector<1x256x128xf32> to vector<256x128xf32>
      %jit3A_1822 = arith.constant 0.000000e+00 : f32
      %broadcast_in_dim3A_1823 = vector.broadcast %jit3A_1822 : f32 to vector<256x128xf32>
      %select_n3A_1824 = arith.select %eq3A_1816, %get3A_1821, %broadcast_in_dim3A_1823 : vector<256x128xi1>, vector<256x128xf32>
      %reduce_sum3A_1825 = arith.constant dense<0.000000e+00> : vector<256xf32>
      %reduce_sum3A_1826 = vector.multi_reduction <add>, %select_n3A_1824, %reduce_sum3A_1825 [1] : vector<256x128xf32> to vector<256xf32>
      %broadcast_in_dim3A_1827 = vector.shape_cast %reduce_sum3A_1826 : vector<256xf32> to vector<1x256xf32>
      %swap3A_1828 = arith.constant 22 : index
      %swap3A_1829 = arith.constant 0 : index
      %swap3A_1830 = vector.load %arg6[%swap3A_1828, %swap3A_1829] : memref<64x256xf32, #tpu.memory_space<vmem>>, vector<1x256xf32>
      tpu.vector_store %arg6[%swap3A_1828, %swap3A_1829], %broadcast_in_dim3A_1827 {strides = array<i32>} : memref<64x256xf32, #tpu.memory_space<vmem>>, vector<1x256xf32>,
      %dma_wait3A_1831 = arith.constant 11 : i32
      %dma_wait3A_1832 = arith.constant 23 : i32
      %dma_wait3A_1833 = arith.constant 0 : i32
      %dma_wait3A_1834 = arith.constant 0 : i32
      %dma_wait3A_1835 = tpu.memref_slice %arg7[%dma_wait3A_1832, %dma_wait3A_1833, %dma_wait3A_1834] : memref<64x256x128xf32, #tpu.memory_space<vmem>> -> memref<1x256x128xf32, #tpu.memory_space<vmem>>
      %dma_wait3A_1836 = tpu.memref_squeeze %dma_wait3A_1835 : memref<1x256x128xf32, #tpu.memory_space<vmem>> -> memref<256x128xf32, #tpu.memory_space<vmem>>
      %dma_wait3A_1837 = arith.constant 0 : i32
      %dma_wait3A_1838 = tpu.memref_slice %arg3[%dma_wait3A_1831, %dma_wait3A_1837, %mul3A_490] : memref<32x256x4096xf32, #tpu.memory_space<hbm>> -> memref<1x256x128xf32, #tpu.memory_space<hbm>>
      %dma_wait3A_1839 = tpu.memref_squeeze %dma_wait3A_1838 : memref<1x256x128xf32, #tpu.memory_space<hbm>> -> memref<256x128xf32, #tpu.memory_space<hbm>>
      tpu.wait_dma2 semaphore(%arg9 : memref<!tpu.dma_semaphore, #tpu.memory_space<semaphore_mem>>) src(%dma_wait3A_1839 : memref<256x128xf32, #tpu.memory_space<hbm>>) dst(%dma_wait3A_1836 : memref<256x128xf32, #tpu.memory_space<vmem>>)
      %get3A_1840 = arith.constant 11 : index
      %get3A_1841 = arith.constant 1 : index
      %get3A_1842 = memref.load %arg1[%get3A_1840, %get3A_1841] : memref<32x16xi32, #tpu.memory_space<smem>>
      %and3A_1843 = arith.constant 127 : i32
      %and3A_1844 = arith.andi %get3A_1842, %and3A_1843 : i32
      %eq3A_1845 = vector.broadcast %and3A_1844 : i32 to vector<256x128xi32>
      %eq3A_1846 = arith.cmpi eq, %iota3A_1140, %eq3A_1845 : vector<256x128xi32>
      %get3A_1847 = arith.constant 23 : index
      %get3A_1848 = arith.constant 0 : index
      %get3A_1849 = arith.constant 0 : index
      %get3A_1850 = vector.load %arg7[%get3A_1847, %get3A_1848, %get3A_1849] : memref<64x256x128xf32, #tpu.memory_space<vmem>>, vector<1x256x128xf32>
      %get3A_1851 = vector.shape_cast %get3A_1850 : vector<1x256x128xf32> to vector<256x128xf32>
      %jit3A_1852 = arith.constant 0.000000e+00 : f32
      %broadcast_in_dim3A_1853 = vector.broadcast %jit3A_1852 : f32 to vector<256x128xf32>
      %select_n3A_1854 = arith.select %eq3A_1846, %get3A_1851, %broadcast_in_dim3A_1853 : vector<256x128xi1>, vector<256x128xf32>
      %reduce_sum3A_1855 = arith.constant dense<0.000000e+00> : vector<256xf32>
      %reduce_sum3A_1856 = vector.multi_reduction <add>, %select_n3A_1854, %reduce_sum3A_1855 [1] : vector<256x128xf32> to vector<256xf32>
      %broadcast_in_dim3A_1857 = vector.shape_cast %reduce_sum3A_1856 : vector<256xf32> to vector<1x256xf32>
      %swap3A_1858 = arith.constant 23 : index
      %swap3A_1859 = arith.constant 0 : index
      %swap3A_1860 = vector.load %arg6[%swap3A_1858, %swap3A_1859] : memref<64x256xf32, #tpu.memory_space<vmem>>, vector<1x256xf32>
      tpu.vector_store %arg6[%swap3A_1858, %swap3A_1859], %broadcast_in_dim3A_1857 {strides = array<i32>} : memref<64x256xf32, #tpu.memory_space<vmem>>, vector<1x256xf32>,
      %dma_wait3A_1861 = arith.constant 12 : i32
      %dma_wait3A_1862 = arith.constant 24 : i32
      %dma_wait3A_1863 = arith.constant 0 : i32
      %dma_wait3A_1864 = arith.constant 0 : i32
      %dma_wait3A_1865 = tpu.memref_slice %arg7[%dma_wait3A_1862, %dma_wait3A_1863, %dma_wait3A_1864] : memref<64x256x128xf32, #tpu.memory_space<vmem>> -> memref<1x256x128xf32, #tpu.memory_space<vmem>>
      %dma_wait3A_1866 = tpu.memref_squeeze %dma_wait3A_1865 : memref<1x256x128xf32, #tpu.memory_space<vmem>> -> memref<256x128xf32, #tpu.memory_space<vmem>>
      %dma_wait3A_1867 = arith.constant 0 : i32
      %dma_wait3A_1868 = tpu.memref_slice %arg3[%dma_wait3A_1861, %dma_wait3A_1867, %mul3A_506] : memref<32x256x4096xf32, #tpu.memory_space<hbm>> -> memref<1x256x128xf32, #tpu.memory_space<hbm>>
      %dma_wait3A_1869 = tpu.memref_squeeze %dma_wait3A_1868 : memref<1x256x128xf32, #tpu.memory_space<hbm>> -> memref<256x128xf32, #tpu.memory_space<hbm>>
      tpu.wait_dma2 semaphore(%arg9 : memref<!tpu.dma_semaphore, #tpu.memory_space<semaphore_mem>>) src(%dma_wait3A_1869 : memref<256x128xf32, #tpu.memory_space<hbm>>) dst(%dma_wait3A_1866 : memref<256x128xf32, #tpu.memory_space<vmem>>)
      %get3A_1870 = arith.constant 12 : index
      %get3A_1871 = arith.constant 0 : index
      %get3A_1872 = memref.load %arg1[%get3A_1870, %get3A_1871] : memref<32x16xi32, #tpu.memory_space<smem>>
      %and3A_1873 = arith.constant 127 : i32
      %and3A_1874 = arith.andi %get3A_1872, %and3A_1873 : i32
      %eq3A_1875 = vector.broadcast %and3A_1874 : i32 to vector<256x128xi32>
      %eq3A_1876 = arith.cmpi eq, %iota3A_1140, %eq3A_1875 : vector<256x128xi32>
      %get3A_1877 = arith.constant 24 : index
      %get3A_1878 = arith.constant 0 : index
      %get3A_1879 = arith.constant 0 : index
      %get3A_1880 = vector.load %arg7[%get3A_1877, %get3A_1878, %get3A_1879] : memref<64x256x128xf32, #tpu.memory_space<vmem>>, vector<1x256x128xf32>
      %get3A_1881 = vector.shape_cast %get3A_1880 : vector<1x256x128xf32> to vector<256x128xf32>
      %jit3A_1882 = arith.constant 0.000000e+00 : f32
      %broadcast_in_dim3A_1883 = vector.broadcast %jit3A_1882 : f32 to vector<256x128xf32>
      %select_n3A_1884 = arith.select %eq3A_1876, %get3A_1881, %broadcast_in_dim3A_1883 : vector<256x128xi1>, vector<256x128xf32>
      %reduce_sum3A_1885 = arith.constant dense<0.000000e+00> : vector<256xf32>
      %reduce_sum3A_1886 = vector.multi_reduction <add>, %select_n3A_1884, %reduce_sum3A_1885 [1] : vector<256x128xf32> to vector<256xf32>
      %broadcast_in_dim3A_1887 = vector.shape_cast %reduce_sum3A_1886 : vector<256xf32> to vector<1x256xf32>
      %swap3A_1888 = arith.constant 24 : index
      %swap3A_1889 = arith.constant 0 : index
      %swap3A_1890 = vector.load %arg6[%swap3A_1888, %swap3A_1889] : memref<64x256xf32, #tpu.memory_space<vmem>>, vector<1x256xf32>
      tpu.vector_store %arg6[%swap3A_1888, %swap3A_1889], %broadcast_in_dim3A_1887 {strides = array<i32>} : memref<64x256xf32, #tpu.memory_space<vmem>>, vector<1x256xf32>,
      %dma_wait3A_1891 = arith.constant 12 : i32
      %dma_wait3A_1892 = arith.constant 25 : i32
      %dma_wait3A_1893 = arith.constant 0 : i32
      %dma_wait3A_1894 = arith.constant 0 : i32
      %dma_wait3A_1895 = tpu.memref_slice %arg7[%dma_wait3A_1892, %dma_wait3A_1893, %dma_wait3A_1894] : memref<64x256x128xf32, #tpu.memory_space<vmem>> -> memref<1x256x128xf32, #tpu.memory_space<vmem>>
      %dma_wait3A_1896 = tpu.memref_squeeze %dma_wait3A_1895 : memref<1x256x128xf32, #tpu.memory_space<vmem>> -> memref<256x128xf32, #tpu.memory_space<vmem>>
      %dma_wait3A_1897 = arith.constant 0 : i32
      %dma_wait3A_1898 = tpu.memref_slice %arg3[%dma_wait3A_1891, %dma_wait3A_1897, %mul3A_522] : memref<32x256x4096xf32, #tpu.memory_space<hbm>> -> memref<1x256x128xf32, #tpu.memory_space<hbm>>
      %dma_wait3A_1899 = tpu.memref_squeeze %dma_wait3A_1898 : memref<1x256x128xf32, #tpu.memory_space<hbm>> -> memref<256x128xf32, #tpu.memory_space<hbm>>
      tpu.wait_dma2 semaphore(%arg9 : memref<!tpu.dma_semaphore, #tpu.memory_space<semaphore_mem>>) src(%dma_wait3A_1899 : memref<256x128xf32, #tpu.memory_space<hbm>>) dst(%dma_wait3A_1896 : memref<256x128xf32, #tpu.memory_space<vmem>>)
      %get3A_1900 = arith.constant 12 : index
      %get3A_1901 = arith.constant 1 : index
      %get3A_1902 = memref.load %arg1[%get3A_1900, %get3A_1901] : memref<32x16xi32, #tpu.memory_space<smem>>
      %and3A_1903 = arith.constant 127 : i32
      %and3A_1904 = arith.andi %get3A_1902, %and3A_1903 : i32
      %eq3A_1905 = vector.broadcast %and3A_1904 : i32 to vector<256x128xi32>
      %eq3A_1906 = arith.cmpi eq, %iota3A_1140, %eq3A_1905 : vector<256x128xi32>
      %get3A_1907 = arith.constant 25 : index
      %get3A_1908 = arith.constant 0 : index
      %get3A_1909 = arith.constant 0 : index
      %get3A_1910 = vector.load %arg7[%get3A_1907, %get3A_1908, %get3A_1909] : memref<64x256x128xf32, #tpu.memory_space<vmem>>, vector<1x256x128xf32>
      %get3A_1911 = vector.shape_cast %get3A_1910 : vector<1x256x128xf32> to vector<256x128xf32>
      %jit3A_1912 = arith.constant 0.000000e+00 : f32
      %broadcast_in_dim3A_1913 = vector.broadcast %jit3A_1912 : f32 to vector<256x128xf32>
      %select_n3A_1914 = arith.select %eq3A_1906, %get3A_1911, %broadcast_in_dim3A_1913 : vector<256x128xi1>, vector<256x128xf32>
      %reduce_sum3A_1915 = arith.constant dense<0.000000e+00> : vector<256xf32>
      %reduce_sum3A_1916 = vector.multi_reduction <add>, %select_n3A_1914, %reduce_sum3A_1915 [1] : vector<256x128xf32> to vector<256xf32>
      %broadcast_in_dim3A_1917 = vector.shape_cast %reduce_sum3A_1916 : vector<256xf32> to vector<1x256xf32>
      %swap3A_1918 = arith.constant 25 : index
      %swap3A_1919 = arith.constant 0 : index
      %swap3A_1920 = vector.load %arg6[%swap3A_1918, %swap3A_1919] : memref<64x256xf32, #tpu.memory_space<vmem>>, vector<1x256xf32>
      tpu.vector_store %arg6[%swap3A_1918, %swap3A_1919], %broadcast_in_dim3A_1917 {strides = array<i32>} : memref<64x256xf32, #tpu.memory_space<vmem>>, vector<1x256xf32>,
      %dma_wait3A_1921 = arith.constant 13 : i32
      %dma_wait3A_1922 = arith.constant 26 : i32
      %dma_wait3A_1923 = arith.constant 0 : i32
      %dma_wait3A_1924 = arith.constant 0 : i32
      %dma_wait3A_1925 = tpu.memref_slice %arg7[%dma_wait3A_1922, %dma_wait3A_1923, %dma_wait3A_1924] : memref<64x256x128xf32, #tpu.memory_space<vmem>> -> memref<1x256x128xf32, #tpu.memory_space<vmem>>
      %dma_wait3A_1926 = tpu.memref_squeeze %dma_wait3A_1925 : memref<1x256x128xf32, #tpu.memory_space<vmem>> -> memref<256x128xf32, #tpu.memory_space<vmem>>
      %dma_wait3A_1927 = arith.constant 0 : i32
      %dma_wait3A_1928 = tpu.memref_slice %arg3[%dma_wait3A_1921, %dma_wait3A_1927, %mul3A_538] : memref<32x256x4096xf32, #tpu.memory_space<hbm>> -> memref<1x256x128xf32, #tpu.memory_space<hbm>>
      %dma_wait3A_1929 = tpu.memref_squeeze %dma_wait3A_1928 : memref<1x256x128xf32, #tpu.memory_space<hbm>> -> memref<256x128xf32, #tpu.memory_space<hbm>>
      tpu.wait_dma2 semaphore(%arg9 : memref<!tpu.dma_semaphore, #tpu.memory_space<semaphore_mem>>) src(%dma_wait3A_1929 : memref<256x128xf32, #tpu.memory_space<hbm>>) dst(%dma_wait3A_1926 : memref<256x128xf32, #tpu.memory_space<vmem>>)
      %get3A_1930 = arith.constant 13 : index
      %get3A_1931 = arith.constant 0 : index
      %get3A_1932 = memref.load %arg1[%get3A_1930, %get3A_1931] : memref<32x16xi32, #tpu.memory_space<smem>>
      %and3A_1933 = arith.constant 127 : i32
      %and3A_1934 = arith.andi %get3A_1932, %and3A_1933 : i32
      %eq3A_1935 = vector.broadcast %and3A_1934 : i32 to vector<256x128xi32>
      %eq3A_1936 = arith.cmpi eq, %iota3A_1140, %eq3A_1935 : vector<256x128xi32>
      %get3A_1937 = arith.constant 26 : index
      %get3A_1938 = arith.constant 0 : index
      %get3A_1939 = arith.constant 0 : index
      %get3A_1940 = vector.load %arg7[%get3A_1937, %get3A_1938, %get3A_1939] : memref<64x256x128xf32, #tpu.memory_space<vmem>>, vector<1x256x128xf32>
      %get3A_1941 = vector.shape_cast %get3A_1940 : vector<1x256x128xf32> to vector<256x128xf32>
      %jit3A_1942 = arith.constant 0.000000e+00 : f32
      %broadcast_in_dim3A_1943 = vector.broadcast %jit3A_1942 : f32 to vector<256x128xf32>
      %select_n3A_1944 = arith.select %eq3A_1936, %get3A_1941, %broadcast_in_dim3A_1943 : vector<256x128xi1>, vector<256x128xf32>
      %reduce_sum3A_1945 = arith.constant dense<0.000000e+00> : vector<256xf32>
      %reduce_sum3A_1946 = vector.multi_reduction <add>, %select_n3A_1944, %reduce_sum3A_1945 [1] : vector<256x128xf32> to vector<256xf32>
      %broadcast_in_dim3A_1947 = vector.shape_cast %reduce_sum3A_1946 : vector<256xf32> to vector<1x256xf32>
      %swap3A_1948 = arith.constant 26 : index
      %swap3A_1949 = arith.constant 0 : index
      %swap3A_1950 = vector.load %arg6[%swap3A_1948, %swap3A_1949] : memref<64x256xf32, #tpu.memory_space<vmem>>, vector<1x256xf32>
      tpu.vector_store %arg6[%swap3A_1948, %swap3A_1949], %broadcast_in_dim3A_1947 {strides = array<i32>} : memref<64x256xf32, #tpu.memory_space<vmem>>, vector<1x256xf32>,
      %dma_wait3A_1951 = arith.constant 13 : i32
      %dma_wait3A_1952 = arith.constant 27 : i32
      %dma_wait3A_1953 = arith.constant 0 : i32
      %dma_wait3A_1954 = arith.constant 0 : i32
      %dma_wait3A_1955 = tpu.memref_slice %arg7[%dma_wait3A_1952, %dma_wait3A_1953, %dma_wait3A_1954] : memref<64x256x128xf32, #tpu.memory_space<vmem>> -> memref<1x256x128xf32, #tpu.memory_space<vmem>>
      %dma_wait3A_1956 = tpu.memref_squeeze %dma_wait3A_1955 : memref<1x256x128xf32, #tpu.memory_space<vmem>> -> memref<256x128xf32, #tpu.memory_space<vmem>>
      %dma_wait3A_1957 = arith.constant 0 : i32
      %dma_wait3A_1958 = tpu.memref_slice %arg3[%dma_wait3A_1951, %dma_wait3A_1957, %mul3A_554] : memref<32x256x4096xf32, #tpu.memory_space<hbm>> -> memref<1x256x128xf32, #tpu.memory_space<hbm>>
      %dma_wait3A_1959 = tpu.memref_squeeze %dma_wait3A_1958 : memref<1x256x128xf32, #tpu.memory_space<hbm>> -> memref<256x128xf32, #tpu.memory_space<hbm>>
      tpu.wait_dma2 semaphore(%arg9 : memref<!tpu.dma_semaphore, #tpu.memory_space<semaphore_mem>>) src(%dma_wait3A_1959 : memref<256x128xf32, #tpu.memory_space<hbm>>) dst(%dma_wait3A_1956 : memref<256x128xf32, #tpu.memory_space<vmem>>)
      %get3A_1960 = arith.constant 13 : index
      %get3A_1961 = arith.constant 1 : index
      %get3A_1962 = memref.load %arg1[%get3A_1960, %get3A_1961] : memref<32x16xi32, #tpu.memory_space<smem>>
      %and3A_1963 = arith.constant 127 : i32
      %and3A_1964 = arith.andi %get3A_1962, %and3A_1963 : i32
      %eq3A_1965 = vector.broadcast %and3A_1964 : i32 to vector<256x128xi32>
      %eq3A_1966 = arith.cmpi eq, %iota3A_1140, %eq3A_1965 : vector<256x128xi32>
      %get3A_1967 = arith.constant 27 : index
      %get3A_1968 = arith.constant 0 : index
      %get3A_1969 = arith.constant 0 : index
      %get3A_1970 = vector.load %arg7[%get3A_1967, %get3A_1968, %get3A_1969] : memref<64x256x128xf32, #tpu.memory_space<vmem>>, vector<1x256x128xf32>
      %get3A_1971 = vector.shape_cast %get3A_1970 : vector<1x256x128xf32> to vector<256x128xf32>
      %jit3A_1972 = arith.constant 0.000000e+00 : f32
      %broadcast_in_dim3A_1973 = vector.broadcast %jit3A_1972 : f32 to vector<256x128xf32>
      %select_n3A_1974 = arith.select %eq3A_1966, %get3A_1971, %broadcast_in_dim3A_1973 : vector<256x128xi1>, vector<256x128xf32>
      %reduce_sum3A_1975 = arith.constant dense<0.000000e+00> : vector<256xf32>
      %reduce_sum3A_1976 = vector.multi_reduction <add>, %select_n3A_1974, %reduce_sum3A_1975 [1] : vector<256x128xf32> to vector<256xf32>
      %broadcast_in_dim3A_1977 = vector.shape_cast %reduce_sum3A_1976 : vector<256xf32> to vector<1x256xf32>
      %swap3A_1978 = arith.constant 27 : index
      %swap3A_1979 = arith.constant 0 : index
      %swap3A_1980 = vector.load %arg6[%swap3A_1978, %swap3A_1979] : memref<64x256xf32, #tpu.memory_space<vmem>>, vector<1x256xf32>
      tpu.vector_store %arg6[%swap3A_1978, %swap3A_1979], %broadcast_in_dim3A_1977 {strides = array<i32>} : memref<64x256xf32, #tpu.memory_space<vmem>>, vector<1x256xf32>,
      %dma_wait3A_1981 = arith.constant 14 : i32
      %dma_wait3A_1982 = arith.constant 28 : i32
      %dma_wait3A_1983 = arith.constant 0 : i32
      %dma_wait3A_1984 = arith.constant 0 : i32
      %dma_wait3A_1985 = tpu.memref_slice %arg7[%dma_wait3A_1982, %dma_wait3A_1983, %dma_wait3A_1984] : memref<64x256x128xf32, #tpu.memory_space<vmem>> -> memref<1x256x128xf32, #tpu.memory_space<vmem>>
      %dma_wait3A_1986 = tpu.memref_squeeze %dma_wait3A_1985 : memref<1x256x128xf32, #tpu.memory_space<vmem>> -> memref<256x128xf32, #tpu.memory_space<vmem>>
      %dma_wait3A_1987 = arith.constant 0 : i32
      %dma_wait3A_1988 = tpu.memref_slice %arg3[%dma_wait3A_1981, %dma_wait3A_1987, %mul3A_570] : memref<32x256x4096xf32, #tpu.memory_space<hbm>> -> memref<1x256x128xf32, #tpu.memory_space<hbm>>
      %dma_wait3A_1989 = tpu.memref_squeeze %dma_wait3A_1988 : memref<1x256x128xf32, #tpu.memory_space<hbm>> -> memref<256x128xf32, #tpu.memory_space<hbm>>
      tpu.wait_dma2 semaphore(%arg9 : memref<!tpu.dma_semaphore, #tpu.memory_space<semaphore_mem>>) src(%dma_wait3A_1989 : memref<256x128xf32, #tpu.memory_space<hbm>>) dst(%dma_wait3A_1986 : memref<256x128xf32, #tpu.memory_space<vmem>>)
      %get3A_1990 = arith.constant 14 : index
      %get3A_1991 = arith.constant 0 : index
      %get3A_1992 = memref.load %arg1[%get3A_1990, %get3A_1991] : memref<32x16xi32, #tpu.memory_space<smem>>
      %and3A_1993 = arith.constant 127 : i32
      %and3A_1994 = arith.andi %get3A_1992, %and3A_1993 : i32
      %eq3A_1995 = vector.broadcast %and3A_1994 : i32 to vector<256x128xi32>
      %eq3A_1996 = arith.cmpi eq, %iota3A_1140, %eq3A_1995 : vector<256x128xi32>
      %get3A_1997 = arith.constant 28 : index
      %get3A_1998 = arith.constant 0 : index
      %get3A_1999 = arith.constant 0 : index
      %get3A_2000 = vector.load %arg7[%get3A_1997, %get3A_1998, %get3A_1999] : memref<64x256x128xf32, #tpu.memory_space<vmem>>, vector<1x256x128xf32>
      %get3A_2001 = vector.shape_cast %get3A_2000 : vector<1x256x128xf32> to vector<256x128xf32>
      %jit3A_2002 = arith.constant 0.000000e+00 : f32
      %broadcast_in_dim3A_2003 = vector.broadcast %jit3A_2002 : f32 to vector<256x128xf32>
      %select_n3A_2004 = arith.select %eq3A_1996, %get3A_2001, %broadcast_in_dim3A_2003 : vector<256x128xi1>, vector<256x128xf32>
      %reduce_sum3A_2005 = arith.constant dense<0.000000e+00> : vector<256xf32>
      %reduce_sum3A_2006 = vector.multi_reduction <add>, %select_n3A_2004, %reduce_sum3A_2005 [1] : vector<256x128xf32> to vector<256xf32>
      %broadcast_in_dim3A_2007 = vector.shape_cast %reduce_sum3A_2006 : vector<256xf32> to vector<1x256xf32>
      %swap3A_2008 = arith.constant 28 : index
      %swap3A_2009 = arith.constant 0 : index
      %swap3A_2010 = vector.load %arg6[%swap3A_2008, %swap3A_2009] : memref<64x256xf32, #tpu.memory_space<vmem>>, vector<1x256xf32>
      tpu.vector_store %arg6[%swap3A_2008, %swap3A_2009], %broadcast_in_dim3A_2007 {strides = array<i32>} : memref<64x256xf32, #tpu.memory_space<vmem>>, vector<1x256xf32>,
      %dma_wait3A_2011 = arith.constant 14 : i32
      %dma_wait3A_2012 = arith.constant 29 : i32
      %dma_wait3A_2013 = arith.constant 0 : i32
      %dma_wait3A_2014 = arith.constant 0 : i32
      %dma_wait3A_2015 = tpu.memref_slice %arg7[%dma_wait3A_2012, %dma_wait3A_2013, %dma_wait3A_2014] : memref<64x256x128xf32, #tpu.memory_space<vmem>> -> memref<1x256x128xf32, #tpu.memory_space<vmem>>
      %dma_wait3A_2016 = tpu.memref_squeeze %dma_wait3A_2015 : memref<1x256x128xf32, #tpu.memory_space<vmem>> -> memref<256x128xf32, #tpu.memory_space<vmem>>
      %dma_wait3A_2017 = arith.constant 0 : i32
      %dma_wait3A_2018 = tpu.memref_slice %arg3[%dma_wait3A_2011, %dma_wait3A_2017, %mul3A_586] : memref<32x256x4096xf32, #tpu.memory_space<hbm>> -> memref<1x256x128xf32, #tpu.memory_space<hbm>>
      %dma_wait3A_2019 = tpu.memref_squeeze %dma_wait3A_2018 : memref<1x256x128xf32, #tpu.memory_space<hbm>> -> memref<256x128xf32, #tpu.memory_space<hbm>>
      tpu.wait_dma2 semaphore(%arg9 : memref<!tpu.dma_semaphore, #tpu.memory_space<semaphore_mem>>) src(%dma_wait3A_2019 : memref<256x128xf32, #tpu.memory_space<hbm>>) dst(%dma_wait3A_2016 : memref<256x128xf32, #tpu.memory_space<vmem>>)
      %get3A_2020 = arith.constant 14 : index
      %get3A_2021 = arith.constant 1 : index
      %get3A_2022 = memref.load %arg1[%get3A_2020, %get3A_2021] : memref<32x16xi32, #tpu.memory_space<smem>>
      %and3A_2023 = arith.constant 127 : i32
      %and3A_2024 = arith.andi %get3A_2022, %and3A_2023 : i32
      %eq3A_2025 = vector.broadcast %and3A_2024 : i32 to vector<256x128xi32>
      %eq3A_2026 = arith.cmpi eq, %iota3A_1140, %eq3A_2025 : vector<256x128xi32>
      %get3A_2027 = arith.constant 29 : index
      %get3A_2028 = arith.constant 0 : index
      %get3A_2029 = arith.constant 0 : index
      %get3A_2030 = vector.load %arg7[%get3A_2027, %get3A_2028, %get3A_2029] : memref<64x256x128xf32, #tpu.memory_space<vmem>>, vector<1x256x128xf32>
      %get3A_2031 = vector.shape_cast %get3A_2030 : vector<1x256x128xf32> to vector<256x128xf32>
      %jit3A_2032 = arith.constant 0.000000e+00 : f32
      %broadcast_in_dim3A_2033 = vector.broadcast %jit3A_2032 : f32 to vector<256x128xf32>
      %select_n3A_2034 = arith.select %eq3A_2026, %get3A_2031, %broadcast_in_dim3A_2033 : vector<256x128xi1>, vector<256x128xf32>
      %reduce_sum3A_2035 = arith.constant dense<0.000000e+00> : vector<256xf32>
      %reduce_sum3A_2036 = vector.multi_reduction <add>, %select_n3A_2034, %reduce_sum3A_2035 [1] : vector<256x128xf32> to vector<256xf32>
      %broadcast_in_dim3A_2037 = vector.shape_cast %reduce_sum3A_2036 : vector<256xf32> to vector<1x256xf32>
      %swap3A_2038 = arith.constant 29 : index
      %swap3A_2039 = arith.constant 0 : index
      %swap3A_2040 = vector.load %arg6[%swap3A_2038, %swap3A_2039] : memref<64x256xf32, #tpu.memory_space<vmem>>, vector<1x256xf32>
      tpu.vector_store %arg6[%swap3A_2038, %swap3A_2039], %broadcast_in_dim3A_2037 {strides = array<i32>} : memref<64x256xf32, #tpu.memory_space<vmem>>, vector<1x256xf32>,
      %dma_wait3A_2041 = arith.constant 15 : i32
      %dma_wait3A_2042 = arith.constant 30 : i32
      %dma_wait3A_2043 = arith.constant 0 : i32
      %dma_wait3A_2044 = arith.constant 0 : i32
      %dma_wait3A_2045 = tpu.memref_slice %arg7[%dma_wait3A_2042, %dma_wait3A_2043, %dma_wait3A_2044] : memref<64x256x128xf32, #tpu.memory_space<vmem>> -> memref<1x256x128xf32, #tpu.memory_space<vmem>>
      %dma_wait3A_2046 = tpu.memref_squeeze %dma_wait3A_2045 : memref<1x256x128xf32, #tpu.memory_space<vmem>> -> memref<256x128xf32, #tpu.memory_space<vmem>>
      %dma_wait3A_2047 = arith.constant 0 : i32
      %dma_wait3A_2048 = tpu.memref_slice %arg3[%dma_wait3A_2041, %dma_wait3A_2047, %mul3A_602] : memref<32x256x4096xf32, #tpu.memory_space<hbm>> -> memref<1x256x128xf32, #tpu.memory_space<hbm>>
      %dma_wait3A_2049 = tpu.memref_squeeze %dma_wait3A_2048 : memref<1x256x128xf32, #tpu.memory_space<hbm>> -> memref<256x128xf32, #tpu.memory_space<hbm>>
      tpu.wait_dma2 semaphore(%arg9 : memref<!tpu.dma_semaphore, #tpu.memory_space<semaphore_mem>>) src(%dma_wait3A_2049 : memref<256x128xf32, #tpu.memory_space<hbm>>) dst(%dma_wait3A_2046 : memref<256x128xf32, #tpu.memory_space<vmem>>)
      %get3A_2050 = arith.constant 15 : index
      %get3A_2051 = arith.constant 0 : index
      %get3A_2052 = memref.load %arg1[%get3A_2050, %get3A_2051] : memref<32x16xi32, #tpu.memory_space<smem>>
      %and3A_2053 = arith.constant 127 : i32
      %and3A_2054 = arith.andi %get3A_2052, %and3A_2053 : i32
      %eq3A_2055 = vector.broadcast %and3A_2054 : i32 to vector<256x128xi32>
      %eq3A_2056 = arith.cmpi eq, %iota3A_1140, %eq3A_2055 : vector<256x128xi32>
      %get3A_2057 = arith.constant 30 : index
      %get3A_2058 = arith.constant 0 : index
      %get3A_2059 = arith.constant 0 : index
      %get3A_2060 = vector.load %arg7[%get3A_2057, %get3A_2058, %get3A_2059] : memref<64x256x128xf32, #tpu.memory_space<vmem>>, vector<1x256x128xf32>
      %get3A_2061 = vector.shape_cast %get3A_2060 : vector<1x256x128xf32> to vector<256x128xf32>
      %jit3A_2062 = arith.constant 0.000000e+00 : f32
      %broadcast_in_dim3A_2063 = vector.broadcast %jit3A_2062 : f32 to vector<256x128xf32>
      %select_n3A_2064 = arith.select %eq3A_2056, %get3A_2061, %broadcast_in_dim3A_2063 : vector<256x128xi1>, vector<256x128xf32>
      %reduce_sum3A_2065 = arith.constant dense<0.000000e+00> : vector<256xf32>
      %reduce_sum3A_2066 = vector.multi_reduction <add>, %select_n3A_2064, %reduce_sum3A_2065 [1] : vector<256x128xf32> to vector<256xf32>
      %broadcast_in_dim3A_2067 = vector.shape_cast %reduce_sum3A_2066 : vector<256xf32> to vector<1x256xf32>
      %swap3A_2068 = arith.constant 30 : index
      %swap3A_2069 = arith.constant 0 : index
      %swap3A_2070 = vector.load %arg6[%swap3A_2068, %swap3A_2069] : memref<64x256xf32, #tpu.memory_space<vmem>>, vector<1x256xf32>
      tpu.vector_store %arg6[%swap3A_2068, %swap3A_2069], %broadcast_in_dim3A_2067 {strides = array<i32>} : memref<64x256xf32, #tpu.memory_space<vmem>>, vector<1x256xf32>,
      %dma_wait3A_2071 = arith.constant 15 : i32
      %dma_wait3A_2072 = arith.constant 31 : i32
      %dma_wait3A_2073 = arith.constant 0 : i32
      %dma_wait3A_2074 = arith.constant 0 : i32
      %dma_wait3A_2075 = tpu.memref_slice %arg7[%dma_wait3A_2072, %dma_wait3A_2073, %dma_wait3A_2074] : memref<64x256x128xf32, #tpu.memory_space<vmem>> -> memref<1x256x128xf32, #tpu.memory_space<vmem>>
      %dma_wait3A_2076 = tpu.memref_squeeze %dma_wait3A_2075 : memref<1x256x128xf32, #tpu.memory_space<vmem>> -> memref<256x128xf32, #tpu.memory_space<vmem>>
      %dma_wait3A_2077 = arith.constant 0 : i32
      %dma_wait3A_2078 = tpu.memref_slice %arg3[%dma_wait3A_2071, %dma_wait3A_2077, %mul3A_618] : memref<32x256x4096xf32, #tpu.memory_space<hbm>> -> memref<1x256x128xf32, #tpu.memory_space<hbm>>
      %dma_wait3A_2079 = tpu.memref_squeeze %dma_wait3A_2078 : memref<1x256x128xf32, #tpu.memory_space<hbm>> -> memref<256x128xf32, #tpu.memory_space<hbm>>
      tpu.wait_dma2 semaphore(%arg9 : memref<!tpu.dma_semaphore, #tpu.memory_space<semaphore_mem>>) src(%dma_wait3A_2079 : memref<256x128xf32, #tpu.memory_space<hbm>>) dst(%dma_wait3A_2076 : memref<256x128xf32, #tpu.memory_space<vmem>>)
      %get3A_2080 = arith.constant 15 : index
      %get3A_2081 = arith.constant 1 : index
      %get3A_2082 = memref.load %arg1[%get3A_2080, %get3A_2081] : memref<32x16xi32, #tpu.memory_space<smem>>
      %and3A_2083 = arith.constant 127 : i32
      %and3A_2084 = arith.andi %get3A_2082, %and3A_2083 : i32
      %eq3A_2085 = vector.broadcast %and3A_2084 : i32 to vector<256x128xi32>
      %eq3A_2086 = arith.cmpi eq, %iota3A_1140, %eq3A_2085 : vector<256x128xi32>
      %get3A_2087 = arith.constant 31 : index
      %get3A_2088 = arith.constant 0 : index
      %get3A_2089 = arith.constant 0 : index
      %get3A_2090 = vector.load %arg7[%get3A_2087, %get3A_2088, %get3A_2089] : memref<64x256x128xf32, #tpu.memory_space<vmem>>, vector<1x256x128xf32>
      %get3A_2091 = vector.shape_cast %get3A_2090 : vector<1x256x128xf32> to vector<256x128xf32>
      %jit3A_2092 = arith.constant 0.000000e+00 : f32
      %broadcast_in_dim3A_2093 = vector.broadcast %jit3A_2092 : f32 to vector<256x128xf32>
      %select_n3A_2094 = arith.select %eq3A_2086, %get3A_2091, %broadcast_in_dim3A_2093 : vector<256x128xi1>, vector<256x128xf32>
      %reduce_sum3A_2095 = arith.constant dense<0.000000e+00> : vector<256xf32>
      %reduce_sum3A_2096 = vector.multi_reduction <add>, %select_n3A_2094, %reduce_sum3A_2095 [1] : vector<256x128xf32> to vector<256xf32>
      %broadcast_in_dim3A_2097 = vector.shape_cast %reduce_sum3A_2096 : vector<256xf32> to vector<1x256xf32>
      %swap3A_2098 = arith.constant 31 : index
      %swap3A_2099 = arith.constant 0 : index
      %swap3A_2100 = vector.load %arg6[%swap3A_2098, %swap3A_2099] : memref<64x256xf32, #tpu.memory_space<vmem>>, vector<1x256xf32>
      tpu.vector_store %arg6[%swap3A_2098, %swap3A_2099], %broadcast_in_dim3A_2097 {strides = array<i32>} : memref<64x256xf32, #tpu.memory_space<vmem>>, vector<1x256xf32>,
      %dma_wait3A_2101 = arith.constant 16 : i32
      %dma_wait3A_2102 = arith.constant 32 : i32
      %dma_wait3A_2103 = arith.constant 0 : i32
      %dma_wait3A_2104 = arith.constant 0 : i32
      %dma_wait3A_2105 = tpu.memref_slice %arg7[%dma_wait3A_2102, %dma_wait3A_2103, %dma_wait3A_2104] : memref<64x256x128xf32, #tpu.memory_space<vmem>> -> memref<1x256x128xf32, #tpu.memory_space<vmem>>
      %dma_wait3A_2106 = tpu.memref_squeeze %dma_wait3A_2105 : memref<1x256x128xf32, #tpu.memory_space<vmem>> -> memref<256x128xf32, #tpu.memory_space<vmem>>
      %dma_wait3A_2107 = arith.constant 0 : i32
      %dma_wait3A_2108 = tpu.memref_slice %arg3[%dma_wait3A_2101, %dma_wait3A_2107, %mul3A_634] : memref<32x256x4096xf32, #tpu.memory_space<hbm>> -> memref<1x256x128xf32, #tpu.memory_space<hbm>>
      %dma_wait3A_2109 = tpu.memref_squeeze %dma_wait3A_2108 : memref<1x256x128xf32, #tpu.memory_space<hbm>> -> memref<256x128xf32, #tpu.memory_space<hbm>>
      tpu.wait_dma2 semaphore(%arg9 : memref<!tpu.dma_semaphore, #tpu.memory_space<semaphore_mem>>) src(%dma_wait3A_2109 : memref<256x128xf32, #tpu.memory_space<hbm>>) dst(%dma_wait3A_2106 : memref<256x128xf32, #tpu.memory_space<vmem>>)
      %get3A_2110 = arith.constant 16 : index
      %get3A_2111 = arith.constant 0 : index
      %get3A_2112 = memref.load %arg1[%get3A_2110, %get3A_2111] : memref<32x16xi32, #tpu.memory_space<smem>>
      %and3A_2113 = arith.constant 127 : i32
      %and3A_2114 = arith.andi %get3A_2112, %and3A_2113 : i32
      %eq3A_2115 = vector.broadcast %and3A_2114 : i32 to vector<256x128xi32>
      %eq3A_2116 = arith.cmpi eq, %iota3A_1140, %eq3A_2115 : vector<256x128xi32>
      %get3A_2117 = arith.constant 32 : index
      %get3A_2118 = arith.constant 0 : index
      %get3A_2119 = arith.constant 0 : index
      %get3A_2120 = vector.load %arg7[%get3A_2117, %get3A_2118, %get3A_2119] : memref<64x256x128xf32, #tpu.memory_space<vmem>>, vector<1x256x128xf32>
      %get3A_2121 = vector.shape_cast %get3A_2120 : vector<1x256x128xf32> to vector<256x128xf32>
      %jit3A_2122 = arith.constant 0.000000e+00 : f32
      %broadcast_in_dim3A_2123 = vector.broadcast %jit3A_2122 : f32 to vector<256x128xf32>
      %select_n3A_2124 = arith.select %eq3A_2116, %get3A_2121, %broadcast_in_dim3A_2123 : vector<256x128xi1>, vector<256x128xf32>
      %reduce_sum3A_2125 = arith.constant dense<0.000000e+00> : vector<256xf32>
      %reduce_sum3A_2126 = vector.multi_reduction <add>, %select_n3A_2124, %reduce_sum3A_2125 [1] : vector<256x128xf32> to vector<256xf32>
      %broadcast_in_dim3A_2127 = vector.shape_cast %reduce_sum3A_2126 : vector<256xf32> to vector<1x256xf32>
      %swap3A_2128 = arith.constant 32 : index
      %swap3A_2129 = arith.constant 0 : index
      %swap3A_2130 = vector.load %arg6[%swap3A_2128, %swap3A_2129] : memref<64x256xf32, #tpu.memory_space<vmem>>, vector<1x256xf32>
      tpu.vector_store %arg6[%swap3A_2128, %swap3A_2129], %broadcast_in_dim3A_2127 {strides = array<i32>} : memref<64x256xf32, #tpu.memory_space<vmem>>, vector<1x256xf32>,
      %dma_wait3A_2131 = arith.constant 16 : i32
      %dma_wait3A_2132 = arith.constant 33 : i32
      %dma_wait3A_2133 = arith.constant 0 : i32
      %dma_wait3A_2134 = arith.constant 0 : i32
      %dma_wait3A_2135 = tpu.memref_slice %arg7[%dma_wait3A_2132, %dma_wait3A_2133, %dma_wait3A_2134] : memref<64x256x128xf32, #tpu.memory_space<vmem>> -> memref<1x256x128xf32, #tpu.memory_space<vmem>>
      %dma_wait3A_2136 = tpu.memref_squeeze %dma_wait3A_2135 : memref<1x256x128xf32, #tpu.memory_space<vmem>> -> memref<256x128xf32, #tpu.memory_space<vmem>>
      %dma_wait3A_2137 = arith.constant 0 : i32
      %dma_wait3A_2138 = tpu.memref_slice %arg3[%dma_wait3A_2131, %dma_wait3A_2137, %mul3A_650] : memref<32x256x4096xf32, #tpu.memory_space<hbm>> -> memref<1x256x128xf32, #tpu.memory_space<hbm>>
      %dma_wait3A_2139 = tpu.memref_squeeze %dma_wait3A_2138 : memref<1x256x128xf32, #tpu.memory_space<hbm>> -> memref<256x128xf32, #tpu.memory_space<hbm>>
      tpu.wait_dma2 semaphore(%arg9 : memref<!tpu.dma_semaphore, #tpu.memory_space<semaphore_mem>>) src(%dma_wait3A_2139 : memref<256x128xf32, #tpu.memory_space<hbm>>) dst(%dma_wait3A_2136 : memref<256x128xf32, #tpu.memory_space<vmem>>)
      %get3A_2140 = arith.constant 16 : index
      %get3A_2141 = arith.constant 1 : index
      %get3A_2142 = memref.load %arg1[%get3A_2140, %get3A_2141] : memref<32x16xi32, #tpu.memory_space<smem>>
      %and3A_2143 = arith.constant 127 : i32
      %and3A_2144 = arith.andi %get3A_2142, %and3A_2143 : i32
      %eq3A_2145 = vector.broadcast %and3A_2144 : i32 to vector<256x128xi32>
      %eq3A_2146 = arith.cmpi eq, %iota3A_1140, %eq3A_2145 : vector<256x128xi32>
      %get3A_2147 = arith.constant 33 : index
      %get3A_2148 = arith.constant 0 : index
      %get3A_2149 = arith.constant 0 : index
      %get3A_2150 = vector.load %arg7[%get3A_2147, %get3A_2148, %get3A_2149] : memref<64x256x128xf32, #tpu.memory_space<vmem>>, vector<1x256x128xf32>
      %get3A_2151 = vector.shape_cast %get3A_2150 : vector<1x256x128xf32> to vector<256x128xf32>
      %jit3A_2152 = arith.constant 0.000000e+00 : f32
      %broadcast_in_dim3A_2153 = vector.broadcast %jit3A_2152 : f32 to vector<256x128xf32>
      %select_n3A_2154 = arith.select %eq3A_2146, %get3A_2151, %broadcast_in_dim3A_2153 : vector<256x128xi1>, vector<256x128xf32>
      %reduce_sum3A_2155 = arith.constant dense<0.000000e+00> : vector<256xf32>
      %reduce_sum3A_2156 = vector.multi_reduction <add>, %select_n3A_2154, %reduce_sum3A_2155 [1] : vector<256x128xf32> to vector<256xf32>
      %broadcast_in_dim3A_2157 = vector.shape_cast %reduce_sum3A_2156 : vector<256xf32> to vector<1x256xf32>
      %swap3A_2158 = arith.constant 33 : index
      %swap3A_2159 = arith.constant 0 : index
      %swap3A_2160 = vector.load %arg6[%swap3A_2158, %swap3A_2159] : memref<64x256xf32, #tpu.memory_space<vmem>>, vector<1x256xf32>
      tpu.vector_store %arg6[%swap3A_2158, %swap3A_2159], %broadcast_in_dim3A_2157 {strides = array<i32>} : memref<64x256xf32, #tpu.memory_space<vmem>>, vector<1x256xf32>,
      %dma_wait3A_2161 = arith.constant 17 : i32
      %dma_wait3A_2162 = arith.constant 34 : i32
      %dma_wait3A_2163 = arith.constant 0 : i32
      %dma_wait3A_2164 = arith.constant 0 : i32
      %dma_wait3A_2165 = tpu.memref_slice %arg7[%dma_wait3A_2162, %dma_wait3A_2163, %dma_wait3A_2164] : memref<64x256x128xf32, #tpu.memory_space<vmem>> -> memref<1x256x128xf32, #tpu.memory_space<vmem>>
      %dma_wait3A_2166 = tpu.memref_squeeze %dma_wait3A_2165 : memref<1x256x128xf32, #tpu.memory_space<vmem>> -> memref<256x128xf32, #tpu.memory_space<vmem>>
      %dma_wait3A_2167 = arith.constant 0 : i32
      %dma_wait3A_2168 = tpu.memref_slice %arg3[%dma_wait3A_2161, %dma_wait3A_2167, %mul3A_666] : memref<32x256x4096xf32, #tpu.memory_space<hbm>> -> memref<1x256x128xf32, #tpu.memory_space<hbm>>
      %dma_wait3A_2169 = tpu.memref_squeeze %dma_wait3A_2168 : memref<1x256x128xf32, #tpu.memory_space<hbm>> -> memref<256x128xf32, #tpu.memory_space<hbm>>
      tpu.wait_dma2 semaphore(%arg9 : memref<!tpu.dma_semaphore, #tpu.memory_space<semaphore_mem>>) src(%dma_wait3A_2169 : memref<256x128xf32, #tpu.memory_space<hbm>>) dst(%dma_wait3A_2166 : memref<256x128xf32, #tpu.memory_space<vmem>>)
      %get3A_2170 = arith.constant 17 : index
      %get3A_2171 = arith.constant 0 : index
      %get3A_2172 = memref.load %arg1[%get3A_2170, %get3A_2171] : memref<32x16xi32, #tpu.memory_space<smem>>
      %and3A_2173 = arith.constant 127 : i32
      %and3A_2174 = arith.andi %get3A_2172, %and3A_2173 : i32
      %eq3A_2175 = vector.broadcast %and3A_2174 : i32 to vector<256x128xi32>
      %eq3A_2176 = arith.cmpi eq, %iota3A_1140, %eq3A_2175 : vector<256x128xi32>
      %get3A_2177 = arith.constant 34 : index
      %get3A_2178 = arith.constant 0 : index
      %get3A_2179 = arith.constant 0 : index
      %get3A_2180 = vector.load %arg7[%get3A_2177, %get3A_2178, %get3A_2179] : memref<64x256x128xf32, #tpu.memory_space<vmem>>, vector<1x256x128xf32>
      %get3A_2181 = vector.shape_cast %get3A_2180 : vector<1x256x128xf32> to vector<256x128xf32>
      %jit3A_2182 = arith.constant 0.000000e+00 : f32
      %broadcast_in_dim3A_2183 = vector.broadcast %jit3A_2182 : f32 to vector<256x128xf32>
      %select_n3A_2184 = arith.select %eq3A_2176, %get3A_2181, %broadcast_in_dim3A_2183 : vector<256x128xi1>, vector<256x128xf32>
      %reduce_sum3A_2185 = arith.constant dense<0.000000e+00> : vector<256xf32>
      %reduce_sum3A_2186 = vector.multi_reduction <add>, %select_n3A_2184, %reduce_sum3A_2185 [1] : vector<256x128xf32> to vector<256xf32>
      %broadcast_in_dim3A_2187 = vector.shape_cast %reduce_sum3A_2186 : vector<256xf32> to vector<1x256xf32>
      %swap3A_2188 = arith.constant 34 : index
      %swap3A_2189 = arith.constant 0 : index
      %swap3A_2190 = vector.load %arg6[%swap3A_2188, %swap3A_2189] : memref<64x256xf32, #tpu.memory_space<vmem>>, vector<1x256xf32>
      tpu.vector_store %arg6[%swap3A_2188, %swap3A_2189], %broadcast_in_dim3A_2187 {strides = array<i32>} : memref<64x256xf32, #tpu.memory_space<vmem>>, vector<1x256xf32>,
      %dma_wait3A_2191 = arith.constant 17 : i32
      %dma_wait3A_2192 = arith.constant 35 : i32
      %dma_wait3A_2193 = arith.constant 0 : i32
      %dma_wait3A_2194 = arith.constant 0 : i32
      %dma_wait3A_2195 = tpu.memref_slice %arg7[%dma_wait3A_2192, %dma_wait3A_2193, %dma_wait3A_2194] : memref<64x256x128xf32, #tpu.memory_space<vmem>> -> memref<1x256x128xf32, #tpu.memory_space<vmem>>
      %dma_wait3A_2196 = tpu.memref_squeeze %dma_wait3A_2195 : memref<1x256x128xf32, #tpu.memory_space<vmem>> -> memref<256x128xf32, #tpu.memory_space<vmem>>
      %dma_wait3A_2197 = arith.constant 0 : i32
      %dma_wait3A_2198 = tpu.memref_slice %arg3[%dma_wait3A_2191, %dma_wait3A_2197, %mul3A_682] : memref<32x256x4096xf32, #tpu.memory_space<hbm>> -> memref<1x256x128xf32, #tpu.memory_space<hbm>>
      %dma_wait3A_2199 = tpu.memref_squeeze %dma_wait3A_2198 : memref<1x256x128xf32, #tpu.memory_space<hbm>> -> memref<256x128xf32, #tpu.memory_space<hbm>>
      tpu.wait_dma2 semaphore(%arg9 : memref<!tpu.dma_semaphore, #tpu.memory_space<semaphore_mem>>) src(%dma_wait3A_2199 : memref<256x128xf32, #tpu.memory_space<hbm>>) dst(%dma_wait3A_2196 : memref<256x128xf32, #tpu.memory_space<vmem>>)
      %get3A_2200 = arith.constant 17 : index
      %get3A_2201 = arith.constant 1 : index
      %get3A_2202 = memref.load %arg1[%get3A_2200, %get3A_2201] : memref<32x16xi32, #tpu.memory_space<smem>>
      %and3A_2203 = arith.constant 127 : i32
      %and3A_2204 = arith.andi %get3A_2202, %and3A_2203 : i32
      %eq3A_2205 = vector.broadcast %and3A_2204 : i32 to vector<256x128xi32>
      %eq3A_2206 = arith.cmpi eq, %iota3A_1140, %eq3A_2205 : vector<256x128xi32>
      %get3A_2207 = arith.constant 35 : index
      %get3A_2208 = arith.constant 0 : index
      %get3A_2209 = arith.constant 0 : index
      %get3A_2210 = vector.load %arg7[%get3A_2207, %get3A_2208, %get3A_2209] : memref<64x256x128xf32, #tpu.memory_space<vmem>>, vector<1x256x128xf32>
      %get3A_2211 = vector.shape_cast %get3A_2210 : vector<1x256x128xf32> to vector<256x128xf32>
      %jit3A_2212 = arith.constant 0.000000e+00 : f32
      %broadcast_in_dim3A_2213 = vector.broadcast %jit3A_2212 : f32 to vector<256x128xf32>
      %select_n3A_2214 = arith.select %eq3A_2206, %get3A_2211, %broadcast_in_dim3A_2213 : vector<256x128xi1>, vector<256x128xf32>
      %reduce_sum3A_2215 = arith.constant dense<0.000000e+00> : vector<256xf32>
      %reduce_sum3A_2216 = vector.multi_reduction <add>, %select_n3A_2214, %reduce_sum3A_2215 [1] : vector<256x128xf32> to vector<256xf32>
      %broadcast_in_dim3A_2217 = vector.shape_cast %reduce_sum3A_2216 : vector<256xf32> to vector<1x256xf32>
      %swap3A_2218 = arith.constant 35 : index
      %swap3A_2219 = arith.constant 0 : index
      %swap3A_2220 = vector.load %arg6[%swap3A_2218, %swap3A_2219] : memref<64x256xf32, #tpu.memory_space<vmem>>, vector<1x256xf32>
      tpu.vector_store %arg6[%swap3A_2218, %swap3A_2219], %broadcast_in_dim3A_2217 {strides = array<i32>} : memref<64x256xf32, #tpu.memory_space<vmem>>, vector<1x256xf32>,
      %dma_wait3A_2221 = arith.constant 18 : i32
      %dma_wait3A_2222 = arith.constant 36 : i32
      %dma_wait3A_2223 = arith.constant 0 : i32
      %dma_wait3A_2224 = arith.constant 0 : i32
      %dma_wait3A_2225 = tpu.memref_slice %arg7[%dma_wait3A_2222, %dma_wait3A_2223, %dma_wait3A_2224] : memref<64x256x128xf32, #tpu.memory_space<vmem>> -> memref<1x256x128xf32, #tpu.memory_space<vmem>>
      %dma_wait3A_2226 = tpu.memref_squeeze %dma_wait3A_2225 : memref<1x256x128xf32, #tpu.memory_space<vmem>> -> memref<256x128xf32, #tpu.memory_space<vmem>>
      %dma_wait3A_2227 = arith.constant 0 : i32
      %dma_wait3A_2228 = tpu.memref_slice %arg3[%dma_wait3A_2221, %dma_wait3A_2227, %mul3A_698] : memref<32x256x4096xf32, #tpu.memory_space<hbm>> -> memref<1x256x128xf32, #tpu.memory_space<hbm>>
      %dma_wait3A_2229 = tpu.memref_squeeze %dma_wait3A_2228 : memref<1x256x128xf32, #tpu.memory_space<hbm>> -> memref<256x128xf32, #tpu.memory_space<hbm>>
      tpu.wait_dma2 semaphore(%arg9 : memref<!tpu.dma_semaphore, #tpu.memory_space<semaphore_mem>>) src(%dma_wait3A_2229 : memref<256x128xf32, #tpu.memory_space<hbm>>) dst(%dma_wait3A_2226 : memref<256x128xf32, #tpu.memory_space<vmem>>)
      %get3A_2230 = arith.constant 18 : index
      %get3A_2231 = arith.constant 0 : index
      %get3A_2232 = memref.load %arg1[%get3A_2230, %get3A_2231] : memref<32x16xi32, #tpu.memory_space<smem>>
      %and3A_2233 = arith.constant 127 : i32
      %and3A_2234 = arith.andi %get3A_2232, %and3A_2233 : i32
      %eq3A_2235 = vector.broadcast %and3A_2234 : i32 to vector<256x128xi32>
      %eq3A_2236 = arith.cmpi eq, %iota3A_1140, %eq3A_2235 : vector<256x128xi32>
      %get3A_2237 = arith.constant 36 : index
      %get3A_2238 = arith.constant 0 : index
      %get3A_2239 = arith.constant 0 : index
      %get3A_2240 = vector.load %arg7[%get3A_2237, %get3A_2238, %get3A_2239] : memref<64x256x128xf32, #tpu.memory_space<vmem>>, vector<1x256x128xf32>
      %get3A_2241 = vector.shape_cast %get3A_2240 : vector<1x256x128xf32> to vector<256x128xf32>
      %jit3A_2242 = arith.constant 0.000000e+00 : f32
      %broadcast_in_dim3A_2243 = vector.broadcast %jit3A_2242 : f32 to vector<256x128xf32>
      %select_n3A_2244 = arith.select %eq3A_2236, %get3A_2241, %broadcast_in_dim3A_2243 : vector<256x128xi1>, vector<256x128xf32>
      %reduce_sum3A_2245 = arith.constant dense<0.000000e+00> : vector<256xf32>
      %reduce_sum3A_2246 = vector.multi_reduction <add>, %select_n3A_2244, %reduce_sum3A_2245 [1] : vector<256x128xf32> to vector<256xf32>
      %broadcast_in_dim3A_2247 = vector.shape_cast %reduce_sum3A_2246 : vector<256xf32> to vector<1x256xf32>
      %swap3A_2248 = arith.constant 36 : index
      %swap3A_2249 = arith.constant 0 : index
      %swap3A_2250 = vector.load %arg6[%swap3A_2248, %swap3A_2249] : memref<64x256xf32, #tpu.memory_space<vmem>>, vector<1x256xf32>
      tpu.vector_store %arg6[%swap3A_2248, %swap3A_2249], %broadcast_in_dim3A_2247 {strides = array<i32>} : memref<64x256xf32, #tpu.memory_space<vmem>>, vector<1x256xf32>,
      %dma_wait3A_2251 = arith.constant 18 : i32
      %dma_wait3A_2252 = arith.constant 37 : i32
      %dma_wait3A_2253 = arith.constant 0 : i32
      %dma_wait3A_2254 = arith.constant 0 : i32
      %dma_wait3A_2255 = tpu.memref_slice %arg7[%dma_wait3A_2252, %dma_wait3A_2253, %dma_wait3A_2254] : memref<64x256x128xf32, #tpu.memory_space<vmem>> -> memref<1x256x128xf32, #tpu.memory_space<vmem>>
      %dma_wait3A_2256 = tpu.memref_squeeze %dma_wait3A_2255 : memref<1x256x128xf32, #tpu.memory_space<vmem>> -> memref<256x128xf32, #tpu.memory_space<vmem>>
      %dma_wait3A_2257 = arith.constant 0 : i32
      %dma_wait3A_2258 = tpu.memref_slice %arg3[%dma_wait3A_2251, %dma_wait3A_2257, %mul3A_714] : memref<32x256x4096xf32, #tpu.memory_space<hbm>> -> memref<1x256x128xf32, #tpu.memory_space<hbm>>
      %dma_wait3A_2259 = tpu.memref_squeeze %dma_wait3A_2258 : memref<1x256x128xf32, #tpu.memory_space<hbm>> -> memref<256x128xf32, #tpu.memory_space<hbm>>
      tpu.wait_dma2 semaphore(%arg9 : memref<!tpu.dma_semaphore, #tpu.memory_space<semaphore_mem>>) src(%dma_wait3A_2259 : memref<256x128xf32, #tpu.memory_space<hbm>>) dst(%dma_wait3A_2256 : memref<256x128xf32, #tpu.memory_space<vmem>>)
      %get3A_2260 = arith.constant 18 : index
      %get3A_2261 = arith.constant 1 : index
      %get3A_2262 = memref.load %arg1[%get3A_2260, %get3A_2261] : memref<32x16xi32, #tpu.memory_space<smem>>
      %and3A_2263 = arith.constant 127 : i32
      %and3A_2264 = arith.andi %get3A_2262, %and3A_2263 : i32
      %eq3A_2265 = vector.broadcast %and3A_2264 : i32 to vector<256x128xi32>
      %eq3A_2266 = arith.cmpi eq, %iota3A_1140, %eq3A_2265 : vector<256x128xi32>
      %get3A_2267 = arith.constant 37 : index
      %get3A_2268 = arith.constant 0 : index
      %get3A_2269 = arith.constant 0 : index
      %get3A_2270 = vector.load %arg7[%get3A_2267, %get3A_2268, %get3A_2269] : memref<64x256x128xf32, #tpu.memory_space<vmem>>, vector<1x256x128xf32>
      %get3A_2271 = vector.shape_cast %get3A_2270 : vector<1x256x128xf32> to vector<256x128xf32>
      %jit3A_2272 = arith.constant 0.000000e+00 : f32
      %broadcast_in_dim3A_2273 = vector.broadcast %jit3A_2272 : f32 to vector<256x128xf32>
      %select_n3A_2274 = arith.select %eq3A_2266, %get3A_2271, %broadcast_in_dim3A_2273 : vector<256x128xi1>, vector<256x128xf32>
      %reduce_sum3A_2275 = arith.constant dense<0.000000e+00> : vector<256xf32>
      %reduce_sum3A_2276 = vector.multi_reduction <add>, %select_n3A_2274, %reduce_sum3A_2275 [1] : vector<256x128xf32> to vector<256xf32>
      %broadcast_in_dim3A_2277 = vector.shape_cast %reduce_sum3A_2276 : vector<256xf32> to vector<1x256xf32>
      %swap3A_2278 = arith.constant 37 : index
      %swap3A_2279 = arith.constant 0 : index
      %swap3A_2280 = vector.load %arg6[%swap3A_2278, %swap3A_2279] : memref<64x256xf32, #tpu.memory_space<vmem>>, vector<1x256xf32>
      tpu.vector_store %arg6[%swap3A_2278, %swap3A_2279], %broadcast_in_dim3A_2277 {strides = array<i32>} : memref<64x256xf32, #tpu.memory_space<vmem>>, vector<1x256xf32>,
      %dma_wait3A_2281 = arith.constant 19 : i32
      %dma_wait3A_2282 = arith.constant 38 : i32
      %dma_wait3A_2283 = arith.constant 0 : i32
      %dma_wait3A_2284 = arith.constant 0 : i32
      %dma_wait3A_2285 = tpu.memref_slice %arg7[%dma_wait3A_2282, %dma_wait3A_2283, %dma_wait3A_2284] : memref<64x256x128xf32, #tpu.memory_space<vmem>> -> memref<1x256x128xf32, #tpu.memory_space<vmem>>
      %dma_wait3A_2286 = tpu.memref_squeeze %dma_wait3A_2285 : memref<1x256x128xf32, #tpu.memory_space<vmem>> -> memref<256x128xf32, #tpu.memory_space<vmem>>
      %dma_wait3A_2287 = arith.constant 0 : i32
      %dma_wait3A_2288 = tpu.memref_slice %arg3[%dma_wait3A_2281, %dma_wait3A_2287, %mul3A_730] : memref<32x256x4096xf32, #tpu.memory_space<hbm>> -> memref<1x256x128xf32, #tpu.memory_space<hbm>>
      %dma_wait3A_2289 = tpu.memref_squeeze %dma_wait3A_2288 : memref<1x256x128xf32, #tpu.memory_space<hbm>> -> memref<256x128xf32, #tpu.memory_space<hbm>>
      tpu.wait_dma2 semaphore(%arg9 : memref<!tpu.dma_semaphore, #tpu.memory_space<semaphore_mem>>) src(%dma_wait3A_2289 : memref<256x128xf32, #tpu.memory_space<hbm>>) dst(%dma_wait3A_2286 : memref<256x128xf32, #tpu.memory_space<vmem>>)
      %get3A_2290 = arith.constant 19 : index
      %get3A_2291 = arith.constant 0 : index
      %get3A_2292 = memref.load %arg1[%get3A_2290, %get3A_2291] : memref<32x16xi32, #tpu.memory_space<smem>>
      %and3A_2293 = arith.constant 127 : i32
      %and3A_2294 = arith.andi %get3A_2292, %and3A_2293 : i32
      %eq3A_2295 = vector.broadcast %and3A_2294 : i32 to vector<256x128xi32>
      %eq3A_2296 = arith.cmpi eq, %iota3A_1140, %eq3A_2295 : vector<256x128xi32>
      %get3A_2297 = arith.constant 38 : index
      %get3A_2298 = arith.constant 0 : index
      %get3A_2299 = arith.constant 0 : index
      %get3A_2300 = vector.load %arg7[%get3A_2297, %get3A_2298, %get3A_2299] : memref<64x256x128xf32, #tpu.memory_space<vmem>>, vector<1x256x128xf32>
      %get3A_2301 = vector.shape_cast %get3A_2300 : vector<1x256x128xf32> to vector<256x128xf32>
      %jit3A_2302 = arith.constant 0.000000e+00 : f32
      %broadcast_in_dim3A_2303 = vector.broadcast %jit3A_2302 : f32 to vector<256x128xf32>
      %select_n3A_2304 = arith.select %eq3A_2296, %get3A_2301, %broadcast_in_dim3A_2303 : vector<256x128xi1>, vector<256x128xf32>
      %reduce_sum3A_2305 = arith.constant dense<0.000000e+00> : vector<256xf32>
      %reduce_sum3A_2306 = vector.multi_reduction <add>, %select_n3A_2304, %reduce_sum3A_2305 [1] : vector<256x128xf32> to vector<256xf32>
      %broadcast_in_dim3A_2307 = vector.shape_cast %reduce_sum3A_2306 : vector<256xf32> to vector<1x256xf32>
      %swap3A_2308 = arith.constant 38 : index
      %swap3A_2309 = arith.constant 0 : index
      %swap3A_2310 = vector.load %arg6[%swap3A_2308, %swap3A_2309] : memref<64x256xf32, #tpu.memory_space<vmem>>, vector<1x256xf32>
      tpu.vector_store %arg6[%swap3A_2308, %swap3A_2309], %broadcast_in_dim3A_2307 {strides = array<i32>} : memref<64x256xf32, #tpu.memory_space<vmem>>, vector<1x256xf32>,
      %dma_wait3A_2311 = arith.constant 19 : i32
      %dma_wait3A_2312 = arith.constant 39 : i32
      %dma_wait3A_2313 = arith.constant 0 : i32
      %dma_wait3A_2314 = arith.constant 0 : i32
      %dma_wait3A_2315 = tpu.memref_slice %arg7[%dma_wait3A_2312, %dma_wait3A_2313, %dma_wait3A_2314] : memref<64x256x128xf32, #tpu.memory_space<vmem>> -> memref<1x256x128xf32, #tpu.memory_space<vmem>>
      %dma_wait3A_2316 = tpu.memref_squeeze %dma_wait3A_2315 : memref<1x256x128xf32, #tpu.memory_space<vmem>> -> memref<256x128xf32, #tpu.memory_space<vmem>>
      %dma_wait3A_2317 = arith.constant 0 : i32
      %dma_wait3A_2318 = tpu.memref_slice %arg3[%dma_wait3A_2311, %dma_wait3A_2317, %mul3A_746] : memref<32x256x4096xf32, #tpu.memory_space<hbm>> -> memref<1x256x128xf32, #tpu.memory_space<hbm>>
      %dma_wait3A_2319 = tpu.memref_squeeze %dma_wait3A_2318 : memref<1x256x128xf32, #tpu.memory_space<hbm>> -> memref<256x128xf32, #tpu.memory_space<hbm>>
      tpu.wait_dma2 semaphore(%arg9 : memref<!tpu.dma_semaphore, #tpu.memory_space<semaphore_mem>>) src(%dma_wait3A_2319 : memref<256x128xf32, #tpu.memory_space<hbm>>) dst(%dma_wait3A_2316 : memref<256x128xf32, #tpu.memory_space<vmem>>)
      %get3A_2320 = arith.constant 19 : index
      %get3A_2321 = arith.constant 1 : index
      %get3A_2322 = memref.load %arg1[%get3A_2320, %get3A_2321] : memref<32x16xi32, #tpu.memory_space<smem>>
      %and3A_2323 = arith.constant 127 : i32
      %and3A_2324 = arith.andi %get3A_2322, %and3A_2323 : i32
      %eq3A_2325 = vector.broadcast %and3A_2324 : i32 to vector<256x128xi32>
      %eq3A_2326 = arith.cmpi eq, %iota3A_1140, %eq3A_2325 : vector<256x128xi32>
      %get3A_2327 = arith.constant 39 : index
      %get3A_2328 = arith.constant 0 : index
      %get3A_2329 = arith.constant 0 : index
      %get3A_2330 = vector.load %arg7[%get3A_2327, %get3A_2328, %get3A_2329] : memref<64x256x128xf32, #tpu.memory_space<vmem>>, vector<1x256x128xf32>
      %get3A_2331 = vector.shape_cast %get3A_2330 : vector<1x256x128xf32> to vector<256x128xf32>
      %jit3A_2332 = arith.constant 0.000000e+00 : f32
      %broadcast_in_dim3A_2333 = vector.broadcast %jit3A_2332 : f32 to vector<256x128xf32>
      %select_n3A_2334 = arith.select %eq3A_2326, %get3A_2331, %broadcast_in_dim3A_2333 : vector<256x128xi1>, vector<256x128xf32>
      %reduce_sum3A_2335 = arith.constant dense<0.000000e+00> : vector<256xf32>
      %reduce_sum3A_2336 = vector.multi_reduction <add>, %select_n3A_2334, %reduce_sum3A_2335 [1] : vector<256x128xf32> to vector<256xf32>
      %broadcast_in_dim3A_2337 = vector.shape_cast %reduce_sum3A_2336 : vector<256xf32> to vector<1x256xf32>
      %swap3A_2338 = arith.constant 39 : index
      %swap3A_2339 = arith.constant 0 : index
      %swap3A_2340 = vector.load %arg6[%swap3A_2338, %swap3A_2339] : memref<64x256xf32, #tpu.memory_space<vmem>>, vector<1x256xf32>
      tpu.vector_store %arg6[%swap3A_2338, %swap3A_2339], %broadcast_in_dim3A_2337 {strides = array<i32>} : memref<64x256xf32, #tpu.memory_space<vmem>>, vector<1x256xf32>,
      %dma_wait3A_2341 = arith.constant 20 : i32
      %dma_wait3A_2342 = arith.constant 40 : i32
      %dma_wait3A_2343 = arith.constant 0 : i32
      %dma_wait3A_2344 = arith.constant 0 : i32
      %dma_wait3A_2345 = tpu.memref_slice %arg7[%dma_wait3A_2342, %dma_wait3A_2343, %dma_wait3A_2344] : memref<64x256x128xf32, #tpu.memory_space<vmem>> -> memref<1x256x128xf32, #tpu.memory_space<vmem>>
      %dma_wait3A_2346 = tpu.memref_squeeze %dma_wait3A_2345 : memref<1x256x128xf32, #tpu.memory_space<vmem>> -> memref<256x128xf32, #tpu.memory_space<vmem>>
      %dma_wait3A_2347 = arith.constant 0 : i32
      %dma_wait3A_2348 = tpu.memref_slice %arg3[%dma_wait3A_2341, %dma_wait3A_2347, %mul3A_762] : memref<32x256x4096xf32, #tpu.memory_space<hbm>> -> memref<1x256x128xf32, #tpu.memory_space<hbm>>
      %dma_wait3A_2349 = tpu.memref_squeeze %dma_wait3A_2348 : memref<1x256x128xf32, #tpu.memory_space<hbm>> -> memref<256x128xf32, #tpu.memory_space<hbm>>
      tpu.wait_dma2 semaphore(%arg9 : memref<!tpu.dma_semaphore, #tpu.memory_space<semaphore_mem>>) src(%dma_wait3A_2349 : memref<256x128xf32, #tpu.memory_space<hbm>>) dst(%dma_wait3A_2346 : memref<256x128xf32, #tpu.memory_space<vmem>>)
      %get3A_2350 = arith.constant 20 : index
      %get3A_2351 = arith.constant 0 : index
      %get3A_2352 = memref.load %arg1[%get3A_2350, %get3A_2351] : memref<32x16xi32, #tpu.memory_space<smem>>
      %and3A_2353 = arith.constant 127 : i32
      %and3A_2354 = arith.andi %get3A_2352, %and3A_2353 : i32
      %eq3A_2355 = vector.broadcast %and3A_2354 : i32 to vector<256x128xi32>
      %eq3A_2356 = arith.cmpi eq, %iota3A_1140, %eq3A_2355 : vector<256x128xi32>
      %get3A_2357 = arith.constant 40 : index
      %get3A_2358 = arith.constant 0 : index
      %get3A_2359 = arith.constant 0 : index
      %get3A_2360 = vector.load %arg7[%get3A_2357, %get3A_2358, %get3A_2359] : memref<64x256x128xf32, #tpu.memory_space<vmem>>, vector<1x256x128xf32>
      %get3A_2361 = vector.shape_cast %get3A_2360 : vector<1x256x128xf32> to vector<256x128xf32>
      %jit3A_2362 = arith.constant 0.000000e+00 : f32
      %broadcast_in_dim3A_2363 = vector.broadcast %jit3A_2362 : f32 to vector<256x128xf32>
      %select_n3A_2364 = arith.select %eq3A_2356, %get3A_2361, %broadcast_in_dim3A_2363 : vector<256x128xi1>, vector<256x128xf32>
      %reduce_sum3A_2365 = arith.constant dense<0.000000e+00> : vector<256xf32>
      %reduce_sum3A_2366 = vector.multi_reduction <add>, %select_n3A_2364, %reduce_sum3A_2365 [1] : vector<256x128xf32> to vector<256xf32>
      %broadcast_in_dim3A_2367 = vector.shape_cast %reduce_sum3A_2366 : vector<256xf32> to vector<1x256xf32>
      %swap3A_2368 = arith.constant 40 : index
      %swap3A_2369 = arith.constant 0 : index
      %swap3A_2370 = vector.load %arg6[%swap3A_2368, %swap3A_2369] : memref<64x256xf32, #tpu.memory_space<vmem>>, vector<1x256xf32>
      tpu.vector_store %arg6[%swap3A_2368, %swap3A_2369], %broadcast_in_dim3A_2367 {strides = array<i32>} : memref<64x256xf32, #tpu.memory_space<vmem>>, vector<1x256xf32>,
      %dma_wait3A_2371 = arith.constant 20 : i32
      %dma_wait3A_2372 = arith.constant 41 : i32
      %dma_wait3A_2373 = arith.constant 0 : i32
      %dma_wait3A_2374 = arith.constant 0 : i32
      %dma_wait3A_2375 = tpu.memref_slice %arg7[%dma_wait3A_2372, %dma_wait3A_2373, %dma_wait3A_2374] : memref<64x256x128xf32, #tpu.memory_space<vmem>> -> memref<1x256x128xf32, #tpu.memory_space<vmem>>
      %dma_wait3A_2376 = tpu.memref_squeeze %dma_wait3A_2375 : memref<1x256x128xf32, #tpu.memory_space<vmem>> -> memref<256x128xf32, #tpu.memory_space<vmem>>
      %dma_wait3A_2377 = arith.constant 0 : i32
      %dma_wait3A_2378 = tpu.memref_slice %arg3[%dma_wait3A_2371, %dma_wait3A_2377, %mul3A_778] : memref<32x256x4096xf32, #tpu.memory_space<hbm>> -> memref<1x256x128xf32, #tpu.memory_space<hbm>>
      %dma_wait3A_2379 = tpu.memref_squeeze %dma_wait3A_2378 : memref<1x256x128xf32, #tpu.memory_space<hbm>> -> memref<256x128xf32, #tpu.memory_space<hbm>>
      tpu.wait_dma2 semaphore(%arg9 : memref<!tpu.dma_semaphore, #tpu.memory_space<semaphore_mem>>) src(%dma_wait3A_2379 : memref<256x128xf32, #tpu.memory_space<hbm>>) dst(%dma_wait3A_2376 : memref<256x128xf32, #tpu.memory_space<vmem>>)
      %get3A_2380 = arith.constant 20 : index
      %get3A_2381 = arith.constant 1 : index
      %get3A_2382 = memref.load %arg1[%get3A_2380, %get3A_2381] : memref<32x16xi32, #tpu.memory_space<smem>>
      %and3A_2383 = arith.constant 127 : i32
      %and3A_2384 = arith.andi %get3A_2382, %and3A_2383 : i32
      %eq3A_2385 = vector.broadcast %and3A_2384 : i32 to vector<256x128xi32>
      %eq3A_2386 = arith.cmpi eq, %iota3A_1140, %eq3A_2385 : vector<256x128xi32>
      %get3A_2387 = arith.constant 41 : index
      %get3A_2388 = arith.constant 0 : index
      %get3A_2389 = arith.constant 0 : index
      %get3A_2390 = vector.load %arg7[%get3A_2387, %get3A_2388, %get3A_2389] : memref<64x256x128xf32, #tpu.memory_space<vmem>>, vector<1x256x128xf32>
      %get3A_2391 = vector.shape_cast %get3A_2390 : vector<1x256x128xf32> to vector<256x128xf32>
      %jit3A_2392 = arith.constant 0.000000e+00 : f32
      %broadcast_in_dim3A_2393 = vector.broadcast %jit3A_2392 : f32 to vector<256x128xf32>
      %select_n3A_2394 = arith.select %eq3A_2386, %get3A_2391, %broadcast_in_dim3A_2393 : vector<256x128xi1>, vector<256x128xf32>
      %reduce_sum3A_2395 = arith.constant dense<0.000000e+00> : vector<256xf32>
      %reduce_sum3A_2396 = vector.multi_reduction <add>, %select_n3A_2394, %reduce_sum3A_2395 [1] : vector<256x128xf32> to vector<256xf32>
      %broadcast_in_dim3A_2397 = vector.shape_cast %reduce_sum3A_2396 : vector<256xf32> to vector<1x256xf32>
      %swap3A_2398 = arith.constant 41 : index
      %swap3A_2399 = arith.constant 0 : index
      %swap3A_2400 = vector.load %arg6[%swap3A_2398, %swap3A_2399] : memref<64x256xf32, #tpu.memory_space<vmem>>, vector<1x256xf32>
      tpu.vector_store %arg6[%swap3A_2398, %swap3A_2399], %broadcast_in_dim3A_2397 {strides = array<i32>} : memref<64x256xf32, #tpu.memory_space<vmem>>, vector<1x256xf32>,
      %dma_wait3A_2401 = arith.constant 21 : i32
      %dma_wait3A_2402 = arith.constant 42 : i32
      %dma_wait3A_2403 = arith.constant 0 : i32
      %dma_wait3A_2404 = arith.constant 0 : i32
      %dma_wait3A_2405 = tpu.memref_slice %arg7[%dma_wait3A_2402, %dma_wait3A_2403, %dma_wait3A_2404] : memref<64x256x128xf32, #tpu.memory_space<vmem>> -> memref<1x256x128xf32, #tpu.memory_space<vmem>>
      %dma_wait3A_2406 = tpu.memref_squeeze %dma_wait3A_2405 : memref<1x256x128xf32, #tpu.memory_space<vmem>> -> memref<256x128xf32, #tpu.memory_space<vmem>>
      %dma_wait3A_2407 = arith.constant 0 : i32
      %dma_wait3A_2408 = tpu.memref_slice %arg3[%dma_wait3A_2401, %dma_wait3A_2407, %mul3A_794] : memref<32x256x4096xf32, #tpu.memory_space<hbm>> -> memref<1x256x128xf32, #tpu.memory_space<hbm>>
      %dma_wait3A_2409 = tpu.memref_squeeze %dma_wait3A_2408 : memref<1x256x128xf32, #tpu.memory_space<hbm>> -> memref<256x128xf32, #tpu.memory_space<hbm>>
      tpu.wait_dma2 semaphore(%arg9 : memref<!tpu.dma_semaphore, #tpu.memory_space<semaphore_mem>>) src(%dma_wait3A_2409 : memref<256x128xf32, #tpu.memory_space<hbm>>) dst(%dma_wait3A_2406 : memref<256x128xf32, #tpu.memory_space<vmem>>)
      %get3A_2410 = arith.constant 21 : index
      %get3A_2411 = arith.constant 0 : index
      %get3A_2412 = memref.load %arg1[%get3A_2410, %get3A_2411] : memref<32x16xi32, #tpu.memory_space<smem>>
      %and3A_2413 = arith.constant 127 : i32
      %and3A_2414 = arith.andi %get3A_2412, %and3A_2413 : i32
      %eq3A_2415 = vector.broadcast %and3A_2414 : i32 to vector<256x128xi32>
      %eq3A_2416 = arith.cmpi eq, %iota3A_1140, %eq3A_2415 : vector<256x128xi32>
      %get3A_2417 = arith.constant 42 : index
      %get3A_2418 = arith.constant 0 : index
      %get3A_2419 = arith.constant 0 : index
      %get3A_2420 = vector.load %arg7[%get3A_2417, %get3A_2418, %get3A_2419] : memref<64x256x128xf32, #tpu.memory_space<vmem>>, vector<1x256x128xf32>
      %get3A_2421 = vector.shape_cast %get3A_2420 : vector<1x256x128xf32> to vector<256x128xf32>
      %jit3A_2422 = arith.constant 0.000000e+00 : f32
      %broadcast_in_dim3A_2423 = vector.broadcast %jit3A_2422 : f32 to vector<256x128xf32>
      %select_n3A_2424 = arith.select %eq3A_2416, %get3A_2421, %broadcast_in_dim3A_2423 : vector<256x128xi1>, vector<256x128xf32>
      %reduce_sum3A_2425 = arith.constant dense<0.000000e+00> : vector<256xf32>
      %reduce_sum3A_2426 = vector.multi_reduction <add>, %select_n3A_2424, %reduce_sum3A_2425 [1] : vector<256x128xf32> to vector<256xf32>
      %broadcast_in_dim3A_2427 = vector.shape_cast %reduce_sum3A_2426 : vector<256xf32> to vector<1x256xf32>
      %swap3A_2428 = arith.constant 42 : index
      %swap3A_2429 = arith.constant 0 : index
      %swap3A_2430 = vector.load %arg6[%swap3A_2428, %swap3A_2429] : memref<64x256xf32, #tpu.memory_space<vmem>>, vector<1x256xf32>
      tpu.vector_store %arg6[%swap3A_2428, %swap3A_2429], %broadcast_in_dim3A_2427 {strides = array<i32>} : memref<64x256xf32, #tpu.memory_space<vmem>>, vector<1x256xf32>,
      %dma_wait3A_2431 = arith.constant 21 : i32
      %dma_wait3A_2432 = arith.constant 43 : i32
      %dma_wait3A_2433 = arith.constant 0 : i32
      %dma_wait3A_2434 = arith.constant 0 : i32
      %dma_wait3A_2435 = tpu.memref_slice %arg7[%dma_wait3A_2432, %dma_wait3A_2433, %dma_wait3A_2434] : memref<64x256x128xf32, #tpu.memory_space<vmem>> -> memref<1x256x128xf32, #tpu.memory_space<vmem>>
      %dma_wait3A_2436 = tpu.memref_squeeze %dma_wait3A_2435 : memref<1x256x128xf32, #tpu.memory_space<vmem>> -> memref<256x128xf32, #tpu.memory_space<vmem>>
      %dma_wait3A_2437 = arith.constant 0 : i32
      %dma_wait3A_2438 = tpu.memref_slice %arg3[%dma_wait3A_2431, %dma_wait3A_2437, %mul3A_810] : memref<32x256x4096xf32, #tpu.memory_space<hbm>> -> memref<1x256x128xf32, #tpu.memory_space<hbm>>
      %dma_wait3A_2439 = tpu.memref_squeeze %dma_wait3A_2438 : memref<1x256x128xf32, #tpu.memory_space<hbm>> -> memref<256x128xf32, #tpu.memory_space<hbm>>
      tpu.wait_dma2 semaphore(%arg9 : memref<!tpu.dma_semaphore, #tpu.memory_space<semaphore_mem>>) src(%dma_wait3A_2439 : memref<256x128xf32, #tpu.memory_space<hbm>>) dst(%dma_wait3A_2436 : memref<256x128xf32, #tpu.memory_space<vmem>>)
      %get3A_2440 = arith.constant 21 : index
      %get3A_2441 = arith.constant 1 : index
      %get3A_2442 = memref.load %arg1[%get3A_2440, %get3A_2441] : memref<32x16xi32, #tpu.memory_space<smem>>
      %and3A_2443 = arith.constant 127 : i32
      %and3A_2444 = arith.andi %get3A_2442, %and3A_2443 : i32
      %eq3A_2445 = vector.broadcast %and3A_2444 : i32 to vector<256x128xi32>
      %eq3A_2446 = arith.cmpi eq, %iota3A_1140, %eq3A_2445 : vector<256x128xi32>
      %get3A_2447 = arith.constant 43 : index
      %get3A_2448 = arith.constant 0 : index
      %get3A_2449 = arith.constant 0 : index
      %get3A_2450 = vector.load %arg7[%get3A_2447, %get3A_2448, %get3A_2449] : memref<64x256x128xf32, #tpu.memory_space<vmem>>, vector<1x256x128xf32>
      %get3A_2451 = vector.shape_cast %get3A_2450 : vector<1x256x128xf32> to vector<256x128xf32>
      %jit3A_2452 = arith.constant 0.000000e+00 : f32
      %broadcast_in_dim3A_2453 = vector.broadcast %jit3A_2452 : f32 to vector<256x128xf32>
      %select_n3A_2454 = arith.select %eq3A_2446, %get3A_2451, %broadcast_in_dim3A_2453 : vector<256x128xi1>, vector<256x128xf32>
      %reduce_sum3A_2455 = arith.constant dense<0.000000e+00> : vector<256xf32>
      %reduce_sum3A_2456 = vector.multi_reduction <add>, %select_n3A_2454, %reduce_sum3A_2455 [1] : vector<256x128xf32> to vector<256xf32>
      %broadcast_in_dim3A_2457 = vector.shape_cast %reduce_sum3A_2456 : vector<256xf32> to vector<1x256xf32>
      %swap3A_2458 = arith.constant 43 : index
      %swap3A_2459 = arith.constant 0 : index
      %swap3A_2460 = vector.load %arg6[%swap3A_2458, %swap3A_2459] : memref<64x256xf32, #tpu.memory_space<vmem>>, vector<1x256xf32>
      tpu.vector_store %arg6[%swap3A_2458, %swap3A_2459], %broadcast_in_dim3A_2457 {strides = array<i32>} : memref<64x256xf32, #tpu.memory_space<vmem>>, vector<1x256xf32>,
      %dma_wait3A_2461 = arith.constant 22 : i32
      %dma_wait3A_2462 = arith.constant 44 : i32
      %dma_wait3A_2463 = arith.constant 0 : i32
      %dma_wait3A_2464 = arith.constant 0 : i32
      %dma_wait3A_2465 = tpu.memref_slice %arg7[%dma_wait3A_2462, %dma_wait3A_2463, %dma_wait3A_2464] : memref<64x256x128xf32, #tpu.memory_space<vmem>> -> memref<1x256x128xf32, #tpu.memory_space<vmem>>
      %dma_wait3A_2466 = tpu.memref_squeeze %dma_wait3A_2465 : memref<1x256x128xf32, #tpu.memory_space<vmem>> -> memref<256x128xf32, #tpu.memory_space<vmem>>
      %dma_wait3A_2467 = arith.constant 0 : i32
      %dma_wait3A_2468 = tpu.memref_slice %arg3[%dma_wait3A_2461, %dma_wait3A_2467, %mul3A_826] : memref<32x256x4096xf32, #tpu.memory_space<hbm>> -> memref<1x256x128xf32, #tpu.memory_space<hbm>>
      %dma_wait3A_2469 = tpu.memref_squeeze %dma_wait3A_2468 : memref<1x256x128xf32, #tpu.memory_space<hbm>> -> memref<256x128xf32, #tpu.memory_space<hbm>>
      tpu.wait_dma2 semaphore(%arg9 : memref<!tpu.dma_semaphore, #tpu.memory_space<semaphore_mem>>) src(%dma_wait3A_2469 : memref<256x128xf32, #tpu.memory_space<hbm>>) dst(%dma_wait3A_2466 : memref<256x128xf32, #tpu.memory_space<vmem>>)
      %get3A_2470 = arith.constant 22 : index
      %get3A_2471 = arith.constant 0 : index
      %get3A_2472 = memref.load %arg1[%get3A_2470, %get3A_2471] : memref<32x16xi32, #tpu.memory_space<smem>>
      %and3A_2473 = arith.constant 127 : i32
      %and3A_2474 = arith.andi %get3A_2472, %and3A_2473 : i32
      %eq3A_2475 = vector.broadcast %and3A_2474 : i32 to vector<256x128xi32>
      %eq3A_2476 = arith.cmpi eq, %iota3A_1140, %eq3A_2475 : vector<256x128xi32>
      %get3A_2477 = arith.constant 44 : index
      %get3A_2478 = arith.constant 0 : index
      %get3A_2479 = arith.constant 0 : index
      %get3A_2480 = vector.load %arg7[%get3A_2477, %get3A_2478, %get3A_2479] : memref<64x256x128xf32, #tpu.memory_space<vmem>>, vector<1x256x128xf32>
      %get3A_2481 = vector.shape_cast %get3A_2480 : vector<1x256x128xf32> to vector<256x128xf32>
      %jit3A_2482 = arith.constant 0.000000e+00 : f32
      %broadcast_in_dim3A_2483 = vector.broadcast %jit3A_2482 : f32 to vector<256x128xf32>
      %select_n3A_2484 = arith.select %eq3A_2476, %get3A_2481, %broadcast_in_dim3A_2483 : vector<256x128xi1>, vector<256x128xf32>
      %reduce_sum3A_2485 = arith.constant dense<0.000000e+00> : vector<256xf32>
      %reduce_sum3A_2486 = vector.multi_reduction <add>, %select_n3A_2484, %reduce_sum3A_2485 [1] : vector<256x128xf32> to vector<256xf32>
      %broadcast_in_dim3A_2487 = vector.shape_cast %reduce_sum3A_2486 : vector<256xf32> to vector<1x256xf32>
      %swap3A_2488 = arith.constant 44 : index
      %swap3A_2489 = arith.constant 0 : index
      %swap3A_2490 = vector.load %arg6[%swap3A_2488, %swap3A_2489] : memref<64x256xf32, #tpu.memory_space<vmem>>, vector<1x256xf32>
      tpu.vector_store %arg6[%swap3A_2488, %swap3A_2489], %broadcast_in_dim3A_2487 {strides = array<i32>} : memref<64x256xf32, #tpu.memory_space<vmem>>, vector<1x256xf32>,
      %dma_wait3A_2491 = arith.constant 22 : i32
      %dma_wait3A_2492 = arith.constant 45 : i32
      %dma_wait3A_2493 = arith.constant 0 : i32
      %dma_wait3A_2494 = arith.constant 0 : i32
      %dma_wait3A_2495 = tpu.memref_slice %arg7[%dma_wait3A_2492, %dma_wait3A_2493, %dma_wait3A_2494] : memref<64x256x128xf32, #tpu.memory_space<vmem>> -> memref<1x256x128xf32, #tpu.memory_space<vmem>>
      %dma_wait3A_2496 = tpu.memref_squeeze %dma_wait3A_2495 : memref<1x256x128xf32, #tpu.memory_space<vmem>> -> memref<256x128xf32, #tpu.memory_space<vmem>>
      %dma_wait3A_2497 = arith.constant 0 : i32
      %dma_wait3A_2498 = tpu.memref_slice %arg3[%dma_wait3A_2491, %dma_wait3A_2497, %mul3A_842] : memref<32x256x4096xf32, #tpu.memory_space<hbm>> -> memref<1x256x128xf32, #tpu.memory_space<hbm>>
      %dma_wait3A_2499 = tpu.memref_squeeze %dma_wait3A_2498 : memref<1x256x128xf32, #tpu.memory_space<hbm>> -> memref<256x128xf32, #tpu.memory_space<hbm>>
      tpu.wait_dma2 semaphore(%arg9 : memref<!tpu.dma_semaphore, #tpu.memory_space<semaphore_mem>>) src(%dma_wait3A_2499 : memref<256x128xf32, #tpu.memory_space<hbm>>) dst(%dma_wait3A_2496 : memref<256x128xf32, #tpu.memory_space<vmem>>)
      %get3A_2500 = arith.constant 22 : index
      %get3A_2501 = arith.constant 1 : index
      %get3A_2502 = memref.load %arg1[%get3A_2500, %get3A_2501] : memref<32x16xi32, #tpu.memory_space<smem>>
      %and3A_2503 = arith.constant 127 : i32
      %and3A_2504 = arith.andi %get3A_2502, %and3A_2503 : i32
      %eq3A_2505 = vector.broadcast %and3A_2504 : i32 to vector<256x128xi32>
      %eq3A_2506 = arith.cmpi eq, %iota3A_1140, %eq3A_2505 : vector<256x128xi32>
      %get3A_2507 = arith.constant 45 : index
      %get3A_2508 = arith.constant 0 : index
      %get3A_2509 = arith.constant 0 : index
      %get3A_2510 = vector.load %arg7[%get3A_2507, %get3A_2508, %get3A_2509] : memref<64x256x128xf32, #tpu.memory_space<vmem>>, vector<1x256x128xf32>
      %get3A_2511 = vector.shape_cast %get3A_2510 : vector<1x256x128xf32> to vector<256x128xf32>
      %jit3A_2512 = arith.constant 0.000000e+00 : f32
      %broadcast_in_dim3A_2513 = vector.broadcast %jit3A_2512 : f32 to vector<256x128xf32>
      %select_n3A_2514 = arith.select %eq3A_2506, %get3A_2511, %broadcast_in_dim3A_2513 : vector<256x128xi1>, vector<256x128xf32>
      %reduce_sum3A_2515 = arith.constant dense<0.000000e+00> : vector<256xf32>
      %reduce_sum3A_2516 = vector.multi_reduction <add>, %select_n3A_2514, %reduce_sum3A_2515 [1] : vector<256x128xf32> to vector<256xf32>
      %broadcast_in_dim3A_2517 = vector.shape_cast %reduce_sum3A_2516 : vector<256xf32> to vector<1x256xf32>
      %swap3A_2518 = arith.constant 45 : index
      %swap3A_2519 = arith.constant 0 : index
      %swap3A_2520 = vector.load %arg6[%swap3A_2518, %swap3A_2519] : memref<64x256xf32, #tpu.memory_space<vmem>>, vector<1x256xf32>
      tpu.vector_store %arg6[%swap3A_2518, %swap3A_2519], %broadcast_in_dim3A_2517 {strides = array<i32>} : memref<64x256xf32, #tpu.memory_space<vmem>>, vector<1x256xf32>,
      %dma_wait3A_2521 = arith.constant 23 : i32
      %dma_wait3A_2522 = arith.constant 46 : i32
      %dma_wait3A_2523 = arith.constant 0 : i32
      %dma_wait3A_2524 = arith.constant 0 : i32
      %dma_wait3A_2525 = tpu.memref_slice %arg7[%dma_wait3A_2522, %dma_wait3A_2523, %dma_wait3A_2524] : memref<64x256x128xf32, #tpu.memory_space<vmem>> -> memref<1x256x128xf32, #tpu.memory_space<vmem>>
      %dma_wait3A_2526 = tpu.memref_squeeze %dma_wait3A_2525 : memref<1x256x128xf32, #tpu.memory_space<vmem>> -> memref<256x128xf32, #tpu.memory_space<vmem>>
      %dma_wait3A_2527 = arith.constant 0 : i32
      %dma_wait3A_2528 = tpu.memref_slice %arg3[%dma_wait3A_2521, %dma_wait3A_2527, %mul3A_858] : memref<32x256x4096xf32, #tpu.memory_space<hbm>> -> memref<1x256x128xf32, #tpu.memory_space<hbm>>
      %dma_wait3A_2529 = tpu.memref_squeeze %dma_wait3A_2528 : memref<1x256x128xf32, #tpu.memory_space<hbm>> -> memref<256x128xf32, #tpu.memory_space<hbm>>
      tpu.wait_dma2 semaphore(%arg9 : memref<!tpu.dma_semaphore, #tpu.memory_space<semaphore_mem>>) src(%dma_wait3A_2529 : memref<256x128xf32, #tpu.memory_space<hbm>>) dst(%dma_wait3A_2526 : memref<256x128xf32, #tpu.memory_space<vmem>>)
      %get3A_2530 = arith.constant 23 : index
      %get3A_2531 = arith.constant 0 : index
      %get3A_2532 = memref.load %arg1[%get3A_2530, %get3A_2531] : memref<32x16xi32, #tpu.memory_space<smem>>
      %and3A_2533 = arith.constant 127 : i32
      %and3A_2534 = arith.andi %get3A_2532, %and3A_2533 : i32
      %eq3A_2535 = vector.broadcast %and3A_2534 : i32 to vector<256x128xi32>
      %eq3A_2536 = arith.cmpi eq, %iota3A_1140, %eq3A_2535 : vector<256x128xi32>
      %get3A_2537 = arith.constant 46 : index
      %get3A_2538 = arith.constant 0 : index
      %get3A_2539 = arith.constant 0 : index
      %get3A_2540 = vector.load %arg7[%get3A_2537, %get3A_2538, %get3A_2539] : memref<64x256x128xf32, #tpu.memory_space<vmem>>, vector<1x256x128xf32>
      %get3A_2541 = vector.shape_cast %get3A_2540 : vector<1x256x128xf32> to vector<256x128xf32>
      %jit3A_2542 = arith.constant 0.000000e+00 : f32
      %broadcast_in_dim3A_2543 = vector.broadcast %jit3A_2542 : f32 to vector<256x128xf32>
      %select_n3A_2544 = arith.select %eq3A_2536, %get3A_2541, %broadcast_in_dim3A_2543 : vector<256x128xi1>, vector<256x128xf32>
      %reduce_sum3A_2545 = arith.constant dense<0.000000e+00> : vector<256xf32>
      %reduce_sum3A_2546 = vector.multi_reduction <add>, %select_n3A_2544, %reduce_sum3A_2545 [1] : vector<256x128xf32> to vector<256xf32>
      %broadcast_in_dim3A_2547 = vector.shape_cast %reduce_sum3A_2546 : vector<256xf32> to vector<1x256xf32>
      %swap3A_2548 = arith.constant 46 : index
      %swap3A_2549 = arith.constant 0 : index
      %swap3A_2550 = vector.load %arg6[%swap3A_2548, %swap3A_2549] : memref<64x256xf32, #tpu.memory_space<vmem>>, vector<1x256xf32>
      tpu.vector_store %arg6[%swap3A_2548, %swap3A_2549], %broadcast_in_dim3A_2547 {strides = array<i32>} : memref<64x256xf32, #tpu.memory_space<vmem>>, vector<1x256xf32>,
      %dma_wait3A_2551 = arith.constant 23 : i32
      %dma_wait3A_2552 = arith.constant 47 : i32
      %dma_wait3A_2553 = arith.constant 0 : i32
      %dma_wait3A_2554 = arith.constant 0 : i32
      %dma_wait3A_2555 = tpu.memref_slice %arg7[%dma_wait3A_2552, %dma_wait3A_2553, %dma_wait3A_2554] : memref<64x256x128xf32, #tpu.memory_space<vmem>> -> memref<1x256x128xf32, #tpu.memory_space<vmem>>
      %dma_wait3A_2556 = tpu.memref_squeeze %dma_wait3A_2555 : memref<1x256x128xf32, #tpu.memory_space<vmem>> -> memref<256x128xf32, #tpu.memory_space<vmem>>
      %dma_wait3A_2557 = arith.constant 0 : i32
      %dma_wait3A_2558 = tpu.memref_slice %arg3[%dma_wait3A_2551, %dma_wait3A_2557, %mul3A_874] : memref<32x256x4096xf32, #tpu.memory_space<hbm>> -> memref<1x256x128xf32, #tpu.memory_space<hbm>>
      %dma_wait3A_2559 = tpu.memref_squeeze %dma_wait3A_2558 : memref<1x256x128xf32, #tpu.memory_space<hbm>> -> memref<256x128xf32, #tpu.memory_space<hbm>>
      tpu.wait_dma2 semaphore(%arg9 : memref<!tpu.dma_semaphore, #tpu.memory_space<semaphore_mem>>) src(%dma_wait3A_2559 : memref<256x128xf32, #tpu.memory_space<hbm>>) dst(%dma_wait3A_2556 : memref<256x128xf32, #tpu.memory_space<vmem>>)
      %get3A_2560 = arith.constant 23 : index
      %get3A_2561 = arith.constant 1 : index
      %get3A_2562 = memref.load %arg1[%get3A_2560, %get3A_2561] : memref<32x16xi32, #tpu.memory_space<smem>>
      %and3A_2563 = arith.constant 127 : i32
      %and3A_2564 = arith.andi %get3A_2562, %and3A_2563 : i32
      %eq3A_2565 = vector.broadcast %and3A_2564 : i32 to vector<256x128xi32>
      %eq3A_2566 = arith.cmpi eq, %iota3A_1140, %eq3A_2565 : vector<256x128xi32>
      %get3A_2567 = arith.constant 47 : index
      %get3A_2568 = arith.constant 0 : index
      %get3A_2569 = arith.constant 0 : index
      %get3A_2570 = vector.load %arg7[%get3A_2567, %get3A_2568, %get3A_2569] : memref<64x256x128xf32, #tpu.memory_space<vmem>>, vector<1x256x128xf32>
      %get3A_2571 = vector.shape_cast %get3A_2570 : vector<1x256x128xf32> to vector<256x128xf32>
      %jit3A_2572 = arith.constant 0.000000e+00 : f32
      %broadcast_in_dim3A_2573 = vector.broadcast %jit3A_2572 : f32 to vector<256x128xf32>
      %select_n3A_2574 = arith.select %eq3A_2566, %get3A_2571, %broadcast_in_dim3A_2573 : vector<256x128xi1>, vector<256x128xf32>
      %reduce_sum3A_2575 = arith.constant dense<0.000000e+00> : vector<256xf32>
      %reduce_sum3A_2576 = vector.multi_reduction <add>, %select_n3A_2574, %reduce_sum3A_2575 [1] : vector<256x128xf32> to vector<256xf32>
      %broadcast_in_dim3A_2577 = vector.shape_cast %reduce_sum3A_2576 : vector<256xf32> to vector<1x256xf32>
      %swap3A_2578 = arith.constant 47 : index
      %swap3A_2579 = arith.constant 0 : index
      %swap3A_2580 = vector.load %arg6[%swap3A_2578, %swap3A_2579] : memref<64x256xf32, #tpu.memory_space<vmem>>, vector<1x256xf32>
      tpu.vector_store %arg6[%swap3A_2578, %swap3A_2579], %broadcast_in_dim3A_2577 {strides = array<i32>} : memref<64x256xf32, #tpu.memory_space<vmem>>, vector<1x256xf32>,
      %dma_wait3A_2581 = arith.constant 24 : i32
      %dma_wait3A_2582 = arith.constant 48 : i32
      %dma_wait3A_2583 = arith.constant 0 : i32
      %dma_wait3A_2584 = arith.constant 0 : i32
      %dma_wait3A_2585 = tpu.memref_slice %arg7[%dma_wait3A_2582, %dma_wait3A_2583, %dma_wait3A_2584] : memref<64x256x128xf32, #tpu.memory_space<vmem>> -> memref<1x256x128xf32, #tpu.memory_space<vmem>>
      %dma_wait3A_2586 = tpu.memref_squeeze %dma_wait3A_2585 : memref<1x256x128xf32, #tpu.memory_space<vmem>> -> memref<256x128xf32, #tpu.memory_space<vmem>>
      %dma_wait3A_2587 = arith.constant 0 : i32
      %dma_wait3A_2588 = tpu.memref_slice %arg3[%dma_wait3A_2581, %dma_wait3A_2587, %mul3A_890] : memref<32x256x4096xf32, #tpu.memory_space<hbm>> -> memref<1x256x128xf32, #tpu.memory_space<hbm>>
      %dma_wait3A_2589 = tpu.memref_squeeze %dma_wait3A_2588 : memref<1x256x128xf32, #tpu.memory_space<hbm>> -> memref<256x128xf32, #tpu.memory_space<hbm>>
      tpu.wait_dma2 semaphore(%arg9 : memref<!tpu.dma_semaphore, #tpu.memory_space<semaphore_mem>>) src(%dma_wait3A_2589 : memref<256x128xf32, #tpu.memory_space<hbm>>) dst(%dma_wait3A_2586 : memref<256x128xf32, #tpu.memory_space<vmem>>)
      %get3A_2590 = arith.constant 24 : index
      %get3A_2591 = arith.constant 0 : index
      %get3A_2592 = memref.load %arg1[%get3A_2590, %get3A_2591] : memref<32x16xi32, #tpu.memory_space<smem>>
      %and3A_2593 = arith.constant 127 : i32
      %and3A_2594 = arith.andi %get3A_2592, %and3A_2593 : i32
      %eq3A_2595 = vector.broadcast %and3A_2594 : i32 to vector<256x128xi32>
      %eq3A_2596 = arith.cmpi eq, %iota3A_1140, %eq3A_2595 : vector<256x128xi32>
      %get3A_2597 = arith.constant 48 : index
      %get3A_2598 = arith.constant 0 : index
      %get3A_2599 = arith.constant 0 : index
      %get3A_2600 = vector.load %arg7[%get3A_2597, %get3A_2598, %get3A_2599] : memref<64x256x128xf32, #tpu.memory_space<vmem>>, vector<1x256x128xf32>
      %get3A_2601 = vector.shape_cast %get3A_2600 : vector<1x256x128xf32> to vector<256x128xf32>
      %jit3A_2602 = arith.constant 0.000000e+00 : f32
      %broadcast_in_dim3A_2603 = vector.broadcast %jit3A_2602 : f32 to vector<256x128xf32>
      %select_n3A_2604 = arith.select %eq3A_2596, %get3A_2601, %broadcast_in_dim3A_2603 : vector<256x128xi1>, vector<256x128xf32>
      %reduce_sum3A_2605 = arith.constant dense<0.000000e+00> : vector<256xf32>
      %reduce_sum3A_2606 = vector.multi_reduction <add>, %select_n3A_2604, %reduce_sum3A_2605 [1] : vector<256x128xf32> to vector<256xf32>
      %broadcast_in_dim3A_2607 = vector.shape_cast %reduce_sum3A_2606 : vector<256xf32> to vector<1x256xf32>
      %swap3A_2608 = arith.constant 48 : index
      %swap3A_2609 = arith.constant 0 : index
      %swap3A_2610 = vector.load %arg6[%swap3A_2608, %swap3A_2609] : memref<64x256xf32, #tpu.memory_space<vmem>>, vector<1x256xf32>
      tpu.vector_store %arg6[%swap3A_2608, %swap3A_2609], %broadcast_in_dim3A_2607 {strides = array<i32>} : memref<64x256xf32, #tpu.memory_space<vmem>>, vector<1x256xf32>,
      %dma_wait3A_2611 = arith.constant 24 : i32
      %dma_wait3A_2612 = arith.constant 49 : i32
      %dma_wait3A_2613 = arith.constant 0 : i32
      %dma_wait3A_2614 = arith.constant 0 : i32
      %dma_wait3A_2615 = tpu.memref_slice %arg7[%dma_wait3A_2612, %dma_wait3A_2613, %dma_wait3A_2614] : memref<64x256x128xf32, #tpu.memory_space<vmem>> -> memref<1x256x128xf32, #tpu.memory_space<vmem>>
      %dma_wait3A_2616 = tpu.memref_squeeze %dma_wait3A_2615 : memref<1x256x128xf32, #tpu.memory_space<vmem>> -> memref<256x128xf32, #tpu.memory_space<vmem>>
      %dma_wait3A_2617 = arith.constant 0 : i32
      %dma_wait3A_2618 = tpu.memref_slice %arg3[%dma_wait3A_2611, %dma_wait3A_2617, %mul3A_906] : memref<32x256x4096xf32, #tpu.memory_space<hbm>> -> memref<1x256x128xf32, #tpu.memory_space<hbm>>
      %dma_wait3A_2619 = tpu.memref_squeeze %dma_wait3A_2618 : memref<1x256x128xf32, #tpu.memory_space<hbm>> -> memref<256x128xf32, #tpu.memory_space<hbm>>
      tpu.wait_dma2 semaphore(%arg9 : memref<!tpu.dma_semaphore, #tpu.memory_space<semaphore_mem>>) src(%dma_wait3A_2619 : memref<256x128xf32, #tpu.memory_space<hbm>>) dst(%dma_wait3A_2616 : memref<256x128xf32, #tpu.memory_space<vmem>>)
      %get3A_2620 = arith.constant 24 : index
      %get3A_2621 = arith.constant 1 : index
      %get3A_2622 = memref.load %arg1[%get3A_2620, %get3A_2621] : memref<32x16xi32, #tpu.memory_space<smem>>
      %and3A_2623 = arith.constant 127 : i32
      %and3A_2624 = arith.andi %get3A_2622, %and3A_2623 : i32
      %eq3A_2625 = vector.broadcast %and3A_2624 : i32 to vector<256x128xi32>
      %eq3A_2626 = arith.cmpi eq, %iota3A_1140, %eq3A_2625 : vector<256x128xi32>
      %get3A_2627 = arith.constant 49 : index
      %get3A_2628 = arith.constant 0 : index
      %get3A_2629 = arith.constant 0 : index
      %get3A_2630 = vector.load %arg7[%get3A_2627, %get3A_2628, %get3A_2629] : memref<64x256x128xf32, #tpu.memory_space<vmem>>, vector<1x256x128xf32>
      %get3A_2631 = vector.shape_cast %get3A_2630 : vector<1x256x128xf32> to vector<256x128xf32>
      %jit3A_2632 = arith.constant 0.000000e+00 : f32
      %broadcast_in_dim3A_2633 = vector.broadcast %jit3A_2632 : f32 to vector<256x128xf32>
      %select_n3A_2634 = arith.select %eq3A_2626, %get3A_2631, %broadcast_in_dim3A_2633 : vector<256x128xi1>, vector<256x128xf32>
      %reduce_sum3A_2635 = arith.constant dense<0.000000e+00> : vector<256xf32>
      %reduce_sum3A_2636 = vector.multi_reduction <add>, %select_n3A_2634, %reduce_sum3A_2635 [1] : vector<256x128xf32> to vector<256xf32>
      %broadcast_in_dim3A_2637 = vector.shape_cast %reduce_sum3A_2636 : vector<256xf32> to vector<1x256xf32>
      %swap3A_2638 = arith.constant 49 : index
      %swap3A_2639 = arith.constant 0 : index
      %swap3A_2640 = vector.load %arg6[%swap3A_2638, %swap3A_2639] : memref<64x256xf32, #tpu.memory_space<vmem>>, vector<1x256xf32>
      tpu.vector_store %arg6[%swap3A_2638, %swap3A_2639], %broadcast_in_dim3A_2637 {strides = array<i32>} : memref<64x256xf32, #tpu.memory_space<vmem>>, vector<1x256xf32>,
      %dma_wait3A_2641 = arith.constant 25 : i32
      %dma_wait3A_2642 = arith.constant 50 : i32
      %dma_wait3A_2643 = arith.constant 0 : i32
      %dma_wait3A_2644 = arith.constant 0 : i32
      %dma_wait3A_2645 = tpu.memref_slice %arg7[%dma_wait3A_2642, %dma_wait3A_2643, %dma_wait3A_2644] : memref<64x256x128xf32, #tpu.memory_space<vmem>> -> memref<1x256x128xf32, #tpu.memory_space<vmem>>
      %dma_wait3A_2646 = tpu.memref_squeeze %dma_wait3A_2645 : memref<1x256x128xf32, #tpu.memory_space<vmem>> -> memref<256x128xf32, #tpu.memory_space<vmem>>
      %dma_wait3A_2647 = arith.constant 0 : i32
      %dma_wait3A_2648 = tpu.memref_slice %arg3[%dma_wait3A_2641, %dma_wait3A_2647, %mul3A_922] : memref<32x256x4096xf32, #tpu.memory_space<hbm>> -> memref<1x256x128xf32, #tpu.memory_space<hbm>>
      %dma_wait3A_2649 = tpu.memref_squeeze %dma_wait3A_2648 : memref<1x256x128xf32, #tpu.memory_space<hbm>> -> memref<256x128xf32, #tpu.memory_space<hbm>>
      tpu.wait_dma2 semaphore(%arg9 : memref<!tpu.dma_semaphore, #tpu.memory_space<semaphore_mem>>) src(%dma_wait3A_2649 : memref<256x128xf32, #tpu.memory_space<hbm>>) dst(%dma_wait3A_2646 : memref<256x128xf32, #tpu.memory_space<vmem>>)
      %get3A_2650 = arith.constant 25 : index
      %get3A_2651 = arith.constant 0 : index
      %get3A_2652 = memref.load %arg1[%get3A_2650, %get3A_2651] : memref<32x16xi32, #tpu.memory_space<smem>>
      %and3A_2653 = arith.constant 127 : i32
      %and3A_2654 = arith.andi %get3A_2652, %and3A_2653 : i32
      %eq3A_2655 = vector.broadcast %and3A_2654 : i32 to vector<256x128xi32>
      %eq3A_2656 = arith.cmpi eq, %iota3A_1140, %eq3A_2655 : vector<256x128xi32>
      %get3A_2657 = arith.constant 50 : index
      %get3A_2658 = arith.constant 0 : index
      %get3A_2659 = arith.constant 0 : index
      %get3A_2660 = vector.load %arg7[%get3A_2657, %get3A_2658, %get3A_2659] : memref<64x256x128xf32, #tpu.memory_space<vmem>>, vector<1x256x128xf32>
      %get3A_2661 = vector.shape_cast %get3A_2660 : vector<1x256x128xf32> to vector<256x128xf32>
      %jit3A_2662 = arith.constant 0.000000e+00 : f32
      %broadcast_in_dim3A_2663 = vector.broadcast %jit3A_2662 : f32 to vector<256x128xf32>
      %select_n3A_2664 = arith.select %eq3A_2656, %get3A_2661, %broadcast_in_dim3A_2663 : vector<256x128xi1>, vector<256x128xf32>
      %reduce_sum3A_2665 = arith.constant dense<0.000000e+00> : vector<256xf32>
      %reduce_sum3A_2666 = vector.multi_reduction <add>, %select_n3A_2664, %reduce_sum3A_2665 [1] : vector<256x128xf32> to vector<256xf32>
      %broadcast_in_dim3A_2667 = vector.shape_cast %reduce_sum3A_2666 : vector<256xf32> to vector<1x256xf32>
      %swap3A_2668 = arith.constant 50 : index
      %swap3A_2669 = arith.constant 0 : index
      %swap3A_2670 = vector.load %arg6[%swap3A_2668, %swap3A_2669] : memref<64x256xf32, #tpu.memory_space<vmem>>, vector<1x256xf32>
      tpu.vector_store %arg6[%swap3A_2668, %swap3A_2669], %broadcast_in_dim3A_2667 {strides = array<i32>} : memref<64x256xf32, #tpu.memory_space<vmem>>, vector<1x256xf32>,
      %dma_wait3A_2671 = arith.constant 25 : i32
      %dma_wait3A_2672 = arith.constant 51 : i32
      %dma_wait3A_2673 = arith.constant 0 : i32
      %dma_wait3A_2674 = arith.constant 0 : i32
      %dma_wait3A_2675 = tpu.memref_slice %arg7[%dma_wait3A_2672, %dma_wait3A_2673, %dma_wait3A_2674] : memref<64x256x128xf32, #tpu.memory_space<vmem>> -> memref<1x256x128xf32, #tpu.memory_space<vmem>>
      %dma_wait3A_2676 = tpu.memref_squeeze %dma_wait3A_2675 : memref<1x256x128xf32, #tpu.memory_space<vmem>> -> memref<256x128xf32, #tpu.memory_space<vmem>>
      %dma_wait3A_2677 = arith.constant 0 : i32
      %dma_wait3A_2678 = tpu.memref_slice %arg3[%dma_wait3A_2671, %dma_wait3A_2677, %mul3A_938] : memref<32x256x4096xf32, #tpu.memory_space<hbm>> -> memref<1x256x128xf32, #tpu.memory_space<hbm>>
      %dma_wait3A_2679 = tpu.memref_squeeze %dma_wait3A_2678 : memref<1x256x128xf32, #tpu.memory_space<hbm>> -> memref<256x128xf32, #tpu.memory_space<hbm>>
      tpu.wait_dma2 semaphore(%arg9 : memref<!tpu.dma_semaphore, #tpu.memory_space<semaphore_mem>>) src(%dma_wait3A_2679 : memref<256x128xf32, #tpu.memory_space<hbm>>) dst(%dma_wait3A_2676 : memref<256x128xf32, #tpu.memory_space<vmem>>)
      %get3A_2680 = arith.constant 25 : index
      %get3A_2681 = arith.constant 1 : index
      %get3A_2682 = memref.load %arg1[%get3A_2680, %get3A_2681] : memref<32x16xi32, #tpu.memory_space<smem>>
      %and3A_2683 = arith.constant 127 : i32
      %and3A_2684 = arith.andi %get3A_2682, %and3A_2683 : i32
      %eq3A_2685 = vector.broadcast %and3A_2684 : i32 to vector<256x128xi32>
      %eq3A_2686 = arith.cmpi eq, %iota3A_1140, %eq3A_2685 : vector<256x128xi32>
      %get3A_2687 = arith.constant 51 : index
      %get3A_2688 = arith.constant 0 : index
      %get3A_2689 = arith.constant 0 : index
      %get3A_2690 = vector.load %arg7[%get3A_2687, %get3A_2688, %get3A_2689] : memref<64x256x128xf32, #tpu.memory_space<vmem>>, vector<1x256x128xf32>
      %get3A_2691 = vector.shape_cast %get3A_2690 : vector<1x256x128xf32> to vector<256x128xf32>
      %jit3A_2692 = arith.constant 0.000000e+00 : f32
      %broadcast_in_dim3A_2693 = vector.broadcast %jit3A_2692 : f32 to vector<256x128xf32>
      %select_n3A_2694 = arith.select %eq3A_2686, %get3A_2691, %broadcast_in_dim3A_2693 : vector<256x128xi1>, vector<256x128xf32>
      %reduce_sum3A_2695 = arith.constant dense<0.000000e+00> : vector<256xf32>
      %reduce_sum3A_2696 = vector.multi_reduction <add>, %select_n3A_2694, %reduce_sum3A_2695 [1] : vector<256x128xf32> to vector<256xf32>
      %broadcast_in_dim3A_2697 = vector.shape_cast %reduce_sum3A_2696 : vector<256xf32> to vector<1x256xf32>
      %swap3A_2698 = arith.constant 51 : index
      %swap3A_2699 = arith.constant 0 : index
      %swap3A_2700 = vector.load %arg6[%swap3A_2698, %swap3A_2699] : memref<64x256xf32, #tpu.memory_space<vmem>>, vector<1x256xf32>
      tpu.vector_store %arg6[%swap3A_2698, %swap3A_2699], %broadcast_in_dim3A_2697 {strides = array<i32>} : memref<64x256xf32, #tpu.memory_space<vmem>>, vector<1x256xf32>,
      %dma_wait3A_2701 = arith.constant 26 : i32
      %dma_wait3A_2702 = arith.constant 52 : i32
      %dma_wait3A_2703 = arith.constant 0 : i32
      %dma_wait3A_2704 = arith.constant 0 : i32
      %dma_wait3A_2705 = tpu.memref_slice %arg7[%dma_wait3A_2702, %dma_wait3A_2703, %dma_wait3A_2704] : memref<64x256x128xf32, #tpu.memory_space<vmem>> -> memref<1x256x128xf32, #tpu.memory_space<vmem>>
      %dma_wait3A_2706 = tpu.memref_squeeze %dma_wait3A_2705 : memref<1x256x128xf32, #tpu.memory_space<vmem>> -> memref<256x128xf32, #tpu.memory_space<vmem>>
      %dma_wait3A_2707 = arith.constant 0 : i32
      %dma_wait3A_2708 = tpu.memref_slice %arg3[%dma_wait3A_2701, %dma_wait3A_2707, %mul3A_954] : memref<32x256x4096xf32, #tpu.memory_space<hbm>> -> memref<1x256x128xf32, #tpu.memory_space<hbm>>
      %dma_wait3A_2709 = tpu.memref_squeeze %dma_wait3A_2708 : memref<1x256x128xf32, #tpu.memory_space<hbm>> -> memref<256x128xf32, #tpu.memory_space<hbm>>
      tpu.wait_dma2 semaphore(%arg9 : memref<!tpu.dma_semaphore, #tpu.memory_space<semaphore_mem>>) src(%dma_wait3A_2709 : memref<256x128xf32, #tpu.memory_space<hbm>>) dst(%dma_wait3A_2706 : memref<256x128xf32, #tpu.memory_space<vmem>>)
      %get3A_2710 = arith.constant 26 : index
      %get3A_2711 = arith.constant 0 : index
      %get3A_2712 = memref.load %arg1[%get3A_2710, %get3A_2711] : memref<32x16xi32, #tpu.memory_space<smem>>
      %and3A_2713 = arith.constant 127 : i32
      %and3A_2714 = arith.andi %get3A_2712, %and3A_2713 : i32
      %eq3A_2715 = vector.broadcast %and3A_2714 : i32 to vector<256x128xi32>
      %eq3A_2716 = arith.cmpi eq, %iota3A_1140, %eq3A_2715 : vector<256x128xi32>
      %get3A_2717 = arith.constant 52 : index
      %get3A_2718 = arith.constant 0 : index
      %get3A_2719 = arith.constant 0 : index
      %get3A_2720 = vector.load %arg7[%get3A_2717, %get3A_2718, %get3A_2719] : memref<64x256x128xf32, #tpu.memory_space<vmem>>, vector<1x256x128xf32>
      %get3A_2721 = vector.shape_cast %get3A_2720 : vector<1x256x128xf32> to vector<256x128xf32>
      %jit3A_2722 = arith.constant 0.000000e+00 : f32
      %broadcast_in_dim3A_2723 = vector.broadcast %jit3A_2722 : f32 to vector<256x128xf32>
      %select_n3A_2724 = arith.select %eq3A_2716, %get3A_2721, %broadcast_in_dim3A_2723 : vector<256x128xi1>, vector<256x128xf32>
      %reduce_sum3A_2725 = arith.constant dense<0.000000e+00> : vector<256xf32>
      %reduce_sum3A_2726 = vector.multi_reduction <add>, %select_n3A_2724, %reduce_sum3A_2725 [1] : vector<256x128xf32> to vector<256xf32>
      %broadcast_in_dim3A_2727 = vector.shape_cast %reduce_sum3A_2726 : vector<256xf32> to vector<1x256xf32>
      %swap3A_2728 = arith.constant 52 : index
      %swap3A_2729 = arith.constant 0 : index
      %swap3A_2730 = vector.load %arg6[%swap3A_2728, %swap3A_2729] : memref<64x256xf32, #tpu.memory_space<vmem>>, vector<1x256xf32>
      tpu.vector_store %arg6[%swap3A_2728, %swap3A_2729], %broadcast_in_dim3A_2727 {strides = array<i32>} : memref<64x256xf32, #tpu.memory_space<vmem>>, vector<1x256xf32>,
      %dma_wait3A_2731 = arith.constant 26 : i32
      %dma_wait3A_2732 = arith.constant 53 : i32
      %dma_wait3A_2733 = arith.constant 0 : i32
      %dma_wait3A_2734 = arith.constant 0 : i32
      %dma_wait3A_2735 = tpu.memref_slice %arg7[%dma_wait3A_2732, %dma_wait3A_2733, %dma_wait3A_2734] : memref<64x256x128xf32, #tpu.memory_space<vmem>> -> memref<1x256x128xf32, #tpu.memory_space<vmem>>
      %dma_wait3A_2736 = tpu.memref_squeeze %dma_wait3A_2735 : memref<1x256x128xf32, #tpu.memory_space<vmem>> -> memref<256x128xf32, #tpu.memory_space<vmem>>
      %dma_wait3A_2737 = arith.constant 0 : i32
      %dma_wait3A_2738 = tpu.memref_slice %arg3[%dma_wait3A_2731, %dma_wait3A_2737, %mul3A_970] : memref<32x256x4096xf32, #tpu.memory_space<hbm>> -> memref<1x256x128xf32, #tpu.memory_space<hbm>>
      %dma_wait3A_2739 = tpu.memref_squeeze %dma_wait3A_2738 : memref<1x256x128xf32, #tpu.memory_space<hbm>> -> memref<256x128xf32, #tpu.memory_space<hbm>>
      tpu.wait_dma2 semaphore(%arg9 : memref<!tpu.dma_semaphore, #tpu.memory_space<semaphore_mem>>) src(%dma_wait3A_2739 : memref<256x128xf32, #tpu.memory_space<hbm>>) dst(%dma_wait3A_2736 : memref<256x128xf32, #tpu.memory_space<vmem>>)
      %get3A_2740 = arith.constant 26 : index
      %get3A_2741 = arith.constant 1 : index
      %get3A_2742 = memref.load %arg1[%get3A_2740, %get3A_2741] : memref<32x16xi32, #tpu.memory_space<smem>>
      %and3A_2743 = arith.constant 127 : i32
      %and3A_2744 = arith.andi %get3A_2742, %and3A_2743 : i32
      %eq3A_2745 = vector.broadcast %and3A_2744 : i32 to vector<256x128xi32>
      %eq3A_2746 = arith.cmpi eq, %iota3A_1140, %eq3A_2745 : vector<256x128xi32>
      %get3A_2747 = arith.constant 53 : index
      %get3A_2748 = arith.constant 0 : index
      %get3A_2749 = arith.constant 0 : index
      %get3A_2750 = vector.load %arg7[%get3A_2747, %get3A_2748, %get3A_2749] : memref<64x256x128xf32, #tpu.memory_space<vmem>>, vector<1x256x128xf32>
      %get3A_2751 = vector.shape_cast %get3A_2750 : vector<1x256x128xf32> to vector<256x128xf32>
      %jit3A_2752 = arith.constant 0.000000e+00 : f32
      %broadcast_in_dim3A_2753 = vector.broadcast %jit3A_2752 : f32 to vector<256x128xf32>
      %select_n3A_2754 = arith.select %eq3A_2746, %get3A_2751, %broadcast_in_dim3A_2753 : vector<256x128xi1>, vector<256x128xf32>
      %reduce_sum3A_2755 = arith.constant dense<0.000000e+00> : vector<256xf32>
      %reduce_sum3A_2756 = vector.multi_reduction <add>, %select_n3A_2754, %reduce_sum3A_2755 [1] : vector<256x128xf32> to vector<256xf32>
      %broadcast_in_dim3A_2757 = vector.shape_cast %reduce_sum3A_2756 : vector<256xf32> to vector<1x256xf32>
      %swap3A_2758 = arith.constant 53 : index
      %swap3A_2759 = arith.constant 0 : index
      %swap3A_2760 = vector.load %arg6[%swap3A_2758, %swap3A_2759] : memref<64x256xf32, #tpu.memory_space<vmem>>, vector<1x256xf32>
      tpu.vector_store %arg6[%swap3A_2758, %swap3A_2759], %broadcast_in_dim3A_2757 {strides = array<i32>} : memref<64x256xf32, #tpu.memory_space<vmem>>, vector<1x256xf32>,
      %dma_wait3A_2761 = arith.constant 27 : i32
      %dma_wait3A_2762 = arith.constant 54 : i32
      %dma_wait3A_2763 = arith.constant 0 : i32
      %dma_wait3A_2764 = arith.constant 0 : i32
      %dma_wait3A_2765 = tpu.memref_slice %arg7[%dma_wait3A_2762, %dma_wait3A_2763, %dma_wait3A_2764] : memref<64x256x128xf32, #tpu.memory_space<vmem>> -> memref<1x256x128xf32, #tpu.memory_space<vmem>>
      %dma_wait3A_2766 = tpu.memref_squeeze %dma_wait3A_2765 : memref<1x256x128xf32, #tpu.memory_space<vmem>> -> memref<256x128xf32, #tpu.memory_space<vmem>>
      %dma_wait3A_2767 = arith.constant 0 : i32
      %dma_wait3A_2768 = tpu.memref_slice %arg3[%dma_wait3A_2761, %dma_wait3A_2767, %mul3A_986] : memref<32x256x4096xf32, #tpu.memory_space<hbm>> -> memref<1x256x128xf32, #tpu.memory_space<hbm>>
      %dma_wait3A_2769 = tpu.memref_squeeze %dma_wait3A_2768 : memref<1x256x128xf32, #tpu.memory_space<hbm>> -> memref<256x128xf32, #tpu.memory_space<hbm>>
      tpu.wait_dma2 semaphore(%arg9 : memref<!tpu.dma_semaphore, #tpu.memory_space<semaphore_mem>>) src(%dma_wait3A_2769 : memref<256x128xf32, #tpu.memory_space<hbm>>) dst(%dma_wait3A_2766 : memref<256x128xf32, #tpu.memory_space<vmem>>)
      %get3A_2770 = arith.constant 27 : index
      %get3A_2771 = arith.constant 0 : index
      %get3A_2772 = memref.load %arg1[%get3A_2770, %get3A_2771] : memref<32x16xi32, #tpu.memory_space<smem>>
      %and3A_2773 = arith.constant 127 : i32
      %and3A_2774 = arith.andi %get3A_2772, %and3A_2773 : i32
      %eq3A_2775 = vector.broadcast %and3A_2774 : i32 to vector<256x128xi32>
      %eq3A_2776 = arith.cmpi eq, %iota3A_1140, %eq3A_2775 : vector<256x128xi32>
      %get3A_2777 = arith.constant 54 : index
      %get3A_2778 = arith.constant 0 : index
      %get3A_2779 = arith.constant 0 : index
      %get3A_2780 = vector.load %arg7[%get3A_2777, %get3A_2778, %get3A_2779] : memref<64x256x128xf32, #tpu.memory_space<vmem>>, vector<1x256x128xf32>
      %get3A_2781 = vector.shape_cast %get3A_2780 : vector<1x256x128xf32> to vector<256x128xf32>
      %jit3A_2782 = arith.constant 0.000000e+00 : f32
      %broadcast_in_dim3A_2783 = vector.broadcast %jit3A_2782 : f32 to vector<256x128xf32>
      %select_n3A_2784 = arith.select %eq3A_2776, %get3A_2781, %broadcast_in_dim3A_2783 : vector<256x128xi1>, vector<256x128xf32>
      %reduce_sum3A_2785 = arith.constant dense<0.000000e+00> : vector<256xf32>
      %reduce_sum3A_2786 = vector.multi_reduction <add>, %select_n3A_2784, %reduce_sum3A_2785 [1] : vector<256x128xf32> to vector<256xf32>
      %broadcast_in_dim3A_2787 = vector.shape_cast %reduce_sum3A_2786 : vector<256xf32> to vector<1x256xf32>
      %swap3A_2788 = arith.constant 54 : index
      %swap3A_2789 = arith.constant 0 : index
      %swap3A_2790 = vector.load %arg6[%swap3A_2788, %swap3A_2789] : memref<64x256xf32, #tpu.memory_space<vmem>>, vector<1x256xf32>
      tpu.vector_store %arg6[%swap3A_2788, %swap3A_2789], %broadcast_in_dim3A_2787 {strides = array<i32>} : memref<64x256xf32, #tpu.memory_space<vmem>>, vector<1x256xf32>,
      %dma_wait3A_2791 = arith.constant 27 : i32
      %dma_wait3A_2792 = arith.constant 55 : i32
      %dma_wait3A_2793 = arith.constant 0 : i32
      %dma_wait3A_2794 = arith.constant 0 : i32
      %dma_wait3A_2795 = tpu.memref_slice %arg7[%dma_wait3A_2792, %dma_wait3A_2793, %dma_wait3A_2794] : memref<64x256x128xf32, #tpu.memory_space<vmem>> -> memref<1x256x128xf32, #tpu.memory_space<vmem>>
      %dma_wait3A_2796 = tpu.memref_squeeze %dma_wait3A_2795 : memref<1x256x128xf32, #tpu.memory_space<vmem>> -> memref<256x128xf32, #tpu.memory_space<vmem>>
      %dma_wait3A_2797 = arith.constant 0 : i32
      %dma_wait3A_2798 = tpu.memref_slice %arg3[%dma_wait3A_2791, %dma_wait3A_2797, %mul3A_1002] : memref<32x256x4096xf32, #tpu.memory_space<hbm>> -> memref<1x256x128xf32, #tpu.memory_space<hbm>>
      %dma_wait3A_2799 = tpu.memref_squeeze %dma_wait3A_2798 : memref<1x256x128xf32, #tpu.memory_space<hbm>> -> memref<256x128xf32, #tpu.memory_space<hbm>>
      tpu.wait_dma2 semaphore(%arg9 : memref<!tpu.dma_semaphore, #tpu.memory_space<semaphore_mem>>) src(%dma_wait3A_2799 : memref<256x128xf32, #tpu.memory_space<hbm>>) dst(%dma_wait3A_2796 : memref<256x128xf32, #tpu.memory_space<vmem>>)
      %get3A_2800 = arith.constant 27 : index
      %get3A_2801 = arith.constant 1 : index
      %get3A_2802 = memref.load %arg1[%get3A_2800, %get3A_2801] : memref<32x16xi32, #tpu.memory_space<smem>>
      %and3A_2803 = arith.constant 127 : i32
      %and3A_2804 = arith.andi %get3A_2802, %and3A_2803 : i32
      %eq3A_2805 = vector.broadcast %and3A_2804 : i32 to vector<256x128xi32>
      %eq3A_2806 = arith.cmpi eq, %iota3A_1140, %eq3A_2805 : vector<256x128xi32>
      %get3A_2807 = arith.constant 55 : index
      %get3A_2808 = arith.constant 0 : index
      %get3A_2809 = arith.constant 0 : index
      %get3A_2810 = vector.load %arg7[%get3A_2807, %get3A_2808, %get3A_2809] : memref<64x256x128xf32, #tpu.memory_space<vmem>>, vector<1x256x128xf32>
      %get3A_2811 = vector.shape_cast %get3A_2810 : vector<1x256x128xf32> to vector<256x128xf32>
      %jit3A_2812 = arith.constant 0.000000e+00 : f32
      %broadcast_in_dim3A_2813 = vector.broadcast %jit3A_2812 : f32 to vector<256x128xf32>
      %select_n3A_2814 = arith.select %eq3A_2806, %get3A_2811, %broadcast_in_dim3A_2813 : vector<256x128xi1>, vector<256x128xf32>
      %reduce_sum3A_2815 = arith.constant dense<0.000000e+00> : vector<256xf32>
      %reduce_sum3A_2816 = vector.multi_reduction <add>, %select_n3A_2814, %reduce_sum3A_2815 [1] : vector<256x128xf32> to vector<256xf32>
      %broadcast_in_dim3A_2817 = vector.shape_cast %reduce_sum3A_2816 : vector<256xf32> to vector<1x256xf32>
      %swap3A_2818 = arith.constant 55 : index
      %swap3A_2819 = arith.constant 0 : index
      %swap3A_2820 = vector.load %arg6[%swap3A_2818, %swap3A_2819] : memref<64x256xf32, #tpu.memory_space<vmem>>, vector<1x256xf32>
      tpu.vector_store %arg6[%swap3A_2818, %swap3A_2819], %broadcast_in_dim3A_2817 {strides = array<i32>} : memref<64x256xf32, #tpu.memory_space<vmem>>, vector<1x256xf32>,
      %dma_wait3A_2821 = arith.constant 28 : i32
      %dma_wait3A_2822 = arith.constant 56 : i32
      %dma_wait3A_2823 = arith.constant 0 : i32
      %dma_wait3A_2824 = arith.constant 0 : i32
      %dma_wait3A_2825 = tpu.memref_slice %arg7[%dma_wait3A_2822, %dma_wait3A_2823, %dma_wait3A_2824] : memref<64x256x128xf32, #tpu.memory_space<vmem>> -> memref<1x256x128xf32, #tpu.memory_space<vmem>>
      %dma_wait3A_2826 = tpu.memref_squeeze %dma_wait3A_2825 : memref<1x256x128xf32, #tpu.memory_space<vmem>> -> memref<256x128xf32, #tpu.memory_space<vmem>>
      %dma_wait3A_2827 = arith.constant 0 : i32
      %dma_wait3A_2828 = tpu.memref_slice %arg3[%dma_wait3A_2821, %dma_wait3A_2827, %mul3A_1018] : memref<32x256x4096xf32, #tpu.memory_space<hbm>> -> memref<1x256x128xf32, #tpu.memory_space<hbm>>
      %dma_wait3A_2829 = tpu.memref_squeeze %dma_wait3A_2828 : memref<1x256x128xf32, #tpu.memory_space<hbm>> -> memref<256x128xf32, #tpu.memory_space<hbm>>
      tpu.wait_dma2 semaphore(%arg9 : memref<!tpu.dma_semaphore, #tpu.memory_space<semaphore_mem>>) src(%dma_wait3A_2829 : memref<256x128xf32, #tpu.memory_space<hbm>>) dst(%dma_wait3A_2826 : memref<256x128xf32, #tpu.memory_space<vmem>>)
      %get3A_2830 = arith.constant 28 : index
      %get3A_2831 = arith.constant 0 : index
      %get3A_2832 = memref.load %arg1[%get3A_2830, %get3A_2831] : memref<32x16xi32, #tpu.memory_space<smem>>
      %and3A_2833 = arith.constant 127 : i32
      %and3A_2834 = arith.andi %get3A_2832, %and3A_2833 : i32
      %eq3A_2835 = vector.broadcast %and3A_2834 : i32 to vector<256x128xi32>
      %eq3A_2836 = arith.cmpi eq, %iota3A_1140, %eq3A_2835 : vector<256x128xi32>
      %get3A_2837 = arith.constant 56 : index
      %get3A_2838 = arith.constant 0 : index
      %get3A_2839 = arith.constant 0 : index
      %get3A_2840 = vector.load %arg7[%get3A_2837, %get3A_2838, %get3A_2839] : memref<64x256x128xf32, #tpu.memory_space<vmem>>, vector<1x256x128xf32>
      %get3A_2841 = vector.shape_cast %get3A_2840 : vector<1x256x128xf32> to vector<256x128xf32>
      %jit3A_2842 = arith.constant 0.000000e+00 : f32
      %broadcast_in_dim3A_2843 = vector.broadcast %jit3A_2842 : f32 to vector<256x128xf32>
      %select_n3A_2844 = arith.select %eq3A_2836, %get3A_2841, %broadcast_in_dim3A_2843 : vector<256x128xi1>, vector<256x128xf32>
      %reduce_sum3A_2845 = arith.constant dense<0.000000e+00> : vector<256xf32>
      %reduce_sum3A_2846 = vector.multi_reduction <add>, %select_n3A_2844, %reduce_sum3A_2845 [1] : vector<256x128xf32> to vector<256xf32>
      %broadcast_in_dim3A_2847 = vector.shape_cast %reduce_sum3A_2846 : vector<256xf32> to vector<1x256xf32>
      %swap3A_2848 = arith.constant 56 : index
      %swap3A_2849 = arith.constant 0 : index
      %swap3A_2850 = vector.load %arg6[%swap3A_2848, %swap3A_2849] : memref<64x256xf32, #tpu.memory_space<vmem>>, vector<1x256xf32>
      tpu.vector_store %arg6[%swap3A_2848, %swap3A_2849], %broadcast_in_dim3A_2847 {strides = array<i32>} : memref<64x256xf32, #tpu.memory_space<vmem>>, vector<1x256xf32>,
      %dma_wait3A_2851 = arith.constant 28 : i32
      %dma_wait3A_2852 = arith.constant 57 : i32
      %dma_wait3A_2853 = arith.constant 0 : i32
      %dma_wait3A_2854 = arith.constant 0 : i32
      %dma_wait3A_2855 = tpu.memref_slice %arg7[%dma_wait3A_2852, %dma_wait3A_2853, %dma_wait3A_2854] : memref<64x256x128xf32, #tpu.memory_space<vmem>> -> memref<1x256x128xf32, #tpu.memory_space<vmem>>
      %dma_wait3A_2856 = tpu.memref_squeeze %dma_wait3A_2855 : memref<1x256x128xf32, #tpu.memory_space<vmem>> -> memref<256x128xf32, #tpu.memory_space<vmem>>
      %dma_wait3A_2857 = arith.constant 0 : i32
      %dma_wait3A_2858 = tpu.memref_slice %arg3[%dma_wait3A_2851, %dma_wait3A_2857, %mul3A_1034] : memref<32x256x4096xf32, #tpu.memory_space<hbm>> -> memref<1x256x128xf32, #tpu.memory_space<hbm>>
      %dma_wait3A_2859 = tpu.memref_squeeze %dma_wait3A_2858 : memref<1x256x128xf32, #tpu.memory_space<hbm>> -> memref<256x128xf32, #tpu.memory_space<hbm>>
      tpu.wait_dma2 semaphore(%arg9 : memref<!tpu.dma_semaphore, #tpu.memory_space<semaphore_mem>>) src(%dma_wait3A_2859 : memref<256x128xf32, #tpu.memory_space<hbm>>) dst(%dma_wait3A_2856 : memref<256x128xf32, #tpu.memory_space<vmem>>)
      %get3A_2860 = arith.constant 28 : index
      %get3A_2861 = arith.constant 1 : index
      %get3A_2862 = memref.load %arg1[%get3A_2860, %get3A_2861] : memref<32x16xi32, #tpu.memory_space<smem>>
      %and3A_2863 = arith.constant 127 : i32
      %and3A_2864 = arith.andi %get3A_2862, %and3A_2863 : i32
      %eq3A_2865 = vector.broadcast %and3A_2864 : i32 to vector<256x128xi32>
      %eq3A_2866 = arith.cmpi eq, %iota3A_1140, %eq3A_2865 : vector<256x128xi32>
      %get3A_2867 = arith.constant 57 : index
      %get3A_2868 = arith.constant 0 : index
      %get3A_2869 = arith.constant 0 : index
      %get3A_2870 = vector.load %arg7[%get3A_2867, %get3A_2868, %get3A_2869] : memref<64x256x128xf32, #tpu.memory_space<vmem>>, vector<1x256x128xf32>
      %get3A_2871 = vector.shape_cast %get3A_2870 : vector<1x256x128xf32> to vector<256x128xf32>
      %jit3A_2872 = arith.constant 0.000000e+00 : f32
      %broadcast_in_dim3A_2873 = vector.broadcast %jit3A_2872 : f32 to vector<256x128xf32>
      %select_n3A_2874 = arith.select %eq3A_2866, %get3A_2871, %broadcast_in_dim3A_2873 : vector<256x128xi1>, vector<256x128xf32>
      %reduce_sum3A_2875 = arith.constant dense<0.000000e+00> : vector<256xf32>
      %reduce_sum3A_2876 = vector.multi_reduction <add>, %select_n3A_2874, %reduce_sum3A_2875 [1] : vector<256x128xf32> to vector<256xf32>
      %broadcast_in_dim3A_2877 = vector.shape_cast %reduce_sum3A_2876 : vector<256xf32> to vector<1x256xf32>
      %swap3A_2878 = arith.constant 57 : index
      %swap3A_2879 = arith.constant 0 : index
      %swap3A_2880 = vector.load %arg6[%swap3A_2878, %swap3A_2879] : memref<64x256xf32, #tpu.memory_space<vmem>>, vector<1x256xf32>
      tpu.vector_store %arg6[%swap3A_2878, %swap3A_2879], %broadcast_in_dim3A_2877 {strides = array<i32>} : memref<64x256xf32, #tpu.memory_space<vmem>>, vector<1x256xf32>,
      %dma_wait3A_2881 = arith.constant 29 : i32
      %dma_wait3A_2882 = arith.constant 58 : i32
      %dma_wait3A_2883 = arith.constant 0 : i32
      %dma_wait3A_2884 = arith.constant 0 : i32
      %dma_wait3A_2885 = tpu.memref_slice %arg7[%dma_wait3A_2882, %dma_wait3A_2883, %dma_wait3A_2884] : memref<64x256x128xf32, #tpu.memory_space<vmem>> -> memref<1x256x128xf32, #tpu.memory_space<vmem>>
      %dma_wait3A_2886 = tpu.memref_squeeze %dma_wait3A_2885 : memref<1x256x128xf32, #tpu.memory_space<vmem>> -> memref<256x128xf32, #tpu.memory_space<vmem>>
      %dma_wait3A_2887 = arith.constant 0 : i32
      %dma_wait3A_2888 = tpu.memref_slice %arg3[%dma_wait3A_2881, %dma_wait3A_2887, %mul3A_1050] : memref<32x256x4096xf32, #tpu.memory_space<hbm>> -> memref<1x256x128xf32, #tpu.memory_space<hbm>>
      %dma_wait3A_2889 = tpu.memref_squeeze %dma_wait3A_2888 : memref<1x256x128xf32, #tpu.memory_space<hbm>> -> memref<256x128xf32, #tpu.memory_space<hbm>>
      tpu.wait_dma2 semaphore(%arg9 : memref<!tpu.dma_semaphore, #tpu.memory_space<semaphore_mem>>) src(%dma_wait3A_2889 : memref<256x128xf32, #tpu.memory_space<hbm>>) dst(%dma_wait3A_2886 : memref<256x128xf32, #tpu.memory_space<vmem>>)
      %get3A_2890 = arith.constant 29 : index
      %get3A_2891 = arith.constant 0 : index
      %get3A_2892 = memref.load %arg1[%get3A_2890, %get3A_2891] : memref<32x16xi32, #tpu.memory_space<smem>>
      %and3A_2893 = arith.constant 127 : i32
      %and3A_2894 = arith.andi %get3A_2892, %and3A_2893 : i32
      %eq3A_2895 = vector.broadcast %and3A_2894 : i32 to vector<256x128xi32>
      %eq3A_2896 = arith.cmpi eq, %iota3A_1140, %eq3A_2895 : vector<256x128xi32>
      %get3A_2897 = arith.constant 58 : index
      %get3A_2898 = arith.constant 0 : index
      %get3A_2899 = arith.constant 0 : index
      %get3A_2900 = vector.load %arg7[%get3A_2897, %get3A_2898, %get3A_2899] : memref<64x256x128xf32, #tpu.memory_space<vmem>>, vector<1x256x128xf32>
      %get3A_2901 = vector.shape_cast %get3A_2900 : vector<1x256x128xf32> to vector<256x128xf32>
      %jit3A_2902 = arith.constant 0.000000e+00 : f32
      %broadcast_in_dim3A_2903 = vector.broadcast %jit3A_2902 : f32 to vector<256x128xf32>
      %select_n3A_2904 = arith.select %eq3A_2896, %get3A_2901, %broadcast_in_dim3A_2903 : vector<256x128xi1>, vector<256x128xf32>
      %reduce_sum3A_2905 = arith.constant dense<0.000000e+00> : vector<256xf32>
      %reduce_sum3A_2906 = vector.multi_reduction <add>, %select_n3A_2904, %reduce_sum3A_2905 [1] : vector<256x128xf32> to vector<256xf32>
      %broadcast_in_dim3A_2907 = vector.shape_cast %reduce_sum3A_2906 : vector<256xf32> to vector<1x256xf32>
      %swap3A_2908 = arith.constant 58 : index
      %swap3A_2909 = arith.constant 0 : index
      %swap3A_2910 = vector.load %arg6[%swap3A_2908, %swap3A_2909] : memref<64x256xf32, #tpu.memory_space<vmem>>, vector<1x256xf32>
      tpu.vector_store %arg6[%swap3A_2908, %swap3A_2909], %broadcast_in_dim3A_2907 {strides = array<i32>} : memref<64x256xf32, #tpu.memory_space<vmem>>, vector<1x256xf32>,
      %dma_wait3A_2911 = arith.constant 29 : i32
      %dma_wait3A_2912 = arith.constant 59 : i32
      %dma_wait3A_2913 = arith.constant 0 : i32
      %dma_wait3A_2914 = arith.constant 0 : i32
      %dma_wait3A_2915 = tpu.memref_slice %arg7[%dma_wait3A_2912, %dma_wait3A_2913, %dma_wait3A_2914] : memref<64x256x128xf32, #tpu.memory_space<vmem>> -> memref<1x256x128xf32, #tpu.memory_space<vmem>>
      %dma_wait3A_2916 = tpu.memref_squeeze %dma_wait3A_2915 : memref<1x256x128xf32, #tpu.memory_space<vmem>> -> memref<256x128xf32, #tpu.memory_space<vmem>>
      %dma_wait3A_2917 = arith.constant 0 : i32
      %dma_wait3A_2918 = tpu.memref_slice %arg3[%dma_wait3A_2911, %dma_wait3A_2917, %mul3A_1066] : memref<32x256x4096xf32, #tpu.memory_space<hbm>> -> memref<1x256x128xf32, #tpu.memory_space<hbm>>
      %dma_wait3A_2919 = tpu.memref_squeeze %dma_wait3A_2918 : memref<1x256x128xf32, #tpu.memory_space<hbm>> -> memref<256x128xf32, #tpu.memory_space<hbm>>
      tpu.wait_dma2 semaphore(%arg9 : memref<!tpu.dma_semaphore, #tpu.memory_space<semaphore_mem>>) src(%dma_wait3A_2919 : memref<256x128xf32, #tpu.memory_space<hbm>>) dst(%dma_wait3A_2916 : memref<256x128xf32, #tpu.memory_space<vmem>>)
      %get3A_2920 = arith.constant 29 : index
      %get3A_2921 = arith.constant 1 : index
      %get3A_2922 = memref.load %arg1[%get3A_2920, %get3A_2921] : memref<32x16xi32, #tpu.memory_space<smem>>
      %and3A_2923 = arith.constant 127 : i32
      %and3A_2924 = arith.andi %get3A_2922, %and3A_2923 : i32
      %eq3A_2925 = vector.broadcast %and3A_2924 : i32 to vector<256x128xi32>
      %eq3A_2926 = arith.cmpi eq, %iota3A_1140, %eq3A_2925 : vector<256x128xi32>
      %get3A_2927 = arith.constant 59 : index
      %get3A_2928 = arith.constant 0 : index
      %get3A_2929 = arith.constant 0 : index
      %get3A_2930 = vector.load %arg7[%get3A_2927, %get3A_2928, %get3A_2929] : memref<64x256x128xf32, #tpu.memory_space<vmem>>, vector<1x256x128xf32>
      %get3A_2931 = vector.shape_cast %get3A_2930 : vector<1x256x128xf32> to vector<256x128xf32>
      %jit3A_2932 = arith.constant 0.000000e+00 : f32
      %broadcast_in_dim3A_2933 = vector.broadcast %jit3A_2932 : f32 to vector<256x128xf32>
      %select_n3A_2934 = arith.select %eq3A_2926, %get3A_2931, %broadcast_in_dim3A_2933 : vector<256x128xi1>, vector<256x128xf32>
      %reduce_sum3A_2935 = arith.constant dense<0.000000e+00> : vector<256xf32>
      %reduce_sum3A_2936 = vector.multi_reduction <add>, %select_n3A_2934, %reduce_sum3A_2935 [1] : vector<256x128xf32> to vector<256xf32>
      %broadcast_in_dim3A_2937 = vector.shape_cast %reduce_sum3A_2936 : vector<256xf32> to vector<1x256xf32>
      %swap3A_2938 = arith.constant 59 : index
      %swap3A_2939 = arith.constant 0 : index
      %swap3A_2940 = vector.load %arg6[%swap3A_2938, %swap3A_2939] : memref<64x256xf32, #tpu.memory_space<vmem>>, vector<1x256xf32>
      tpu.vector_store %arg6[%swap3A_2938, %swap3A_2939], %broadcast_in_dim3A_2937 {strides = array<i32>} : memref<64x256xf32, #tpu.memory_space<vmem>>, vector<1x256xf32>,
      %dma_wait3A_2941 = arith.constant 30 : i32
      %dma_wait3A_2942 = arith.constant 60 : i32
      %dma_wait3A_2943 = arith.constant 0 : i32
      %dma_wait3A_2944 = arith.constant 0 : i32
      %dma_wait3A_2945 = tpu.memref_slice %arg7[%dma_wait3A_2942, %dma_wait3A_2943, %dma_wait3A_2944] : memref<64x256x128xf32, #tpu.memory_space<vmem>> -> memref<1x256x128xf32, #tpu.memory_space<vmem>>
      %dma_wait3A_2946 = tpu.memref_squeeze %dma_wait3A_2945 : memref<1x256x128xf32, #tpu.memory_space<vmem>> -> memref<256x128xf32, #tpu.memory_space<vmem>>
      %dma_wait3A_2947 = arith.constant 0 : i32
      %dma_wait3A_2948 = tpu.memref_slice %arg3[%dma_wait3A_2941, %dma_wait3A_2947, %mul3A_1082] : memref<32x256x4096xf32, #tpu.memory_space<hbm>> -> memref<1x256x128xf32, #tpu.memory_space<hbm>>
      %dma_wait3A_2949 = tpu.memref_squeeze %dma_wait3A_2948 : memref<1x256x128xf32, #tpu.memory_space<hbm>> -> memref<256x128xf32, #tpu.memory_space<hbm>>
      tpu.wait_dma2 semaphore(%arg9 : memref<!tpu.dma_semaphore, #tpu.memory_space<semaphore_mem>>) src(%dma_wait3A_2949 : memref<256x128xf32, #tpu.memory_space<hbm>>) dst(%dma_wait3A_2946 : memref<256x128xf32, #tpu.memory_space<vmem>>)
      %get3A_2950 = arith.constant 30 : index
      %get3A_2951 = arith.constant 0 : index
      %get3A_2952 = memref.load %arg1[%get3A_2950, %get3A_2951] : memref<32x16xi32, #tpu.memory_space<smem>>
      %and3A_2953 = arith.constant 127 : i32
      %and3A_2954 = arith.andi %get3A_2952, %and3A_2953 : i32
      %eq3A_2955 = vector.broadcast %and3A_2954 : i32 to vector<256x128xi32>
      %eq3A_2956 = arith.cmpi eq, %iota3A_1140, %eq3A_2955 : vector<256x128xi32>
      %get3A_2957 = arith.constant 60 : index
      %get3A_2958 = arith.constant 0 : index
      %get3A_2959 = arith.constant 0 : index
      %get3A_2960 = vector.load %arg7[%get3A_2957, %get3A_2958, %get3A_2959] : memref<64x256x128xf32, #tpu.memory_space<vmem>>, vector<1x256x128xf32>
      %get3A_2961 = vector.shape_cast %get3A_2960 : vector<1x256x128xf32> to vector<256x128xf32>
      %jit3A_2962 = arith.constant 0.000000e+00 : f32
      %broadcast_in_dim3A_2963 = vector.broadcast %jit3A_2962 : f32 to vector<256x128xf32>
      %select_n3A_2964 = arith.select %eq3A_2956, %get3A_2961, %broadcast_in_dim3A_2963 : vector<256x128xi1>, vector<256x128xf32>
      %reduce_sum3A_2965 = arith.constant dense<0.000000e+00> : vector<256xf32>
      %reduce_sum3A_2966 = vector.multi_reduction <add>, %select_n3A_2964, %reduce_sum3A_2965 [1] : vector<256x128xf32> to vector<256xf32>
      %broadcast_in_dim3A_2967 = vector.shape_cast %reduce_sum3A_2966 : vector<256xf32> to vector<1x256xf32>
      %swap3A_2968 = arith.constant 60 : index
      %swap3A_2969 = arith.constant 0 : index
      %swap3A_2970 = vector.load %arg6[%swap3A_2968, %swap3A_2969] : memref<64x256xf32, #tpu.memory_space<vmem>>, vector<1x256xf32>
      tpu.vector_store %arg6[%swap3A_2968, %swap3A_2969], %broadcast_in_dim3A_2967 {strides = array<i32>} : memref<64x256xf32, #tpu.memory_space<vmem>>, vector<1x256xf32>,
      %dma_wait3A_2971 = arith.constant 30 : i32
      %dma_wait3A_2972 = arith.constant 61 : i32
      %dma_wait3A_2973 = arith.constant 0 : i32
      %dma_wait3A_2974 = arith.constant 0 : i32
      %dma_wait3A_2975 = tpu.memref_slice %arg7[%dma_wait3A_2972, %dma_wait3A_2973, %dma_wait3A_2974] : memref<64x256x128xf32, #tpu.memory_space<vmem>> -> memref<1x256x128xf32, #tpu.memory_space<vmem>>
      %dma_wait3A_2976 = tpu.memref_squeeze %dma_wait3A_2975 : memref<1x256x128xf32, #tpu.memory_space<vmem>> -> memref<256x128xf32, #tpu.memory_space<vmem>>
      %dma_wait3A_2977 = arith.constant 0 : i32
      %dma_wait3A_2978 = tpu.memref_slice %arg3[%dma_wait3A_2971, %dma_wait3A_2977, %mul3A_1098] : memref<32x256x4096xf32, #tpu.memory_space<hbm>> -> memref<1x256x128xf32, #tpu.memory_space<hbm>>
      %dma_wait3A_2979 = tpu.memref_squeeze %dma_wait3A_2978 : memref<1x256x128xf32, #tpu.memory_space<hbm>> -> memref<256x128xf32, #tpu.memory_space<hbm>>
      tpu.wait_dma2 semaphore(%arg9 : memref<!tpu.dma_semaphore, #tpu.memory_space<semaphore_mem>>) src(%dma_wait3A_2979 : memref<256x128xf32, #tpu.memory_space<hbm>>) dst(%dma_wait3A_2976 : memref<256x128xf32, #tpu.memory_space<vmem>>)
      %get3A_2980 = arith.constant 30 : index
      %get3A_2981 = arith.constant 1 : index
      %get3A_2982 = memref.load %arg1[%get3A_2980, %get3A_2981] : memref<32x16xi32, #tpu.memory_space<smem>>
      %and3A_2983 = arith.constant 127 : i32
      %and3A_2984 = arith.andi %get3A_2982, %and3A_2983 : i32
      %eq3A_2985 = vector.broadcast %and3A_2984 : i32 to vector<256x128xi32>
      %eq3A_2986 = arith.cmpi eq, %iota3A_1140, %eq3A_2985 : vector<256x128xi32>
      %get3A_2987 = arith.constant 61 : index
      %get3A_2988 = arith.constant 0 : index
      %get3A_2989 = arith.constant 0 : index
      %get3A_2990 = vector.load %arg7[%get3A_2987, %get3A_2988, %get3A_2989] : memref<64x256x128xf32, #tpu.memory_space<vmem>>, vector<1x256x128xf32>
      %get3A_2991 = vector.shape_cast %get3A_2990 : vector<1x256x128xf32> to vector<256x128xf32>
      %jit3A_2992 = arith.constant 0.000000e+00 : f32
      %broadcast_in_dim3A_2993 = vector.broadcast %jit3A_2992 : f32 to vector<256x128xf32>
      %select_n3A_2994 = arith.select %eq3A_2986, %get3A_2991, %broadcast_in_dim3A_2993 : vector<256x128xi1>, vector<256x128xf32>
      %reduce_sum3A_2995 = arith.constant dense<0.000000e+00> : vector<256xf32>
      %reduce_sum3A_2996 = vector.multi_reduction <add>, %select_n3A_2994, %reduce_sum3A_2995 [1] : vector<256x128xf32> to vector<256xf32>
      %broadcast_in_dim3A_2997 = vector.shape_cast %reduce_sum3A_2996 : vector<256xf32> to vector<1x256xf32>
      %swap3A_2998 = arith.constant 61 : index
      %swap3A_2999 = arith.constant 0 : index
      %swap3A_3000 = vector.load %arg6[%swap3A_2998, %swap3A_2999] : memref<64x256xf32, #tpu.memory_space<vmem>>, vector<1x256xf32>
      tpu.vector_store %arg6[%swap3A_2998, %swap3A_2999], %broadcast_in_dim3A_2997 {strides = array<i32>} : memref<64x256xf32, #tpu.memory_space<vmem>>, vector<1x256xf32>,
      %dma_wait3A_3001 = arith.constant 31 : i32
      %dma_wait3A_3002 = arith.constant 62 : i32
      %dma_wait3A_3003 = arith.constant 0 : i32
      %dma_wait3A_3004 = arith.constant 0 : i32
      %dma_wait3A_3005 = tpu.memref_slice %arg7[%dma_wait3A_3002, %dma_wait3A_3003, %dma_wait3A_3004] : memref<64x256x128xf32, #tpu.memory_space<vmem>> -> memref<1x256x128xf32, #tpu.memory_space<vmem>>
      %dma_wait3A_3006 = tpu.memref_squeeze %dma_wait3A_3005 : memref<1x256x128xf32, #tpu.memory_space<vmem>> -> memref<256x128xf32, #tpu.memory_space<vmem>>
      %dma_wait3A_3007 = arith.constant 0 : i32
      %dma_wait3A_3008 = tpu.memref_slice %arg3[%dma_wait3A_3001, %dma_wait3A_3007, %mul3A_1114] : memref<32x256x4096xf32, #tpu.memory_space<hbm>> -> memref<1x256x128xf32, #tpu.memory_space<hbm>>
      %dma_wait3A_3009 = tpu.memref_squeeze %dma_wait3A_3008 : memref<1x256x128xf32, #tpu.memory_space<hbm>> -> memref<256x128xf32, #tpu.memory_space<hbm>>
      tpu.wait_dma2 semaphore(%arg9 : memref<!tpu.dma_semaphore, #tpu.memory_space<semaphore_mem>>) src(%dma_wait3A_3009 : memref<256x128xf32, #tpu.memory_space<hbm>>) dst(%dma_wait3A_3006 : memref<256x128xf32, #tpu.memory_space<vmem>>)
      %get3A_3010 = arith.constant 31 : index
      %get3A_3011 = arith.constant 0 : index
      %get3A_3012 = memref.load %arg1[%get3A_3010, %get3A_3011] : memref<32x16xi32, #tpu.memory_space<smem>>
      %and3A_3013 = arith.constant 127 : i32
      %and3A_3014 = arith.andi %get3A_3012, %and3A_3013 : i32
      %eq3A_3015 = vector.broadcast %and3A_3014 : i32 to vector<256x128xi32>
      %eq3A_3016 = arith.cmpi eq, %iota3A_1140, %eq3A_3015 : vector<256x128xi32>
      %get3A_3017 = arith.constant 62 : index
      %get3A_3018 = arith.constant 0 : index
      %get3A_3019 = arith.constant 0 : index
      %get3A_3020 = vector.load %arg7[%get3A_3017, %get3A_3018, %get3A_3019] : memref<64x256x128xf32, #tpu.memory_space<vmem>>, vector<1x256x128xf32>
      %get3A_3021 = vector.shape_cast %get3A_3020 : vector<1x256x128xf32> to vector<256x128xf32>
      %jit3A_3022 = arith.constant 0.000000e+00 : f32
      %broadcast_in_dim3A_3023 = vector.broadcast %jit3A_3022 : f32 to vector<256x128xf32>
      %select_n3A_3024 = arith.select %eq3A_3016, %get3A_3021, %broadcast_in_dim3A_3023 : vector<256x128xi1>, vector<256x128xf32>
      %reduce_sum3A_3025 = arith.constant dense<0.000000e+00> : vector<256xf32>
      %reduce_sum3A_3026 = vector.multi_reduction <add>, %select_n3A_3024, %reduce_sum3A_3025 [1] : vector<256x128xf32> to vector<256xf32>
      %broadcast_in_dim3A_3027 = vector.shape_cast %reduce_sum3A_3026 : vector<256xf32> to vector<1x256xf32>
      %swap3A_3028 = arith.constant 62 : index
      %swap3A_3029 = arith.constant 0 : index
      %swap3A_3030 = vector.load %arg6[%swap3A_3028, %swap3A_3029] : memref<64x256xf32, #tpu.memory_space<vmem>>, vector<1x256xf32>
      tpu.vector_store %arg6[%swap3A_3028, %swap3A_3029], %broadcast_in_dim3A_3027 {strides = array<i32>} : memref<64x256xf32, #tpu.memory_space<vmem>>, vector<1x256xf32>,
      %dma_wait3A_3031 = arith.constant 31 : i32
      %dma_wait3A_3032 = arith.constant 63 : i32
      %dma_wait3A_3033 = arith.constant 0 : i32
      %dma_wait3A_3034 = arith.constant 0 : i32
      %dma_wait3A_3035 = tpu.memref_slice %arg7[%dma_wait3A_3032, %dma_wait3A_3033, %dma_wait3A_3034] : memref<64x256x128xf32, #tpu.memory_space<vmem>> -> memref<1x256x128xf32, #tpu.memory_space<vmem>>
      %dma_wait3A_3036 = tpu.memref_squeeze %dma_wait3A_3035 : memref<1x256x128xf32, #tpu.memory_space<vmem>> -> memref<256x128xf32, #tpu.memory_space<vmem>>
      %dma_wait3A_3037 = arith.constant 0 : i32
      %dma_wait3A_3038 = tpu.memref_slice %arg3[%dma_wait3A_3031, %dma_wait3A_3037, %mul3A_1130] : memref<32x256x4096xf32, #tpu.memory_space<hbm>> -> memref<1x256x128xf32, #tpu.memory_space<hbm>>
      %dma_wait3A_3039 = tpu.memref_squeeze %dma_wait3A_3038 : memref<1x256x128xf32, #tpu.memory_space<hbm>> -> memref<256x128xf32, #tpu.memory_space<hbm>>
      tpu.wait_dma2 semaphore(%arg9 : memref<!tpu.dma_semaphore, #tpu.memory_space<semaphore_mem>>) src(%dma_wait3A_3039 : memref<256x128xf32, #tpu.memory_space<hbm>>) dst(%dma_wait3A_3036 : memref<256x128xf32, #tpu.memory_space<vmem>>)
      %get3A_3040 = arith.constant 31 : index
      %get3A_3041 = arith.constant 1 : index
      %get3A_3042 = memref.load %arg1[%get3A_3040, %get3A_3041] : memref<32x16xi32, #tpu.memory_space<smem>>
      %and3A_3043 = arith.constant 127 : i32
      %and3A_3044 = arith.andi %get3A_3042, %and3A_3043 : i32
      %eq3A_3045 = vector.broadcast %and3A_3044 : i32 to vector<256x128xi32>
      %eq3A_3046 = arith.cmpi eq, %iota3A_1140, %eq3A_3045 : vector<256x128xi32>
      %get3A_3047 = arith.constant 63 : index
      %get3A_3048 = arith.constant 0 : index
      %get3A_3049 = arith.constant 0 : index
      %get3A_3050 = vector.load %arg7[%get3A_3047, %get3A_3048, %get3A_3049] : memref<64x256x128xf32, #tpu.memory_space<vmem>>, vector<1x256x128xf32>
      %get3A_3051 = vector.shape_cast %get3A_3050 : vector<1x256x128xf32> to vector<256x128xf32>
      %jit3A_3052 = arith.constant 0.000000e+00 : f32
      %broadcast_in_dim3A_3053 = vector.broadcast %jit3A_3052 : f32 to vector<256x128xf32>
      %select_n3A_3054 = arith.select %eq3A_3046, %get3A_3051, %broadcast_in_dim3A_3053 : vector<256x128xi1>, vector<256x128xf32>
      %reduce_sum3A_3055 = arith.constant dense<0.000000e+00> : vector<256xf32>
      %reduce_sum3A_3056 = vector.multi_reduction <add>, %select_n3A_3054, %reduce_sum3A_3055 [1] : vector<256x128xf32> to vector<256xf32>
      %broadcast_in_dim3A_3057 = vector.shape_cast %reduce_sum3A_3056 : vector<256xf32> to vector<1x256xf32>
      %swap3A_3058 = arith.constant 63 : index
      %swap3A_3059 = arith.constant 0 : index
      %swap3A_3060 = vector.load %arg6[%swap3A_3058, %swap3A_3059] : memref<64x256xf32, #tpu.memory_space<vmem>>, vector<1x256xf32>
      tpu.vector_store %arg6[%swap3A_3058, %swap3A_3059], %broadcast_in_dim3A_3057 {strides = array<i32>} : memref<64x256xf32, #tpu.memory_space<vmem>>, vector<1x256xf32>,
      %get3A_3061 = arith.constant 0 : index
      %get3A_3062 = arith.constant 0 : index
      %get3A_3063 = vector.load %arg6[%get3A_3061, %get3A_3062] : memref<64x256xf32, #tpu.memory_space<vmem>>, vector<64x256xf32>
      %mul3A_3064 = arith.mulf %get3A_3063, %get3A_3063 : vector<64x256xf32>
      %reduce_sum3A_3065 = arith.constant dense<0.000000e+00> : vector<64xf32>
      %reduce_sum3A_3066 = vector.multi_reduction <add>, %mul3A_3064, %reduce_sum3A_3065 [1] : vector<64x256xf32> to vector<64xf32>
      %broadcast_in_dim3A_3067 = vector.shape_cast %reduce_sum3A_3066 : vector<64xf32> to vector<64x1xf32>
      %sqrt3A_3068 = math.sqrt %broadcast_in_dim3A_3067 : vector<64x1xf32>
      %max3A_3069 = arith.constant 9.99999996E-13 : f32
      %max3A_3070 = vector.broadcast %max3A_3069 : f32 to vector<64x1xf32>
      %max3A_3071 = arith.maximumf %sqrt3A_3068, %max3A_3070 : vector<64x1xf32>
      %div3A_3072 = vector.broadcast %max3A_3071 : vector<64x1xf32> to vector<64x256xf32>
      %div3A_3073 = arith.divf %get3A_3063, %div3A_3072 : vector<64x256xf32>
      %swap3A_3074 = arith.constant 0 : index
      %swap3A_3075 = arith.constant 0 : index
      %swap3A_3076 = vector.load %arg6[%swap3A_3074, %swap3A_3075] : memref<64x256xf32, #tpu.memory_space<vmem>>, vector<64x256xf32>
      tpu.vector_store %arg6[%swap3A_3074, %swap3A_3075], %div3A_3073 {strides = array<i32>} : memref<64x256xf32, #tpu.memory_space<vmem>>, vector<64x256xf32>,
      %broadcast_in_dim3A_3077 = arith.constant 0.000000e+00 : f32
      %broadcast_in_dim3A_3078 = vector.broadcast %broadcast_in_dim3A_3077 : f32 to vector<64x4096xf32>
      %swap3A_3079 = arith.constant 0 : index
      %swap3A_3080 = arith.constant 0 : index
      %swap3A_3081 = vector.load %arg5[%swap3A_3079, %swap3A_3080] : memref<64x4096xf32, #tpu.memory_space<vmem>>, vector<64x4096xf32>
      tpu.vector_store %arg5[%swap3A_3079, %swap3A_3080], %broadcast_in_dim3A_3078 {strides = array<i32>} : memref<64x4096xf32, #tpu.memory_space<vmem>>, vector<64x4096xf32>,
    } else {
    }
    %sub3A = arith.constant 1 : i32
    %sub3A_2 = arith.subi %arg0, %sub3A : i32
    %add3A = arith.constant 4 : i32
    %add3A_3 = arith.addi %sub3A_2, %add3A : i32
    %gt3A = arith.constant 0 : i32
    %gt3A_4 = arith.cmpi sgt, %arg0, %gt3A : i32
    %lt3A = arith.constant 32 : i32
    %lt3A_5 = arith.cmpi slt, %add3A_3, %lt3A : i32
    %and3A = arith.andi %gt3A_4, %lt3A_5 : i1
    %convert_element_type3A_6 = arith.extui %and3A : i1 to i32
    %cond3A_7 = arith.constant 0 : i32
    %cond3A_8 = arith.cmpi ne, %convert_element_type3A_6, %cond3A_7 : i32
    scf.if %cond3A_8 {
      %sub3A_65 = arith.constant 1 : i32
      %sub3A_66 = arith.subi %arg0, %sub3A_65 : i32
      %rem3A_67 = arith.constant 4 : i32
      %rem3A_68 = arith.remsi %sub3A_66, %rem3A_67 : i32
      %dma_start3A = tpu.memref_slice %arg10[%rem3A_68] : memref<4x!tpu.dma_semaphore, #tpu.memory_space<semaphore_mem>> -> memref<1x!tpu.dma_semaphore, #tpu.memory_space<semaphore_mem>>
      %dma_start3A_69 = tpu.memref_squeeze %dma_start3A : memref<1x!tpu.dma_semaphore, #tpu.memory_space<semaphore_mem>> -> memref<!tpu.dma_semaphore, #tpu.memory_space<semaphore_mem>>
      %dma_start3A_70 = arith.constant 0 : i32
      %dma_start3A_71 = arith.constant 0 : i32
      %dma_start3A_72 = tpu.memref_slice %arg8[%rem3A_68, %dma_start3A_70, %dma_start3A_71] : memref<4x256x4096xf32, #tpu.memory_space<vmem>> -> memref<1x256x4096xf32, #tpu.memory_space<vmem>>
      %dma_start3A_73 = tpu.memref_squeeze %dma_start3A_72 : memref<1x256x4096xf32, #tpu.memory_space<vmem>> -> memref<256x4096xf32, #tpu.memory_space<vmem>>
      %dma_start3A_74 = arith.constant 0 : i32
      %dma_start3A_75 = arith.constant 0 : i32
      %dma_start3A_76 = tpu.memref_slice %arg3[%add3A_3, %dma_start3A_74, %dma_start3A_75] : memref<32x256x4096xf32, #tpu.memory_space<hbm>> -> memref<1x256x4096xf32, #tpu.memory_space<hbm>>
      %dma_start3A_77 = tpu.memref_squeeze %dma_start3A_76 : memref<1x256x4096xf32, #tpu.memory_space<hbm>> -> memref<256x4096xf32, #tpu.memory_space<hbm>>
      tpu.enqueue_dma source(%dma_start3A_77 : memref<256x4096xf32, #tpu.memory_space<hbm>>) target(%dma_start3A_73 : memref<256x4096xf32, #tpu.memory_space<vmem>>) target_semaphore(%dma_start3A_69 : memref<!tpu.dma_semaphore, #tpu.memory_space<semaphore_mem>>)
    } else {
    }
    %rem3A = arith.constant 4 : i32
    %rem3A_9 = arith.remsi %arg0, %rem3A : i32
    %dma_wait3A = arith.constant 0 : i32
    %dma_wait3A_10 = tpu.memref_slice %arg10[%rem3A_9] : memref<4x!tpu.dma_semaphore, #tpu.memory_space<semaphore_mem>> -> memref<1x!tpu.dma_semaphore, #tpu.memory_space<semaphore_mem>>
    %dma_wait3A_11 = tpu.memref_squeeze %dma_wait3A_10 : memref<1x!tpu.dma_semaphore, #tpu.memory_space<semaphore_mem>> -> memref<!tpu.dma_semaphore, #tpu.memory_space<semaphore_mem>>
    %dma_wait3A_12 = arith.constant 0 : i32
    %dma_wait3A_13 = arith.constant 0 : i32
    %dma_wait3A_14 = tpu.memref_slice %arg8[%rem3A_9, %dma_wait3A_12, %dma_wait3A_13] : memref<4x256x4096xf32, #tpu.memory_space<vmem>> -> memref<1x256x4096xf32, #tpu.memory_space<vmem>>
    %dma_wait3A_15 = tpu.memref_squeeze %dma_wait3A_14 : memref<1x256x4096xf32, #tpu.memory_space<vmem>> -> memref<256x4096xf32, #tpu.memory_space<vmem>>
    %dma_wait3A_16 = arith.constant 0 : i32
    %dma_wait3A_17 = arith.constant 0 : i32
    %dma_wait3A_18 = tpu.memref_slice %arg3[%dma_wait3A, %dma_wait3A_16, %dma_wait3A_17] : memref<32x256x4096xf32, #tpu.memory_space<hbm>> -> memref<1x256x4096xf32, #tpu.memory_space<hbm>>
    %dma_wait3A_19 = tpu.memref_squeeze %dma_wait3A_18 : memref<1x256x4096xf32, #tpu.memory_space<hbm>> -> memref<256x4096xf32, #tpu.memory_space<hbm>>
    tpu.wait_dma2 semaphore(%dma_wait3A_11 : memref<!tpu.dma_semaphore, #tpu.memory_space<semaphore_mem>>) src(%dma_wait3A_19 : memref<256x4096xf32, #tpu.memory_space<hbm>>) dst(%dma_wait3A_15 : memref<256x4096xf32, #tpu.memory_space<vmem>>)
    %get3A = arith.index_cast %rem3A_9 : i32 to index
    %get3A_20 = arith.constant 0 : index
    %get3A_21 = arith.constant 0 : index
    %get3A_22 = vector.load %arg8[%get3A, %get3A_20, %get3A_21] : memref<4x256x4096xf32, #tpu.memory_space<vmem>>, vector<1x256x4096xf32>
    %get3A_23 = vector.shape_cast %get3A_22 : vector<1x256x4096xf32> to vector<256x4096xf32>
    %mul3A = arith.mulf %get3A_23, %get3A_23 : vector<256x4096xf32>
    %reduce_sum3A = arith.constant dense<0.000000e+00> : vector<4096xf32>
    %reduce_sum3A_24 = vector.multi_reduction <add>, %mul3A, %reduce_sum3A [0] : vector<256x4096xf32> to vector<4096xf32>
    %broadcast_in_dim3A = vector.shape_cast %reduce_sum3A_24 : vector<4096xf32> to vector<1x4096xf32>
    %sqrt3A = math.sqrt %broadcast_in_dim3A : vector<1x4096xf32>
    %max3A = arith.constant 9.99999996E-13 : f32
    %max3A_25 = vector.broadcast %max3A : f32 to vector<1x4096xf32>
    %max3A_26 = arith.maximumf %sqrt3A, %max3A_25 : vector<1x4096xf32>
    %mul3A_27 = arith.constant 1.000000e-01 : f32
    %mul3A_28 = vector.broadcast %mul3A_27 : f32 to vector<1x4096xf32>
    %mul3A_29 = arith.mulf %max3A_26, %mul3A_28 : vector<1x4096xf32>
    %div3A = arith.constant 1.000000e+00 : f32
    %div3A_30 = vector.broadcast %div3A : f32 to vector<1x4096xf32>
    %div3A_31 = arith.divf %div3A_30, %mul3A_29 : vector<1x4096xf32>
    %get3A_32 = arith.constant 0 : index
    %get3A_33 = arith.constant 0 : index
    %get3A_34 = vector.load %arg6[%get3A_32, %get3A_33] : memref<64x256xf32, #tpu.memory_space<vmem>>, vector<64x256xf32>
    %dot_general3A = arith.constant dense<0.000000e+00> : vector<64x4096xf32>
    %dot_general3A_35 = tpu.matmul %get3A_34, %get3A_23, %dot_general3A {dimension_numbers = #tpu.dot_dimension_numbers<[1], [0], [0], [1], [0, 0, 1, 1], [], []>, precision = #tpu.contract_precision<fp32>, transpose_lhs_hint = false} : vector<64x256xf32>, vector<256x4096xf32>, vector<64x4096xf32> -> vector<64x4096xf32>
    %mul3A_36 = vector.broadcast %div3A_31 : vector<1x4096xf32> to vector<64x4096xf32>
    %mul3A_37 = arith.mulf %dot_general3A_35, %mul3A_36 : vector<64x4096xf32>
    %exp3A = math.exp %mul3A_37 : vector<64x4096xf32>
    %iota3A = tpu.iota {dimensions = array<i32: 0>} : vector<64x1xi32>
    %shift_right_arithmetic3A = arith.constant 1 : i32
    %shift_right_arithmetic3A_38 = vector.broadcast %shift_right_arithmetic3A : i32 to vector<64x1xi32>
    %shift_right_arithmetic3A_39 = arith.shrsi %iota3A, %shift_right_arithmetic3A_38 : vector<64x1xi32>
    %eq3A_40 = vector.broadcast %arg0 : i32 to vector<64x1xi32>
    %eq3A_41 = arith.cmpi eq, %shift_right_arithmetic3A_39, %eq3A_40 : vector<64x1xi32>
    %get3A_42 = arith.constant 0 : index
    %get3A_43 = arith.constant 0 : index
    %get3A_44 = arith.constant 0 : index
    %get3A_45 = vector.load %arg2[%get3A_42, %get3A_43, %get3A_44] : memref<1x1x4096xf32, #tpu.memory_space<vmem>>, vector<1x1x4096xf32>
    %get3A_46 = vector.shape_cast %get3A_45 : vector<1x1x4096xf32> to vector<1x4096xf32>
    %gt3A_47 = arith.constant 5.000000e-01 : f32
    %gt3A_48 = vector.broadcast %gt3A_47 : f32 to vector<1x4096xf32>
    %gt3A_49 = arith.cmpf ogt, %get3A_46, %gt3A_48 : vector<1x4096xf32>
    %and3A_50 = vector.broadcast %eq3A_41 : vector<64x1xi1> to vector<64x4096xi1>
    %and3A_51 = vector.broadcast %gt3A_49 : vector<1x4096xi1> to vector<64x4096xi1>
    %and3A_52 = arith.andi %and3A_50, %and3A_51 : vector<64x4096xi1>
    %get3A_53 = arith.constant 0 : index
    %get3A_54 = arith.constant 0 : index
    %get3A_55 = vector.load %arg5[%get3A_53, %get3A_54] : memref<64x4096xf32, #tpu.memory_space<vmem>>, vector<64x4096xf32>
    %jit3A = arith.constant 0.000000e+00 : f32
    %broadcast_in_dim3A_56 = vector.broadcast %jit3A : f32 to vector<64x4096xf32>
    %select_n3A = arith.select %and3A_52, %broadcast_in_dim3A_56, %exp3A : vector<64x4096xi1>, vector<64x4096xf32>
    %add3A_57 = arith.addf %get3A_55, %select_n3A : vector<64x4096xf32>
    %swap3A = arith.constant 0 : index
    %swap3A_58 = arith.constant 0 : index
    %swap3A_59 = vector.load %arg5[%swap3A, %swap3A_58] : memref<64x4096xf32, #tpu.memory_space<vmem>>, vector<64x4096xf32>
    tpu.vector_store %arg5[%swap3A, %swap3A_58], %add3A_57 {strides = array<i32>} : memref<64x4096xf32, #tpu.memory_space<vmem>>, vector<64x4096xf32>,
    %eq3A_60 = arith.constant 31 : i32
    %eq3A_61 = arith.cmpi eq, %arg0, %eq3A_60 : i32
    %convert_element_type3A_62 = arith.extui %eq3A_61 : i1 to i32
    %cond3A_63 = arith.constant 0 : i32
    %cond3A_64 = arith.cmpi ne, %convert_element_type3A_62, %cond3A_63 : i32
    scf.if %cond3A_64 {
      %get3A_65 = arith.constant 0 : index
      %get3A_66 = arith.constant 0 : index
      %get3A_67 = vector.load %arg5[%get3A_65, %get3A_66] : memref<64x4096xf32, #tpu.memory_space<vmem>>, vector<64x4096xf32>
      %reduce_sum3A_68 = arith.constant dense<0.000000e+00> : vector<64xf32>
      %reduce_sum3A_69 = vector.multi_reduction <add>, %get3A_67, %reduce_sum3A_68 [1] : vector<64x4096xf32> to vector<64xf32>
      %get3A_70 = arith.constant 0 : index
      %get3A_71 = arith.constant 0 : index
      %get3A_72 = vector.load %arg6[%get3A_70, %get3A_71] : memref<64x256xf32, #tpu.memory_space<vmem>>, vector<64x256xf32>
      %dot_general3A_73 = arith.constant dense<0.000000e+00> : vector<64x64xf32>
      %dot_general3A_74 = tpu.matmul %get3A_72, %get3A_72, %dot_general3A_73 {dimension_numbers = #tpu.dot_dimension_numbers<[1], [1], [0], [0], [0, 0, 1, 0], [], []>, precision = #tpu.contract_precision<fp32>, transpose_lhs_hint = false} : vector<64x256xf32>, vector<64x256xf32>, vector<64x64xf32> -> vector<64x64xf32>
      %iota3A_75 = tpu.iota {dimensions = array<i32: 0>} : vector<64x64xi32>
      %iota3A_76 = tpu.iota {dimensions = array<i32: 1>} : vector<64x64xi32>
      %eq3A_77 = arith.cmpi eq, %iota3A_75, %iota3A_76 : vector<64x64xi32>
      %jit3A_78 = arith.constant 0.000000e+00 : f32
      %broadcast_in_dim3A_79 = vector.broadcast %jit3A_78 : f32 to vector<64x64xf32>
      %select_n3A_80 = arith.select %eq3A_77, %dot_general3A_74, %broadcast_in_dim3A_79 : vector<64x64xi1>, vector<64x64xf32>
      %reduce_sum3A_81 = arith.constant dense<0.000000e+00> : vector<64xf32>
      %reduce_sum3A_82 = vector.multi_reduction <add>, %select_n3A_80, %reduce_sum3A_81 [1] : vector<64x64xf32> to vector<64xf32>
      %xor3A = arith.constant 1 : i32
      %xor3A_83 = vector.broadcast %xor3A : i32 to vector<64x64xi32>
      %xor3A_84 = arith.xori %iota3A_75, %xor3A_83 : vector<64x64xi32>
      %eq3A_85 = arith.cmpi eq, %iota3A_76, %xor3A_84 : vector<64x64xi32>
      %jit3A_86 = arith.constant 0.000000e+00 : f32
      %broadcast_in_dim3A_87 = vector.broadcast %jit3A_86 : f32 to vector<64x64xf32>
      %select_n3A_88 = arith.select %eq3A_85, %dot_general3A_74, %broadcast_in_dim3A_87 : vector<64x64xi1>, vector<64x64xf32>
      %reduce_sum3A_89 = arith.constant dense<0.000000e+00> : vector<64xf32>
      %reduce_sum3A_90 = vector.multi_reduction <add>, %select_n3A_88, %reduce_sum3A_89 [1] : vector<64x64xf32> to vector<64xf32>
      %div3A_91 = arith.constant 1.000000e-01 : f32
      %div3A_92 = vector.broadcast %div3A_91 : f32 to vector<64xf32>
      %div3A_93 = arith.divf %reduce_sum3A_82, %div3A_92 : vector<64xf32>
      %exp3A_94 = math.exp %div3A_93 : vector<64xf32>
      %add3A_95 = arith.addf %exp3A_94, %reduce_sum3A_69 : vector<64xf32>
      %log3A = math.log %add3A_95 : vector<64xf32>
      %div3A_96 = arith.constant 1.000000e-01 : f32
      %div3A_97 = vector.broadcast %div3A_96 : f32 to vector<64xf32>
      %div3A_98 = arith.divf %reduce_sum3A_82, %div3A_97 : vector<64xf32>
      %sub3A_99 = arith.subf %log3A, %div3A_98 : vector<64xf32>
      %div3A_100 = arith.constant 1.000000e-01 : f32
      %div3A_101 = vector.broadcast %div3A_100 : f32 to vector<64xf32>
      %div3A_102 = arith.divf %reduce_sum3A_90, %div3A_101 : vector<64xf32>
      %exp3A_103 = math.exp %div3A_102 : vector<64xf32>
      %add3A_104 = arith.addf %exp3A_103, %reduce_sum3A_69 : vector<64xf32>
      %log3A_105 = math.log %add3A_104 : vector<64xf32>
      %div3A_106 = arith.constant 1.000000e-01 : f32
      %div3A_107 = vector.broadcast %div3A_106 : f32 to vector<64xf32>
      %div3A_108 = arith.divf %reduce_sum3A_90, %div3A_107 : vector<64xf32>
      %sub3A_109 = arith.subf %log3A_105, %div3A_108 : vector<64xf32>
      %reduce_sum3A_110 = vector.shape_cast %sub3A_99 : vector<64xf32> to vector<1x64xf32>
      %reduce_sum3A_111 = arith.constant dense<0.000000e+00> : vector<1xf32>
      %reduce_sum3A_112 = vector.multi_reduction <add>, %reduce_sum3A_110, %reduce_sum3A_111 [1] : vector<1x64xf32> to vector<1xf32>
      %reduce_sum3A_113 = vector.shape_cast %reduce_sum3A_112 : vector<1xf32> to vector<1x1xf32>
      %reduce_sum3A_114 = vector.extract %reduce_sum3A_113[0, 0] : f32 from vector<1x1xf32>
      %reduce_sum3A_115 = vector.shape_cast %sub3A_109 : vector<64xf32> to vector<1x64xf32>
      %reduce_sum3A_116 = arith.constant dense<0.000000e+00> : vector<1xf32>
      %reduce_sum3A_117 = vector.multi_reduction <add>, %reduce_sum3A_115, %reduce_sum3A_116 [1] : vector<1x64xf32> to vector<1xf32>
      %reduce_sum3A_118 = vector.shape_cast %reduce_sum3A_117 : vector<1xf32> to vector<1x1xf32>
      %reduce_sum3A_119 = vector.extract %reduce_sum3A_118[0, 0] : f32 from vector<1x1xf32>
      %add3A_120 = arith.addf %reduce_sum3A_114, %reduce_sum3A_119 : f32
      %div3A_121 = arith.constant 1.280000e+02 : f32
      %div3A_122 = arith.divf %add3A_120, %div3A_121 : f32
      %reshape3A = vector.broadcast %div3A_122 : f32 to vector<1x1xf32>
      %swap3A_123 = arith.constant 0 : index
      %swap3A_124 = arith.constant 0 : index
      %swap3A_125 = vector.load %arg4[%swap3A_123, %swap3A_124] : memref<1x1xf32, #tpu.memory_space<vmem>>, vector<1x1xf32>
      tpu.vector_store %arg4[%swap3A_123, %swap3A_124], %reshape3A {strides = array<i32>} : memref<1x1xf32, #tpu.memory_space<vmem>>, vector<1x1xf32>,
    } else {
    }
    return
  }
  func.func @transform_0(%arg0: i32, %arg1: memref<32x16xi32, #tpu.memory_space<smem>>) -> (i32, i32, i32) {
    %c0_i32 = arith.constant 0 : i32
    %c0_i32_0 = arith.constant 0 : i32
    %c0_i32_1 = arith.constant 0 : i32
    return %arg0, %c0_i32, %c0_i32_0 : i32, i32, i32
  }
  func.func @transform_2(%arg0: i32, %arg1: memref<32x16xi32, #tpu.memory_space<smem>>) -> (i32, i32) {
    %c0_i32 = arith.constant 0 : i32
    %c0_i32_0 = arith.constant 0 : i32
    %c0_i32_1 = arith.constant 0 : i32
    return %c0_i32, %c0_i32_0 : i32, i32
  }
}

</mosaic_0001>

<sc_bundles>
// kernel: kernel.4.cloned.1.call-start
scs
__scs_entry_jumppad:
0x0: {  	(pc) =	sbr.rel $0x88, $3  }
0x1: {  	(tag) =	ssettag $0x0;
	lr =	simm.s32 $0x1  }
0x2: {  	[smem:$0x3F9E] =	sst lr;
	_ =	strace $0xD0000000  }
0x3: {  	_ = 	snop  }
0x4: {  	_ = 	snop  }
0x5: {  	_ = 	snop  }
0x6: {  	_ = 	snop  }
0x7: {  	_ = 	snop  }
__scs_overlays_trampoline_lowered:
0x8: {  	[smem:$0x3FAD] =	sst s0  }
0x9: {  	[smem:$0x3FAE] =	sst s1  }
0xa: {  	[smem:$0x3FAF] =	sst s2  }
0xb: {  	[smem:$0x3FB0] =	sst s3  }
0xc: {  	[smem:$0x3FB1] =	sst s4  }
0xd: {  	[smem:$0x3FB2] =	sst s5  }
0xe: {  	[smem:$0x3FB3] =	sst s6  }
0xf: {  	[smem:$0x3FB4] =	sst s7  }
0x10: {  	[smem:$0x3FB5] =	sst s8  }
0x11: {  	[smem:$0x3FB6] =	sst s9;
	s0 =	simm.s32 @!p0 $0x0  }
0x12: {  	s1 =	sld [smem:$0x3F9C];
	s0 =	simm.s32 @p0 $0x1  }
0x13: {  	[smem:$0x3FB7] =	sst s0;
	s0 =	simm.s32 @!p1 $0x0  }
0x14: {  	s2 =	sld [smem:$0x3F9B];
	s0 =	simm.s32 @p1 $0x1  }
0x15: {  	[smem:$0x3FB8] =	sst s0;
	s0 =	simm.s32 @!p2 $0x0  }
0x16: {  	s3 =	sld [smem:$0x3FDB];
	s0 =	simm.s32 @p2 $0x1  }
0x17: {  	s4 =	simm.s32 $0x1BF5;
	[smem:$0x3FBA] =	sst s0  }
0x18: {  	s0 =	sld [smem:$0x3F9D];
	_ =	swait.ge [sflag:s4], $0x0  }
0x19: {  	s7 =	sld [smem:$0x3F9E]  }
0x1a: {  	s8 =	sadd.s32 $0xFFFFE003, lr  }
0x1b: {  	s9 =	sadd.s32 $0xFFFFFEF7, lr;
	s5 =	simm.s32 $0xFFFFFFFF;
	p2 =	slt.u32 s8, $0xFFFFF086  }
0x1c: {  	p1 =	slt.u32 s9, $0xF7A;
	s5 =	simm.s32 @!p2 $0x0  }
0x1d: {  	s5 =	simm.s32 @p1 $0x1;
	p0 =	seq.s32 s7, s2  }
0x1e: {  	s7 =	smul.u32 @!p0 $0xF7A, s2;
	p2 =	seq.s32 @!p0 s5, $0x0  }
0x1f: {  	s9 =	smul.u32 $0xF7A, s1;
	s8 =	simm.s32 @!p0 $0x1BF5;
	p2 =	por !p2, p0  }
0x20: {  	[sflag:s8] =	ssyncset.s32 @!p0 $0xFFFFF086;
	s6 =	sadd.s32 @!p0 s3, s7;
	s7 =	simm.s32 @!p0 $0x108  }
0x21: {  	s3 =	sadd.s32 s3, s9;
	s6 =	sadd.s32 @!p0 $0x88, s6;
	s7 =	simm.s32 @p2 $0x1082  }
0x22: {  	[simem:s7], [sflag:s8] =	dma.local @!p0 [hbm:s6], $0xF7A  }
0x23: {  	s9 =	sor.u32 $0xD0000000, s2;
	s6 =	simm.s32 $0x108;
	_ =	swait.ge @!p0 [sflag:s8], $0x0  }
0x24: {  	s3 =	sadd.s32 $0x88, s3;
	s6 =	simm.s32 @!p1 $0x1082;
	[sflag:s4] =	ssyncset.s32 $0xFFFFF086  }
0x25: {  	[simem:s6], [sflag:s4] =	dma.local [hbm:s3], $0xF7A  }
0x26: {  	[smem:$0x3F9E] =	sst s1;
	(tag) =	ssettag s2;
	_ =	strace s9  }
0x27: {  	s1 =	sld [smem:$0x3FAE]  }
0x28: {  	s2 =	sld [smem:$0x3FAF]  }
0x29: {  	s4 =	sld [smem:$0x3FB1]  }
0x2a: {  	p0 =	seq.s32 s5, $0x0;
	s5 =	sld [smem:$0x3FB2]  }
0x2b: {  	s6 =	sld [smem:$0x3FB3]  }
0x2c: {  	s7 =	sld [smem:$0x3FB4]  }
0x2d: {  	s3 =	simm.s32 $0x108;
	s8 =	sld [smem:$0x3FB5]  }
0x2e: {  	s3 =	simm.s32 @!p0 $0x1082;
	s9 =	sld [smem:$0x3FB6]  }
0x2f: {  	lr =	sadd.s32 s0, s3;
	s0 =	sld [smem:$0x3FAD]  }
0x30: {  	s3 =	sld [smem:$0x3FB0]  }
0x31: {  	[smem:$0x3FB9] =	sst s10  }
0x32: {  	s10 =	sld [smem:$0x3FB7];
	_ =	sdelay $0x3  }
0x33: {  	p0 =	seq.s32 s10, $0x1;
	s10 =	sld [smem:$0x3FB9];
	_ =	sdelay $0x3  }
0x34: {  	[smem:$0x3FB9] =	sst s10  }
0x35: {  	s10 =	sld [smem:$0x3FB8];
	_ =	sdelay $0x3  }
0x36: {  	p1 =	seq.s32 s10, $0x1;
	s10 =	sld [smem:$0x3FB9];
	_ =	sdelay $0x3  }
0x37: {  	[smem:$0x3FB9] =	sst s10  }
0x38: {  	s10 =	sld [smem:$0x3FBA]  }
0x39: {  	_ = 	snop;
	(pc) =	sbr.ind lr, $3  }
0x3a: {  	_ = 	snop  }
0x3b: {  	_ = 	snop  }
0x3c: {  	p2 =	seq.s32 s10, $0x1;
	s10 =	sld [smem:$0x3FB9]  }
0x3d: {  	_ =	shalt  }
0x3e: {  	_ =	shalt  }
0x3f: {  	_ =	shalt  }
0x40: {  	_ =	shalt  }
0x41: {  	_ =	shalt  }
0x42: {  	_ =	shalt  }
0x43: {  	_ =	shalt  }
0x44: {  	_ =	shalt  }
0x45: {  	_ =	shalt  }
0x46: {  	_ =	shalt  }
0x47: {  	_ =	shalt  }
0x48: {  	_ =	shalt  }
0x49: {  	_ =	shalt  }
0x4a: {  	_ =	shalt  }
0x4b: {  	_ =	shalt  }
0x4c: {  	_ =	shalt  }
0x4d: {  	_ =	shalt  }
0x4e: {  	_ =	shalt  }
0x4f: {  	_ =	shalt  }
0x50: {  	_ =	shalt  }
0x51: {  	_ =	shalt  }
0x52: {  	_ =	shalt  }
0x53: {  	_ =	shalt  }
0x54: {  	_ =	shalt  }
0x55: {  	_ =	shalt  }
0x56: {  	_ =	shalt  }
0x57: {  	_ =	shalt  }
0x58: {  	_ =	shalt  }
0x59: {  	_ =	shalt  }
0x5a: {  	_ =	shalt  }
0x5b: {  	_ =	shalt  }
0x5c: {  	_ =	shalt  }
0x5d: {  	_ =	shalt  }
0x5e: {  	_ =	shalt  }
0x5f: {  	_ =	shalt  }
0x60: {  	_ =	shalt  }
0x61: {  	_ =	shalt  }
0x62: {  	_ =	shalt  }
0x63: {  	_ =	shalt  }
0x64: {  	_ =	shalt  }
0x65: {  	_ =	shalt  }
0x66: {  	_ =	shalt  }
0x67: {  	_ =	shalt  }
0x68: {  	_ =	shalt  }
0x69: {  	_ =	shalt  }
0x6a: {  	_ =	shalt  }
0x6b: {  	_ =	shalt  }
0x6c: {  	_ =	shalt  }
0x6d: {  	_ =	shalt  }
0x6e: {  	_ =	shalt  }
0x6f: {  	_ =	shalt  }
0x70: {  	_ =	shalt  }
0x71: {  	_ =	shalt  }
0x72: {  	_ =	shalt  }
0x73: {  	_ =	shalt  }
0x74: {  	_ =	shalt  }
0x75: {  	_ =	shalt  }
0x76: {  	_ =	shalt  }
0x77: {  	_ =	shalt  }
0x78: {  	_ =	shalt  }
0x79: {  	_ =	shalt  }
0x7a: {  	_ =	shalt  }
0x7b: {  	_ =	shalt  }
0x7c: {  	_ =	shalt  }
0x7d: {  	_ =	shalt  }
0x7e: {  	_ =	shalt  }
0x7f: {  	_ =	shalt  }
0x80: {  	_ =	shalt  }
0x81: {  	_ =	shalt  }
0x82: {  	_ =	shalt  }
0x83: {  	_ =	shalt  }
0x84: {  	_ =	shalt  }
0x85: {  	_ =	shalt  }
0x86: {  	_ =	shalt  }
0x87: {  	_ =	shalt  }
.Lfunc_end0:
.L_simem_size_0:
called_computation_lowered:
.L_overlay_start_0:
0x88: {  	s2 =	sld [smem:$0x3FD9]  }
0x89: {  	s3 =	sld [smem:$0x3FFE];
	_ =	sdelay $0x1  }
0x8a: {  	s1 =	srdreg.scid  }
0x8b: {  	s0 =	sand.u32 $0x1, s1  }
0x8c: {  	s16 =	sshll.u32 s0, $0xA;
	s2 =	sadd.s32 s3, s2  }
0x8d: {  	s2 =	sadd.s32 s2, s16  }
0x8e: {  	[smem:$0x3FC5] =	sst s2  }
0x8f: {  	_ = 	snop  }
0x90: {  	(tm) =	ssettm $0x1  }
0x91: {  	s17 =	sld [smem:$0x3FFB];
	_ =	sdelay $0x3  }
0x92: {  	_ =	strace s17  }
0x93: {  	s2 =	sld [smem:$0x3FFC];
	_ =	sdelay $0x3  }
0x94: {  	_ =	strace s2  }
0x95: {  	s2 =	sld [smem:$0x3FFD];
	_ =	sdelay $0x3  }
0x96: {  	_ =	strace s2  }
0x97: {  	_ =	strace $0x8FFFFFFF  }
0x98: {  	s18 =	sld [smem:$0x3FDB];
	_ =	sdelay $0x1  }
0x99: {  	s19 =	simm.s32 $_scs_section_size  }
0x9a: {  	s4 =	simm.s32 $_size__tile_overlayer_lowered;
	s5 =	simm.s32 $_tile_overlayer_lowered  }
0x9b: {  	s22 =	simm.s32 $0x1BFF;
	s21 =	sshll.u32 s5, $0x1;
	s2 =	sadd.s32 s19, s18  }
0x9c: {  	s6 =	simm.s32 $0x0;
	s20 =	sshll.u32 s4, $0x1;
	s4 =	sadd.s32 s21, s2  }
0x9d: {  	[timem:s6], [sflag:s22] =	dma.local [hbm:s4], s20  }
0x9e: {  	_ =	swait.ge [sflag:s22], s20  }
0x9f: {  	s3 =	ssub.s32 $0x0, s20;
	[sflag:s22] =	ssyncset.done $0x0  }
0xa0: {  	[sflag:s22] =	ssyncadd.s32 s3;
	_ =	sdelay $0x1  }
0xa1: {  	s23 =	simm.s32 $0x1B8B  }
0xa2: {  	_ =	swait.ge [sflag:s23], $0x1  }
0xa3: {  	[sflag:s23] =	ssyncset.done $0x0  }
0xa4: {  	s25 =	simm.s32 $0x1B8E;
	s24 =	sld [smem:$0x3FFE];
	[sflag:s23] =	ssyncadd.s32 $0xFFFFFFFF  }
0xa5: {  	s26 =	simm.s32 $execute0_lowered;
	[smem:$0x3FD2] =	sst s25  }
0xa6: {  	s4 =	sshll.u32 s26, $0x1;
	_ =	strace $0x80000046;
	[dreg:$0x1] =	wrdreg $0xFFFFFFFF  }
0xa7: {  	s28 =	simm.s32 $_size_execute0_lowered;
	s2 =	sadd.s32 s2, s4;
	[dreg:$0x0] =	wrdreg $0x0  }
0xa8: {  	s4 =	sshll.u32 s28, $0x1;
	[dreg:$0x2] =	wrdreg s2  }
0xa9: {  	[dreg:$0x3] =	wrdreg s4  }
0xaa: {  	[dreg:$0x4] =	wrdreg $0xC0  }
0xab: {  	_ =	task [dreg:s6], $0x5FFFF  }
0xac: {  	[dreg:$0x1] =	wrdreg $0xFFFFFFFF  }
0xad: {  	[dreg:$0x0] =	wrdreg $0x60  }
0xae: {  	[dreg:$0x2] =	wrdreg s24  }
0xaf: {  	[dreg:$0x3] =	wrdreg $0x9  }
0xb0: {  	_ =	task.clear_ibuf [dreg:s6], $0x4FFFF;
	_ =	strace $0x90000046  }
0xb1: {  	s29 =	simm.s32 $0x9;
	_ =	strace $0x80000048  }
0xb2: {  	_ =	swait.ge [sflag:s29], $0x1  }
0xb3: {  	[sflag:s29] =	ssyncadd.s32 $0xFFFFFFFF  }
0xb4: {  	_ =	strace $0x90000048  }
0xb5: {  	_ =	sfence  }
0xb6: {  	s30 =	sld [smem:$0x0];
	_ =	sdelay $0x2  }
0xb7: {  	s31 =	sshll.u32 s1, $0xD;
	s1 =	sshrl.u32 s1, $0x2  }
0xb8: {  	s3 =	sand.u32 $0x4000, s31;
	s1 =	sadd.s32 s1, s30  }
0xb9: {  	s0 =	sor.u32 s3, s0;
	s1 =	sshll.u32 s1, $0x11  }
0xba: {  	s0 =	sor.u32 s1, s0  }
0xbb: {  	s0 =	sadd.s32 $0x8F2B, s0  }
0xbc: {  	[sflag:s0] =	ssyncadd.remote.s32 $0x1  }
0xbd: {  	_ =	sfence.sel $0xFFFF  }
0xbe: {  	[dreg:$0x0] =	wrdreg $0xFFFFFFFF;
	(pc) =	sbr.abs _section_cstart, $3  }
0xbf: {  	[dreg:$0x1] =	wrdreg $0xFFFFFFFF  }
0xc0: {  	_ =	task.clear_ibuf [dreg:s6], $0x2FFFF;
	_ =	strace $0x9FFFFFFF  }
0xc1: {  	(tm) =	ssettm $0x7FFFFFFF  }
tec
execute0_lowered:
.L_overlay_start_1:
0x0: {  	(tag) =	ssettag $0x1  }
0x1: {  	s3 =	rddreg [dreg:$0x0]  }
0x2: {  	s0 =	rddreg [dreg:$0x1]  }
0x3: {  	s2 =	simm.s32 $0x0;
	s4 =	srdreg.scid;
	s1 =	stileid.u32  }
0x4: {  	[smem:$0x7FF] =	sst s2;
	s4 =	sand.u32 $0x1, s4;
	s5 =	sshll.u32 s1, $0x1  }
0x5: {  	s8 =	simm.s32 $0x0;
	_ =	strace $0x80000047;
	s5 =	sor.u32 s4, s5  }
0x6: {  	s4 =	ssub.s32 $0x2, s4;
	s6 =	sshll.u32 s5, $0x9;
	s5 =	sshll.u32 s5, $0x1  }
0x7: {  	s7 =	sshrl.u32 s4, $0x1;
	s6 =	sadd.s32 s6, s3;
	s5 =	sadd.s32 s5, s3  }
0x8: {  	s7 =	ssub.s32 s4, s7;
	s3 =	sadd.s32 $0x400, s6;
	s4 =	sadd.s32 $0x4400, s5  }
0x9: {  	v0 =	vlaneseq.u32;
	vm0 =	vcmask $0x300;
	vm1 =	vcmask $0x704;
	s5 =	smax.u32 s7, $0x1;
	s6 =	simm.s32 $0x1;
	s7 =	simm.s32 $0x1000  }
.LBB2_1:
0xa: {  	[tilespmem:s2], [sflag:$0x1] =	stream.linear.gather [hbm4b:s3+s2], $0x1000, $0x38;
	[tilespmem:$0x1010] =	vst v63  }
0xb: {  	_ =	swait.ge [sflag:s6], $0x1000  }
0xc: {  	[sflag:s6] =	ssyncset.done $0x0  }
0xd: {  	[sflag:s6] =	ssyncadd.s32 $0xFFFFF000  }
0xe: {  	v6 =	vld [tilespmem:s2+$0x0];
	_ =	sdelay $0x3  }
0xf: {  	v3 =	vimm.f32 $-Inf  }
0x10: {  	s9 =	simm.s32 $0x10;
	vm2 =	vgt.f32 v6, v3  }
0x11: {  	v1 =	vimm.s32 $0x40000000;
	v5 =	vld [tilespmem:s9+$0x0];
	vm3 =	vgt.f32 v6, v3;
	vm2 =	vmneg vm2  }
0x12: {  	v8 =	vor.u32 s2, v0;
	vm3 =	vmand vm2, vm3;
	v4 =	vsel vm2, v3, v6  }
0x13: {  	s10 =	simm.s32 $0x20;
	s11 =	simm.s32 $0x10;
	v2 =	vsel vm2, v1, v8;
	v7 =	vsel vm3, v6, v3;
	v6 =	vsel vm3, v8, v1  }
.LBB2_2:
0x14: {  	p0 =	sne.s32 s10, $0xFF0;
	v7 =	vsel vm2, v7, v3;
	v6 =	vsel vm2, v6, v1;
	v3 =	vmovc v4;
	v1 =	vmov v2;
	s12 =	smov.u32 s10;
	s10 =	sadd.s32 $0x10, s10  }
.Ltmp0:
0x15: {  	(pc) =	sbr.rel @p0 .LBB2_2-.Ltmp0, $4  }
0x16: {  	s9 =	sadd.s32 $0x10, s9;
	vm2 =	vgt.f32 v5, v4;
	v8 =	vmov v5  }
0x17: {  	v9 =	vor.u32 s11, v0;
	s11 =	smov.u32 s12;
	v5 =	vld [tilespmem:s9+$0x0];
	vm2 =	vmneg vm2;
	vm3 =	vgt.f32 v8, v7  }
0x18: {  	vm3 =	vmand vm2, vm3;
	v4 =	vsel vm2, v4, v8;
	v2 =	vsel vm2, v2, v9  }
0x19: {  	v7 =	vsel vm3, v8, v7;
	v6 =	vsel vm3, v9, v6  }
0x1a: {  	_ =	sdelay $0x1  }
0x1b: {  	vm3 =	vgt.f32 v5, v4  }
0x1c: {  	vm3 =	vmneg vm3  }
0x1d: {  	v8 =	vsel vm3, v4, v5  }
0x1e: {  	(xrf0) =	vmax.scan.msk.f32 $0xffff, v8;
	_ =	sdelay $0x5  }
0x1f: {  	v9, _, _ =	vpop (xrf0)  }
0x20: {  	v10 =	vor.u32 s11, v0;
	v9 =	vbroadcast v9, $0xF  }
0x21: {  	v11 =	vsel vm3, v2, v10  }
0x22: {  	v62 =	vxor.u32 $0x80000000, v11;
	vm4 =	veq.f32 v8, v9  }
0x23: {  	v9 =	vnsel vm4, $0xC0000000, v62  }
0x24: {  	(xrf0) =	vmin.scan.msk.u32 $0xffff, v9;
	_ =	sdelay $0x5  }
0x25: {  	v9, _, _ =	vpop (xrf0)  }
0x26: {  	(v2sf) =	vpush v9, $0xF;
	_ =	sdelay $0xc  }
0x27: {  	v3 =	vsel vm2, v7, v3  }
0x28: {  	vm15 =	vgt.f32 v5, v3  }
0x29: {  	vm4 =	vmand vm3, vm15;
	s9 =	spop (v2sf)  }
0x2a: {  	v3 =	vsel vm4, v5, v3;
	s9 =	sxor.u32 $0x80000000, s9  }
0x2b: {  	v3 =	vsel vm3, v3, v4;
	vm5 =	veq.s32 v11, s9  }
0x2c: {  	v3 =	vsel vm5, v3, v8  }
0x2d: {  	(xrf0) =	vmax.scan.msk.f32 $0xffff, v3;
	_ =	sdelay $0x4  }
0x2e: {  	v1 =	vsel vm2, v6, v1  }
0x2f: {  	v1 =	vsel vm4, v10, v1;
	v63, _, _ =	vpop (xrf0)  }
0x30: {  	v1 =	vsel vm3, v1, v2;
	v2 =	vbroadcast v63, $0xF  }
0x31: {  	v1 =	vsel vm5, v1, v11  }
0x32: {  	v1 =	vxor.u32 $0x80000000, v1;
	vm2 =	veq.f32 v3, v2  }
0x33: {  	v1 =	vnsel vm2, $0xC0000000, v1  }
0x34: {  	(xrf0) =	vmin.scan.msk.u32 $0xffff, v1;
	_ =	sdelay $0x5  }
0x35: {  	v1, _, _ =	vpop (xrf0)  }
0x36: {  	(v2sf) =	vpush v1, $0xF;
	_ =	sdelay $0xe  }
0x37: {  	v1 =	vmov s9;
	s10 =	spop (v2sf)  }
0x38: {  	s8 =	sadd.s32 $0x1, s8;
	v1 =	vnsel vm0, $0x0, v1;
	s31 =	sxor.u32 $0x80000000, s10  }
0x39: {  	p0 =	sne.s32 s8, s5;
	v1 =	vsel vm1, s31, v1  }
.Ltmp1:
0x3a: {  	[tilespmem:$0x1000] =	vst v1;
	(pc) =	sbr.rel @p0 .LBB2_1-.Ltmp1, $4  }
0x3b: {  	[hbm4b:s4+s2] =	stream.linear.scatter [tilespmem:s7], [sflag:$0x1], $0x10, $0x38;
	[tilespmem:$0x1010] =	vst v63  }
0x3c: {  	_ =	swait.ge [sflag:s6], $0x10  }
0x3d: {  	[sflag:s6] =	ssyncset.done $0x0  }
0x3e: {  	[sflag:s6] =	ssyncadd.s32 $0xFFFFFFF0  }
0x3f: {  	_ =	sfence.sel $0x180000  }
0x40: {  	[bflag:$0x0] =	sbarrier.arrive $0xFFFF  }
0x41: {  	p0 =	sne.s32 s1, $0x0;
	_ =	strace $0x90000047  }
0x42: {  	s0 =	sadd.s32 @!p0 $0x100000, s0;
	[bflag:$0x2] =	sbarrier.arrive $0xFFFF  }
0x43: {  	[sflag:s0] =	ssyncadd.tile.s32 @!p0 $0x1;
	_ =	shalt  }
.Lfunc_end2:
_tile_overlayer_lowered:
.L_overlay_start_2:
0x44: {  	(tag) =	ssettag $0x2  }
0x45: {  	s0 =	rddreg [dreg:$0x0];
	s2 =	stileid.u32  }
0x46: {  	s1 =	rddreg [dreg:$0x1];
	p0 =	sne.s32 s2, $0x0  }
0x47: {  	s3 =	rddreg [dreg:$0x2];
	[bflag:$0x3] =	sbarrier.arrive $0xFFFF;
	s2 =	simm.s32 @!p0 $0x1C01  }
0x48: {  	[timem:s3], [sflag:s2] =	dma.local @!p0 [hbm:s0], s1  }
0x49: {  	s0 =	simm.s32 @!p0 $0x1  }
0x4a: {  	_ =	swait.ge @!p0 [sflag:s0], s1  }
0x4b: {  	s1 =	ssub.s32 @!p0 $0x0, s1;
	[sflag:s0] =	ssyncset.done @!p0 $0x0  }
0x4c: {  	[sflag:s0] =	ssyncadd.s32 @!p0 s1  }
0x4d: {  	[bflag:$0x3] =	sbarrier.arrive $0xFFFF  }
0x4e: {  	_ =	shalt  }

</sc_bundles>
